<compile_context>
chip_gen: v7x
topology: tpu7x:2x2x1
jax: 0.10.2.dev20260603
libtpu: 0.0.44.dev20260713+nightly
codegen_flags: <defaults>
</compile_context>

<pallas_src>
import functools

import jax
import jax.numpy as jnp
from jax import lax
from jax.experimental import pallas as pl
from jax.experimental.pallas import tpu as pltpu
from jax.experimental.pallas import tpu_sc as plsc

N = 50000
E = 800000
H1 = 4
C1 = 64
C2 = 64

NC = 2
NS = 16
NW = NC * NS
LANES = 16
FB = 32

NPAD = 50048
RPT = NPAD // NS
ZR = 184
G = 640
SB = 640
NGPT = 40
EP = G * NW * NGPT
EPS = EP + G
NSB = G // SB


def _worker_groups(wid, do_group):
    @pl.loop(0, NGPT)
    def _(i):
        do_group(wid * NGPT + i, NSB)


def _make_sc_att(heads, with_ea):
    mesh = plsc.VectorSubcoreMesh(core_axis_name="c", subcore_axis_name="s")

    def body(*refs):
        (ts_hbm, td_hbm, sd_hbm, ae_hbm) = refs[:4]
        expad_hbm, dpart_hbm = refs[4], refs[5]
        k = 6
        idx, gs, gd, aev = refs[k:k + 4]
        k += 4
        zbuf, den = refs[k], refs[k + 1]

        c = lax.axis_index("c")
        s = lax.axis_index("s")
        wid = s * NC + c

        zeros = jnp.zeros((LANES,), jnp.float32)
        lane = lax.iota(jnp.int32, LANES)
        mask_ex = jnp.where(lane < heads, 1.0, 0.0).astype(jnp.float32)

        @pl.loop(0, ZR)
        def _(i):
            zbuf[i, pl.ds(0, LANES)] = zeros

        @pl.loop(0, RPT, step=ZR)
        def _(r0):
            pltpu.sync_copy(zbuf, den.at[pl.ds(s * RPT + r0, ZR)])

        plsc.subcore_barrier()

        nst = 2 if with_ea else 1

        def do_group(g, nsb):
            ne = nsb * SB
            pltpu.sync_copy(sd_hbm.at[pl.ds(g * 2 * NSB, 2 * nsb)],
                            idx.at[pl.ds(0, 2 * nsb)])
            pltpu.sync_copy(ae_hbm.at[pl.ds(g * nst * G, nst * ne)],
                            aev.at[pl.ds(0, nst * ne)])
            for j in range(nsb):
                pltpu.sync_copy(ts_hbm.at[idx.at[j]], gs.at[pl.ds(j * SB, SB)])
                pltpu.sync_copy(td_hbm.at[idx.at[nsb + j]],
                                gd.at[pl.ds(j * SB, SB)])

            @pl.loop(0, ne, step=2)
            def _(e0):
                for u in range(2):
                    e = e0 + u
                    al = (gs[e, pl.ds(0, LANES)] + gd[e, pl.ds(0, LANES)]
                          + aev[e, pl.ds(0, LANES)])
                    al = jnp.maximum(al, al * 0.2)
                    exr = jnp.exp(al)
                    gs[e, pl.ds(0, LANES)] = exr
                    v = exr * mask_ex
                    if with_ea:
                        aev[ne + e, pl.ds(0, LANES)] = (
                            v + aev[ne + e, pl.ds(0, LANES)])
                    else:
                        gd[e, pl.ds(0, LANES)] = v

            pltpu.sync_copy(gs.at[pl.ds(0, ne)],
                            expad_hbm.at[pl.ds(g * G, ne)])
            voff = ne if with_ea else 0
            vsrc = aev if with_ea else gd
            for j in range(nsb):
                pltpu.sync_copy(vsrc.at[pl.ds(voff + j * SB, SB)],
                                den.at[idx.at[nsb + j]], add=True)

        _worker_groups(wid, do_group)

        plsc.subcore_barrier()
        pltpu.sync_copy(den.at[pl.ds(s * RPT, RPT)],
                        dpart_hbm.at[c, pl.ds(s * RPT, RPT)])

    scratch = [
        pltpu.VMEM((2 * G // SB, SB), jnp.int32),
        pltpu.VMEM((G, LANES), jnp.float32),
        pltpu.VMEM((G, LANES), jnp.float32),
        pltpu.VMEM(((2 if with_ea else 1) * G, LANES), jnp.float32),
        pltpu.VMEM((ZR, LANES), jnp.float32),
        pltpu.VMEM_SHARED((NPAD, LANES), jnp.float32),
    ]
    return pl.kernel(
        body,
        out_type=(jax.ShapeDtypeStruct((EP, LANES), jnp.float32),
                  jax.ShapeDtypeStruct((NC, NPAD, LANES), jnp.float32)),
        mesh=mesh,
        compiler_params=pltpu.CompilerParams(use_tc_tiling_on_sc=False),
        scratch_types=scratch,
    )


_sc_att_l1 = _make_sc_att(H1, True)
_sc_att_l2 = _make_sc_att(1, False)


def _make_sc_agg(nblk):
    mesh = plsc.VectorSubcoreMesh(core_axis_name="c", subcore_axis_name="s")

    def body(xhb_hbm, sdx_hbm, out_hbm, idx, rows, zbuf, acc):
        c = lax.axis_index("c")
        s = lax.axis_index("s")
        wid = s * NC + c

        zeros = jnp.zeros((LANES,), jnp.float32)

        @pl.loop(0, ZR)
        def _(i):
            zbuf[i, pl.ds(0, LANES)] = zeros
            zbuf[i, pl.ds(LANES, LANES)] = zeros

        @pl.loop(0, nblk)
        def _(b):
            hb = b // (C1 // FB)

            @pl.loop(0, RPT, step=ZR)
            def _(r0):
                pltpu.sync_copy(zbuf, acc.at[pl.ds(s * RPT + r0, ZR)])

            plsc.subcore_barrier()

            def do_group(g, nsb):
                pltpu.sync_copy(sdx_hbm.at[hb, pl.ds(g * 3 * NSB, 3 * nsb)],
                                idx.at[pl.ds(0, 3 * nsb)])
                for j in range(nsb):
                    pltpu.sync_copy(xhb_hbm.at[b].at[idx.at[j]],
                                    rows.at[pl.ds(j * SB, SB)])

                for j in range(nsb):
                    @pl.loop(j * SB, (j + 1) * SB, step=LANES)
                    def _(q):
                        ex16 = lax.bitcast_convert_type(
                            idx[2 * nsb + j, pl.ds(q - j * SB, LANES)],
                            jnp.float32)
                        for jj in range(LANES):
                            w = ex16.at[jnp.full((LANES,), jj, jnp.int32)].get(
                                mode="promise_in_bounds")
                            rows[q + jj, pl.ds(0, LANES)] = (
                                rows[q + jj, pl.ds(0, LANES)] * w)
                            rows[q + jj, pl.ds(LANES, LANES)] = (
                                rows[q + jj, pl.ds(LANES, LANES)] * w)

                for j in range(nsb):
                    pltpu.sync_copy(rows.at[pl.ds(j * SB, SB)],
                                    acc.at[idx.at[nsb + j]], add=True)

            _worker_groups(wid, do_group)

            plsc.subcore_barrier()

            pltpu.sync_copy(acc.at[pl.ds(s * RPT, RPT)],
                            out_hbm.at[c, b, pl.ds(s * RPT, RPT)])

            plsc.subcore_barrier()

    return pl.kernel(
        body,
        out_type=jax.ShapeDtypeStruct((NC, nblk, NPAD, FB), jnp.float32),
        mesh=mesh,
        compiler_params=pltpu.CompilerParams(use_tc_tiling_on_sc=False),
        scratch_types=[
            pltpu.VMEM((3 * G // SB, SB), jnp.int32),
            pltpu.VMEM((G, FB), jnp.float32),
            pltpu.VMEM((ZR, FB), jnp.float32),
            pltpu.VMEM_SHARED((NPAD, FB), jnp.float32),
        ],
    )


_sc_agg_l1 = _make_sc_agg(8)
_sc_agg_l2 = _make_sc_agg(2)


def _ln_relu_kernel(x_ref, g_ref, b_ref, o_ref, *, relu):
    x = x_ref[...]
    mu = jnp.mean(x, axis=-1, keepdims=True)
    xc = x - mu
    var = jnp.mean(xc * xc, axis=-1, keepdims=True)
    y = xc * jax.lax.rsqrt(var + 1e-5) * g_ref[...] + b_ref[...]
    if relu:
        y = jnp.maximum(y, 0.0)
    o_ref[...] = y


def _ln(x, g, b, relu):
    n, d = x.shape
    blk = 1000
    return pl.pallas_call(
        functools.partial(_ln_relu_kernel, relu=relu),
        grid=(n // blk,),
        in_specs=[
            pl.BlockSpec((blk, d), lambda i: (i, 0)),
            pl.BlockSpec((1, d), lambda i: (0, 0)),
            pl.BlockSpec((1, d), lambda i: (0, 0)),
        ],
        out_specs=pl.BlockSpec((blk, d), lambda i: (i, 0)),
        out_shape=jax.ShapeDtypeStruct((n, d), x.dtype),
    )(x, g.reshape(1, d), b.reshape(1, d))


def _combine_ln_kernel(outr_ref, xh_ref, exl_ref, den_ref, bias_ref,
                       g_ref, be_ref, o_ref, *, relu):
    y = (outr_ref[...] + xh_ref[...] * exl_ref[...]) / den_ref[...]
    x = y + bias_ref[...]
    mu = jnp.mean(x, axis=-1, keepdims=True)
    xc = x - mu
    var = jnp.mean(xc * xc, axis=-1, keepdims=True)
    y = xc * jax.lax.rsqrt(var + 1e-5) * g_ref[...] + be_ref[...]
    if relu:
        y = jnp.maximum(y, 0.0)
    o_ref[...] = y


def _combine_ln(outr, xh, exl_r, den_r, bias, g, be, relu):
    n, d = outr.shape
    blk = 1000
    row = lambda a: a.reshape(1, d)
    return pl.pallas_call(
        functools.partial(_combine_ln_kernel, relu=relu),
        grid=(n // blk,),
        in_specs=[pl.BlockSpec((blk, d), lambda i: (i, 0))] * 4
        + [pl.BlockSpec((1, d), lambda i: (0, 0))] * 3,
        out_specs=pl.BlockSpec((blk, d), lambda i: (i, 0)),
        out_shape=jax.ShapeDtypeStruct((n, d), jnp.float32),
    )(outr, xh, exl_r, den_r, row(bias), row(g), row(be))


def _mm_kernel(x_ref, w_ref, o_ref):
    o_ref[...] = jnp.dot(x_ref[...], w_ref[...],
                         preferred_element_type=jnp.float32)


def _mm(x, w, blk):
    n, kdim = x.shape
    m = w.shape[1]
    return pl.pallas_call(
        _mm_kernel,
        grid=(n // blk,),
        in_specs=[
            pl.BlockSpec((blk, kdim), lambda i: (i, 0)),
            pl.BlockSpec((kdim, m), lambda i: (0, 0)),
        ],
        out_specs=pl.BlockSpec((blk, m), lambda i: (i, 0)),
        out_shape=jax.ShapeDtypeStruct((n, m), jnp.float32),
    )(x, w)


def _collapse(W, att, heads, C):
    return (W.reshape(-1, heads, C) * att[None]).sum(-1)


def _pad16(a):
    return jnp.pad(a, ((0, 0), (0, LANES - a.shape[1])))


def _epad(a):
    return jnp.pad(a, ((0, EPS - a.shape[0]),) + ((0, 0),) * (a.ndim - 1))


def _gat(x, src2, srcp, dstp, edge_attr, mean_ea, W, att_s, att_d, We,
         att_e, b, heads, C, concat, sc_att, sc_agg, nblk):
    Wcat = jnp.concatenate(
        [W, _collapse(W, att_s, heads, C), _collapse(W, att_d, heads, C)],
        axis=1)
    xcat = _mm(x, Wcat, 2000)
    xh = xcat[:, :heads * C]
    a_src = xcat[:, heads * C:heads * C + heads]
    a_dst = xcat[:, heads * C + heads:]
    Me = _collapse(We, att_e, heads, C)
    aePad = _epad(_pad16(_mm(edge_attr, Me, 8000)))

    ngr = EPS // G
    with_ea = mean_ea is None
    if with_ea:
        eaPad = _epad(jnp.concatenate(
            [jnp.zeros((E, heads), jnp.float32), edge_attr,
             jnp.ones((E, 1), jnp.float32),
             jnp.zeros((E, LANES - heads - 7), jnp.float32)], axis=1))
        aepk = jnp.concatenate(
            [aePad.reshape(ngr, G, LANES), eaPad.reshape(ngr, G, LANES)],
            axis=1).reshape(ngr * 2 * G, LANES)
        exPad, dpart = sc_att(_pad16(a_src), _pad16(a_dst), src2, aepk)
        easum = dpart[:, :N, heads:heads + 6].sum(0)
        cnt = dpart[:, :N, heads + 6].sum(0)
        mean_ea = easum / jnp.clip(cnt, 1.0, None)[:, None]
    else:
        exPad, dpart = sc_att(_pad16(a_src), _pad16(a_dst), src2, aePad)

    ex = exPad[:E, :heads]
    den_e = dpart[:, :N, :heads].sum(0)

    a_e_loop = _mm(mean_ea, Me, 2000)
    al_loop = a_src + a_dst + a_e_loop
    ex_loop = jnp.exp(jax.nn.leaky_relu(al_loop, 0.2))
    den = den_e + ex_loop + 1e-16

    extp = jnp.pad(lax.bitcast_convert_type(ex, jnp.int32).T,
                   ((0, 0), (0, EPS - E))).reshape(heads, ngr, NSB, SB)
    sdx = jnp.concatenate(
        [jnp.broadcast_to(srcp[None], (heads, ngr, NSB, SB)),
         jnp.broadcast_to(dstp[None], (heads, ngr, NSB, SB)),
         extp], axis=2).reshape(heads, ngr * 3 * NSB, SB)
    outp = sc_agg(xh.reshape(N, nblk, FB).transpose(1, 0, 2), sdx)
    outr = outp[:, :, :N].sum(axis=0).transpose(1, 0, 2).reshape(N, heads * C)
    return (outr, xh, jnp.repeat(ex_loop, C, axis=1),
            jnp.repeat(den, C, axis=1)), mean_ea


def kernel(x, edge_index, edge_attr, W1, as1, ad1, We1, ae1, b1, g1, be1,
           W2, as2, ad2, We2, ae2, b2, g2, be2):
    ngr = EPS // G
    srcp = jnp.pad(edge_index[0], (0, EPS - E)).reshape(ngr, NSB, SB)
    dstp = jnp.pad(edge_index[1], (0, EPS - E),
                   constant_values=N).reshape(ngr, NSB, SB)
    src2 = jnp.concatenate([srcp, dstp], axis=1).reshape(ngr * 2 * NSB, SB)

    parts, mean_ea = _gat(x, src2, srcp, dstp, edge_attr, None, W1, as1,
                          ad1, We1, ae1, b1, H1, C1, True,
                          _sc_att_l1, _sc_agg_l1, 8)
    h = _combine_ln(*parts, b1, g1, be1, relu=True)
    parts, _ = _gat(h, src2, srcp, dstp, edge_attr, mean_ea, W2, as2, ad2,
                    We2, ae2, b2, 1, C2, False, _sc_att_l2, _sc_agg_l2, 2)
    h = _combine_ln(*parts, b2, g2, be2, relu=False)
    return h

# --- scband reference (transcript-rebuilt; emitter-appended) ---
"""Pipeline reference for scband-gatextract-part-18176301596820 (READ-ONLY COPY).

The authoritative reference and input builder live on the scoring server;
editing this copy changes nothing except your own understanding.
"""

import jax, jax.numpy as jnp
import numpy as np

N = 50000
E = 800000
D_IN = 55
D_E = 6
H1 = 4
C1 = 64
C2 = 64


def _add_self_loops(edge_index, edge_attr, num_nodes):
    # PyG fill_value='mean': self-loop edge_attr = mean of incoming edge_attr per dst node
    dst = edge_index[1]
    sums = jnp.zeros((num_nodes, edge_attr.shape[1]), dtype=edge_attr.dtype).at[dst].add(edge_attr)
    cnt = jnp.zeros((num_nodes,), dtype=edge_attr.dtype).at[dst].add(1.0)
    mean = sums / jnp.clip(cnt, 1.0, None)[:, None]
    loop = jnp.arange(num_nodes, dtype=edge_index.dtype)
    ei = jnp.concatenate([edge_index, jnp.stack([loop, loop])], axis=1)
    ea = jnp.concatenate([edge_attr, mean], axis=0)
    return ei, ea


def _gat_conv(x, edge_index, edge_attr, W, att_src, att_dst, W_e, att_e, bias, heads, out_ch, concat, num_nodes):
    ei, ea = _add_self_loops(edge_index, edge_attr, num_nodes)
    src, dst = ei[0], ei[1]
    xh = (x @ W).reshape(num_nodes, heads, out_ch)
    a_src = jnp.sum(xh * att_src, axis=-1)  # [N, H]
    a_dst = jnp.sum(xh * att_dst, axis=-1)
    eh = (ea @ W_e).reshape(-1, heads, out_ch)
    a_e = jnp.sum(eh * att_e, axis=-1)      # [E', H]
    alpha = a_src[src] + a_dst[dst] + a_e
    alpha = jax.nn.leaky_relu(alpha, 0.2)
    amax = jax.ops.segment_max(alpha, dst, num_segments=num_nodes)
    amax = jnp.where(jnp.isfinite(amax), amax, 0.0)
    ex = jnp.exp(alpha - amax[dst])
    den = jax.ops.segment_sum(ex, dst, num_segments=num_nodes)
    att = ex / (den[dst] + 1e-16)
    msg = xh[src] * att[:, :, None]
    out = jax.ops.segment_sum(msg, dst, num_segments=num_nodes)  # [N, H, C]
    if concat:
        out = out.reshape(num_nodes, heads * out_ch)
    else:
        out = out.mean(axis=1)
    return out + bias


def _layer_norm(x, g, b, eps=1e-5):
    mu = x.mean(-1, keepdims=True)
    var = x.var(-1, keepdims=True)
    return (x - mu) / jnp.sqrt(var + eps) * g + b


def _forward(x, edge_index, edge_attr, p):
    h = _gat_conv(x, edge_index, edge_attr, p['W1'], p['as1'], p['ad1'], p['We1'], p['ae1'], p['b1'], H1, C1, True, N)
    h = _layer_norm(h, p['g1'], p['be1'])
    h = jax.nn.relu(h)
    h = _gat_conv(h, edge_index, edge_attr, p['W2'], p['as2'], p['ad2'], p['We2'], p['ae2'], p['b2'], 1, C2, False, N)
    h = _layer_norm(h, p['g2'], p['be2'])
    return h


def setup_inputs(seed: int = 0):
    key = jax.random.key(seed)
    ks = jax.random.split(key, 20)
    x = jax.random.normal(ks[0], (N, D_IN), dtype=jnp.float32)
    edge_index = jax.random.randint(ks[1], (2, E), 0, N, dtype=jnp.int32)
    edge_attr = jax.random.uniform(ks[2], (E, D_E), dtype=jnp.float32)
    s = 0.05
    inp = {
        'x': x, 'edge_index': edge_index, 'edge_attr': edge_attr,
        'W1': jax.random.normal(ks[3], (D_IN, H1 * C1), dtype=jnp.float32) * s,
        'as1': jax.random.normal(ks[4], (H1, C1), dtype=jnp.float32) * s,
        'ad1': jax.random.normal(ks[5], (H1, C1), dtype=jnp.float32) * s,
        'We1': jax.random.normal(ks[6], (D_E, H1 * C1), dtype=jnp.float32) * s,
        'ae1': jax.random.normal(ks[7], (H1, C1), dtype=jnp.float32) * s,
        'b1': jnp.zeros((H1 * C1,), dtype=jnp.float32),
        'g1': jnp.ones((H1 * C1,), dtype=jnp.float32),
        'be1': jnp.zeros((H1 * C1,), dtype=jnp.float32),
        'W2': jax.random.normal(ks[8], (H1 * C1, C2), dtype=jnp.float32) * s,
        'as2': jax.random.normal(ks[9], (1, C2), dtype=jnp.float32) * s,
        'ad2': jax.random.normal(ks[10], (1, C2), dtype=jnp.float32) * s,
        'We2': jax.random.normal(ks[11], (D_E, C2), dtype=jnp.float32) * s,
        'ae2': jax.random.normal(ks[12], (1, C2), dtype=jnp.float32) * s,
        'b2': jnp.zeros((C2,), dtype=jnp.float32),
        'g2': jnp.ones((C2,), dtype=jnp.float32),
        'be2': jnp.zeros((C2,), dtype=jnp.float32),
    }
    return inp


def reference(x, edge_index, edge_attr, W1, as1, ad1, We1, ae1, b1, g1, be1, W2, as2, ad2, We2, ae2, b2, g2, be2):
    p = {'W1': W1, 'as1': as1, 'ad1': ad1, 'We1': We1, 'ae1': ae1, 'b1': b1, 'g1': g1, 'be1': be1,
         'W2': W2, 'as2': as2, 'ad2': ad2, 'We2': We2, 'ae2': ae2, 'b2': b2, 'g2': g2, 'be2': be2}
    return _forward(x, edge_index, edge_attr, p)

if __name__ == "__main__":
    import jax
    _d = setup_inputs()
    print(jax.jit(kernel)(*tuple(_d.values())))

</pallas_src>

<mosaic_0001>
#map = affine_map<(d0, d1) -> (0, 0)>
#map1 = affine_map<(d0, d1) -> (0, 0, 0)>
module attributes {stable_mosaic.version = 14 : i64} {
  func.func @body(%arg0: i32, %arg1: i32, %arg2: memref<50000x16xf32, #tpu.memory_space<hbm>>, %arg3: memref<50000x16xf32, #tpu.memory_space<hbm>>, %arg4: memref<2562x640xi32, #tpu.memory_space<hbm>>, %arg5: memref<1639680x16xf32, #tpu.memory_space<hbm>>, %arg6: memref<819200x16xf32, #tpu.memory_space<hbm>>, %arg7: memref<2x50048x16xf32, #tpu.memory_space<hbm>>, %arg8: memref<2x640xi32, #tpu.memory_space<vmem>>, %arg9: memref<640x16xf32, #tpu.memory_space<vmem>>, %arg10: memref<640x16xf32, #tpu.memory_space<vmem>>, %arg11: memref<1280x16xf32, #tpu.memory_space<vmem>>, %arg12: memref<184x16xf32, #tpu.memory_space<vmem>>, %arg13: memref<50048x16xf32, #tpu.memory_space<vmem_shared>>) attributes {dimension_semantics = [#tpu.dimension_semantics<core_parallel>, #tpu.dimension_semantics<subcore_parallel>], iteration_bounds = array<i64: 2, 16>, scalar_prefetch = 0 : i64, scratch_operands = 6 : i64, tpu.core_type = #tpu.core_type<sc_vector_subcore>, window_params = [{transform_indices = #map}, {transform_indices = #map}, {transform_indices = #map}, {transform_indices = #map}, {transform_indices = #map}, {transform_indices = #map1}]} {
    %mul3A = arith.constant 2 : i32
    %mul3A_0 = arith.muli %arg1, %mul3A : i32
    %add3A = arith.addi %mul3A_0, %arg0 : i32
    %broadcast_in_dim3A = arith.constant 0.000000e+00 : f32
    %broadcast_in_dim3A_1 = vector.broadcast %broadcast_in_dim3A : f32 to vector<16xf32>
    %iota3A = tpu.iota {dimensions = array<i32: 0>} : vector<16xi32>
    %lt3A = arith.constant 4 : i32
    %lt3A_2 = vector.broadcast %lt3A : i32 to vector<16xi32>
    %lt3A_3 = arith.cmpi slt, %iota3A, %lt3A_2 : vector<16xi32>
    %jit3A = arith.constant 1.000000e+00 : f32
    %jit3A_4 = arith.constant 0.000000e+00 : f32
    %broadcast_in_dim3A_5 = vector.broadcast %jit3A : f32 to vector<16xf32>
    %broadcast_in_dim3A_6 = vector.broadcast %jit3A_4 : f32 to vector<16xf32>
    %select_n3A = arith.select %lt3A_3, %broadcast_in_dim3A_5, %broadcast_in_dim3A_6 : vector<16xi1>, vector<16xf32>
    %scan3A = arith.constant 0 : i32
    %scan3A_7 = arith.constant 184 : i32
    %scan3A_8 = arith.addi %scan3A, %scan3A_7 : i32
    %scan3A_9 = arith.constant 1 : i32
    scf.for %scan3A_26 = %scan3A to %scan3A_8 step %scan3A_9  : i32 {
      %mul3A_27 = arith.constant 1 : i32
      %mul3A_28 = arith.muli %scan3A_26, %mul3A_27 : i32
      %add3A_29 = arith.constant 0 : i32
      %add3A_30 = arith.addi %add3A_29, %mul3A_28 : i32
      %swap3A = arith.index_cast %add3A_30 : i32 to index
      %swap3A_31 = arith.constant 0 : index
      %swap3A_32 = tpu.vector_load %arg12[%swap3A, %swap3A_31] {strides = array<i32>} : memref<184x16xf32, #tpu.memory_space<vmem>>, vector<1x16xf32>,
      %swap3A_33 = vector.shape_cast %swap3A_32 : vector<1x16xf32> to vector<16xf32>
      %swap3A_34 = vector.shape_cast %broadcast_in_dim3A_1 : vector<16xf32> to vector<1x16xf32>
      tpu.vector_store %arg12[%swap3A, %swap3A_31], %swap3A_34 {strides = array<i32>} : memref<184x16xf32, #tpu.memory_space<vmem>>, vector<1x16xf32>,
    }
    %scan3A_10 = arith.constant 184 : i32
    %scan3A_11 = arith.constant 0 : i32
    %scan3A_12 = arith.constant 17 : i32
    %scan3A_13 = arith.addi %scan3A_11, %scan3A_12 : i32
    %scan3A_14 = arith.constant 1 : i32
    scf.for %scan3A_26 = %scan3A_11 to %scan3A_13 step %scan3A_14  : i32 {
      %mul3A_27 = arith.constant 184 : i32
      %mul3A_28 = arith.muli %scan3A_26, %mul3A_27 : i32
      %add3A_29 = arith.constant 0 : i32
      %add3A_30 = arith.addi %add3A_29, %mul3A_28 : i32
      %mul3A_31 = arith.constant 3128 : i32
      %mul3A_32 = arith.muli %arg1, %mul3A_31 : i32
      %add3A_33 = arith.addi %mul3A_32, %add3A_30 : i32
      "tpu.region"() ({
        %run_scoped3A = tpu.sem_alloc : memref<!tpu.dma_semaphore, #tpu.memory_space<semaphore_mem>>
        %dma_start3A = arith.constant 0 : i32
        %dma_start3A_34 = tpu.memref_slice %arg13[%add3A_33, %dma_start3A] : memref<50048x16xf32, #tpu.memory_space<vmem_shared>> -> memref<184x16xf32, #tpu.memory_space<vmem_shared>>
        %dma_start3A_35 = arith.constant 0 : i32
        %dma_start3A_36 = tpu.memref_slice %arg13[%add3A_33, %dma_start3A_35] : memref<50048x16xf32, #tpu.memory_space<vmem_shared>> -> memref<184x16xf32, #tpu.memory_space<vmem_shared>>
        tpu.enqueue_dma source(%arg12 : memref<184x16xf32, #tpu.memory_space<vmem>>) target(%dma_start3A_36 : memref<184x16xf32, #tpu.memory_space<vmem_shared>>) target_semaphore(%run_scoped3A : memref<!tpu.dma_semaphore, #tpu.memory_space<semaphore_mem>>)
        %dma_wait3A = arith.constant 0 : i32
        %dma_wait3A_37 = tpu.memref_slice %arg13[%add3A_33, %dma_wait3A] : memref<50048x16xf32, #tpu.memory_space<vmem_shared>> -> memref<184x16xf32, #tpu.memory_space<vmem_shared>>
        %dma_wait3A_38 = arith.constant 0 : i32
        %dma_wait3A_39 = tpu.memref_slice %arg13[%add3A_33, %dma_wait3A_38] : memref<50048x16xf32, #tpu.memory_space<vmem_shared>> -> memref<184x16xf32, #tpu.memory_space<vmem_shared>>
        tpu.wait_dma2 semaphore(%run_scoped3A : memref<!tpu.dma_semaphore, #tpu.memory_space<semaphore_mem>>) src(%arg12 : memref<184x16xf32, #tpu.memory_space<vmem>>) dst(%dma_wait3A_39 : memref<184x16xf32, #tpu.memory_space<vmem_shared>>)
        tpu.yield
      }) : () -> ()
    }
    %scan3A_15 = arith.constant 17 : i32
    %barrier3A = arith.constant 0 : index
    tpu.barrier barrier_id(%barrier3A)
    %scan3A_16 = arith.constant 0 : i32
    %scan3A_17 = arith.constant 40 : i32
    %scan3A_18 = arith.addi %scan3A_16, %scan3A_17 : i32
    %scan3A_19 = arith.constant 1 : i32
    scf.for %scan3A_26 = %scan3A_16 to %scan3A_18 step %scan3A_19  : i32 {
      %mul3A_27 = arith.constant 1 : i32
      %mul3A_28 = arith.muli %scan3A_26, %mul3A_27 : i32
      %add3A_29 = arith.constant 0 : i32
      %add3A_30 = arith.addi %add3A_29, %mul3A_28 : i32
      %mul3A_31 = arith.constant 40 : i32
      %mul3A_32 = arith.muli %add3A, %mul3A_31 : i32
      %add3A_33 = arith.addi %mul3A_32, %add3A_30 : i32
      %mul3A_34 = arith.constant 2 : i32
      %mul3A_35 = arith.muli %add3A_33, %mul3A_34 : i32
      %mul3A_36 = arith.constant 1 : i32
      %mul3A_37 = arith.muli %mul3A_35, %mul3A_36 : i32
      "tpu.region"() ({
        %run_scoped3A_51 = tpu.sem_alloc : memref<!tpu.dma_semaphore, #tpu.memory_space<semaphore_mem>>
        %dma_start3A = arith.constant 0 : i32
        %dma_start3A_52 = arith.constant 0 : i32
        %dma_start3A_53 = tpu.memref_slice %arg8[%dma_start3A, %dma_start3A_52] : memref<2x640xi32, #tpu.memory_space<vmem>> -> memref<2x640xi32, #tpu.memory_space<vmem>>
        %dma_start3A_54 = arith.constant 0 : i32
        %dma_start3A_55 = tpu.memref_slice %arg4[%mul3A_37, %dma_start3A_54] : memref<2562x640xi32, #tpu.memory_space<hbm>> -> memref<2x640xi32, #tpu.memory_space<hbm>>
        %dma_start3A_56 = arith.constant 0 : i32
        %dma_start3A_57 = arith.constant 0 : i32
        %dma_start3A_58 = tpu.memref_slice %arg8[%dma_start3A_56, %dma_start3A_57] : memref<2x640xi32, #tpu.memory_space<vmem>> -> memref<2x640xi32, #tpu.memory_space<vmem>>
        %dma_start3A_59 = arith.constant 0 : i32
        %dma_start3A_60 = tpu.memref_slice %arg4[%mul3A_37, %dma_start3A_59] : memref<2562x640xi32, #tpu.memory_space<hbm>> -> memref<2x640xi32, #tpu.memory_space<hbm>>
        tpu.enqueue_dma source(%dma_start3A_60 : memref<2x640xi32, #tpu.memory_space<hbm>>) target(%dma_start3A_58 : memref<2x640xi32, #tpu.memory_space<vmem>>) target_semaphore(%run_scoped3A_51 : memref<!tpu.dma_semaphore, #tpu.memory_space<semaphore_mem>>)
        %dma_wait3A = arith.constant 0 : i32
        %dma_wait3A_61 = arith.constant 0 : i32
        %dma_wait3A_62 = tpu.memref_slice %arg8[%dma_wait3A, %dma_wait3A_61] : memref<2x640xi32, #tpu.memory_space<vmem>> -> memref<2x640xi32, #tpu.memory_space<vmem>>
        %dma_wait3A_63 = arith.constant 0 : i32
        %dma_wait3A_64 = tpu.memref_slice %arg4[%mul3A_37, %dma_wait3A_63] : memref<2562x640xi32, #tpu.memory_space<hbm>> -> memref<2x640xi32, #tpu.memory_space<hbm>>
        %dma_wait3A_65 = arith.constant 0 : i32
        %dma_wait3A_66 = arith.constant 0 : i32
        %dma_wait3A_67 = tpu.memref_slice %arg8[%dma_wait3A_65, %dma_wait3A_66] : memref<2x640xi32, #tpu.memory_space<vmem>> -> memref<2x640xi32, #tpu.memory_space<vmem>>
        %dma_wait3A_68 = arith.constant 0 : i32
        %dma_wait3A_69 = tpu.memref_slice %arg4[%mul3A_37, %dma_wait3A_68] : memref<2562x640xi32, #tpu.memory_space<hbm>> -> memref<2x640xi32, #tpu.memory_space<hbm>>
        tpu.wait_dma2 semaphore(%run_scoped3A_51 : memref<!tpu.dma_semaphore, #tpu.memory_space<semaphore_mem>>) src(%dma_wait3A_69 : memref<2x640xi32, #tpu.memory_space<hbm>>) dst(%dma_wait3A_67 : memref<2x640xi32, #tpu.memory_space<vmem>>)
        tpu.yield
      }) : () -> ()
      %mul3A_38 = arith.constant 2 : i32
      %mul3A_39 = arith.muli %add3A_33, %mul3A_38 : i32
      %mul3A_40 = arith.constant 640 : i32
      %mul3A_41 = arith.muli %mul3A_39, %mul3A_40 : i32
      "tpu.region"() ({
        %run_scoped3A_51 = tpu.sem_alloc : memref<!tpu.dma_semaphore, #tpu.memory_space<semaphore_mem>>
        %dma_start3A = arith.constant 0 : i32
        %dma_start3A_52 = arith.constant 0 : i32
        %dma_start3A_53 = tpu.memref_slice %arg11[%dma_start3A, %dma_start3A_52] : memref<1280x16xf32, #tpu.memory_space<vmem>> -> memref<1280x16xf32, #tpu.memory_space<vmem>>
        %dma_start3A_54 = arith.constant 0 : i32
        %dma_start3A_55 = tpu.memref_slice %arg5[%mul3A_41, %dma_start3A_54] : memref<1639680x16xf32, #tpu.memory_space<hbm>> -> memref<1280x16xf32, #tpu.memory_space<hbm>>
        %dma_start3A_56 = arith.constant 0 : i32
        %dma_start3A_57 = arith.constant 0 : i32
        %dma_start3A_58 = tpu.memref_slice %arg11[%dma_start3A_56, %dma_start3A_57] : memref<1280x16xf32, #tpu.memory_space<vmem>> -> memref<1280x16xf32, #tpu.memory_space<vmem>>
        %dma_start3A_59 = arith.constant 0 : i32
        %dma_start3A_60 = tpu.memref_slice %arg5[%mul3A_41, %dma_start3A_59] : memref<1639680x16xf32, #tpu.memory_space<hbm>> -> memref<1280x16xf32, #tpu.memory_space<hbm>>
        tpu.enqueue_dma source(%dma_start3A_60 : memref<1280x16xf32, #tpu.memory_space<hbm>>) target(%dma_start3A_58 : memref<1280x16xf32, #tpu.memory_space<vmem>>) target_semaphore(%run_scoped3A_51 : memref<!tpu.dma_semaphore, #tpu.memory_space<semaphore_mem>>)
        %dma_wait3A = arith.constant 0 : i32
        %dma_wait3A_61 = arith.constant 0 : i32
        %dma_wait3A_62 = tpu.memref_slice %arg11[%dma_wait3A, %dma_wait3A_61] : memref<1280x16xf32, #tpu.memory_space<vmem>> -> memref<1280x16xf32, #tpu.memory_space<vmem>>
        %dma_wait3A_63 = arith.constant 0 : i32
        %dma_wait3A_64 = tpu.memref_slice %arg5[%mul3A_41, %dma_wait3A_63] : memref<1639680x16xf32, #tpu.memory_space<hbm>> -> memref<1280x16xf32, #tpu.memory_space<hbm>>
        %dma_wait3A_65 = arith.constant 0 : i32
        %dma_wait3A_66 = arith.constant 0 : i32
        %dma_wait3A_67 = tpu.memref_slice %arg11[%dma_wait3A_65, %dma_wait3A_66] : memref<1280x16xf32, #tpu.memory_space<vmem>> -> memref<1280x16xf32, #tpu.memory_space<vmem>>
        %dma_wait3A_68 = arith.constant 0 : i32
        %dma_wait3A_69 = tpu.memref_slice %arg5[%mul3A_41, %dma_wait3A_68] : memref<1639680x16xf32, #tpu.memory_space<hbm>> -> memref<1280x16xf32, #tpu.memory_space<hbm>>
        tpu.wait_dma2 semaphore(%run_scoped3A_51 : memref<!tpu.dma_semaphore, #tpu.memory_space<semaphore_mem>>) src(%dma_wait3A_69 : memref<1280x16xf32, #tpu.memory_space<hbm>>) dst(%dma_wait3A_67 : memref<1280x16xf32, #tpu.memory_space<vmem>>)
        tpu.yield
      }) : () -> ()
      %run_scoped3A = arith.constant 0 : i32
      "tpu.region"() ({
        %run_scoped3A_51 = tpu.sem_alloc : memref<!tpu.dma_semaphore, #tpu.memory_space<semaphore_mem>>
        %dma_start3A = arith.constant 0 : i32
        %dma_start3A_52 = arith.constant 0 : i32
        %dma_start3A_53 = tpu.memref_slice %arg9[%dma_start3A, %dma_start3A_52] : memref<640x16xf32, #tpu.memory_space<vmem>> -> memref<640x16xf32, #tpu.memory_space<vmem>>
        %dma_start3A_54 = arith.constant 0 : i32
        %dma_start3A_55 = tpu.memref_slice %arg8[%run_scoped3A, %dma_start3A_54] : memref<2x640xi32, #tpu.memory_space<vmem>> -> memref<1x640xi32, #tpu.memory_space<vmem>>
        %dma_start3A_56 = tpu.memref_squeeze %dma_start3A_55 : memref<1x640xi32, #tpu.memory_space<vmem>> -> memref<640xi32, #tpu.memory_space<vmem>>
        %dma_start3A_57 = arith.constant 0 : i32
        %dma_start3A_58 = arith.constant 0 : i32
        %dma_start3A_59 = tpu.memref_slice %arg2[%dma_start3A_57, %dma_start3A_58] : memref<50000x16xf32, #tpu.memory_space<hbm>> -> memref<50000x16xf32, #tpu.memory_space<hbm>>
        tpu.enqueue_indirect_dma source(%dma_start3A_59 : memref<50000x16xf32, #tpu.memory_space<hbm>>) target(%dma_start3A_53 : memref<640x16xf32, #tpu.memory_space<vmem>>) offsets(%dma_start3A_56 : memref<640xi32, #tpu.memory_space<vmem>>) semaphore(%run_scoped3A_51 : memref<!tpu.dma_semaphore, #tpu.memory_space<semaphore_mem>>)
        %dma_wait3A = arith.constant 0 : i32
        %dma_wait3A_60 = arith.constant 0 : i32
        %dma_wait3A_61 = tpu.memref_slice %arg9[%dma_wait3A, %dma_wait3A_60] : memref<640x16xf32, #tpu.memory_space<vmem>> -> memref<640x16xf32, #tpu.memory_space<vmem>>
        %dma_wait3A_62 = arith.constant 0 : i32
        %dma_wait3A_63 = tpu.memref_slice %arg8[%run_scoped3A, %dma_wait3A_62] : memref<2x640xi32, #tpu.memory_space<vmem>> -> memref<1x640xi32, #tpu.memory_space<vmem>>
        %dma_wait3A_64 = tpu.memref_squeeze %dma_wait3A_63 : memref<1x640xi32, #tpu.memory_space<vmem>> -> memref<640xi32, #tpu.memory_space<vmem>>
        %dma_wait3A_65 = arith.constant 0 : i32
        %dma_wait3A_66 = arith.constant 0 : i32
        %dma_wait3A_67 = tpu.memref_slice %arg2[%dma_wait3A_65, %dma_wait3A_66] : memref<50000x16xf32, #tpu.memory_space<hbm>> -> memref<50000x16xf32, #tpu.memory_space<hbm>>
        tpu.wait_indirect_dma semaphore(%run_scoped3A_51 : memref<!tpu.dma_semaphore, #tpu.memory_space<semaphore_mem>>) src(%dma_wait3A_67 : memref<50000x16xf32, #tpu.memory_space<hbm>>) dst(%dma_wait3A_61 : memref<640x16xf32, #tpu.memory_space<vmem>>)
        tpu.yield
      }) : () -> ()
      %run_scoped3A_42 = arith.constant 1 : i32
      "tpu.region"() ({
        %run_scoped3A_51 = tpu.sem_alloc : memref<!tpu.dma_semaphore, #tpu.memory_space<semaphore_mem>>
        %dma_start3A = arith.constant 0 : i32
        %dma_start3A_52 = arith.constant 0 : i32
        %dma_start3A_53 = tpu.memref_slice %arg10[%dma_start3A, %dma_start3A_52] : memref<640x16xf32, #tpu.memory_space<vmem>> -> memref<640x16xf32, #tpu.memory_space<vmem>>
        %dma_start3A_54 = arith.constant 0 : i32
        %dma_start3A_55 = tpu.memref_slice %arg8[%run_scoped3A_42, %dma_start3A_54] : memref<2x640xi32, #tpu.memory_space<vmem>> -> memref<1x640xi32, #tpu.memory_space<vmem>>
        %dma_start3A_56 = tpu.memref_squeeze %dma_start3A_55 : memref<1x640xi32, #tpu.memory_space<vmem>> -> memref<640xi32, #tpu.memory_space<vmem>>
        %dma_start3A_57 = arith.constant 0 : i32
        %dma_start3A_58 = arith.constant 0 : i32
        %dma_start3A_59 = tpu.memref_slice %arg3[%dma_start3A_57, %dma_start3A_58] : memref<50000x16xf32, #tpu.memory_space<hbm>> -> memref<50000x16xf32, #tpu.memory_space<hbm>>
        tpu.enqueue_indirect_dma source(%dma_start3A_59 : memref<50000x16xf32, #tpu.memory_space<hbm>>) target(%dma_start3A_53 : memref<640x16xf32, #tpu.memory_space<vmem>>) offsets(%dma_start3A_56 : memref<640xi32, #tpu.memory_space<vmem>>) semaphore(%run_scoped3A_51 : memref<!tpu.dma_semaphore, #tpu.memory_space<semaphore_mem>>)
        %dma_wait3A = arith.constant 0 : i32
        %dma_wait3A_60 = arith.constant 0 : i32
        %dma_wait3A_61 = tpu.memref_slice %arg10[%dma_wait3A, %dma_wait3A_60] : memref<640x16xf32, #tpu.memory_space<vmem>> -> memref<640x16xf32, #tpu.memory_space<vmem>>
        %dma_wait3A_62 = arith.constant 0 : i32
        %dma_wait3A_63 = tpu.memref_slice %arg8[%run_scoped3A_42, %dma_wait3A_62] : memref<2x640xi32, #tpu.memory_space<vmem>> -> memref<1x640xi32, #tpu.memory_space<vmem>>
        %dma_wait3A_64 = tpu.memref_squeeze %dma_wait3A_63 : memref<1x640xi32, #tpu.memory_space<vmem>> -> memref<640xi32, #tpu.memory_space<vmem>>
        %dma_wait3A_65 = arith.constant 0 : i32
        %dma_wait3A_66 = arith.constant 0 : i32
        %dma_wait3A_67 = tpu.memref_slice %arg3[%dma_wait3A_65, %dma_wait3A_66] : memref<50000x16xf32, #tpu.memory_space<hbm>> -> memref<50000x16xf32, #tpu.memory_space<hbm>>
        tpu.wait_indirect_dma semaphore(%run_scoped3A_51 : memref<!tpu.dma_semaphore, #tpu.memory_space<semaphore_mem>>) src(%dma_wait3A_67 : memref<50000x16xf32, #tpu.memory_space<hbm>>) dst(%dma_wait3A_61 : memref<640x16xf32, #tpu.memory_space<vmem>>)
        tpu.yield
      }) : () -> ()
      %scan3A_43 = arith.constant 0 : i32
      %scan3A_44 = arith.constant 320 : i32
      %scan3A_45 = arith.addi %scan3A_43, %scan3A_44 : i32
      %scan3A_46 = arith.constant 1 : i32
      scf.for %scan3A_51 = %scan3A_43 to %scan3A_45 step %scan3A_46  : i32 {
        %mul3A_52 = arith.constant 2 : i32
        %mul3A_53 = arith.muli %scan3A_51, %mul3A_52 : i32
        %add3A_54 = arith.constant 0 : i32
        %add3A_55 = arith.addi %add3A_54, %mul3A_53 : i32
        %add3A_56 = arith.constant 0 : i32
        %add3A_57 = arith.addi %add3A_55, %add3A_56 : i32
        %get3A = arith.index_cast %add3A_57 : i32 to index
        %get3A_58 = arith.constant 0 : index
        %get3A_59 = tpu.vector_load %arg9[%get3A, %get3A_58] {strides = array<i32>} : memref<640x16xf32, #tpu.memory_space<vmem>>, vector<1x16xf32>,
        %get3A_60 = vector.shape_cast %get3A_59 : vector<1x16xf32> to vector<16xf32>
        %get3A_61 = arith.index_cast %add3A_57 : i32 to index
        %get3A_62 = arith.constant 0 : index
        %get3A_63 = tpu.vector_load %arg10[%get3A_61, %get3A_62] {strides = array<i32>} : memref<640x16xf32, #tpu.memory_space<vmem>>, vector<1x16xf32>,
        %get3A_64 = vector.shape_cast %get3A_63 : vector<1x16xf32> to vector<16xf32>
        %add3A_65 = arith.addf %get3A_60, %get3A_64 : vector<16xf32>
        %get3A_66 = arith.index_cast %add3A_57 : i32 to index
        %get3A_67 = arith.constant 0 : index
        %get3A_68 = tpu.vector_load %arg11[%get3A_66, %get3A_67] {strides = array<i32>} : memref<1280x16xf32, #tpu.memory_space<vmem>>, vector<1x16xf32>,
        %get3A_69 = vector.shape_cast %get3A_68 : vector<1x16xf32> to vector<16xf32>
        %add3A_70 = arith.addf %add3A_65, %get3A_69 : vector<16xf32>
        %mul3A_71 = arith.constant 2.000000e-01 : f32
        %mul3A_72 = vector.broadcast %mul3A_71 : f32 to vector<16xf32>
        %mul3A_73 = arith.mulf %add3A_70, %mul3A_72 : vector<16xf32>
        %max3A = arith.maximumf %add3A_70, %mul3A_73 : vector<16xf32>
        %exp3A = math.exp %max3A : vector<16xf32>
        %swap3A = arith.index_cast %add3A_57 : i32 to index
        %swap3A_74 = arith.constant 0 : index
        %swap3A_75 = tpu.vector_load %arg9[%swap3A, %swap3A_74] {strides = array<i32>} : memref<640x16xf32, #tpu.memory_space<vmem>>, vector<1x16xf32>,
        %swap3A_76 = vector.shape_cast %swap3A_75 : vector<1x16xf32> to vector<16xf32>
        %swap3A_77 = vector.shape_cast %exp3A : vector<16xf32> to vector<1x16xf32>
        tpu.vector_store %arg9[%swap3A, %swap3A_74], %swap3A_77 {strides = array<i32>} : memref<640x16xf32, #tpu.memory_space<vmem>>, vector<1x16xf32>,
        %mul3A_78 = arith.mulf %exp3A, %select_n3A : vector<16xf32>
        %add3A_79 = arith.constant 640 : i32
        %add3A_80 = arith.addi %add3A_79, %add3A_57 : i32
        %get3A_81 = arith.index_cast %add3A_80 : i32 to index
        %get3A_82 = arith.constant 0 : index
        %get3A_83 = tpu.vector_load %arg11[%get3A_81, %get3A_82] {strides = array<i32>} : memref<1280x16xf32, #tpu.memory_space<vmem>>, vector<1x16xf32>,
        %get3A_84 = vector.shape_cast %get3A_83 : vector<1x16xf32> to vector<16xf32>
        %add3A_85 = arith.addf %mul3A_78, %get3A_84 : vector<16xf32>
        %add3A_86 = arith.constant 640 : i32
        %add3A_87 = arith.addi %add3A_86, %add3A_57 : i32
        %swap3A_88 = arith.index_cast %add3A_87 : i32 to index
        %swap3A_89 = arith.constant 0 : index
        %swap3A_90 = tpu.vector_load %arg11[%swap3A_88, %swap3A_89] {strides = array<i32>} : memref<1280x16xf32, #tpu.memory_space<vmem>>, vector<1x16xf32>,
        %swap3A_91 = vector.shape_cast %swap3A_90 : vector<1x16xf32> to vector<16xf32>
        %swap3A_92 = vector.shape_cast %add3A_85 : vector<16xf32> to vector<1x16xf32>
        tpu.vector_store %arg11[%swap3A_88, %swap3A_89], %swap3A_92 {strides = array<i32>} : memref<1280x16xf32, #tpu.memory_space<vmem>>, vector<1x16xf32>,
        %add3A_93 = arith.constant 1 : i32
        %add3A_94 = arith.addi %add3A_55, %add3A_93 : i32
        %get3A_95 = arith.index_cast %add3A_94 : i32 to index
        %get3A_96 = arith.constant 0 : index
        %get3A_97 = tpu.vector_load %arg9[%get3A_95, %get3A_96] {strides = array<i32>} : memref<640x16xf32, #tpu.memory_space<vmem>>, vector<1x16xf32>,
        %get3A_98 = vector.shape_cast %get3A_97 : vector<1x16xf32> to vector<16xf32>
        %get3A_99 = arith.index_cast %add3A_94 : i32 to index
        %get3A_100 = arith.constant 0 : index
        %get3A_101 = tpu.vector_load %arg10[%get3A_99, %get3A_100] {strides = array<i32>} : memref<640x16xf32, #tpu.memory_space<vmem>>, vector<1x16xf32>,
        %get3A_102 = vector.shape_cast %get3A_101 : vector<1x16xf32> to vector<16xf32>
        %add3A_103 = arith.addf %get3A_98, %get3A_102 : vector<16xf32>
        %get3A_104 = arith.index_cast %add3A_94 : i32 to index
        %get3A_105 = arith.constant 0 : index
        %get3A_106 = tpu.vector_load %arg11[%get3A_104, %get3A_105] {strides = array<i32>} : memref<1280x16xf32, #tpu.memory_space<vmem>>, vector<1x16xf32>,
        %get3A_107 = vector.shape_cast %get3A_106 : vector<1x16xf32> to vector<16xf32>
        %add3A_108 = arith.addf %add3A_103, %get3A_107 : vector<16xf32>
        %mul3A_109 = arith.constant 2.000000e-01 : f32
        %mul3A_110 = vector.broadcast %mul3A_109 : f32 to vector<16xf32>
        %mul3A_111 = arith.mulf %add3A_108, %mul3A_110 : vector<16xf32>
        %max3A_112 = arith.maximumf %add3A_108, %mul3A_111 : vector<16xf32>
        %exp3A_113 = math.exp %max3A_112 : vector<16xf32>
        %swap3A_114 = arith.index_cast %add3A_94 : i32 to index
        %swap3A_115 = arith.constant 0 : index
        %swap3A_116 = tpu.vector_load %arg9[%swap3A_114, %swap3A_115] {strides = array<i32>} : memref<640x16xf32, #tpu.memory_space<vmem>>, vector<1x16xf32>,
        %swap3A_117 = vector.shape_cast %swap3A_116 : vector<1x16xf32> to vector<16xf32>
        %swap3A_118 = vector.shape_cast %exp3A_113 : vector<16xf32> to vector<1x16xf32>
        tpu.vector_store %arg9[%swap3A_114, %swap3A_115], %swap3A_118 {strides = array<i32>} : memref<640x16xf32, #tpu.memory_space<vmem>>, vector<1x16xf32>,
        %mul3A_119 = arith.mulf %exp3A_113, %select_n3A : vector<16xf32>
        %add3A_120 = arith.constant 640 : i32
        %add3A_121 = arith.addi %add3A_120, %add3A_94 : i32
        %get3A_122 = arith.index_cast %add3A_121 : i32 to index
        %get3A_123 = arith.constant 0 : index
        %get3A_124 = tpu.vector_load %arg11[%get3A_122, %get3A_123] {strides = array<i32>} : memref<1280x16xf32, #tpu.memory_space<vmem>>, vector<1x16xf32>,
        %get3A_125 = vector.shape_cast %get3A_124 : vector<1x16xf32> to vector<16xf32>
        %add3A_126 = arith.addf %mul3A_119, %get3A_125 : vector<16xf32>
        %add3A_127 = arith.constant 640 : i32
        %add3A_128 = arith.addi %add3A_127, %add3A_94 : i32
        %swap3A_129 = arith.index_cast %add3A_128 : i32 to index
        %swap3A_130 = arith.constant 0 : index
        %swap3A_131 = tpu.vector_load %arg11[%swap3A_129, %swap3A_130] {strides = array<i32>} : memref<1280x16xf32, #tpu.memory_space<vmem>>, vector<1x16xf32>,
        %swap3A_132 = vector.shape_cast %swap3A_131 : vector<1x16xf32> to vector<16xf32>
        %swap3A_133 = vector.shape_cast %add3A_126 : vector<16xf32> to vector<1x16xf32>
        tpu.vector_store %arg11[%swap3A_129, %swap3A_130], %swap3A_133 {strides = array<i32>} : memref<1280x16xf32, #tpu.memory_space<vmem>>, vector<1x16xf32>,
      }
      %scan3A_47 = arith.constant 320 : i32
      %mul3A_48 = arith.constant 640 : i32
      %mul3A_49 = arith.muli %add3A_33, %mul3A_48 : i32
      "tpu.region"() ({
        %run_scoped3A_51 = tpu.sem_alloc : memref<!tpu.dma_semaphore, #tpu.memory_space<semaphore_mem>>
        %dma_start3A = arith.constant 0 : i32
        %dma_start3A_52 = arith.constant 0 : i32
        %dma_start3A_53 = tpu.memref_slice %arg9[%dma_start3A, %dma_start3A_52] : memref<640x16xf32, #tpu.memory_space<vmem>> -> memref<640x16xf32, #tpu.memory_space<vmem>>
        %dma_start3A_54 = arith.constant 0 : i32
        %dma_start3A_55 = tpu.memref_slice %arg6[%mul3A_49, %dma_start3A_54] : memref<819200x16xf32, #tpu.memory_space<hbm>> -> memref<640x16xf32, #tpu.memory_space<hbm>>
        %dma_start3A_56 = arith.constant 0 : i32
        %dma_start3A_57 = tpu.memref_slice %arg6[%mul3A_49, %dma_start3A_56] : memref<819200x16xf32, #tpu.memory_space<hbm>> -> memref<640x16xf32, #tpu.memory_space<hbm>>
        %dma_start3A_58 = arith.constant 0 : i32
        %dma_start3A_59 = arith.constant 0 : i32
        %dma_start3A_60 = tpu.memref_slice %arg9[%dma_start3A_58, %dma_start3A_59] : memref<640x16xf32, #tpu.memory_space<vmem>> -> memref<640x16xf32, #tpu.memory_space<vmem>>
        tpu.enqueue_dma source(%dma_start3A_60 : memref<640x16xf32, #tpu.memory_space<vmem>>) target(%dma_start3A_57 : memref<640x16xf32, #tpu.memory_space<hbm>>) target_semaphore(%run_scoped3A_51 : memref<!tpu.dma_semaphore, #tpu.memory_space<semaphore_mem>>)
        %dma_wait3A = arith.constant 0 : i32
        %dma_wait3A_61 = arith.constant 0 : i32
        %dma_wait3A_62 = tpu.memref_slice %arg9[%dma_wait3A, %dma_wait3A_61] : memref<640x16xf32, #tpu.memory_space<vmem>> -> memref<640x16xf32, #tpu.memory_space<vmem>>
        %dma_wait3A_63 = arith.constant 0 : i32
        %dma_wait3A_64 = tpu.memref_slice %arg6[%mul3A_49, %dma_wait3A_63] : memref<819200x16xf32, #tpu.memory_space<hbm>> -> memref<640x16xf32, #tpu.memory_space<hbm>>
        %dma_wait3A_65 = arith.constant 0 : i32
        %dma_wait3A_66 = tpu.memref_slice %arg6[%mul3A_49, %dma_wait3A_65] : memref<819200x16xf32, #tpu.memory_space<hbm>> -> memref<640x16xf32, #tpu.memory_space<hbm>>
        %dma_wait3A_67 = arith.constant 0 : i32
        %dma_wait3A_68 = arith.constant 0 : i32
        %dma_wait3A_69 = tpu.memref_slice %arg9[%dma_wait3A_67, %dma_wait3A_68] : memref<640x16xf32, #tpu.memory_space<vmem>> -> memref<640x16xf32, #tpu.memory_space<vmem>>
        tpu.wait_dma2 semaphore(%run_scoped3A_51 : memref<!tpu.dma_semaphore, #tpu.memory_space<semaphore_mem>>) src(%dma_wait3A_69 : memref<640x16xf32, #tpu.memory_space<vmem>>) dst(%dma_wait3A_66 : memref<640x16xf32, #tpu.memory_space<hbm>>)
        tpu.yield
      }) : () -> ()
      %run_scoped3A_50 = arith.constant 1 : i32
      "tpu.region"() ({
        %run_scoped3A_51 = tpu.sem_alloc : memref<!tpu.dma_semaphore, #tpu.memory_space<semaphore_mem>>
        %dma_start3A = arith.constant 640 : i32
        %dma_start3A_52 = arith.constant 0 : i32
        %dma_start3A_53 = tpu.memref_slice %arg11[%dma_start3A, %dma_start3A_52] : memref<1280x16xf32, #tpu.memory_space<vmem>> -> memref<640x16xf32, #tpu.memory_space<vmem>>
        %dma_start3A_54 = arith.constant 0 : i32
        %dma_start3A_55 = tpu.memref_slice %arg8[%run_scoped3A_50, %dma_start3A_54] : memref<2x640xi32, #tpu.memory_space<vmem>> -> memref<1x640xi32, #tpu.memory_space<vmem>>
        %dma_start3A_56 = tpu.memref_squeeze %dma_start3A_55 : memref<1x640xi32, #tpu.memory_space<vmem>> -> memref<640xi32, #tpu.memory_space<vmem>>
        %dma_start3A_57 = arith.constant 0 : i32
        %dma_start3A_58 = arith.constant 0 : i32
        %dma_start3A_59 = tpu.memref_slice %arg13[%dma_start3A_57, %dma_start3A_58] : memref<50048x16xf32, #tpu.memory_space<vmem_shared>> -> memref<50048x16xf32, #tpu.memory_space<vmem_shared>>
        tpu.enqueue_indirect_dma source(%dma_start3A_53 : memref<640x16xf32, #tpu.memory_space<vmem>>) target(%dma_start3A_59 : memref<50048x16xf32, #tpu.memory_space<vmem_shared>>) offsets(%dma_start3A_56 : memref<640xi32, #tpu.memory_space<vmem>>) semaphore(%run_scoped3A_51 : memref<!tpu.dma_semaphore, #tpu.memory_space<semaphore_mem>>) {add = true}
        %dma_wait3A = arith.constant 640 : i32
        %dma_wait3A_60 = arith.constant 0 : i32
        %dma_wait3A_61 = tpu.memref_slice %arg11[%dma_wait3A, %dma_wait3A_60] : memref<1280x16xf32, #tpu.memory_space<vmem>> -> memref<640x16xf32, #tpu.memory_space<vmem>>
        %dma_wait3A_62 = arith.constant 0 : i32
        %dma_wait3A_63 = tpu.memref_slice %arg8[%run_scoped3A_50, %dma_wait3A_62] : memref<2x640xi32, #tpu.memory_space<vmem>> -> memref<1x640xi32, #tpu.memory_space<vmem>>
        %dma_wait3A_64 = tpu.memref_squeeze %dma_wait3A_63 : memref<1x640xi32, #tpu.memory_space<vmem>> -> memref<640xi32, #tpu.memory_space<vmem>>
        %dma_wait3A_65 = arith.constant 0 : i32
        %dma_wait3A_66 = arith.constant 0 : i32
        %dma_wait3A_67 = tpu.memref_slice %arg13[%dma_wait3A_65, %dma_wait3A_66] : memref<50048x16xf32, #tpu.memory_space<vmem_shared>> -> memref<50048x16xf32, #tpu.memory_space<vmem_shared>>
        tpu.wait_indirect_dma semaphore(%run_scoped3A_51 : memref<!tpu.dma_semaphore, #tpu.memory_space<semaphore_mem>>) src(%dma_wait3A_61 : memref<640x16xf32, #tpu.memory_space<vmem>>) dst(%dma_wait3A_67 : memref<50048x16xf32, #tpu.memory_space<vmem_shared>>)
        tpu.yield
      }) : () -> ()
    }
    %scan3A_20 = arith.constant 40 : i32
    %barrier3A_21 = arith.constant 0 : index
    tpu.barrier barrier_id(%barrier3A_21)
    %mul3A_22 = arith.constant 3128 : i32
    %mul3A_23 = arith.muli %arg1, %mul3A_22 : i32
    %mul3A_24 = arith.constant 3128 : i32
    %mul3A_25 = arith.muli %arg1, %mul3A_24 : i32
    "tpu.region"() ({
      %run_scoped3A = tpu.sem_alloc : memref<!tpu.dma_semaphore, #tpu.memory_space<semaphore_mem>>
      %dma_start3A = arith.constant 0 : i32
      %dma_start3A_26 = tpu.memref_slice %arg7[%arg0, %mul3A_25, %dma_start3A] : memref<2x50048x16xf32, #tpu.memory_space<hbm>> -> memref<1x3128x16xf32, #tpu.memory_space<hbm>>
      %dma_start3A_27 = tpu.memref_squeeze %dma_start3A_26 : memref<1x3128x16xf32, #tpu.memory_space<hbm>> -> memref<3128x16xf32, #tpu.memory_space<hbm>>
      %dma_start3A_28 = arith.constant 0 : i32
      %dma_start3A_29 = tpu.memref_slice %arg13[%mul3A_23, %dma_start3A_28] : memref<50048x16xf32, #tpu.memory_space<vmem_shared>> -> memref<3128x16xf32, #tpu.memory_space<vmem_shared>>
      tpu.enqueue_dma source(%dma_start3A_29 : memref<3128x16xf32, #tpu.memory_space<vmem_shared>>) target(%dma_start3A_27 : memref<3128x16xf32, #tpu.memory_space<hbm>>) target_semaphore(%run_scoped3A : memref<!tpu.dma_semaphore, #tpu.memory_space<semaphore_mem>>)
      %dma_wait3A = arith.constant 0 : i32
      %dma_wait3A_30 = tpu.memref_slice %arg7[%arg0, %mul3A_25, %dma_wait3A] : memref<2x50048x16xf32, #tpu.memory_space<hbm>> -> memref<1x3128x16xf32, #tpu.memory_space<hbm>>
      %dma_wait3A_31 = tpu.memref_squeeze %dma_wait3A_30 : memref<1x3128x16xf32, #tpu.memory_space<hbm>> -> memref<3128x16xf32, #tpu.memory_space<hbm>>
      %dma_wait3A_32 = arith.constant 0 : i32
      %dma_wait3A_33 = tpu.memref_slice %arg13[%mul3A_23, %dma_wait3A_32] : memref<50048x16xf32, #tpu.memory_space<vmem_shared>> -> memref<3128x16xf32, #tpu.memory_space<vmem_shared>>
      tpu.wait_dma2 semaphore(%run_scoped3A : memref<!tpu.dma_semaphore, #tpu.memory_space<semaphore_mem>>) src(%dma_wait3A_33 : memref<3128x16xf32, #tpu.memory_space<vmem_shared>>) dst(%dma_wait3A_31 : memref<3128x16xf32, #tpu.memory_space<hbm>>)
      tpu.yield
    }) : () -> ()
    return
  }
}

#map = affine_map<(d0, d1) -> (0, 0, 0)>
#map1 = affine_map<(d0, d1) -> (0, 0, 0, 0)>
module attributes {stable_mosaic.version = 14 : i64} {
  func.func @body(%arg0: i32, %arg1: i32, %arg2: memref<8x50000x32xf32, #tpu.memory_space<hbm>>, %arg3: memref<4x3843x640xi32, #tpu.memory_space<hbm>>, %arg4: memref<2x8x50048x32xf32, #tpu.memory_space<hbm>>, %arg5: memref<3x640xi32, #tpu.memory_space<vmem>>, %arg6: memref<640x32xf32, #tpu.memory_space<vmem>>, %arg7: memref<184x32xf32, #tpu.memory_space<vmem>>, %arg8: memref<50048x32xf32, #tpu.memory_space<vmem_shared>>) attributes {dimension_semantics = [#tpu.dimension_semantics<core_parallel>, #tpu.dimension_semantics<subcore_parallel>], iteration_bounds = array<i64: 2, 16>, scalar_prefetch = 0 : i64, scratch_operands = 4 : i64, tpu.core_type = #tpu.core_type<sc_vector_subcore>, window_params = [{transform_indices = #map}, {transform_indices = #map}, {transform_indices = #map1}]} {
    %mul3A = arith.constant 2 : i32
    %mul3A_0 = arith.muli %arg1, %mul3A : i32
    %add3A = arith.addi %mul3A_0, %arg0 : i32
    %broadcast_in_dim3A = arith.constant 0.000000e+00 : f32
    %broadcast_in_dim3A_1 = vector.broadcast %broadcast_in_dim3A : f32 to vector<16xf32>
    %scan3A = arith.constant 0 : i32
    %scan3A_2 = arith.constant 184 : i32
    %scan3A_3 = arith.addi %scan3A, %scan3A_2 : i32
    %scan3A_4 = arith.constant 1 : i32
    scf.for %scan3A_11 = %scan3A to %scan3A_3 step %scan3A_4  : i32 {
      %mul3A_12 = arith.constant 1 : i32
      %mul3A_13 = arith.muli %scan3A_11, %mul3A_12 : i32
      %add3A_14 = arith.constant 0 : i32
      %add3A_15 = arith.addi %add3A_14, %mul3A_13 : i32
      %swap3A = arith.index_cast %add3A_15 : i32 to index
      %swap3A_16 = arith.constant 0 : index
      %swap3A_17 = tpu.vector_load %arg7[%swap3A, %swap3A_16] {strides = array<i32>} : memref<184x32xf32, #tpu.memory_space<vmem>>, vector<1x16xf32>,
      %swap3A_18 = vector.shape_cast %swap3A_17 : vector<1x16xf32> to vector<16xf32>
      %swap3A_19 = vector.shape_cast %broadcast_in_dim3A_1 : vector<16xf32> to vector<1x16xf32>
      tpu.vector_store %arg7[%swap3A, %swap3A_16], %swap3A_19 {strides = array<i32>} : memref<184x32xf32, #tpu.memory_space<vmem>>, vector<1x16xf32>,
      %swap3A_20 = arith.index_cast %add3A_15 : i32 to index
      %swap3A_21 = arith.constant 16 : index
      %swap3A_22 = tpu.vector_load %arg7[%swap3A_20, %swap3A_21] {strides = array<i32>} : memref<184x32xf32, #tpu.memory_space<vmem>>, vector<1x16xf32>,
      %swap3A_23 = vector.shape_cast %swap3A_22 : vector<1x16xf32> to vector<16xf32>
      %swap3A_24 = vector.shape_cast %broadcast_in_dim3A_1 : vector<16xf32> to vector<1x16xf32>
      tpu.vector_store %arg7[%swap3A_20, %swap3A_21], %swap3A_24 {strides = array<i32>} : memref<184x32xf32, #tpu.memory_space<vmem>>, vector<1x16xf32>,
    }
    %scan3A_5 = arith.constant 184 : i32
    %scan3A_6 = arith.constant 0 : i32
    %scan3A_7 = arith.constant 8 : i32
    %scan3A_8 = arith.addi %scan3A_6, %scan3A_7 : i32
    %scan3A_9 = arith.constant 1 : i32
    scf.for %scan3A_11 = %scan3A_6 to %scan3A_8 step %scan3A_9  : i32 {
      %mul3A_12 = arith.constant 1 : i32
      %mul3A_13 = arith.muli %scan3A_11, %mul3A_12 : i32
      %add3A_14 = arith.constant 0 : i32
      %add3A_15 = arith.addi %add3A_14, %mul3A_13 : i32
      %jit3A = arith.constant 2 : i32
      %div3A = arith.divsi %add3A_15, %jit3A : i32
      %sign3A = arith.constant 0 : i32
      %sign3A_16 = arith.cmpi sgt, %add3A_15, %sign3A : i32
      %sign3A_17 = arith.extui %sign3A_16 : i1 to i32
      %sign3A_18 = arith.constant 0 : i32
      %sign3A_19 = arith.cmpi slt, %add3A_15, %sign3A_18 : i32
      %sign3A_20 = arith.extui %sign3A_19 : i1 to i32
      %sign3A_21 = arith.subi %sign3A_17, %sign3A_20 : i32
      %sign3A_22 = arith.constant 0 : i32
      %sign3A_23 = arith.cmpi sgt, %jit3A, %sign3A_22 : i32
      %sign3A_24 = arith.extui %sign3A_23 : i1 to i32
      %sign3A_25 = arith.constant 0 : i32
      %sign3A_26 = arith.cmpi slt, %jit3A, %sign3A_25 : i32
      %sign3A_27 = arith.extui %sign3A_26 : i1 to i32
      %sign3A_28 = arith.subi %sign3A_24, %sign3A_27 : i32
      %ne3A = arith.cmpi ne, %sign3A_21, %sign3A_28 : i32
      %rem3A = arith.remsi %add3A_15, %jit3A : i32
      %ne3A_29 = arith.constant 0 : i32
      %ne3A_30 = arith.cmpi ne, %rem3A, %ne3A_29 : i32
      %and3A = arith.andi %ne3A, %ne3A_30 : i1
      %sub3A = arith.constant 1 : i32
      %sub3A_31 = arith.subi %div3A, %sub3A : i32
      %select_n3A = arith.select %and3A, %sub3A_31, %div3A : i32
      %scan3A_32 = arith.constant 0 : i32
      %scan3A_33 = arith.constant 17 : i32
      %scan3A_34 = arith.addi %scan3A_32, %scan3A_33 : i32
      %scan3A_35 = arith.constant 1 : i32
      scf.for %scan3A_48 = %scan3A_32 to %scan3A_34 step %scan3A_35  : i32 {
        %mul3A_49 = arith.constant 184 : i32
        %mul3A_50 = arith.muli %scan3A_48, %mul3A_49 : i32
        %add3A_51 = arith.constant 0 : i32
        %add3A_52 = arith.addi %add3A_51, %mul3A_50 : i32
        %mul3A_53 = arith.constant 3128 : i32
        %mul3A_54 = arith.muli %arg1, %mul3A_53 : i32
        %add3A_55 = arith.addi %mul3A_54, %add3A_52 : i32
        "tpu.region"() ({
          %run_scoped3A = tpu.sem_alloc : memref<!tpu.dma_semaphore, #tpu.memory_space<semaphore_mem>>
          %dma_start3A = arith.constant 0 : i32
          %dma_start3A_56 = tpu.memref_slice %arg8[%add3A_55, %dma_start3A] : memref<50048x32xf32, #tpu.memory_space<vmem_shared>> -> memref<184x32xf32, #tpu.memory_space<vmem_shared>>
          %dma_start3A_57 = arith.constant 0 : i32
          %dma_start3A_58 = tpu.memref_slice %arg8[%add3A_55, %dma_start3A_57] : memref<50048x32xf32, #tpu.memory_space<vmem_shared>> -> memref<184x32xf32, #tpu.memory_space<vmem_shared>>
          tpu.enqueue_dma source(%arg7 : memref<184x32xf32, #tpu.memory_space<vmem>>) target(%dma_start3A_58 : memref<184x32xf32, #tpu.memory_space<vmem_shared>>) target_semaphore(%run_scoped3A : memref<!tpu.dma_semaphore, #tpu.memory_space<semaphore_mem>>)
          %dma_wait3A = arith.constant 0 : i32
          %dma_wait3A_59 = tpu.memref_slice %arg8[%add3A_55, %dma_wait3A] : memref<50048x32xf32, #tpu.memory_space<vmem_shared>> -> memref<184x32xf32, #tpu.memory_space<vmem_shared>>
          %dma_wait3A_60 = arith.constant 0 : i32
          %dma_wait3A_61 = tpu.memref_slice %arg8[%add3A_55, %dma_wait3A_60] : memref<50048x32xf32, #tpu.memory_space<vmem_shared>> -> memref<184x32xf32, #tpu.memory_space<vmem_shared>>
          tpu.wait_dma2 semaphore(%run_scoped3A : memref<!tpu.dma_semaphore, #tpu.memory_space<semaphore_mem>>) src(%arg7 : memref<184x32xf32, #tpu.memory_space<vmem>>) dst(%dma_wait3A_61 : memref<184x32xf32, #tpu.memory_space<vmem_shared>>)
          tpu.yield
        }) : () -> ()
      }
      %scan3A_36 = arith.constant 17 : i32
      %barrier3A = arith.constant 0 : index
      tpu.barrier barrier_id(%barrier3A)
      %scan3A_37 = arith.constant 0 : i32
      %scan3A_38 = arith.constant 40 : i32
      %scan3A_39 = arith.addi %scan3A_37, %scan3A_38 : i32
      %scan3A_40 = arith.constant 1 : i32
      scf.for %scan3A_48 = %scan3A_37 to %scan3A_39 step %scan3A_40  : i32 {
        %mul3A_49 = arith.constant 1 : i32
        %mul3A_50 = arith.muli %scan3A_48, %mul3A_49 : i32
        %add3A_51 = arith.constant 0 : i32
        %add3A_52 = arith.addi %add3A_51, %mul3A_50 : i32
        %mul3A_53 = arith.constant 40 : i32
        %mul3A_54 = arith.muli %add3A, %mul3A_53 : i32
        %add3A_55 = arith.addi %mul3A_54, %add3A_52 : i32
        %mul3A_56 = arith.constant 3 : i32
        %mul3A_57 = arith.muli %add3A_55, %mul3A_56 : i32
        %mul3A_58 = arith.constant 1 : i32
        %mul3A_59 = arith.muli %mul3A_57, %mul3A_58 : i32
        "tpu.region"() ({
          %run_scoped3A_66 = tpu.sem_alloc : memref<!tpu.dma_semaphore, #tpu.memory_space<semaphore_mem>>
          %dma_start3A = arith.constant 0 : i32
          %dma_start3A_67 = arith.constant 0 : i32
          %dma_start3A_68 = tpu.memref_slice %arg5[%dma_start3A, %dma_start3A_67] : memref<3x640xi32, #tpu.memory_space<vmem>> -> memref<3x640xi32, #tpu.memory_space<vmem>>
          %dma_start3A_69 = arith.constant 0 : i32
          %dma_start3A_70 = tpu.memref_slice %arg3[%select_n3A, %mul3A_59, %dma_start3A_69] : memref<4x3843x640xi32, #tpu.memory_space<hbm>> -> memref<1x3x640xi32, #tpu.memory_space<hbm>>
          %dma_start3A_71 = tpu.memref_squeeze %dma_start3A_70 : memref<1x3x640xi32, #tpu.memory_space<hbm>> -> memref<3x640xi32, #tpu.memory_space<hbm>>
          %dma_start3A_72 = arith.constant 0 : i32
          %dma_start3A_73 = arith.constant 0 : i32
          %dma_start3A_74 = tpu.memref_slice %arg5[%dma_start3A_72, %dma_start3A_73] : memref<3x640xi32, #tpu.memory_space<vmem>> -> memref<3x640xi32, #tpu.memory_space<vmem>>
          %dma_start3A_75 = arith.constant 0 : i32
          %dma_start3A_76 = tpu.memref_slice %arg3[%select_n3A, %mul3A_59, %dma_start3A_75] : memref<4x3843x640xi32, #tpu.memory_space<hbm>> -> memref<1x3x640xi32, #tpu.memory_space<hbm>>
          %dma_start3A_77 = tpu.memref_squeeze %dma_start3A_76 : memref<1x3x640xi32, #tpu.memory_space<hbm>> -> memref<3x640xi32, #tpu.memory_space<hbm>>
          tpu.enqueue_dma source(%dma_start3A_77 : memref<3x640xi32, #tpu.memory_space<hbm>>) target(%dma_start3A_74 : memref<3x640xi32, #tpu.memory_space<vmem>>) target_semaphore(%run_scoped3A_66 : memref<!tpu.dma_semaphore, #tpu.memory_space<semaphore_mem>>)
          %dma_wait3A = arith.constant 0 : i32
          %dma_wait3A_78 = arith.constant 0 : i32
          %dma_wait3A_79 = tpu.memref_slice %arg5[%dma_wait3A, %dma_wait3A_78] : memref<3x640xi32, #tpu.memory_space<vmem>> -> memref<3x640xi32, #tpu.memory_space<vmem>>
          %dma_wait3A_80 = arith.constant 0 : i32
          %dma_wait3A_81 = tpu.memref_slice %arg3[%select_n3A, %mul3A_59, %dma_wait3A_80] : memref<4x3843x640xi32, #tpu.memory_space<hbm>> -> memref<1x3x640xi32, #tpu.memory_space<hbm>>
          %dma_wait3A_82 = tpu.memref_squeeze %dma_wait3A_81 : memref<1x3x640xi32, #tpu.memory_space<hbm>> -> memref<3x640xi32, #tpu.memory_space<hbm>>
          %dma_wait3A_83 = arith.constant 0 : i32
          %dma_wait3A_84 = arith.constant 0 : i32
          %dma_wait3A_85 = tpu.memref_slice %arg5[%dma_wait3A_83, %dma_wait3A_84] : memref<3x640xi32, #tpu.memory_space<vmem>> -> memref<3x640xi32, #tpu.memory_space<vmem>>
          %dma_wait3A_86 = arith.constant 0 : i32
          %dma_wait3A_87 = tpu.memref_slice %arg3[%select_n3A, %mul3A_59, %dma_wait3A_86] : memref<4x3843x640xi32, #tpu.memory_space<hbm>> -> memref<1x3x640xi32, #tpu.memory_space<hbm>>
          %dma_wait3A_88 = tpu.memref_squeeze %dma_wait3A_87 : memref<1x3x640xi32, #tpu.memory_space<hbm>> -> memref<3x640xi32, #tpu.memory_space<hbm>>
          tpu.wait_dma2 semaphore(%run_scoped3A_66 : memref<!tpu.dma_semaphore, #tpu.memory_space<semaphore_mem>>) src(%dma_wait3A_88 : memref<3x640xi32, #tpu.memory_space<hbm>>) dst(%dma_wait3A_85 : memref<3x640xi32, #tpu.memory_space<vmem>>)
          tpu.yield
        }) : () -> ()
        %run_scoped3A = arith.constant 0 : i32
        "tpu.region"() ({
          %run_scoped3A_66 = tpu.sem_alloc : memref<!tpu.dma_semaphore, #tpu.memory_space<semaphore_mem>>
          %dma_start3A = arith.constant 0 : i32
          %dma_start3A_67 = arith.constant 0 : i32
          %dma_start3A_68 = tpu.memref_slice %arg6[%dma_start3A, %dma_start3A_67] : memref<640x32xf32, #tpu.memory_space<vmem>> -> memref<640x32xf32, #tpu.memory_space<vmem>>
          %dma_start3A_69 = arith.constant 0 : i32
          %dma_start3A_70 = tpu.memref_slice %arg5[%run_scoped3A, %dma_start3A_69] : memref<3x640xi32, #tpu.memory_space<vmem>> -> memref<1x640xi32, #tpu.memory_space<vmem>>
          %dma_start3A_71 = tpu.memref_squeeze %dma_start3A_70 : memref<1x640xi32, #tpu.memory_space<vmem>> -> memref<640xi32, #tpu.memory_space<vmem>>
          %dma_start3A_72 = arith.constant 0 : i32
          %dma_start3A_73 = arith.constant 0 : i32
          %dma_start3A_74 = tpu.memref_slice %arg2[%add3A_15, %dma_start3A_72, %dma_start3A_73] : memref<8x50000x32xf32, #tpu.memory_space<hbm>> -> memref<1x50000x32xf32, #tpu.memory_space<hbm>>
          %dma_start3A_75 = tpu.memref_squeeze %dma_start3A_74 : memref<1x50000x32xf32, #tpu.memory_space<hbm>> -> memref<50000x32xf32, #tpu.memory_space<hbm>>
          %dma_start3A_76 = arith.constant 0 : i32
          %dma_start3A_77 = arith.constant 0 : i32
          %dma_start3A_78 = tpu.memref_slice %dma_start3A_75[%dma_start3A_76, %dma_start3A_77] : memref<50000x32xf32, #tpu.memory_space<hbm>> -> memref<50000x32xf32, #tpu.memory_space<hbm>>
          tpu.enqueue_indirect_dma source(%dma_start3A_78 : memref<50000x32xf32, #tpu.memory_space<hbm>>) target(%dma_start3A_68 : memref<640x32xf32, #tpu.memory_space<vmem>>) offsets(%dma_start3A_71 : memref<640xi32, #tpu.memory_space<vmem>>) semaphore(%run_scoped3A_66 : memref<!tpu.dma_semaphore, #tpu.memory_space<semaphore_mem>>)
          %dma_wait3A = arith.constant 0 : i32
          %dma_wait3A_79 = arith.constant 0 : i32
          %dma_wait3A_80 = tpu.memref_slice %arg6[%dma_wait3A, %dma_wait3A_79] : memref<640x32xf32, #tpu.memory_space<vmem>> -> memref<640x32xf32, #tpu.memory_space<vmem>>
          %dma_wait3A_81 = arith.constant 0 : i32
          %dma_wait3A_82 = tpu.memref_slice %arg5[%run_scoped3A, %dma_wait3A_81] : memref<3x640xi32, #tpu.memory_space<vmem>> -> memref<1x640xi32, #tpu.memory_space<vmem>>
          %dma_wait3A_83 = tpu.memref_squeeze %dma_wait3A_82 : memref<1x640xi32, #tpu.memory_space<vmem>> -> memref<640xi32, #tpu.memory_space<vmem>>
          %dma_wait3A_84 = arith.constant 0 : i32
          %dma_wait3A_85 = arith.constant 0 : i32
          %dma_wait3A_86 = tpu.memref_slice %arg2[%add3A_15, %dma_wait3A_84, %dma_wait3A_85] : memref<8x50000x32xf32, #tpu.memory_space<hbm>> -> memref<1x50000x32xf32, #tpu.memory_space<hbm>>
          %dma_wait3A_87 = tpu.memref_squeeze %dma_wait3A_86 : memref<1x50000x32xf32, #tpu.memory_space<hbm>> -> memref<50000x32xf32, #tpu.memory_space<hbm>>
          %dma_wait3A_88 = arith.constant 0 : i32
          %dma_wait3A_89 = arith.constant 0 : i32
          %dma_wait3A_90 = tpu.memref_slice %dma_wait3A_87[%dma_wait3A_88, %dma_wait3A_89] : memref<50000x32xf32, #tpu.memory_space<hbm>> -> memref<50000x32xf32, #tpu.memory_space<hbm>>
          tpu.wait_indirect_dma semaphore(%run_scoped3A_66 : memref<!tpu.dma_semaphore, #tpu.memory_space<semaphore_mem>>) src(%dma_wait3A_90 : memref<50000x32xf32, #tpu.memory_space<hbm>>) dst(%dma_wait3A_80 : memref<640x32xf32, #tpu.memory_space<vmem>>)
          tpu.yield
        }) : () -> ()
        %scan3A_60 = arith.constant 0 : i32
        %scan3A_61 = arith.constant 40 : i32
        %scan3A_62 = arith.addi %scan3A_60, %scan3A_61 : i32
        %scan3A_63 = arith.constant 1 : i32
        scf.for %scan3A_66 = %scan3A_60 to %scan3A_62 step %scan3A_63  : i32 {
          %mul3A_67 = arith.constant 16 : i32
          %mul3A_68 = arith.muli %scan3A_66, %mul3A_67 : i32
          %add3A_69 = arith.constant 0 : i32
          %add3A_70 = arith.addi %add3A_69, %mul3A_68 : i32
          %sub3A_71 = arith.constant 0 : i32
          %sub3A_72 = arith.subi %add3A_70, %sub3A_71 : i32
          %get3A = arith.constant 2 : i32
          %get3A_73 = arith.index_cast %get3A : i32 to index
          %get3A_74 = arith.index_cast %sub3A_72 : i32 to index
          %get3A_75 = tpu.vector_load %arg5[%get3A_73, %get3A_74] {strides = array<i32>} : memref<3x640xi32, #tpu.memory_space<vmem>>, vector<1x16xi32>,
          %get3A_76 = vector.shape_cast %get3A_75 : vector<1x16xi32> to vector<16xi32>
          %bitcast_convert_type3A = tpu.bitcast %get3A_76 : vector<16xi32> -> vector<16xf32>
          %broadcast_in_dim3A_77 = arith.constant 0 : i32
          %broadcast_in_dim3A_78 = vector.broadcast %broadcast_in_dim3A_77 : i32 to vector<16xi32>
          %lt3A = arith.constant 0 : i32
          %lt3A_79 = vector.broadcast %lt3A : i32 to vector<16xi32>
          %lt3A_80 = arith.cmpi slt, %broadcast_in_dim3A_78, %lt3A_79 : vector<16xi32>
          %add3A_81 = arith.constant 16 : i32
          %add3A_82 = vector.broadcast %add3A_81 : i32 to vector<16xi32>
          %add3A_83 = arith.addi %broadcast_in_dim3A_78, %add3A_82 : vector<16xi32>
          %select_n3A_84 = arith.select %lt3A_80, %add3A_83, %broadcast_in_dim3A_78 : vector<16xi1>, vector<16xi32>
          %broadcast_in_dim3A_85 = vector.shape_cast %select_n3A_84 : vector<16xi32> to vector<16x1xi32>
          %gather3A = vector.shape_cast %broadcast_in_dim3A_85 : vector<16x1xi32> to vector<16xi32>
          %gather3A_86 = tpu.dynamic_gather %bitcast_convert_type3A[%gather3A] in [0] : vector<16xf32>, vector<16xi32> -> vector<16xf32>
          %add3A_87 = arith.constant 0 : i32
          %add3A_88 = arith.addi %add3A_70, %add3A_87 : i32
          %get3A_89 = arith.index_cast %add3A_88 : i32 to index
          %get3A_90 = arith.constant 0 : index
          %get3A_91 = tpu.vector_load %arg6[%get3A_89, %get3A_90] {strides = array<i32>} : memref<640x32xf32, #tpu.memory_space<vmem>>, vector<1x16xf32>,
          %get3A_92 = vector.shape_cast %get3A_91 : vector<1x16xf32> to vector<16xf32>
          %mul3A_93 = arith.mulf %get3A_92, %gather3A_86 : vector<16xf32>
          %add3A_94 = arith.constant 0 : i32
          %add3A_95 = arith.addi %add3A_70, %add3A_94 : i32
          %swap3A = arith.index_cast %add3A_95 : i32 to index
          %swap3A_96 = arith.constant 0 : index
          %swap3A_97 = tpu.vector_load %arg6[%swap3A, %swap3A_96] {strides = array<i32>} : memref<640x32xf32, #tpu.memory_space<vmem>>, vector<1x16xf32>,
          %swap3A_98 = vector.shape_cast %swap3A_97 : vector<1x16xf32> to vector<16xf32>
          %swap3A_99 = vector.shape_cast %mul3A_93 : vector<16xf32> to vector<1x16xf32>
          tpu.vector_store %arg6[%swap3A, %swap3A_96], %swap3A_99 {strides = array<i32>} : memref<640x32xf32, #tpu.memory_space<vmem>>, vector<1x16xf32>,
          %add3A_100 = arith.constant 0 : i32
          %add3A_101 = arith.addi %add3A_70, %add3A_100 : i32
          %get3A_102 = arith.index_cast %add3A_101 : i32 to index
          %get3A_103 = arith.constant 16 : index
          %get3A_104 = tpu.vector_load %arg6[%get3A_102, %get3A_103] {strides = array<i32>} : memref<640x32xf32, #tpu.memory_space<vmem>>, vector<1x16xf32>,
          %get3A_105 = vector.shape_cast %get3A_104 : vector<1x16xf32> to vector<16xf32>
          %mul3A_106 = arith.mulf %get3A_105, %gather3A_86 : vector<16xf32>
          %add3A_107 = arith.constant 0 : i32
          %add3A_108 = arith.addi %add3A_70, %add3A_107 : i32
          %swap3A_109 = arith.index_cast %add3A_108 : i32 to index
          %swap3A_110 = arith.constant 16 : index
          %swap3A_111 = tpu.vector_load %arg6[%swap3A_109, %swap3A_110] {strides = array<i32>} : memref<640x32xf32, #tpu.memory_space<vmem>>, vector<1x16xf32>,
          %swap3A_112 = vector.shape_cast %swap3A_111 : vector<1x16xf32> to vector<16xf32>
          %swap3A_113 = vector.shape_cast %mul3A_106 : vector<16xf32> to vector<1x16xf32>
          tpu.vector_store %arg6[%swap3A_109, %swap3A_110], %swap3A_113 {strides = array<i32>} : memref<640x32xf32, #tpu.memory_space<vmem>>, vector<1x16xf32>,
          %broadcast_in_dim3A_114 = arith.constant 1 : i32
          %broadcast_in_dim3A_115 = vector.broadcast %broadcast_in_dim3A_114 : i32 to vector<16xi32>
          %lt3A_116 = arith.constant 0 : i32
          %lt3A_117 = vector.broadcast %lt3A_116 : i32 to vector<16xi32>
          %lt3A_118 = arith.cmpi slt, %broadcast_in_dim3A_115, %lt3A_117 : vector<16xi32>
          %add3A_119 = arith.constant 16 : i32
          %add3A_120 = vector.broadcast %add3A_119 : i32 to vector<16xi32>
          %add3A_121 = arith.addi %broadcast_in_dim3A_115, %add3A_120 : vector<16xi32>
          %select_n3A_122 = arith.select %lt3A_118, %add3A_121, %broadcast_in_dim3A_115 : vector<16xi1>, vector<16xi32>
          %broadcast_in_dim3A_123 = vector.shape_cast %select_n3A_122 : vector<16xi32> to vector<16x1xi32>
          %gather3A_124 = vector.shape_cast %broadcast_in_dim3A_123 : vector<16x1xi32> to vector<16xi32>
          %gather3A_125 = tpu.dynamic_gather %bitcast_convert_type3A[%gather3A_124] in [0] : vector<16xf32>, vector<16xi32> -> vector<16xf32>
          %add3A_126 = arith.constant 1 : i32
          %add3A_127 = arith.addi %add3A_70, %add3A_126 : i32
          %get3A_128 = arith.index_cast %add3A_127 : i32 to index
          %get3A_129 = arith.constant 0 : index
          %get3A_130 = tpu.vector_load %arg6[%get3A_128, %get3A_129] {strides = array<i32>} : memref<640x32xf32, #tpu.memory_space<vmem>>, vector<1x16xf32>,
          %get3A_131 = vector.shape_cast %get3A_130 : vector<1x16xf32> to vector<16xf32>
          %mul3A_132 = arith.mulf %get3A_131, %gather3A_125 : vector<16xf32>
          %add3A_133 = arith.constant 1 : i32
          %add3A_134 = arith.addi %add3A_70, %add3A_133 : i32
          %swap3A_135 = arith.index_cast %add3A_134 : i32 to index
          %swap3A_136 = arith.constant 0 : index
          %swap3A_137 = tpu.vector_load %arg6[%swap3A_135, %swap3A_136] {strides = array<i32>} : memref<640x32xf32, #tpu.memory_space<vmem>>, vector<1x16xf32>,
          %swap3A_138 = vector.shape_cast %swap3A_137 : vector<1x16xf32> to vector<16xf32>
          %swap3A_139 = vector.shape_cast %mul3A_132 : vector<16xf32> to vector<1x16xf32>
          tpu.vector_store %arg6[%swap3A_135, %swap3A_136], %swap3A_139 {strides = array<i32>} : memref<640x32xf32, #tpu.memory_space<vmem>>, vector<1x16xf32>,
          %add3A_140 = arith.constant 1 : i32
          %add3A_141 = arith.addi %add3A_70, %add3A_140 : i32
          %get3A_142 = arith.index_cast %add3A_141 : i32 to index
          %get3A_143 = arith.constant 16 : index
          %get3A_144 = tpu.vector_load %arg6[%get3A_142, %get3A_143] {strides = array<i32>} : memref<640x32xf32, #tpu.memory_space<vmem>>, vector<1x16xf32>,
          %get3A_145 = vector.shape_cast %get3A_144 : vector<1x16xf32> to vector<16xf32>
          %mul3A_146 = arith.mulf %get3A_145, %gather3A_125 : vector<16xf32>
          %add3A_147 = arith.constant 1 : i32
          %add3A_148 = arith.addi %add3A_70, %add3A_147 : i32
          %swap3A_149 = arith.index_cast %add3A_148 : i32 to index
          %swap3A_150 = arith.constant 16 : index
          %swap3A_151 = tpu.vector_load %arg6[%swap3A_149, %swap3A_150] {strides = array<i32>} : memref<640x32xf32, #tpu.memory_space<vmem>>, vector<1x16xf32>,
          %swap3A_152 = vector.shape_cast %swap3A_151 : vector<1x16xf32> to vector<16xf32>
          %swap3A_153 = vector.shape_cast %mul3A_146 : vector<16xf32> to vector<1x16xf32>
          tpu.vector_store %arg6[%swap3A_149, %swap3A_150], %swap3A_153 {strides = array<i32>} : memref<640x32xf32, #tpu.memory_space<vmem>>, vector<1x16xf32>,
          %broadcast_in_dim3A_154 = arith.constant 2 : i32
          %broadcast_in_dim3A_155 = vector.broadcast %broadcast_in_dim3A_154 : i32 to vector<16xi32>
          %lt3A_156 = arith.constant 0 : i32
          %lt3A_157 = vector.broadcast %lt3A_156 : i32 to vector<16xi32>
          %lt3A_158 = arith.cmpi slt, %broadcast_in_dim3A_155, %lt3A_157 : vector<16xi32>
          %add3A_159 = arith.constant 16 : i32
          %add3A_160 = vector.broadcast %add3A_159 : i32 to vector<16xi32>
          %add3A_161 = arith.addi %broadcast_in_dim3A_155, %add3A_160 : vector<16xi32>
          %select_n3A_162 = arith.select %lt3A_158, %add3A_161, %broadcast_in_dim3A_155 : vector<16xi1>, vector<16xi32>
          %broadcast_in_dim3A_163 = vector.shape_cast %select_n3A_162 : vector<16xi32> to vector<16x1xi32>
          %gather3A_164 = vector.shape_cast %broadcast_in_dim3A_163 : vector<16x1xi32> to vector<16xi32>
          %gather3A_165 = tpu.dynamic_gather %bitcast_convert_type3A[%gather3A_164] in [0] : vector<16xf32>, vector<16xi32> -> vector<16xf32>
          %add3A_166 = arith.constant 2 : i32
          %add3A_167 = arith.addi %add3A_70, %add3A_166 : i32
          %get3A_168 = arith.index_cast %add3A_167 : i32 to index
          %get3A_169 = arith.constant 0 : index
          %get3A_170 = tpu.vector_load %arg6[%get3A_168, %get3A_169] {strides = array<i32>} : memref<640x32xf32, #tpu.memory_space<vmem>>, vector<1x16xf32>,
          %get3A_171 = vector.shape_cast %get3A_170 : vector<1x16xf32> to vector<16xf32>
          %mul3A_172 = arith.mulf %get3A_171, %gather3A_165 : vector<16xf32>
          %add3A_173 = arith.constant 2 : i32
          %add3A_174 = arith.addi %add3A_70, %add3A_173 : i32
          %swap3A_175 = arith.index_cast %add3A_174 : i32 to index
          %swap3A_176 = arith.constant 0 : index
          %swap3A_177 = tpu.vector_load %arg6[%swap3A_175, %swap3A_176] {strides = array<i32>} : memref<640x32xf32, #tpu.memory_space<vmem>>, vector<1x16xf32>,
          %swap3A_178 = vector.shape_cast %swap3A_177 : vector<1x16xf32> to vector<16xf32>
          %swap3A_179 = vector.shape_cast %mul3A_172 : vector<16xf32> to vector<1x16xf32>
          tpu.vector_store %arg6[%swap3A_175, %swap3A_176], %swap3A_179 {strides = array<i32>} : memref<640x32xf32, #tpu.memory_space<vmem>>, vector<1x16xf32>,
          %add3A_180 = arith.constant 2 : i32
          %add3A_181 = arith.addi %add3A_70, %add3A_180 : i32
          %get3A_182 = arith.index_cast %add3A_181 : i32 to index
          %get3A_183 = arith.constant 16 : index
          %get3A_184 = tpu.vector_load %arg6[%get3A_182, %get3A_183] {strides = array<i32>} : memref<640x32xf32, #tpu.memory_space<vmem>>, vector<1x16xf32>,
          %get3A_185 = vector.shape_cast %get3A_184 : vector<1x16xf32> to vector<16xf32>
          %mul3A_186 = arith.mulf %get3A_185, %gather3A_165 : vector<16xf32>
          %add3A_187 = arith.constant 2 : i32
          %add3A_188 = arith.addi %add3A_70, %add3A_187 : i32
          %swap3A_189 = arith.index_cast %add3A_188 : i32 to index
          %swap3A_190 = arith.constant 16 : index
          %swap3A_191 = tpu.vector_load %arg6[%swap3A_189, %swap3A_190] {strides = array<i32>} : memref<640x32xf32, #tpu.memory_space<vmem>>, vector<1x16xf32>,
          %swap3A_192 = vector.shape_cast %swap3A_191 : vector<1x16xf32> to vector<16xf32>
          %swap3A_193 = vector.shape_cast %mul3A_186 : vector<16xf32> to vector<1x16xf32>
          tpu.vector_store %arg6[%swap3A_189, %swap3A_190], %swap3A_193 {strides = array<i32>} : memref<640x32xf32, #tpu.memory_space<vmem>>, vector<1x16xf32>,
          %broadcast_in_dim3A_194 = arith.constant 3 : i32
          %broadcast_in_dim3A_195 = vector.broadcast %broadcast_in_dim3A_194 : i32 to vector<16xi32>
          %lt3A_196 = arith.constant 0 : i32
          %lt3A_197 = vector.broadcast %lt3A_196 : i32 to vector<16xi32>
          %lt3A_198 = arith.cmpi slt, %broadcast_in_dim3A_195, %lt3A_197 : vector<16xi32>
          %add3A_199 = arith.constant 16 : i32
          %add3A_200 = vector.broadcast %add3A_199 : i32 to vector<16xi32>
          %add3A_201 = arith.addi %broadcast_in_dim3A_195, %add3A_200 : vector<16xi32>
          %select_n3A_202 = arith.select %lt3A_198, %add3A_201, %broadcast_in_dim3A_195 : vector<16xi1>, vector<16xi32>
          %broadcast_in_dim3A_203 = vector.shape_cast %select_n3A_202 : vector<16xi32> to vector<16x1xi32>
          %gather3A_204 = vector.shape_cast %broadcast_in_dim3A_203 : vector<16x1xi32> to vector<16xi32>
          %gather3A_205 = tpu.dynamic_gather %bitcast_convert_type3A[%gather3A_204] in [0] : vector<16xf32>, vector<16xi32> -> vector<16xf32>
          %add3A_206 = arith.constant 3 : i32
          %add3A_207 = arith.addi %add3A_70, %add3A_206 : i32
          %get3A_208 = arith.index_cast %add3A_207 : i32 to index
          %get3A_209 = arith.constant 0 : index
          %get3A_210 = tpu.vector_load %arg6[%get3A_208, %get3A_209] {strides = array<i32>} : memref<640x32xf32, #tpu.memory_space<vmem>>, vector<1x16xf32>,
          %get3A_211 = vector.shape_cast %get3A_210 : vector<1x16xf32> to vector<16xf32>
          %mul3A_212 = arith.mulf %get3A_211, %gather3A_205 : vector<16xf32>
          %add3A_213 = arith.constant 3 : i32
          %add3A_214 = arith.addi %add3A_70, %add3A_213 : i32
          %swap3A_215 = arith.index_cast %add3A_214 : i32 to index
          %swap3A_216 = arith.constant 0 : index
          %swap3A_217 = tpu.vector_load %arg6[%swap3A_215, %swap3A_216] {strides = array<i32>} : memref<640x32xf32, #tpu.memory_space<vmem>>, vector<1x16xf32>,
          %swap3A_218 = vector.shape_cast %swap3A_217 : vector<1x16xf32> to vector<16xf32>
          %swap3A_219 = vector.shape_cast %mul3A_212 : vector<16xf32> to vector<1x16xf32>
          tpu.vector_store %arg6[%swap3A_215, %swap3A_216], %swap3A_219 {strides = array<i32>} : memref<640x32xf32, #tpu.memory_space<vmem>>, vector<1x16xf32>,
          %add3A_220 = arith.constant 3 : i32
          %add3A_221 = arith.addi %add3A_70, %add3A_220 : i32
          %get3A_222 = arith.index_cast %add3A_221 : i32 to index
          %get3A_223 = arith.constant 16 : index
          %get3A_224 = tpu.vector_load %arg6[%get3A_222, %get3A_223] {strides = array<i32>} : memref<640x32xf32, #tpu.memory_space<vmem>>, vector<1x16xf32>,
          %get3A_225 = vector.shape_cast %get3A_224 : vector<1x16xf32> to vector<16xf32>
          %mul3A_226 = arith.mulf %get3A_225, %gather3A_205 : vector<16xf32>
          %add3A_227 = arith.constant 3 : i32
          %add3A_228 = arith.addi %add3A_70, %add3A_227 : i32
          %swap3A_229 = arith.index_cast %add3A_228 : i32 to index
          %swap3A_230 = arith.constant 16 : index
          %swap3A_231 = tpu.vector_load %arg6[%swap3A_229, %swap3A_230] {strides = array<i32>} : memref<640x32xf32, #tpu.memory_space<vmem>>, vector<1x16xf32>,
          %swap3A_232 = vector.shape_cast %swap3A_231 : vector<1x16xf32> to vector<16xf32>
          %swap3A_233 = vector.shape_cast %mul3A_226 : vector<16xf32> to vector<1x16xf32>
          tpu.vector_store %arg6[%swap3A_229, %swap3A_230], %swap3A_233 {strides = array<i32>} : memref<640x32xf32, #tpu.memory_space<vmem>>, vector<1x16xf32>,
          %broadcast_in_dim3A_234 = arith.constant 4 : i32
          %broadcast_in_dim3A_235 = vector.broadcast %broadcast_in_dim3A_234 : i32 to vector<16xi32>
          %lt3A_236 = arith.constant 0 : i32
          %lt3A_237 = vector.broadcast %lt3A_236 : i32 to vector<16xi32>
          %lt3A_238 = arith.cmpi slt, %broadcast_in_dim3A_235, %lt3A_237 : vector<16xi32>
          %add3A_239 = arith.constant 16 : i32
          %add3A_240 = vector.broadcast %add3A_239 : i32 to vector<16xi32>
          %add3A_241 = arith.addi %broadcast_in_dim3A_235, %add3A_240 : vector<16xi32>
          %select_n3A_242 = arith.select %lt3A_238, %add3A_241, %broadcast_in_dim3A_235 : vector<16xi1>, vector<16xi32>
          %broadcast_in_dim3A_243 = vector.shape_cast %select_n3A_242 : vector<16xi32> to vector<16x1xi32>
          %gather3A_244 = vector.shape_cast %broadcast_in_dim3A_243 : vector<16x1xi32> to vector<16xi32>
          %gather3A_245 = tpu.dynamic_gather %bitcast_convert_type3A[%gather3A_244] in [0] : vector<16xf32>, vector<16xi32> -> vector<16xf32>
          %add3A_246 = arith.constant 4 : i32
          %add3A_247 = arith.addi %add3A_70, %add3A_246 : i32
          %get3A_248 = arith.index_cast %add3A_247 : i32 to index
          %get3A_249 = arith.constant 0 : index
          %get3A_250 = tpu.vector_load %arg6[%get3A_248, %get3A_249] {strides = array<i32>} : memref<640x32xf32, #tpu.memory_space<vmem>>, vector<1x16xf32>,
          %get3A_251 = vector.shape_cast %get3A_250 : vector<1x16xf32> to vector<16xf32>
          %mul3A_252 = arith.mulf %get3A_251, %gather3A_245 : vector<16xf32>
          %add3A_253 = arith.constant 4 : i32
          %add3A_254 = arith.addi %add3A_70, %add3A_253 : i32
          %swap3A_255 = arith.index_cast %add3A_254 : i32 to index
          %swap3A_256 = arith.constant 0 : index
          %swap3A_257 = tpu.vector_load %arg6[%swap3A_255, %swap3A_256] {strides = array<i32>} : memref<640x32xf32, #tpu.memory_space<vmem>>, vector<1x16xf32>,
          %swap3A_258 = vector.shape_cast %swap3A_257 : vector<1x16xf32> to vector<16xf32>
          %swap3A_259 = vector.shape_cast %mul3A_252 : vector<16xf32> to vector<1x16xf32>
          tpu.vector_store %arg6[%swap3A_255, %swap3A_256], %swap3A_259 {strides = array<i32>} : memref<640x32xf32, #tpu.memory_space<vmem>>, vector<1x16xf32>,
          %add3A_260 = arith.constant 4 : i32
          %add3A_261 = arith.addi %add3A_70, %add3A_260 : i32
          %get3A_262 = arith.index_cast %add3A_261 : i32 to index
          %get3A_263 = arith.constant 16 : index
          %get3A_264 = tpu.vector_load %arg6[%get3A_262, %get3A_263] {strides = array<i32>} : memref<640x32xf32, #tpu.memory_space<vmem>>, vector<1x16xf32>,
          %get3A_265 = vector.shape_cast %get3A_264 : vector<1x16xf32> to vector<16xf32>
          %mul3A_266 = arith.mulf %get3A_265, %gather3A_245 : vector<16xf32>
          %add3A_267 = arith.constant 4 : i32
          %add3A_268 = arith.addi %add3A_70, %add3A_267 : i32
          %swap3A_269 = arith.index_cast %add3A_268 : i32 to index
          %swap3A_270 = arith.constant 16 : index
          %swap3A_271 = tpu.vector_load %arg6[%swap3A_269, %swap3A_270] {strides = array<i32>} : memref<640x32xf32, #tpu.memory_space<vmem>>, vector<1x16xf32>,
          %swap3A_272 = vector.shape_cast %swap3A_271 : vector<1x16xf32> to vector<16xf32>
          %swap3A_273 = vector.shape_cast %mul3A_266 : vector<16xf32> to vector<1x16xf32>
          tpu.vector_store %arg6[%swap3A_269, %swap3A_270], %swap3A_273 {strides = array<i32>} : memref<640x32xf32, #tpu.memory_space<vmem>>, vector<1x16xf32>,
          %broadcast_in_dim3A_274 = arith.constant 5 : i32
          %broadcast_in_dim3A_275 = vector.broadcast %broadcast_in_dim3A_274 : i32 to vector<16xi32>
          %lt3A_276 = arith.constant 0 : i32
          %lt3A_277 = vector.broadcast %lt3A_276 : i32 to vector<16xi32>
          %lt3A_278 = arith.cmpi slt, %broadcast_in_dim3A_275, %lt3A_277 : vector<16xi32>
          %add3A_279 = arith.constant 16 : i32
          %add3A_280 = vector.broadcast %add3A_279 : i32 to vector<16xi32>
          %add3A_281 = arith.addi %broadcast_in_dim3A_275, %add3A_280 : vector<16xi32>
          %select_n3A_282 = arith.select %lt3A_278, %add3A_281, %broadcast_in_dim3A_275 : vector<16xi1>, vector<16xi32>
          %broadcast_in_dim3A_283 = vector.shape_cast %select_n3A_282 : vector<16xi32> to vector<16x1xi32>
          %gather3A_284 = vector.shape_cast %broadcast_in_dim3A_283 : vector<16x1xi32> to vector<16xi32>
          %gather3A_285 = tpu.dynamic_gather %bitcast_convert_type3A[%gather3A_284] in [0] : vector<16xf32>, vector<16xi32> -> vector<16xf32>
          %add3A_286 = arith.constant 5 : i32
          %add3A_287 = arith.addi %add3A_70, %add3A_286 : i32
          %get3A_288 = arith.index_cast %add3A_287 : i32 to index
          %get3A_289 = arith.constant 0 : index
          %get3A_290 = tpu.vector_load %arg6[%get3A_288, %get3A_289] {strides = array<i32>} : memref<640x32xf32, #tpu.memory_space<vmem>>, vector<1x16xf32>,
          %get3A_291 = vector.shape_cast %get3A_290 : vector<1x16xf32> to vector<16xf32>
          %mul3A_292 = arith.mulf %get3A_291, %gather3A_285 : vector<16xf32>
          %add3A_293 = arith.constant 5 : i32
          %add3A_294 = arith.addi %add3A_70, %add3A_293 : i32
          %swap3A_295 = arith.index_cast %add3A_294 : i32 to index
          %swap3A_296 = arith.constant 0 : index
          %swap3A_297 = tpu.vector_load %arg6[%swap3A_295, %swap3A_296] {strides = array<i32>} : memref<640x32xf32, #tpu.memory_space<vmem>>, vector<1x16xf32>,
          %swap3A_298 = vector.shape_cast %swap3A_297 : vector<1x16xf32> to vector<16xf32>
          %swap3A_299 = vector.shape_cast %mul3A_292 : vector<16xf32> to vector<1x16xf32>
          tpu.vector_store %arg6[%swap3A_295, %swap3A_296], %swap3A_299 {strides = array<i32>} : memref<640x32xf32, #tpu.memory_space<vmem>>, vector<1x16xf32>,
          %add3A_300 = arith.constant 5 : i32
          %add3A_301 = arith.addi %add3A_70, %add3A_300 : i32
          %get3A_302 = arith.index_cast %add3A_301 : i32 to index
          %get3A_303 = arith.constant 16 : index
          %get3A_304 = tpu.vector_load %arg6[%get3A_302, %get3A_303] {strides = array<i32>} : memref<640x32xf32, #tpu.memory_space<vmem>>, vector<1x16xf32>,
          %get3A_305 = vector.shape_cast %get3A_304 : vector<1x16xf32> to vector<16xf32>
          %mul3A_306 = arith.mulf %get3A_305, %gather3A_285 : vector<16xf32>
          %add3A_307 = arith.constant 5 : i32
          %add3A_308 = arith.addi %add3A_70, %add3A_307 : i32
          %swap3A_309 = arith.index_cast %add3A_308 : i32 to index
          %swap3A_310 = arith.constant 16 : index
          %swap3A_311 = tpu.vector_load %arg6[%swap3A_309, %swap3A_310] {strides = array<i32>} : memref<640x32xf32, #tpu.memory_space<vmem>>, vector<1x16xf32>,
          %swap3A_312 = vector.shape_cast %swap3A_311 : vector<1x16xf32> to vector<16xf32>
          %swap3A_313 = vector.shape_cast %mul3A_306 : vector<16xf32> to vector<1x16xf32>
          tpu.vector_store %arg6[%swap3A_309, %swap3A_310], %swap3A_313 {strides = array<i32>} : memref<640x32xf32, #tpu.memory_space<vmem>>, vector<1x16xf32>,
          %broadcast_in_dim3A_314 = arith.constant 6 : i32
          %broadcast_in_dim3A_315 = vector.broadcast %broadcast_in_dim3A_314 : i32 to vector<16xi32>
          %lt3A_316 = arith.constant 0 : i32
          %lt3A_317 = vector.broadcast %lt3A_316 : i32 to vector<16xi32>
          %lt3A_318 = arith.cmpi slt, %broadcast_in_dim3A_315, %lt3A_317 : vector<16xi32>
          %add3A_319 = arith.constant 16 : i32
          %add3A_320 = vector.broadcast %add3A_319 : i32 to vector<16xi32>
          %add3A_321 = arith.addi %broadcast_in_dim3A_315, %add3A_320 : vector<16xi32>
          %select_n3A_322 = arith.select %lt3A_318, %add3A_321, %broadcast_in_dim3A_315 : vector<16xi1>, vector<16xi32>
          %broadcast_in_dim3A_323 = vector.shape_cast %select_n3A_322 : vector<16xi32> to vector<16x1xi32>
          %gather3A_324 = vector.shape_cast %broadcast_in_dim3A_323 : vector<16x1xi32> to vector<16xi32>
          %gather3A_325 = tpu.dynamic_gather %bitcast_convert_type3A[%gather3A_324] in [0] : vector<16xf32>, vector<16xi32> -> vector<16xf32>
          %add3A_326 = arith.constant 6 : i32
          %add3A_327 = arith.addi %add3A_70, %add3A_326 : i32
          %get3A_328 = arith.index_cast %add3A_327 : i32 to index
          %get3A_329 = arith.constant 0 : index
          %get3A_330 = tpu.vector_load %arg6[%get3A_328, %get3A_329] {strides = array<i32>} : memref<640x32xf32, #tpu.memory_space<vmem>>, vector<1x16xf32>,
          %get3A_331 = vector.shape_cast %get3A_330 : vector<1x16xf32> to vector<16xf32>
          %mul3A_332 = arith.mulf %get3A_331, %gather3A_325 : vector<16xf32>
          %add3A_333 = arith.constant 6 : i32
          %add3A_334 = arith.addi %add3A_70, %add3A_333 : i32
          %swap3A_335 = arith.index_cast %add3A_334 : i32 to index
          %swap3A_336 = arith.constant 0 : index
          %swap3A_337 = tpu.vector_load %arg6[%swap3A_335, %swap3A_336] {strides = array<i32>} : memref<640x32xf32, #tpu.memory_space<vmem>>, vector<1x16xf32>,
          %swap3A_338 = vector.shape_cast %swap3A_337 : vector<1x16xf32> to vector<16xf32>
          %swap3A_339 = vector.shape_cast %mul3A_332 : vector<16xf32> to vector<1x16xf32>
          tpu.vector_store %arg6[%swap3A_335, %swap3A_336], %swap3A_339 {strides = array<i32>} : memref<640x32xf32, #tpu.memory_space<vmem>>, vector<1x16xf32>,
          %add3A_340 = arith.constant 6 : i32
          %add3A_341 = arith.addi %add3A_70, %add3A_340 : i32
          %get3A_342 = arith.index_cast %add3A_341 : i32 to index
          %get3A_343 = arith.constant 16 : index
          %get3A_344 = tpu.vector_load %arg6[%get3A_342, %get3A_343] {strides = array<i32>} : memref<640x32xf32, #tpu.memory_space<vmem>>, vector<1x16xf32>,
          %get3A_345 = vector.shape_cast %get3A_344 : vector<1x16xf32> to vector<16xf32>
          %mul3A_346 = arith.mulf %get3A_345, %gather3A_325 : vector<16xf32>
          %add3A_347 = arith.constant 6 : i32
          %add3A_348 = arith.addi %add3A_70, %add3A_347 : i32
          %swap3A_349 = arith.index_cast %add3A_348 : i32 to index
          %swap3A_350 = arith.constant 16 : index
          %swap3A_351 = tpu.vector_load %arg6[%swap3A_349, %swap3A_350] {strides = array<i32>} : memref<640x32xf32, #tpu.memory_space<vmem>>, vector<1x16xf32>,
          %swap3A_352 = vector.shape_cast %swap3A_351 : vector<1x16xf32> to vector<16xf32>
          %swap3A_353 = vector.shape_cast %mul3A_346 : vector<16xf32> to vector<1x16xf32>
          tpu.vector_store %arg6[%swap3A_349, %swap3A_350], %swap3A_353 {strides = array<i32>} : memref<640x32xf32, #tpu.memory_space<vmem>>, vector<1x16xf32>,
          %broadcast_in_dim3A_354 = arith.constant 7 : i32
          %broadcast_in_dim3A_355 = vector.broadcast %broadcast_in_dim3A_354 : i32 to vector<16xi32>
          %lt3A_356 = arith.constant 0 : i32
          %lt3A_357 = vector.broadcast %lt3A_356 : i32 to vector<16xi32>
          %lt3A_358 = arith.cmpi slt, %broadcast_in_dim3A_355, %lt3A_357 : vector<16xi32>
          %add3A_359 = arith.constant 16 : i32
          %add3A_360 = vector.broadcast %add3A_359 : i32 to vector<16xi32>
          %add3A_361 = arith.addi %broadcast_in_dim3A_355, %add3A_360 : vector<16xi32>
          %select_n3A_362 = arith.select %lt3A_358, %add3A_361, %broadcast_in_dim3A_355 : vector<16xi1>, vector<16xi32>
          %broadcast_in_dim3A_363 = vector.shape_cast %select_n3A_362 : vector<16xi32> to vector<16x1xi32>
          %gather3A_364 = vector.shape_cast %broadcast_in_dim3A_363 : vector<16x1xi32> to vector<16xi32>
          %gather3A_365 = tpu.dynamic_gather %bitcast_convert_type3A[%gather3A_364] in [0] : vector<16xf32>, vector<16xi32> -> vector<16xf32>
          %add3A_366 = arith.constant 7 : i32
          %add3A_367 = arith.addi %add3A_70, %add3A_366 : i32
          %get3A_368 = arith.index_cast %add3A_367 : i32 to index
          %get3A_369 = arith.constant 0 : index
          %get3A_370 = tpu.vector_load %arg6[%get3A_368, %get3A_369] {strides = array<i32>} : memref<640x32xf32, #tpu.memory_space<vmem>>, vector<1x16xf32>,
          %get3A_371 = vector.shape_cast %get3A_370 : vector<1x16xf32> to vector<16xf32>
          %mul3A_372 = arith.mulf %get3A_371, %gather3A_365 : vector<16xf32>
          %add3A_373 = arith.constant 7 : i32
          %add3A_374 = arith.addi %add3A_70, %add3A_373 : i32
          %swap3A_375 = arith.index_cast %add3A_374 : i32 to index
          %swap3A_376 = arith.constant 0 : index
          %swap3A_377 = tpu.vector_load %arg6[%swap3A_375, %swap3A_376] {strides = array<i32>} : memref<640x32xf32, #tpu.memory_space<vmem>>, vector<1x16xf32>,
          %swap3A_378 = vector.shape_cast %swap3A_377 : vector<1x16xf32> to vector<16xf32>
          %swap3A_379 = vector.shape_cast %mul3A_372 : vector<16xf32> to vector<1x16xf32>
          tpu.vector_store %arg6[%swap3A_375, %swap3A_376], %swap3A_379 {strides = array<i32>} : memref<640x32xf32, #tpu.memory_space<vmem>>, vector<1x16xf32>,
          %add3A_380 = arith.constant 7 : i32
          %add3A_381 = arith.addi %add3A_70, %add3A_380 : i32
          %get3A_382 = arith.index_cast %add3A_381 : i32 to index
          %get3A_383 = arith.constant 16 : index
          %get3A_384 = tpu.vector_load %arg6[%get3A_382, %get3A_383] {strides = array<i32>} : memref<640x32xf32, #tpu.memory_space<vmem>>, vector<1x16xf32>,
          %get3A_385 = vector.shape_cast %get3A_384 : vector<1x16xf32> to vector<16xf32>
          %mul3A_386 = arith.mulf %get3A_385, %gather3A_365 : vector<16xf32>
          %add3A_387 = arith.constant 7 : i32
          %add3A_388 = arith.addi %add3A_70, %add3A_387 : i32
          %swap3A_389 = arith.index_cast %add3A_388 : i32 to index
          %swap3A_390 = arith.constant 16 : index
          %swap3A_391 = tpu.vector_load %arg6[%swap3A_389, %swap3A_390] {strides = array<i32>} : memref<640x32xf32, #tpu.memory_space<vmem>>, vector<1x16xf32>,
          %swap3A_392 = vector.shape_cast %swap3A_391 : vector<1x16xf32> to vector<16xf32>
          %swap3A_393 = vector.shape_cast %mul3A_386 : vector<16xf32> to vector<1x16xf32>
          tpu.vector_store %arg6[%swap3A_389, %swap3A_390], %swap3A_393 {strides = array<i32>} : memref<640x32xf32, #tpu.memory_space<vmem>>, vector<1x16xf32>,
          %broadcast_in_dim3A_394 = arith.constant 8 : i32
          %broadcast_in_dim3A_395 = vector.broadcast %broadcast_in_dim3A_394 : i32 to vector<16xi32>
          %lt3A_396 = arith.constant 0 : i32
          %lt3A_397 = vector.broadcast %lt3A_396 : i32 to vector<16xi32>
          %lt3A_398 = arith.cmpi slt, %broadcast_in_dim3A_395, %lt3A_397 : vector<16xi32>
          %add3A_399 = arith.constant 16 : i32
          %add3A_400 = vector.broadcast %add3A_399 : i32 to vector<16xi32>
          %add3A_401 = arith.addi %broadcast_in_dim3A_395, %add3A_400 : vector<16xi32>
          %select_n3A_402 = arith.select %lt3A_398, %add3A_401, %broadcast_in_dim3A_395 : vector<16xi1>, vector<16xi32>
          %broadcast_in_dim3A_403 = vector.shape_cast %select_n3A_402 : vector<16xi32> to vector<16x1xi32>
          %gather3A_404 = vector.shape_cast %broadcast_in_dim3A_403 : vector<16x1xi32> to vector<16xi32>
          %gather3A_405 = tpu.dynamic_gather %bitcast_convert_type3A[%gather3A_404] in [0] : vector<16xf32>, vector<16xi32> -> vector<16xf32>
          %add3A_406 = arith.constant 8 : i32
          %add3A_407 = arith.addi %add3A_70, %add3A_406 : i32
          %get3A_408 = arith.index_cast %add3A_407 : i32 to index
          %get3A_409 = arith.constant 0 : index
          %get3A_410 = tpu.vector_load %arg6[%get3A_408, %get3A_409] {strides = array<i32>} : memref<640x32xf32, #tpu.memory_space<vmem>>, vector<1x16xf32>,
          %get3A_411 = vector.shape_cast %get3A_410 : vector<1x16xf32> to vector<16xf32>
          %mul3A_412 = arith.mulf %get3A_411, %gather3A_405 : vector<16xf32>
          %add3A_413 = arith.constant 8 : i32
          %add3A_414 = arith.addi %add3A_70, %add3A_413 : i32
          %swap3A_415 = arith.index_cast %add3A_414 : i32 to index
          %swap3A_416 = arith.constant 0 : index
          %swap3A_417 = tpu.vector_load %arg6[%swap3A_415, %swap3A_416] {strides = array<i32>} : memref<640x32xf32, #tpu.memory_space<vmem>>, vector<1x16xf32>,
          %swap3A_418 = vector.shape_cast %swap3A_417 : vector<1x16xf32> to vector<16xf32>
          %swap3A_419 = vector.shape_cast %mul3A_412 : vector<16xf32> to vector<1x16xf32>
          tpu.vector_store %arg6[%swap3A_415, %swap3A_416], %swap3A_419 {strides = array<i32>} : memref<640x32xf32, #tpu.memory_space<vmem>>, vector<1x16xf32>,
          %add3A_420 = arith.constant 8 : i32
          %add3A_421 = arith.addi %add3A_70, %add3A_420 : i32
          %get3A_422 = arith.index_cast %add3A_421 : i32 to index
          %get3A_423 = arith.constant 16 : index
          %get3A_424 = tpu.vector_load %arg6[%get3A_422, %get3A_423] {strides = array<i32>} : memref<640x32xf32, #tpu.memory_space<vmem>>, vector<1x16xf32>,
          %get3A_425 = vector.shape_cast %get3A_424 : vector<1x16xf32> to vector<16xf32>
          %mul3A_426 = arith.mulf %get3A_425, %gather3A_405 : vector<16xf32>
          %add3A_427 = arith.constant 8 : i32
          %add3A_428 = arith.addi %add3A_70, %add3A_427 : i32
          %swap3A_429 = arith.index_cast %add3A_428 : i32 to index
          %swap3A_430 = arith.constant 16 : index
          %swap3A_431 = tpu.vector_load %arg6[%swap3A_429, %swap3A_430] {strides = array<i32>} : memref<640x32xf32, #tpu.memory_space<vmem>>, vector<1x16xf32>,
          %swap3A_432 = vector.shape_cast %swap3A_431 : vector<1x16xf32> to vector<16xf32>
          %swap3A_433 = vector.shape_cast %mul3A_426 : vector<16xf32> to vector<1x16xf32>
          tpu.vector_store %arg6[%swap3A_429, %swap3A_430], %swap3A_433 {strides = array<i32>} : memref<640x32xf32, #tpu.memory_space<vmem>>, vector<1x16xf32>,
          %broadcast_in_dim3A_434 = arith.constant 9 : i32
          %broadcast_in_dim3A_435 = vector.broadcast %broadcast_in_dim3A_434 : i32 to vector<16xi32>
          %lt3A_436 = arith.constant 0 : i32
          %lt3A_437 = vector.broadcast %lt3A_436 : i32 to vector<16xi32>
          %lt3A_438 = arith.cmpi slt, %broadcast_in_dim3A_435, %lt3A_437 : vector<16xi32>
          %add3A_439 = arith.constant 16 : i32
          %add3A_440 = vector.broadcast %add3A_439 : i32 to vector<16xi32>
          %add3A_441 = arith.addi %broadcast_in_dim3A_435, %add3A_440 : vector<16xi32>
          %select_n3A_442 = arith.select %lt3A_438, %add3A_441, %broadcast_in_dim3A_435 : vector<16xi1>, vector<16xi32>
          %broadcast_in_dim3A_443 = vector.shape_cast %select_n3A_442 : vector<16xi32> to vector<16x1xi32>
          %gather3A_444 = vector.shape_cast %broadcast_in_dim3A_443 : vector<16x1xi32> to vector<16xi32>
          %gather3A_445 = tpu.dynamic_gather %bitcast_convert_type3A[%gather3A_444] in [0] : vector<16xf32>, vector<16xi32> -> vector<16xf32>
          %add3A_446 = arith.constant 9 : i32
          %add3A_447 = arith.addi %add3A_70, %add3A_446 : i32
          %get3A_448 = arith.index_cast %add3A_447 : i32 to index
          %get3A_449 = arith.constant 0 : index
          %get3A_450 = tpu.vector_load %arg6[%get3A_448, %get3A_449] {strides = array<i32>} : memref<640x32xf32, #tpu.memory_space<vmem>>, vector<1x16xf32>,
          %get3A_451 = vector.shape_cast %get3A_450 : vector<1x16xf32> to vector<16xf32>
          %mul3A_452 = arith.mulf %get3A_451, %gather3A_445 : vector<16xf32>
          %add3A_453 = arith.constant 9 : i32
          %add3A_454 = arith.addi %add3A_70, %add3A_453 : i32
          %swap3A_455 = arith.index_cast %add3A_454 : i32 to index
          %swap3A_456 = arith.constant 0 : index
          %swap3A_457 = tpu.vector_load %arg6[%swap3A_455, %swap3A_456] {strides = array<i32>} : memref<640x32xf32, #tpu.memory_space<vmem>>, vector<1x16xf32>,
          %swap3A_458 = vector.shape_cast %swap3A_457 : vector<1x16xf32> to vector<16xf32>
          %swap3A_459 = vector.shape_cast %mul3A_452 : vector<16xf32> to vector<1x16xf32>
          tpu.vector_store %arg6[%swap3A_455, %swap3A_456], %swap3A_459 {strides = array<i32>} : memref<640x32xf32, #tpu.memory_space<vmem>>, vector<1x16xf32>,
          %add3A_460 = arith.constant 9 : i32
          %add3A_461 = arith.addi %add3A_70, %add3A_460 : i32
          %get3A_462 = arith.index_cast %add3A_461 : i32 to index
          %get3A_463 = arith.constant 16 : index
          %get3A_464 = tpu.vector_load %arg6[%get3A_462, %get3A_463] {strides = array<i32>} : memref<640x32xf32, #tpu.memory_space<vmem>>, vector<1x16xf32>,
          %get3A_465 = vector.shape_cast %get3A_464 : vector<1x16xf32> to vector<16xf32>
          %mul3A_466 = arith.mulf %get3A_465, %gather3A_445 : vector<16xf32>
          %add3A_467 = arith.constant 9 : i32
          %add3A_468 = arith.addi %add3A_70, %add3A_467 : i32
          %swap3A_469 = arith.index_cast %add3A_468 : i32 to index
          %swap3A_470 = arith.constant 16 : index
          %swap3A_471 = tpu.vector_load %arg6[%swap3A_469, %swap3A_470] {strides = array<i32>} : memref<640x32xf32, #tpu.memory_space<vmem>>, vector<1x16xf32>,
          %swap3A_472 = vector.shape_cast %swap3A_471 : vector<1x16xf32> to vector<16xf32>
          %swap3A_473 = vector.shape_cast %mul3A_466 : vector<16xf32> to vector<1x16xf32>
          tpu.vector_store %arg6[%swap3A_469, %swap3A_470], %swap3A_473 {strides = array<i32>} : memref<640x32xf32, #tpu.memory_space<vmem>>, vector<1x16xf32>,
          %broadcast_in_dim3A_474 = arith.constant 10 : i32
          %broadcast_in_dim3A_475 = vector.broadcast %broadcast_in_dim3A_474 : i32 to vector<16xi32>
          %lt3A_476 = arith.constant 0 : i32
          %lt3A_477 = vector.broadcast %lt3A_476 : i32 to vector<16xi32>
          %lt3A_478 = arith.cmpi slt, %broadcast_in_dim3A_475, %lt3A_477 : vector<16xi32>
          %add3A_479 = arith.constant 16 : i32
          %add3A_480 = vector.broadcast %add3A_479 : i32 to vector<16xi32>
          %add3A_481 = arith.addi %broadcast_in_dim3A_475, %add3A_480 : vector<16xi32>
          %select_n3A_482 = arith.select %lt3A_478, %add3A_481, %broadcast_in_dim3A_475 : vector<16xi1>, vector<16xi32>
          %broadcast_in_dim3A_483 = vector.shape_cast %select_n3A_482 : vector<16xi32> to vector<16x1xi32>
          %gather3A_484 = vector.shape_cast %broadcast_in_dim3A_483 : vector<16x1xi32> to vector<16xi32>
          %gather3A_485 = tpu.dynamic_gather %bitcast_convert_type3A[%gather3A_484] in [0] : vector<16xf32>, vector<16xi32> -> vector<16xf32>
          %add3A_486 = arith.constant 10 : i32
          %add3A_487 = arith.addi %add3A_70, %add3A_486 : i32
          %get3A_488 = arith.index_cast %add3A_487 : i32 to index
          %get3A_489 = arith.constant 0 : index
          %get3A_490 = tpu.vector_load %arg6[%get3A_488, %get3A_489] {strides = array<i32>} : memref<640x32xf32, #tpu.memory_space<vmem>>, vector<1x16xf32>,
          %get3A_491 = vector.shape_cast %get3A_490 : vector<1x16xf32> to vector<16xf32>
          %mul3A_492 = arith.mulf %get3A_491, %gather3A_485 : vector<16xf32>
          %add3A_493 = arith.constant 10 : i32
          %add3A_494 = arith.addi %add3A_70, %add3A_493 : i32
          %swap3A_495 = arith.index_cast %add3A_494 : i32 to index
          %swap3A_496 = arith.constant 0 : index
          %swap3A_497 = tpu.vector_load %arg6[%swap3A_495, %swap3A_496] {strides = array<i32>} : memref<640x32xf32, #tpu.memory_space<vmem>>, vector<1x16xf32>,
          %swap3A_498 = vector.shape_cast %swap3A_497 : vector<1x16xf32> to vector<16xf32>
          %swap3A_499 = vector.shape_cast %mul3A_492 : vector<16xf32> to vector<1x16xf32>
          tpu.vector_store %arg6[%swap3A_495, %swap3A_496], %swap3A_499 {strides = array<i32>} : memref<640x32xf32, #tpu.memory_space<vmem>>, vector<1x16xf32>,
          %add3A_500 = arith.constant 10 : i32
          %add3A_501 = arith.addi %add3A_70, %add3A_500 : i32
          %get3A_502 = arith.index_cast %add3A_501 : i32 to index
          %get3A_503 = arith.constant 16 : index
          %get3A_504 = tpu.vector_load %arg6[%get3A_502, %get3A_503] {strides = array<i32>} : memref<640x32xf32, #tpu.memory_space<vmem>>, vector<1x16xf32>,
          %get3A_505 = vector.shape_cast %get3A_504 : vector<1x16xf32> to vector<16xf32>
          %mul3A_506 = arith.mulf %get3A_505, %gather3A_485 : vector<16xf32>
          %add3A_507 = arith.constant 10 : i32
          %add3A_508 = arith.addi %add3A_70, %add3A_507 : i32
          %swap3A_509 = arith.index_cast %add3A_508 : i32 to index
          %swap3A_510 = arith.constant 16 : index
          %swap3A_511 = tpu.vector_load %arg6[%swap3A_509, %swap3A_510] {strides = array<i32>} : memref<640x32xf32, #tpu.memory_space<vmem>>, vector<1x16xf32>,
          %swap3A_512 = vector.shape_cast %swap3A_511 : vector<1x16xf32> to vector<16xf32>
          %swap3A_513 = vector.shape_cast %mul3A_506 : vector<16xf32> to vector<1x16xf32>
          tpu.vector_store %arg6[%swap3A_509, %swap3A_510], %swap3A_513 {strides = array<i32>} : memref<640x32xf32, #tpu.memory_space<vmem>>, vector<1x16xf32>,
          %broadcast_in_dim3A_514 = arith.constant 11 : i32
          %broadcast_in_dim3A_515 = vector.broadcast %broadcast_in_dim3A_514 : i32 to vector<16xi32>
          %lt3A_516 = arith.constant 0 : i32
          %lt3A_517 = vector.broadcast %lt3A_516 : i32 to vector<16xi32>
          %lt3A_518 = arith.cmpi slt, %broadcast_in_dim3A_515, %lt3A_517 : vector<16xi32>
          %add3A_519 = arith.constant 16 : i32
          %add3A_520 = vector.broadcast %add3A_519 : i32 to vector<16xi32>
          %add3A_521 = arith.addi %broadcast_in_dim3A_515, %add3A_520 : vector<16xi32>
          %select_n3A_522 = arith.select %lt3A_518, %add3A_521, %broadcast_in_dim3A_515 : vector<16xi1>, vector<16xi32>
          %broadcast_in_dim3A_523 = vector.shape_cast %select_n3A_522 : vector<16xi32> to vector<16x1xi32>
          %gather3A_524 = vector.shape_cast %broadcast_in_dim3A_523 : vector<16x1xi32> to vector<16xi32>
          %gather3A_525 = tpu.dynamic_gather %bitcast_convert_type3A[%gather3A_524] in [0] : vector<16xf32>, vector<16xi32> -> vector<16xf32>
          %add3A_526 = arith.constant 11 : i32
          %add3A_527 = arith.addi %add3A_70, %add3A_526 : i32
          %get3A_528 = arith.index_cast %add3A_527 : i32 to index
          %get3A_529 = arith.constant 0 : index
          %get3A_530 = tpu.vector_load %arg6[%get3A_528, %get3A_529] {strides = array<i32>} : memref<640x32xf32, #tpu.memory_space<vmem>>, vector<1x16xf32>,
          %get3A_531 = vector.shape_cast %get3A_530 : vector<1x16xf32> to vector<16xf32>
          %mul3A_532 = arith.mulf %get3A_531, %gather3A_525 : vector<16xf32>
          %add3A_533 = arith.constant 11 : i32
          %add3A_534 = arith.addi %add3A_70, %add3A_533 : i32
          %swap3A_535 = arith.index_cast %add3A_534 : i32 to index
          %swap3A_536 = arith.constant 0 : index
          %swap3A_537 = tpu.vector_load %arg6[%swap3A_535, %swap3A_536] {strides = array<i32>} : memref<640x32xf32, #tpu.memory_space<vmem>>, vector<1x16xf32>,
          %swap3A_538 = vector.shape_cast %swap3A_537 : vector<1x16xf32> to vector<16xf32>
          %swap3A_539 = vector.shape_cast %mul3A_532 : vector<16xf32> to vector<1x16xf32>
          tpu.vector_store %arg6[%swap3A_535, %swap3A_536], %swap3A_539 {strides = array<i32>} : memref<640x32xf32, #tpu.memory_space<vmem>>, vector<1x16xf32>,
          %add3A_540 = arith.constant 11 : i32
          %add3A_541 = arith.addi %add3A_70, %add3A_540 : i32
          %get3A_542 = arith.index_cast %add3A_541 : i32 to index
          %get3A_543 = arith.constant 16 : index
          %get3A_544 = tpu.vector_load %arg6[%get3A_542, %get3A_543] {strides = array<i32>} : memref<640x32xf32, #tpu.memory_space<vmem>>, vector<1x16xf32>,
          %get3A_545 = vector.shape_cast %get3A_544 : vector<1x16xf32> to vector<16xf32>
          %mul3A_546 = arith.mulf %get3A_545, %gather3A_525 : vector<16xf32>
          %add3A_547 = arith.constant 11 : i32
          %add3A_548 = arith.addi %add3A_70, %add3A_547 : i32
          %swap3A_549 = arith.index_cast %add3A_548 : i32 to index
          %swap3A_550 = arith.constant 16 : index
          %swap3A_551 = tpu.vector_load %arg6[%swap3A_549, %swap3A_550] {strides = array<i32>} : memref<640x32xf32, #tpu.memory_space<vmem>>, vector<1x16xf32>,
          %swap3A_552 = vector.shape_cast %swap3A_551 : vector<1x16xf32> to vector<16xf32>
          %swap3A_553 = vector.shape_cast %mul3A_546 : vector<16xf32> to vector<1x16xf32>
          tpu.vector_store %arg6[%swap3A_549, %swap3A_550], %swap3A_553 {strides = array<i32>} : memref<640x32xf32, #tpu.memory_space<vmem>>, vector<1x16xf32>,
          %broadcast_in_dim3A_554 = arith.constant 12 : i32
          %broadcast_in_dim3A_555 = vector.broadcast %broadcast_in_dim3A_554 : i32 to vector<16xi32>
          %lt3A_556 = arith.constant 0 : i32
          %lt3A_557 = vector.broadcast %lt3A_556 : i32 to vector<16xi32>
          %lt3A_558 = arith.cmpi slt, %broadcast_in_dim3A_555, %lt3A_557 : vector<16xi32>
          %add3A_559 = arith.constant 16 : i32
          %add3A_560 = vector.broadcast %add3A_559 : i32 to vector<16xi32>
          %add3A_561 = arith.addi %broadcast_in_dim3A_555, %add3A_560 : vector<16xi32>
          %select_n3A_562 = arith.select %lt3A_558, %add3A_561, %broadcast_in_dim3A_555 : vector<16xi1>, vector<16xi32>
          %broadcast_in_dim3A_563 = vector.shape_cast %select_n3A_562 : vector<16xi32> to vector<16x1xi32>
          %gather3A_564 = vector.shape_cast %broadcast_in_dim3A_563 : vector<16x1xi32> to vector<16xi32>
          %gather3A_565 = tpu.dynamic_gather %bitcast_convert_type3A[%gather3A_564] in [0] : vector<16xf32>, vector<16xi32> -> vector<16xf32>
          %add3A_566 = arith.constant 12 : i32
          %add3A_567 = arith.addi %add3A_70, %add3A_566 : i32
          %get3A_568 = arith.index_cast %add3A_567 : i32 to index
          %get3A_569 = arith.constant 0 : index
          %get3A_570 = tpu.vector_load %arg6[%get3A_568, %get3A_569] {strides = array<i32>} : memref<640x32xf32, #tpu.memory_space<vmem>>, vector<1x16xf32>,
          %get3A_571 = vector.shape_cast %get3A_570 : vector<1x16xf32> to vector<16xf32>
          %mul3A_572 = arith.mulf %get3A_571, %gather3A_565 : vector<16xf32>
          %add3A_573 = arith.constant 12 : i32
          %add3A_574 = arith.addi %add3A_70, %add3A_573 : i32
          %swap3A_575 = arith.index_cast %add3A_574 : i32 to index
          %swap3A_576 = arith.constant 0 : index
          %swap3A_577 = tpu.vector_load %arg6[%swap3A_575, %swap3A_576] {strides = array<i32>} : memref<640x32xf32, #tpu.memory_space<vmem>>, vector<1x16xf32>,
          %swap3A_578 = vector.shape_cast %swap3A_577 : vector<1x16xf32> to vector<16xf32>
          %swap3A_579 = vector.shape_cast %mul3A_572 : vector<16xf32> to vector<1x16xf32>
          tpu.vector_store %arg6[%swap3A_575, %swap3A_576], %swap3A_579 {strides = array<i32>} : memref<640x32xf32, #tpu.memory_space<vmem>>, vector<1x16xf32>,
          %add3A_580 = arith.constant 12 : i32
          %add3A_581 = arith.addi %add3A_70, %add3A_580 : i32
          %get3A_582 = arith.index_cast %add3A_581 : i32 to index
          %get3A_583 = arith.constant 16 : index
          %get3A_584 = tpu.vector_load %arg6[%get3A_582, %get3A_583] {strides = array<i32>} : memref<640x32xf32, #tpu.memory_space<vmem>>, vector<1x16xf32>,
          %get3A_585 = vector.shape_cast %get3A_584 : vector<1x16xf32> to vector<16xf32>
          %mul3A_586 = arith.mulf %get3A_585, %gather3A_565 : vector<16xf32>
          %add3A_587 = arith.constant 12 : i32
          %add3A_588 = arith.addi %add3A_70, %add3A_587 : i32
          %swap3A_589 = arith.index_cast %add3A_588 : i32 to index
          %swap3A_590 = arith.constant 16 : index
          %swap3A_591 = tpu.vector_load %arg6[%swap3A_589, %swap3A_590] {strides = array<i32>} : memref<640x32xf32, #tpu.memory_space<vmem>>, vector<1x16xf32>,
          %swap3A_592 = vector.shape_cast %swap3A_591 : vector<1x16xf32> to vector<16xf32>
          %swap3A_593 = vector.shape_cast %mul3A_586 : vector<16xf32> to vector<1x16xf32>
          tpu.vector_store %arg6[%swap3A_589, %swap3A_590], %swap3A_593 {strides = array<i32>} : memref<640x32xf32, #tpu.memory_space<vmem>>, vector<1x16xf32>,
          %broadcast_in_dim3A_594 = arith.constant 13 : i32
          %broadcast_in_dim3A_595 = vector.broadcast %broadcast_in_dim3A_594 : i32 to vector<16xi32>
          %lt3A_596 = arith.constant 0 : i32
          %lt3A_597 = vector.broadcast %lt3A_596 : i32 to vector<16xi32>
          %lt3A_598 = arith.cmpi slt, %broadcast_in_dim3A_595, %lt3A_597 : vector<16xi32>
          %add3A_599 = arith.constant 16 : i32
          %add3A_600 = vector.broadcast %add3A_599 : i32 to vector<16xi32>
          %add3A_601 = arith.addi %broadcast_in_dim3A_595, %add3A_600 : vector<16xi32>
          %select_n3A_602 = arith.select %lt3A_598, %add3A_601, %broadcast_in_dim3A_595 : vector<16xi1>, vector<16xi32>
          %broadcast_in_dim3A_603 = vector.shape_cast %select_n3A_602 : vector<16xi32> to vector<16x1xi32>
          %gather3A_604 = vector.shape_cast %broadcast_in_dim3A_603 : vector<16x1xi32> to vector<16xi32>
          %gather3A_605 = tpu.dynamic_gather %bitcast_convert_type3A[%gather3A_604] in [0] : vector<16xf32>, vector<16xi32> -> vector<16xf32>
          %add3A_606 = arith.constant 13 : i32
          %add3A_607 = arith.addi %add3A_70, %add3A_606 : i32
          %get3A_608 = arith.index_cast %add3A_607 : i32 to index
          %get3A_609 = arith.constant 0 : index
          %get3A_610 = tpu.vector_load %arg6[%get3A_608, %get3A_609] {strides = array<i32>} : memref<640x32xf32, #tpu.memory_space<vmem>>, vector<1x16xf32>,
          %get3A_611 = vector.shape_cast %get3A_610 : vector<1x16xf32> to vector<16xf32>
          %mul3A_612 = arith.mulf %get3A_611, %gather3A_605 : vector<16xf32>
          %add3A_613 = arith.constant 13 : i32
          %add3A_614 = arith.addi %add3A_70, %add3A_613 : i32
          %swap3A_615 = arith.index_cast %add3A_614 : i32 to index
          %swap3A_616 = arith.constant 0 : index
          %swap3A_617 = tpu.vector_load %arg6[%swap3A_615, %swap3A_616] {strides = array<i32>} : memref<640x32xf32, #tpu.memory_space<vmem>>, vector<1x16xf32>,
          %swap3A_618 = vector.shape_cast %swap3A_617 : vector<1x16xf32> to vector<16xf32>
          %swap3A_619 = vector.shape_cast %mul3A_612 : vector<16xf32> to vector<1x16xf32>
          tpu.vector_store %arg6[%swap3A_615, %swap3A_616], %swap3A_619 {strides = array<i32>} : memref<640x32xf32, #tpu.memory_space<vmem>>, vector<1x16xf32>,
          %add3A_620 = arith.constant 13 : i32
          %add3A_621 = arith.addi %add3A_70, %add3A_620 : i32
          %get3A_622 = arith.index_cast %add3A_621 : i32 to index
          %get3A_623 = arith.constant 16 : index
          %get3A_624 = tpu.vector_load %arg6[%get3A_622, %get3A_623] {strides = array<i32>} : memref<640x32xf32, #tpu.memory_space<vmem>>, vector<1x16xf32>,
          %get3A_625 = vector.shape_cast %get3A_624 : vector<1x16xf32> to vector<16xf32>
          %mul3A_626 = arith.mulf %get3A_625, %gather3A_605 : vector<16xf32>
          %add3A_627 = arith.constant 13 : i32
          %add3A_628 = arith.addi %add3A_70, %add3A_627 : i32
          %swap3A_629 = arith.index_cast %add3A_628 : i32 to index
          %swap3A_630 = arith.constant 16 : index
          %swap3A_631 = tpu.vector_load %arg6[%swap3A_629, %swap3A_630] {strides = array<i32>} : memref<640x32xf32, #tpu.memory_space<vmem>>, vector<1x16xf32>,
          %swap3A_632 = vector.shape_cast %swap3A_631 : vector<1x16xf32> to vector<16xf32>
          %swap3A_633 = vector.shape_cast %mul3A_626 : vector<16xf32> to vector<1x16xf32>
          tpu.vector_store %arg6[%swap3A_629, %swap3A_630], %swap3A_633 {strides = array<i32>} : memref<640x32xf32, #tpu.memory_space<vmem>>, vector<1x16xf32>,
          %broadcast_in_dim3A_634 = arith.constant 14 : i32
          %broadcast_in_dim3A_635 = vector.broadcast %broadcast_in_dim3A_634 : i32 to vector<16xi32>
          %lt3A_636 = arith.constant 0 : i32
          %lt3A_637 = vector.broadcast %lt3A_636 : i32 to vector<16xi32>
          %lt3A_638 = arith.cmpi slt, %broadcast_in_dim3A_635, %lt3A_637 : vector<16xi32>
          %add3A_639 = arith.constant 16 : i32
          %add3A_640 = vector.broadcast %add3A_639 : i32 to vector<16xi32>
          %add3A_641 = arith.addi %broadcast_in_dim3A_635, %add3A_640 : vector<16xi32>
          %select_n3A_642 = arith.select %lt3A_638, %add3A_641, %broadcast_in_dim3A_635 : vector<16xi1>, vector<16xi32>
          %broadcast_in_dim3A_643 = vector.shape_cast %select_n3A_642 : vector<16xi32> to vector<16x1xi32>
          %gather3A_644 = vector.shape_cast %broadcast_in_dim3A_643 : vector<16x1xi32> to vector<16xi32>
          %gather3A_645 = tpu.dynamic_gather %bitcast_convert_type3A[%gather3A_644] in [0] : vector<16xf32>, vector<16xi32> -> vector<16xf32>
          %add3A_646 = arith.constant 14 : i32
          %add3A_647 = arith.addi %add3A_70, %add3A_646 : i32
          %get3A_648 = arith.index_cast %add3A_647 : i32 to index
          %get3A_649 = arith.constant 0 : index
          %get3A_650 = tpu.vector_load %arg6[%get3A_648, %get3A_649] {strides = array<i32>} : memref<640x32xf32, #tpu.memory_space<vmem>>, vector<1x16xf32>,
          %get3A_651 = vector.shape_cast %get3A_650 : vector<1x16xf32> to vector<16xf32>
          %mul3A_652 = arith.mulf %get3A_651, %gather3A_645 : vector<16xf32>
          %add3A_653 = arith.constant 14 : i32
          %add3A_654 = arith.addi %add3A_70, %add3A_653 : i32
          %swap3A_655 = arith.index_cast %add3A_654 : i32 to index
          %swap3A_656 = arith.constant 0 : index
          %swap3A_657 = tpu.vector_load %arg6[%swap3A_655, %swap3A_656] {strides = array<i32>} : memref<640x32xf32, #tpu.memory_space<vmem>>, vector<1x16xf32>,
          %swap3A_658 = vector.shape_cast %swap3A_657 : vector<1x16xf32> to vector<16xf32>
          %swap3A_659 = vector.shape_cast %mul3A_652 : vector<16xf32> to vector<1x16xf32>
          tpu.vector_store %arg6[%swap3A_655, %swap3A_656], %swap3A_659 {strides = array<i32>} : memref<640x32xf32, #tpu.memory_space<vmem>>, vector<1x16xf32>,
          %add3A_660 = arith.constant 14 : i32
          %add3A_661 = arith.addi %add3A_70, %add3A_660 : i32
          %get3A_662 = arith.index_cast %add3A_661 : i32 to index
          %get3A_663 = arith.constant 16 : index
          %get3A_664 = tpu.vector_load %arg6[%get3A_662, %get3A_663] {strides = array<i32>} : memref<640x32xf32, #tpu.memory_space<vmem>>, vector<1x16xf32>,
          %get3A_665 = vector.shape_cast %get3A_664 : vector<1x16xf32> to vector<16xf32>
          %mul3A_666 = arith.mulf %get3A_665, %gather3A_645 : vector<16xf32>
          %add3A_667 = arith.constant 14 : i32
          %add3A_668 = arith.addi %add3A_70, %add3A_667 : i32
          %swap3A_669 = arith.index_cast %add3A_668 : i32 to index
          %swap3A_670 = arith.constant 16 : index
          %swap3A_671 = tpu.vector_load %arg6[%swap3A_669, %swap3A_670] {strides = array<i32>} : memref<640x32xf32, #tpu.memory_space<vmem>>, vector<1x16xf32>,
          %swap3A_672 = vector.shape_cast %swap3A_671 : vector<1x16xf32> to vector<16xf32>
          %swap3A_673 = vector.shape_cast %mul3A_666 : vector<16xf32> to vector<1x16xf32>
          tpu.vector_store %arg6[%swap3A_669, %swap3A_670], %swap3A_673 {strides = array<i32>} : memref<640x32xf32, #tpu.memory_space<vmem>>, vector<1x16xf32>,
          %broadcast_in_dim3A_674 = arith.constant 15 : i32
          %broadcast_in_dim3A_675 = vector.broadcast %broadcast_in_dim3A_674 : i32 to vector<16xi32>
          %lt3A_676 = arith.constant 0 : i32
          %lt3A_677 = vector.broadcast %lt3A_676 : i32 to vector<16xi32>
          %lt3A_678 = arith.cmpi slt, %broadcast_in_dim3A_675, %lt3A_677 : vector<16xi32>
          %add3A_679 = arith.constant 16 : i32
          %add3A_680 = vector.broadcast %add3A_679 : i32 to vector<16xi32>
          %add3A_681 = arith.addi %broadcast_in_dim3A_675, %add3A_680 : vector<16xi32>
          %select_n3A_682 = arith.select %lt3A_678, %add3A_681, %broadcast_in_dim3A_675 : vector<16xi1>, vector<16xi32>
          %broadcast_in_dim3A_683 = vector.shape_cast %select_n3A_682 : vector<16xi32> to vector<16x1xi32>
          %gather3A_684 = vector.shape_cast %broadcast_in_dim3A_683 : vector<16x1xi32> to vector<16xi32>
          %gather3A_685 = tpu.dynamic_gather %bitcast_convert_type3A[%gather3A_684] in [0] : vector<16xf32>, vector<16xi32> -> vector<16xf32>
          %add3A_686 = arith.constant 15 : i32
          %add3A_687 = arith.addi %add3A_70, %add3A_686 : i32
          %get3A_688 = arith.index_cast %add3A_687 : i32 to index
          %get3A_689 = arith.constant 0 : index
          %get3A_690 = tpu.vector_load %arg6[%get3A_688, %get3A_689] {strides = array<i32>} : memref<640x32xf32, #tpu.memory_space<vmem>>, vector<1x16xf32>,
          %get3A_691 = vector.shape_cast %get3A_690 : vector<1x16xf32> to vector<16xf32>
          %mul3A_692 = arith.mulf %get3A_691, %gather3A_685 : vector<16xf32>
          %add3A_693 = arith.constant 15 : i32
          %add3A_694 = arith.addi %add3A_70, %add3A_693 : i32
          %swap3A_695 = arith.index_cast %add3A_694 : i32 to index
          %swap3A_696 = arith.constant 0 : index
          %swap3A_697 = tpu.vector_load %arg6[%swap3A_695, %swap3A_696] {strides = array<i32>} : memref<640x32xf32, #tpu.memory_space<vmem>>, vector<1x16xf32>,
          %swap3A_698 = vector.shape_cast %swap3A_697 : vector<1x16xf32> to vector<16xf32>
          %swap3A_699 = vector.shape_cast %mul3A_692 : vector<16xf32> to vector<1x16xf32>
          tpu.vector_store %arg6[%swap3A_695, %swap3A_696], %swap3A_699 {strides = array<i32>} : memref<640x32xf32, #tpu.memory_space<vmem>>, vector<1x16xf32>,
          %add3A_700 = arith.constant 15 : i32
          %add3A_701 = arith.addi %add3A_70, %add3A_700 : i32
          %get3A_702 = arith.index_cast %add3A_701 : i32 to index
          %get3A_703 = arith.constant 16 : index
          %get3A_704 = tpu.vector_load %arg6[%get3A_702, %get3A_703] {strides = array<i32>} : memref<640x32xf32, #tpu.memory_space<vmem>>, vector<1x16xf32>,
          %get3A_705 = vector.shape_cast %get3A_704 : vector<1x16xf32> to vector<16xf32>
          %mul3A_706 = arith.mulf %get3A_705, %gather3A_685 : vector<16xf32>
          %add3A_707 = arith.constant 15 : i32
          %add3A_708 = arith.addi %add3A_70, %add3A_707 : i32
          %swap3A_709 = arith.index_cast %add3A_708 : i32 to index
          %swap3A_710 = arith.constant 16 : index
          %swap3A_711 = tpu.vector_load %arg6[%swap3A_709, %swap3A_710] {strides = array<i32>} : memref<640x32xf32, #tpu.memory_space<vmem>>, vector<1x16xf32>,
          %swap3A_712 = vector.shape_cast %swap3A_711 : vector<1x16xf32> to vector<16xf32>
          %swap3A_713 = vector.shape_cast %mul3A_706 : vector<16xf32> to vector<1x16xf32>
          tpu.vector_store %arg6[%swap3A_709, %swap3A_710], %swap3A_713 {strides = array<i32>} : memref<640x32xf32, #tpu.memory_space<vmem>>, vector<1x16xf32>,
        }
        %scan3A_64 = arith.constant 40 : i32
        %run_scoped3A_65 = arith.constant 1 : i32
        "tpu.region"() ({
          %run_scoped3A_66 = tpu.sem_alloc : memref<!tpu.dma_semaphore, #tpu.memory_space<semaphore_mem>>
          %dma_start3A = arith.constant 0 : i32
          %dma_start3A_67 = arith.constant 0 : i32
          %dma_start3A_68 = tpu.memref_slice %arg6[%dma_start3A, %dma_start3A_67] : memref<640x32xf32, #tpu.memory_space<vmem>> -> memref<640x32xf32, #tpu.memory_space<vmem>>
          %dma_start3A_69 = arith.constant 0 : i32
          %dma_start3A_70 = tpu.memref_slice %arg5[%run_scoped3A_65, %dma_start3A_69] : memref<3x640xi32, #tpu.memory_space<vmem>> -> memref<1x640xi32, #tpu.memory_space<vmem>>
          %dma_start3A_71 = tpu.memref_squeeze %dma_start3A_70 : memref<1x640xi32, #tpu.memory_space<vmem>> -> memref<640xi32, #tpu.memory_space<vmem>>
          %dma_start3A_72 = arith.constant 0 : i32
          %dma_start3A_73 = arith.constant 0 : i32
          %dma_start3A_74 = tpu.memref_slice %arg8[%dma_start3A_72, %dma_start3A_73] : memref<50048x32xf32, #tpu.memory_space<vmem_shared>> -> memref<50048x32xf32, #tpu.memory_space<vmem_shared>>
          tpu.enqueue_indirect_dma source(%dma_start3A_68 : memref<640x32xf32, #tpu.memory_space<vmem>>) target(%dma_start3A_74 : memref<50048x32xf32, #tpu.memory_space<vmem_shared>>) offsets(%dma_start3A_71 : memref<640xi32, #tpu.memory_space<vmem>>) semaphore(%run_scoped3A_66 : memref<!tpu.dma_semaphore, #tpu.memory_space<semaphore_mem>>) {add = true}
          %dma_wait3A = arith.constant 0 : i32
          %dma_wait3A_75 = arith.constant 0 : i32
          %dma_wait3A_76 = tpu.memref_slice %arg6[%dma_wait3A, %dma_wait3A_75] : memref<640x32xf32, #tpu.memory_space<vmem>> -> memref<640x32xf32, #tpu.memory_space<vmem>>
          %dma_wait3A_77 = arith.constant 0 : i32
          %dma_wait3A_78 = tpu.memref_slice %arg5[%run_scoped3A_65, %dma_wait3A_77] : memref<3x640xi32, #tpu.memory_space<vmem>> -> memref<1x640xi32, #tpu.memory_space<vmem>>
          %dma_wait3A_79 = tpu.memref_squeeze %dma_wait3A_78 : memref<1x640xi32, #tpu.memory_space<vmem>> -> memref<640xi32, #tpu.memory_space<vmem>>
          %dma_wait3A_80 = arith.constant 0 : i32
          %dma_wait3A_81 = arith.constant 0 : i32
          %dma_wait3A_82 = tpu.memref_slice %arg8[%dma_wait3A_80, %dma_wait3A_81] : memref<50048x32xf32, #tpu.memory_space<vmem_shared>> -> memref<50048x32xf32, #tpu.memory_space<vmem_shared>>
          tpu.wait_indirect_dma semaphore(%run_scoped3A_66 : memref<!tpu.dma_semaphore, #tpu.memory_space<semaphore_mem>>) src(%dma_wait3A_76 : memref<640x32xf32, #tpu.memory_space<vmem>>) dst(%dma_wait3A_82 : memref<50048x32xf32, #tpu.memory_space<vmem_shared>>)
          tpu.yield
        }) : () -> ()
      }
      %scan3A_41 = arith.constant 40 : i32
      %barrier3A_42 = arith.constant 0 : index
      tpu.barrier barrier_id(%barrier3A_42)
      %mul3A_43 = arith.constant 3128 : i32
      %mul3A_44 = arith.muli %arg1, %mul3A_43 : i32
      %mul3A_45 = arith.constant 3128 : i32
      %mul3A_46 = arith.muli %arg1, %mul3A_45 : i32
      "tpu.region"() ({
        %run_scoped3A = tpu.sem_alloc : memref<!tpu.dma_semaphore, #tpu.memory_space<semaphore_mem>>
        %dma_start3A = arith.constant 0 : i32
        %dma_start3A_48 = tpu.memref_slice %arg4[%arg0, %add3A_15, %mul3A_46, %dma_start3A] : memref<2x8x50048x32xf32, #tpu.memory_space<hbm>> -> memref<1x1x3128x32xf32, #tpu.memory_space<hbm>>
        %dma_start3A_49 = tpu.memref_squeeze %dma_start3A_48 : memref<1x1x3128x32xf32, #tpu.memory_space<hbm>> -> memref<3128x32xf32, #tpu.memory_space<hbm>>
        %dma_start3A_50 = arith.constant 0 : i32
        %dma_start3A_51 = tpu.memref_slice %arg8[%mul3A_44, %dma_start3A_50] : memref<50048x32xf32, #tpu.memory_space<vmem_shared>> -> memref<3128x32xf32, #tpu.memory_space<vmem_shared>>
        tpu.enqueue_dma source(%dma_start3A_51 : memref<3128x32xf32, #tpu.memory_space<vmem_shared>>) target(%dma_start3A_49 : memref<3128x32xf32, #tpu.memory_space<hbm>>) target_semaphore(%run_scoped3A : memref<!tpu.dma_semaphore, #tpu.memory_space<semaphore_mem>>)
        %dma_wait3A = arith.constant 0 : i32
        %dma_wait3A_52 = tpu.memref_slice %arg4[%arg0, %add3A_15, %mul3A_46, %dma_wait3A] : memref<2x8x50048x32xf32, #tpu.memory_space<hbm>> -> memref<1x1x3128x32xf32, #tpu.memory_space<hbm>>
        %dma_wait3A_53 = tpu.memref_squeeze %dma_wait3A_52 : memref<1x1x3128x32xf32, #tpu.memory_space<hbm>> -> memref<3128x32xf32, #tpu.memory_space<hbm>>
        %dma_wait3A_54 = arith.constant 0 : i32
        %dma_wait3A_55 = tpu.memref_slice %arg8[%mul3A_44, %dma_wait3A_54] : memref<50048x32xf32, #tpu.memory_space<vmem_shared>> -> memref<3128x32xf32, #tpu.memory_space<vmem_shared>>
        tpu.wait_dma2 semaphore(%run_scoped3A : memref<!tpu.dma_semaphore, #tpu.memory_space<semaphore_mem>>) src(%dma_wait3A_55 : memref<3128x32xf32, #tpu.memory_space<vmem_shared>>) dst(%dma_wait3A_53 : memref<3128x32xf32, #tpu.memory_space<hbm>>)
        tpu.yield
      }) : () -> ()
      %barrier3A_47 = arith.constant 0 : index
      tpu.barrier barrier_id(%barrier3A_47)
    }
    %scan3A_10 = arith.constant 8 : i32
    return
  }
}

#map = affine_map<(d0, d1) -> (0, 0, 0)>
#map1 = affine_map<(d0, d1) -> (0, 0, 0, 0)>
module attributes {stable_mosaic.version = 14 : i64} {
  func.func @body(%arg0: i32, %arg1: i32, %arg2: memref<2x50000x32xf32, #tpu.memory_space<hbm>>, %arg3: memref<1x3843x640xi32, #tpu.memory_space<hbm>>, %arg4: memref<2x2x50048x32xf32, #tpu.memory_space<hbm>>, %arg5: memref<3x640xi32, #tpu.memory_space<vmem>>, %arg6: memref<640x32xf32, #tpu.memory_space<vmem>>, %arg7: memref<184x32xf32, #tpu.memory_space<vmem>>, %arg8: memref<50048x32xf32, #tpu.memory_space<vmem_shared>>) attributes {dimension_semantics = [#tpu.dimension_semantics<core_parallel>, #tpu.dimension_semantics<subcore_parallel>], iteration_bounds = array<i64: 2, 16>, scalar_prefetch = 0 : i64, scratch_operands = 4 : i64, tpu.core_type = #tpu.core_type<sc_vector_subcore>, window_params = [{transform_indices = #map}, {transform_indices = #map}, {transform_indices = #map1}]} {
    %mul3A = arith.constant 2 : i32
    %mul3A_0 = arith.muli %arg1, %mul3A : i32
    %add3A = arith.addi %mul3A_0, %arg0 : i32
    %broadcast_in_dim3A = arith.constant 0.000000e+00 : f32
    %broadcast_in_dim3A_1 = vector.broadcast %broadcast_in_dim3A : f32 to vector<16xf32>
    %scan3A = arith.constant 0 : i32
    %scan3A_2 = arith.constant 184 : i32
    %scan3A_3 = arith.addi %scan3A, %scan3A_2 : i32
    %scan3A_4 = arith.constant 1 : i32
    scf.for %scan3A_11 = %scan3A to %scan3A_3 step %scan3A_4  : i32 {
      %mul3A_12 = arith.constant 1 : i32
      %mul3A_13 = arith.muli %scan3A_11, %mul3A_12 : i32
      %add3A_14 = arith.constant 0 : i32
      %add3A_15 = arith.addi %add3A_14, %mul3A_13 : i32
      %swap3A = arith.index_cast %add3A_15 : i32 to index
      %swap3A_16 = arith.constant 0 : index
      %swap3A_17 = tpu.vector_load %arg7[%swap3A, %swap3A_16] {strides = array<i32>} : memref<184x32xf32, #tpu.memory_space<vmem>>, vector<1x16xf32>,
      %swap3A_18 = vector.shape_cast %swap3A_17 : vector<1x16xf32> to vector<16xf32>
      %swap3A_19 = vector.shape_cast %broadcast_in_dim3A_1 : vector<16xf32> to vector<1x16xf32>
      tpu.vector_store %arg7[%swap3A, %swap3A_16], %swap3A_19 {strides = array<i32>} : memref<184x32xf32, #tpu.memory_space<vmem>>, vector<1x16xf32>,
      %swap3A_20 = arith.index_cast %add3A_15 : i32 to index
      %swap3A_21 = arith.constant 16 : index
      %swap3A_22 = tpu.vector_load %arg7[%swap3A_20, %swap3A_21] {strides = array<i32>} : memref<184x32xf32, #tpu.memory_space<vmem>>, vector<1x16xf32>,
      %swap3A_23 = vector.shape_cast %swap3A_22 : vector<1x16xf32> to vector<16xf32>
      %swap3A_24 = vector.shape_cast %broadcast_in_dim3A_1 : vector<16xf32> to vector<1x16xf32>
      tpu.vector_store %arg7[%swap3A_20, %swap3A_21], %swap3A_24 {strides = array<i32>} : memref<184x32xf32, #tpu.memory_space<vmem>>, vector<1x16xf32>,
    }
    %scan3A_5 = arith.constant 184 : i32
    %scan3A_6 = arith.constant 0 : i32
    %scan3A_7 = arith.constant 2 : i32
    %scan3A_8 = arith.addi %scan3A_6, %scan3A_7 : i32
    %scan3A_9 = arith.constant 1 : i32
    scf.for %scan3A_11 = %scan3A_6 to %scan3A_8 step %scan3A_9  : i32 {
      %mul3A_12 = arith.constant 1 : i32
      %mul3A_13 = arith.muli %scan3A_11, %mul3A_12 : i32
      %add3A_14 = arith.constant 0 : i32
      %add3A_15 = arith.addi %add3A_14, %mul3A_13 : i32
      %jit3A = arith.constant 2 : i32
      %div3A = arith.divsi %add3A_15, %jit3A : i32
      %sign3A = arith.constant 0 : i32
      %sign3A_16 = arith.cmpi sgt, %add3A_15, %sign3A : i32
      %sign3A_17 = arith.extui %sign3A_16 : i1 to i32
      %sign3A_18 = arith.constant 0 : i32
      %sign3A_19 = arith.cmpi slt, %add3A_15, %sign3A_18 : i32
      %sign3A_20 = arith.extui %sign3A_19 : i1 to i32
      %sign3A_21 = arith.subi %sign3A_17, %sign3A_20 : i32
      %sign3A_22 = arith.constant 0 : i32
      %sign3A_23 = arith.cmpi sgt, %jit3A, %sign3A_22 : i32
      %sign3A_24 = arith.extui %sign3A_23 : i1 to i32
      %sign3A_25 = arith.constant 0 : i32
      %sign3A_26 = arith.cmpi slt, %jit3A, %sign3A_25 : i32
      %sign3A_27 = arith.extui %sign3A_26 : i1 to i32
      %sign3A_28 = arith.subi %sign3A_24, %sign3A_27 : i32
      %ne3A = arith.cmpi ne, %sign3A_21, %sign3A_28 : i32
      %rem3A = arith.remsi %add3A_15, %jit3A : i32
      %ne3A_29 = arith.constant 0 : i32
      %ne3A_30 = arith.cmpi ne, %rem3A, %ne3A_29 : i32
      %and3A = arith.andi %ne3A, %ne3A_30 : i1
      %sub3A = arith.constant 1 : i32
      %sub3A_31 = arith.subi %div3A, %sub3A : i32
      %select_n3A = arith.select %and3A, %sub3A_31, %div3A : i32
      %scan3A_32 = arith.constant 0 : i32
      %scan3A_33 = arith.constant 17 : i32
      %scan3A_34 = arith.addi %scan3A_32, %scan3A_33 : i32
      %scan3A_35 = arith.constant 1 : i32
      scf.for %scan3A_48 = %scan3A_32 to %scan3A_34 step %scan3A_35  : i32 {
        %mul3A_49 = arith.constant 184 : i32
        %mul3A_50 = arith.muli %scan3A_48, %mul3A_49 : i32
        %add3A_51 = arith.constant 0 : i32
        %add3A_52 = arith.addi %add3A_51, %mul3A_50 : i32
        %mul3A_53 = arith.constant 3128 : i32
        %mul3A_54 = arith.muli %arg1, %mul3A_53 : i32
        %add3A_55 = arith.addi %mul3A_54, %add3A_52 : i32
        "tpu.region"() ({
          %run_scoped3A = tpu.sem_alloc : memref<!tpu.dma_semaphore, #tpu.memory_space<semaphore_mem>>
          %dma_start3A = arith.constant 0 : i32
          %dma_start3A_56 = tpu.memref_slice %arg8[%add3A_55, %dma_start3A] : memref<50048x32xf32, #tpu.memory_space<vmem_shared>> -> memref<184x32xf32, #tpu.memory_space<vmem_shared>>
          %dma_start3A_57 = arith.constant 0 : i32
          %dma_start3A_58 = tpu.memref_slice %arg8[%add3A_55, %dma_start3A_57] : memref<50048x32xf32, #tpu.memory_space<vmem_shared>> -> memref<184x32xf32, #tpu.memory_space<vmem_shared>>
          tpu.enqueue_dma source(%arg7 : memref<184x32xf32, #tpu.memory_space<vmem>>) target(%dma_start3A_58 : memref<184x32xf32, #tpu.memory_space<vmem_shared>>) target_semaphore(%run_scoped3A : memref<!tpu.dma_semaphore, #tpu.memory_space<semaphore_mem>>)
          %dma_wait3A = arith.constant 0 : i32
          %dma_wait3A_59 = tpu.memref_slice %arg8[%add3A_55, %dma_wait3A] : memref<50048x32xf32, #tpu.memory_space<vmem_shared>> -> memref<184x32xf32, #tpu.memory_space<vmem_shared>>
          %dma_wait3A_60 = arith.constant 0 : i32
          %dma_wait3A_61 = tpu.memref_slice %arg8[%add3A_55, %dma_wait3A_60] : memref<50048x32xf32, #tpu.memory_space<vmem_shared>> -> memref<184x32xf32, #tpu.memory_space<vmem_shared>>
          tpu.wait_dma2 semaphore(%run_scoped3A : memref<!tpu.dma_semaphore, #tpu.memory_space<semaphore_mem>>) src(%arg7 : memref<184x32xf32, #tpu.memory_space<vmem>>) dst(%dma_wait3A_61 : memref<184x32xf32, #tpu.memory_space<vmem_shared>>)
          tpu.yield
        }) : () -> ()
      }
      %scan3A_36 = arith.constant 17 : i32
      %barrier3A = arith.constant 0 : index
      tpu.barrier barrier_id(%barrier3A)
      %scan3A_37 = arith.constant 0 : i32
      %scan3A_38 = arith.constant 40 : i32
      %scan3A_39 = arith.addi %scan3A_37, %scan3A_38 : i32
      %scan3A_40 = arith.constant 1 : i32
      scf.for %scan3A_48 = %scan3A_37 to %scan3A_39 step %scan3A_40  : i32 {
        %mul3A_49 = arith.constant 1 : i32
        %mul3A_50 = arith.muli %scan3A_48, %mul3A_49 : i32
        %add3A_51 = arith.constant 0 : i32
        %add3A_52 = arith.addi %add3A_51, %mul3A_50 : i32
        %mul3A_53 = arith.constant 40 : i32
        %mul3A_54 = arith.muli %add3A, %mul3A_53 : i32
        %add3A_55 = arith.addi %mul3A_54, %add3A_52 : i32
        %mul3A_56 = arith.constant 3 : i32
        %mul3A_57 = arith.muli %add3A_55, %mul3A_56 : i32
        %mul3A_58 = arith.constant 1 : i32
        %mul3A_59 = arith.muli %mul3A_57, %mul3A_58 : i32
        "tpu.region"() ({
          %run_scoped3A_66 = tpu.sem_alloc : memref<!tpu.dma_semaphore, #tpu.memory_space<semaphore_mem>>
          %dma_start3A = arith.constant 0 : i32
          %dma_start3A_67 = arith.constant 0 : i32
          %dma_start3A_68 = tpu.memref_slice %arg5[%dma_start3A, %dma_start3A_67] : memref<3x640xi32, #tpu.memory_space<vmem>> -> memref<3x640xi32, #tpu.memory_space<vmem>>
          %dma_start3A_69 = arith.constant 0 : i32
          %dma_start3A_70 = tpu.memref_slice %arg3[%select_n3A, %mul3A_59, %dma_start3A_69] : memref<1x3843x640xi32, #tpu.memory_space<hbm>> -> memref<1x3x640xi32, #tpu.memory_space<hbm>>
          %dma_start3A_71 = tpu.memref_squeeze %dma_start3A_70 : memref<1x3x640xi32, #tpu.memory_space<hbm>> -> memref<3x640xi32, #tpu.memory_space<hbm>>
          %dma_start3A_72 = arith.constant 0 : i32
          %dma_start3A_73 = arith.constant 0 : i32
          %dma_start3A_74 = tpu.memref_slice %arg5[%dma_start3A_72, %dma_start3A_73] : memref<3x640xi32, #tpu.memory_space<vmem>> -> memref<3x640xi32, #tpu.memory_space<vmem>>
          %dma_start3A_75 = arith.constant 0 : i32
          %dma_start3A_76 = tpu.memref_slice %arg3[%select_n3A, %mul3A_59, %dma_start3A_75] : memref<1x3843x640xi32, #tpu.memory_space<hbm>> -> memref<1x3x640xi32, #tpu.memory_space<hbm>>
          %dma_start3A_77 = tpu.memref_squeeze %dma_start3A_76 : memref<1x3x640xi32, #tpu.memory_space<hbm>> -> memref<3x640xi32, #tpu.memory_space<hbm>>
          tpu.enqueue_dma source(%dma_start3A_77 : memref<3x640xi32, #tpu.memory_space<hbm>>) target(%dma_start3A_74 : memref<3x640xi32, #tpu.memory_space<vmem>>) target_semaphore(%run_scoped3A_66 : memref<!tpu.dma_semaphore, #tpu.memory_space<semaphore_mem>>)
          %dma_wait3A = arith.constant 0 : i32
          %dma_wait3A_78 = arith.constant 0 : i32
          %dma_wait3A_79 = tpu.memref_slice %arg5[%dma_wait3A, %dma_wait3A_78] : memref<3x640xi32, #tpu.memory_space<vmem>> -> memref<3x640xi32, #tpu.memory_space<vmem>>
          %dma_wait3A_80 = arith.constant 0 : i32
          %dma_wait3A_81 = tpu.memref_slice %arg3[%select_n3A, %mul3A_59, %dma_wait3A_80] : memref<1x3843x640xi32, #tpu.memory_space<hbm>> -> memref<1x3x640xi32, #tpu.memory_space<hbm>>
          %dma_wait3A_82 = tpu.memref_squeeze %dma_wait3A_81 : memref<1x3x640xi32, #tpu.memory_space<hbm>> -> memref<3x640xi32, #tpu.memory_space<hbm>>
          %dma_wait3A_83 = arith.constant 0 : i32
          %dma_wait3A_84 = arith.constant 0 : i32
          %dma_wait3A_85 = tpu.memref_slice %arg5[%dma_wait3A_83, %dma_wait3A_84] : memref<3x640xi32, #tpu.memory_space<vmem>> -> memref<3x640xi32, #tpu.memory_space<vmem>>
          %dma_wait3A_86 = arith.constant 0 : i32
          %dma_wait3A_87 = tpu.memref_slice %arg3[%select_n3A, %mul3A_59, %dma_wait3A_86] : memref<1x3843x640xi32, #tpu.memory_space<hbm>> -> memref<1x3x640xi32, #tpu.memory_space<hbm>>
          %dma_wait3A_88 = tpu.memref_squeeze %dma_wait3A_87 : memref<1x3x640xi32, #tpu.memory_space<hbm>> -> memref<3x640xi32, #tpu.memory_space<hbm>>
          tpu.wait_dma2 semaphore(%run_scoped3A_66 : memref<!tpu.dma_semaphore, #tpu.memory_space<semaphore_mem>>) src(%dma_wait3A_88 : memref<3x640xi32, #tpu.memory_space<hbm>>) dst(%dma_wait3A_85 : memref<3x640xi32, #tpu.memory_space<vmem>>)
          tpu.yield
        }) : () -> ()
        %run_scoped3A = arith.constant 0 : i32
        "tpu.region"() ({
          %run_scoped3A_66 = tpu.sem_alloc : memref<!tpu.dma_semaphore, #tpu.memory_space<semaphore_mem>>
          %dma_start3A = arith.constant 0 : i32
          %dma_start3A_67 = arith.constant 0 : i32
          %dma_start3A_68 = tpu.memref_slice %arg6[%dma_start3A, %dma_start3A_67] : memref<640x32xf32, #tpu.memory_space<vmem>> -> memref<640x32xf32, #tpu.memory_space<vmem>>
          %dma_start3A_69 = arith.constant 0 : i32
          %dma_start3A_70 = tpu.memref_slice %arg5[%run_scoped3A, %dma_start3A_69] : memref<3x640xi32, #tpu.memory_space<vmem>> -> memref<1x640xi32, #tpu.memory_space<vmem>>
          %dma_start3A_71 = tpu.memref_squeeze %dma_start3A_70 : memref<1x640xi32, #tpu.memory_space<vmem>> -> memref<640xi32, #tpu.memory_space<vmem>>
          %dma_start3A_72 = arith.constant 0 : i32
          %dma_start3A_73 = arith.constant 0 : i32
          %dma_start3A_74 = tpu.memref_slice %arg2[%add3A_15, %dma_start3A_72, %dma_start3A_73] : memref<2x50000x32xf32, #tpu.memory_space<hbm>> -> memref<1x50000x32xf32, #tpu.memory_space<hbm>>
          %dma_start3A_75 = tpu.memref_squeeze %dma_start3A_74 : memref<1x50000x32xf32, #tpu.memory_space<hbm>> -> memref<50000x32xf32, #tpu.memory_space<hbm>>
          %dma_start3A_76 = arith.constant 0 : i32
          %dma_start3A_77 = arith.constant 0 : i32
          %dma_start3A_78 = tpu.memref_slice %dma_start3A_75[%dma_start3A_76, %dma_start3A_77] : memref<50000x32xf32, #tpu.memory_space<hbm>> -> memref<50000x32xf32, #tpu.memory_space<hbm>>
          tpu.enqueue_indirect_dma source(%dma_start3A_78 : memref<50000x32xf32, #tpu.memory_space<hbm>>) target(%dma_start3A_68 : memref<640x32xf32, #tpu.memory_space<vmem>>) offsets(%dma_start3A_71 : memref<640xi32, #tpu.memory_space<vmem>>) semaphore(%run_scoped3A_66 : memref<!tpu.dma_semaphore, #tpu.memory_space<semaphore_mem>>)
          %dma_wait3A = arith.constant 0 : i32
          %dma_wait3A_79 = arith.constant 0 : i32
          %dma_wait3A_80 = tpu.memref_slice %arg6[%dma_wait3A, %dma_wait3A_79] : memref<640x32xf32, #tpu.memory_space<vmem>> -> memref<640x32xf32, #tpu.memory_space<vmem>>
          %dma_wait3A_81 = arith.constant 0 : i32
          %dma_wait3A_82 = tpu.memref_slice %arg5[%run_scoped3A, %dma_wait3A_81] : memref<3x640xi32, #tpu.memory_space<vmem>> -> memref<1x640xi32, #tpu.memory_space<vmem>>
          %dma_wait3A_83 = tpu.memref_squeeze %dma_wait3A_82 : memref<1x640xi32, #tpu.memory_space<vmem>> -> memref<640xi32, #tpu.memory_space<vmem>>
          %dma_wait3A_84 = arith.constant 0 : i32
          %dma_wait3A_85 = arith.constant 0 : i32
          %dma_wait3A_86 = tpu.memref_slice %arg2[%add3A_15, %dma_wait3A_84, %dma_wait3A_85] : memref<2x50000x32xf32, #tpu.memory_space<hbm>> -> memref<1x50000x32xf32, #tpu.memory_space<hbm>>
          %dma_wait3A_87 = tpu.memref_squeeze %dma_wait3A_86 : memref<1x50000x32xf32, #tpu.memory_space<hbm>> -> memref<50000x32xf32, #tpu.memory_space<hbm>>
          %dma_wait3A_88 = arith.constant 0 : i32
          %dma_wait3A_89 = arith.constant 0 : i32
          %dma_wait3A_90 = tpu.memref_slice %dma_wait3A_87[%dma_wait3A_88, %dma_wait3A_89] : memref<50000x32xf32, #tpu.memory_space<hbm>> -> memref<50000x32xf32, #tpu.memory_space<hbm>>
          tpu.wait_indirect_dma semaphore(%run_scoped3A_66 : memref<!tpu.dma_semaphore, #tpu.memory_space<semaphore_mem>>) src(%dma_wait3A_90 : memref<50000x32xf32, #tpu.memory_space<hbm>>) dst(%dma_wait3A_80 : memref<640x32xf32, #tpu.memory_space<vmem>>)
          tpu.yield
        }) : () -> ()
        %scan3A_60 = arith.constant 0 : i32
        %scan3A_61 = arith.constant 40 : i32
        %scan3A_62 = arith.addi %scan3A_60, %scan3A_61 : i32
        %scan3A_63 = arith.constant 1 : i32
        scf.for %scan3A_66 = %scan3A_60 to %scan3A_62 step %scan3A_63  : i32 {
          %mul3A_67 = arith.constant 16 : i32
          %mul3A_68 = arith.muli %scan3A_66, %mul3A_67 : i32
          %add3A_69 = arith.constant 0 : i32
          %add3A_70 = arith.addi %add3A_69, %mul3A_68 : i32
          %sub3A_71 = arith.constant 0 : i32
          %sub3A_72 = arith.subi %add3A_70, %sub3A_71 : i32
          %get3A = arith.constant 2 : i32
          %get3A_73 = arith.index_cast %get3A : i32 to index
          %get3A_74 = arith.index_cast %sub3A_72 : i32 to index
          %get3A_75 = tpu.vector_load %arg5[%get3A_73, %get3A_74] {strides = array<i32>} : memref<3x640xi32, #tpu.memory_space<vmem>>, vector<1x16xi32>,
          %get3A_76 = vector.shape_cast %get3A_75 : vector<1x16xi32> to vector<16xi32>
          %bitcast_convert_type3A = tpu.bitcast %get3A_76 : vector<16xi32> -> vector<16xf32>
          %broadcast_in_dim3A_77 = arith.constant 0 : i32
          %broadcast_in_dim3A_78 = vector.broadcast %broadcast_in_dim3A_77 : i32 to vector<16xi32>
          %lt3A = arith.constant 0 : i32
          %lt3A_79 = vector.broadcast %lt3A : i32 to vector<16xi32>
          %lt3A_80 = arith.cmpi slt, %broadcast_in_dim3A_78, %lt3A_79 : vector<16xi32>
          %add3A_81 = arith.constant 16 : i32
          %add3A_82 = vector.broadcast %add3A_81 : i32 to vector<16xi32>
          %add3A_83 = arith.addi %broadcast_in_dim3A_78, %add3A_82 : vector<16xi32>
          %select_n3A_84 = arith.select %lt3A_80, %add3A_83, %broadcast_in_dim3A_78 : vector<16xi1>, vector<16xi32>
          %broadcast_in_dim3A_85 = vector.shape_cast %select_n3A_84 : vector<16xi32> to vector<16x1xi32>
          %gather3A = vector.shape_cast %broadcast_in_dim3A_85 : vector<16x1xi32> to vector<16xi32>
          %gather3A_86 = tpu.dynamic_gather %bitcast_convert_type3A[%gather3A] in [0] : vector<16xf32>, vector<16xi32> -> vector<16xf32>
          %add3A_87 = arith.constant 0 : i32
          %add3A_88 = arith.addi %add3A_70, %add3A_87 : i32
          %get3A_89 = arith.index_cast %add3A_88 : i32 to index
          %get3A_90 = arith.constant 0 : index
          %get3A_91 = tpu.vector_load %arg6[%get3A_89, %get3A_90] {strides = array<i32>} : memref<640x32xf32, #tpu.memory_space<vmem>>, vector<1x16xf32>,
          %get3A_92 = vector.shape_cast %get3A_91 : vector<1x16xf32> to vector<16xf32>
          %mul3A_93 = arith.mulf %get3A_92, %gather3A_86 : vector<16xf32>
          %add3A_94 = arith.constant 0 : i32
          %add3A_95 = arith.addi %add3A_70, %add3A_94 : i32
          %swap3A = arith.index_cast %add3A_95 : i32 to index
          %swap3A_96 = arith.constant 0 : index
          %swap3A_97 = tpu.vector_load %arg6[%swap3A, %swap3A_96] {strides = array<i32>} : memref<640x32xf32, #tpu.memory_space<vmem>>, vector<1x16xf32>,
          %swap3A_98 = vector.shape_cast %swap3A_97 : vector<1x16xf32> to vector<16xf32>
          %swap3A_99 = vector.shape_cast %mul3A_93 : vector<16xf32> to vector<1x16xf32>
          tpu.vector_store %arg6[%swap3A, %swap3A_96], %swap3A_99 {strides = array<i32>} : memref<640x32xf32, #tpu.memory_space<vmem>>, vector<1x16xf32>,
          %add3A_100 = arith.constant 0 : i32
          %add3A_101 = arith.addi %add3A_70, %add3A_100 : i32
          %get3A_102 = arith.index_cast %add3A_101 : i32 to index
          %get3A_103 = arith.constant 16 : index
          %get3A_104 = tpu.vector_load %arg6[%get3A_102, %get3A_103] {strides = array<i32>} : memref<640x32xf32, #tpu.memory_space<vmem>>, vector<1x16xf32>,
          %get3A_105 = vector.shape_cast %get3A_104 : vector<1x16xf32> to vector<16xf32>
          %mul3A_106 = arith.mulf %get3A_105, %gather3A_86 : vector<16xf32>
          %add3A_107 = arith.constant 0 : i32
          %add3A_108 = arith.addi %add3A_70, %add3A_107 : i32
          %swap3A_109 = arith.index_cast %add3A_108 : i32 to index
          %swap3A_110 = arith.constant 16 : index
          %swap3A_111 = tpu.vector_load %arg6[%swap3A_109, %swap3A_110] {strides = array<i32>} : memref<640x32xf32, #tpu.memory_space<vmem>>, vector<1x16xf32>,
          %swap3A_112 = vector.shape_cast %swap3A_111 : vector<1x16xf32> to vector<16xf32>
          %swap3A_113 = vector.shape_cast %mul3A_106 : vector<16xf32> to vector<1x16xf32>
          tpu.vector_store %arg6[%swap3A_109, %swap3A_110], %swap3A_113 {strides = array<i32>} : memref<640x32xf32, #tpu.memory_space<vmem>>, vector<1x16xf32>,
          %broadcast_in_dim3A_114 = arith.constant 1 : i32
          %broadcast_in_dim3A_115 = vector.broadcast %broadcast_in_dim3A_114 : i32 to vector<16xi32>
          %lt3A_116 = arith.constant 0 : i32
          %lt3A_117 = vector.broadcast %lt3A_116 : i32 to vector<16xi32>
          %lt3A_118 = arith.cmpi slt, %broadcast_in_dim3A_115, %lt3A_117 : vector<16xi32>
          %add3A_119 = arith.constant 16 : i32
          %add3A_120 = vector.broadcast %add3A_119 : i32 to vector<16xi32>
          %add3A_121 = arith.addi %broadcast_in_dim3A_115, %add3A_120 : vector<16xi32>
          %select_n3A_122 = arith.select %lt3A_118, %add3A_121, %broadcast_in_dim3A_115 : vector<16xi1>, vector<16xi32>
          %broadcast_in_dim3A_123 = vector.shape_cast %select_n3A_122 : vector<16xi32> to vector<16x1xi32>
          %gather3A_124 = vector.shape_cast %broadcast_in_dim3A_123 : vector<16x1xi32> to vector<16xi32>
          %gather3A_125 = tpu.dynamic_gather %bitcast_convert_type3A[%gather3A_124] in [0] : vector<16xf32>, vector<16xi32> -> vector<16xf32>
          %add3A_126 = arith.constant 1 : i32
          %add3A_127 = arith.addi %add3A_70, %add3A_126 : i32
          %get3A_128 = arith.index_cast %add3A_127 : i32 to index
          %get3A_129 = arith.constant 0 : index
          %get3A_130 = tpu.vector_load %arg6[%get3A_128, %get3A_129] {strides = array<i32>} : memref<640x32xf32, #tpu.memory_space<vmem>>, vector<1x16xf32>,
          %get3A_131 = vector.shape_cast %get3A_130 : vector<1x16xf32> to vector<16xf32>
          %mul3A_132 = arith.mulf %get3A_131, %gather3A_125 : vector<16xf32>
          %add3A_133 = arith.constant 1 : i32
          %add3A_134 = arith.addi %add3A_70, %add3A_133 : i32
          %swap3A_135 = arith.index_cast %add3A_134 : i32 to index
          %swap3A_136 = arith.constant 0 : index
          %swap3A_137 = tpu.vector_load %arg6[%swap3A_135, %swap3A_136] {strides = array<i32>} : memref<640x32xf32, #tpu.memory_space<vmem>>, vector<1x16xf32>,
          %swap3A_138 = vector.shape_cast %swap3A_137 : vector<1x16xf32> to vector<16xf32>
          %swap3A_139 = vector.shape_cast %mul3A_132 : vector<16xf32> to vector<1x16xf32>
          tpu.vector_store %arg6[%swap3A_135, %swap3A_136], %swap3A_139 {strides = array<i32>} : memref<640x32xf32, #tpu.memory_space<vmem>>, vector<1x16xf32>,
          %add3A_140 = arith.constant 1 : i32
          %add3A_141 = arith.addi %add3A_70, %add3A_140 : i32
          %get3A_142 = arith.index_cast %add3A_141 : i32 to index
          %get3A_143 = arith.constant 16 : index
          %get3A_144 = tpu.vector_load %arg6[%get3A_142, %get3A_143] {strides = array<i32>} : memref<640x32xf32, #tpu.memory_space<vmem>>, vector<1x16xf32>,
          %get3A_145 = vector.shape_cast %get3A_144 : vector<1x16xf32> to vector<16xf32>
          %mul3A_146 = arith.mulf %get3A_145, %gather3A_125 : vector<16xf32>
          %add3A_147 = arith.constant 1 : i32
          %add3A_148 = arith.addi %add3A_70, %add3A_147 : i32
          %swap3A_149 = arith.index_cast %add3A_148 : i32 to index
          %swap3A_150 = arith.constant 16 : index
          %swap3A_151 = tpu.vector_load %arg6[%swap3A_149, %swap3A_150] {strides = array<i32>} : memref<640x32xf32, #tpu.memory_space<vmem>>, vector<1x16xf32>,
          %swap3A_152 = vector.shape_cast %swap3A_151 : vector<1x16xf32> to vector<16xf32>
          %swap3A_153 = vector.shape_cast %mul3A_146 : vector<16xf32> to vector<1x16xf32>
          tpu.vector_store %arg6[%swap3A_149, %swap3A_150], %swap3A_153 {strides = array<i32>} : memref<640x32xf32, #tpu.memory_space<vmem>>, vector<1x16xf32>,
          %broadcast_in_dim3A_154 = arith.constant 2 : i32
          %broadcast_in_dim3A_155 = vector.broadcast %broadcast_in_dim3A_154 : i32 to vector<16xi32>
          %lt3A_156 = arith.constant 0 : i32
          %lt3A_157 = vector.broadcast %lt3A_156 : i32 to vector<16xi32>
          %lt3A_158 = arith.cmpi slt, %broadcast_in_dim3A_155, %lt3A_157 : vector<16xi32>
          %add3A_159 = arith.constant 16 : i32
          %add3A_160 = vector.broadcast %add3A_159 : i32 to vector<16xi32>
          %add3A_161 = arith.addi %broadcast_in_dim3A_155, %add3A_160 : vector<16xi32>
          %select_n3A_162 = arith.select %lt3A_158, %add3A_161, %broadcast_in_dim3A_155 : vector<16xi1>, vector<16xi32>
          %broadcast_in_dim3A_163 = vector.shape_cast %select_n3A_162 : vector<16xi32> to vector<16x1xi32>
          %gather3A_164 = vector.shape_cast %broadcast_in_dim3A_163 : vector<16x1xi32> to vector<16xi32>
          %gather3A_165 = tpu.dynamic_gather %bitcast_convert_type3A[%gather3A_164] in [0] : vector<16xf32>, vector<16xi32> -> vector<16xf32>
          %add3A_166 = arith.constant 2 : i32
          %add3A_167 = arith.addi %add3A_70, %add3A_166 : i32
          %get3A_168 = arith.index_cast %add3A_167 : i32 to index
          %get3A_169 = arith.constant 0 : index
          %get3A_170 = tpu.vector_load %arg6[%get3A_168, %get3A_169] {strides = array<i32>} : memref<640x32xf32, #tpu.memory_space<vmem>>, vector<1x16xf32>,
          %get3A_171 = vector.shape_cast %get3A_170 : vector<1x16xf32> to vector<16xf32>
          %mul3A_172 = arith.mulf %get3A_171, %gather3A_165 : vector<16xf32>
          %add3A_173 = arith.constant 2 : i32
          %add3A_174 = arith.addi %add3A_70, %add3A_173 : i32
          %swap3A_175 = arith.index_cast %add3A_174 : i32 to index
          %swap3A_176 = arith.constant 0 : index
          %swap3A_177 = tpu.vector_load %arg6[%swap3A_175, %swap3A_176] {strides = array<i32>} : memref<640x32xf32, #tpu.memory_space<vmem>>, vector<1x16xf32>,
          %swap3A_178 = vector.shape_cast %swap3A_177 : vector<1x16xf32> to vector<16xf32>
          %swap3A_179 = vector.shape_cast %mul3A_172 : vector<16xf32> to vector<1x16xf32>
          tpu.vector_store %arg6[%swap3A_175, %swap3A_176], %swap3A_179 {strides = array<i32>} : memref<640x32xf32, #tpu.memory_space<vmem>>, vector<1x16xf32>,
          %add3A_180 = arith.constant 2 : i32
          %add3A_181 = arith.addi %add3A_70, %add3A_180 : i32
          %get3A_182 = arith.index_cast %add3A_181 : i32 to index
          %get3A_183 = arith.constant 16 : index
          %get3A_184 = tpu.vector_load %arg6[%get3A_182, %get3A_183] {strides = array<i32>} : memref<640x32xf32, #tpu.memory_space<vmem>>, vector<1x16xf32>,
          %get3A_185 = vector.shape_cast %get3A_184 : vector<1x16xf32> to vector<16xf32>
          %mul3A_186 = arith.mulf %get3A_185, %gather3A_165 : vector<16xf32>
          %add3A_187 = arith.constant 2 : i32
          %add3A_188 = arith.addi %add3A_70, %add3A_187 : i32
          %swap3A_189 = arith.index_cast %add3A_188 : i32 to index
          %swap3A_190 = arith.constant 16 : index
          %swap3A_191 = tpu.vector_load %arg6[%swap3A_189, %swap3A_190] {strides = array<i32>} : memref<640x32xf32, #tpu.memory_space<vmem>>, vector<1x16xf32>,
          %swap3A_192 = vector.shape_cast %swap3A_191 : vector<1x16xf32> to vector<16xf32>
          %swap3A_193 = vector.shape_cast %mul3A_186 : vector<16xf32> to vector<1x16xf32>
          tpu.vector_store %arg6[%swap3A_189, %swap3A_190], %swap3A_193 {strides = array<i32>} : memref<640x32xf32, #tpu.memory_space<vmem>>, vector<1x16xf32>,
          %broadcast_in_dim3A_194 = arith.constant 3 : i32
          %broadcast_in_dim3A_195 = vector.broadcast %broadcast_in_dim3A_194 : i32 to vector<16xi32>
          %lt3A_196 = arith.constant 0 : i32
          %lt3A_197 = vector.broadcast %lt3A_196 : i32 to vector<16xi32>
          %lt3A_198 = arith.cmpi slt, %broadcast_in_dim3A_195, %lt3A_197 : vector<16xi32>
          %add3A_199 = arith.constant 16 : i32
          %add3A_200 = vector.broadcast %add3A_199 : i32 to vector<16xi32>
          %add3A_201 = arith.addi %broadcast_in_dim3A_195, %add3A_200 : vector<16xi32>
          %select_n3A_202 = arith.select %lt3A_198, %add3A_201, %broadcast_in_dim3A_195 : vector<16xi1>, vector<16xi32>
          %broadcast_in_dim3A_203 = vector.shape_cast %select_n3A_202 : vector<16xi32> to vector<16x1xi32>
          %gather3A_204 = vector.shape_cast %broadcast_in_dim3A_203 : vector<16x1xi32> to vector<16xi32>
          %gather3A_205 = tpu.dynamic_gather %bitcast_convert_type3A[%gather3A_204] in [0] : vector<16xf32>, vector<16xi32> -> vector<16xf32>
          %add3A_206 = arith.constant 3 : i32
          %add3A_207 = arith.addi %add3A_70, %add3A_206 : i32
          %get3A_208 = arith.index_cast %add3A_207 : i32 to index
          %get3A_209 = arith.constant 0 : index
          %get3A_210 = tpu.vector_load %arg6[%get3A_208, %get3A_209] {strides = array<i32>} : memref<640x32xf32, #tpu.memory_space<vmem>>, vector<1x16xf32>,
          %get3A_211 = vector.shape_cast %get3A_210 : vector<1x16xf32> to vector<16xf32>
          %mul3A_212 = arith.mulf %get3A_211, %gather3A_205 : vector<16xf32>
          %add3A_213 = arith.constant 3 : i32
          %add3A_214 = arith.addi %add3A_70, %add3A_213 : i32
          %swap3A_215 = arith.index_cast %add3A_214 : i32 to index
          %swap3A_216 = arith.constant 0 : index
          %swap3A_217 = tpu.vector_load %arg6[%swap3A_215, %swap3A_216] {strides = array<i32>} : memref<640x32xf32, #tpu.memory_space<vmem>>, vector<1x16xf32>,
          %swap3A_218 = vector.shape_cast %swap3A_217 : vector<1x16xf32> to vector<16xf32>
          %swap3A_219 = vector.shape_cast %mul3A_212 : vector<16xf32> to vector<1x16xf32>
          tpu.vector_store %arg6[%swap3A_215, %swap3A_216], %swap3A_219 {strides = array<i32>} : memref<640x32xf32, #tpu.memory_space<vmem>>, vector<1x16xf32>,
          %add3A_220 = arith.constant 3 : i32
          %add3A_221 = arith.addi %add3A_70, %add3A_220 : i32
          %get3A_222 = arith.index_cast %add3A_221 : i32 to index
          %get3A_223 = arith.constant 16 : index
          %get3A_224 = tpu.vector_load %arg6[%get3A_222, %get3A_223] {strides = array<i32>} : memref<640x32xf32, #tpu.memory_space<vmem>>, vector<1x16xf32>,
          %get3A_225 = vector.shape_cast %get3A_224 : vector<1x16xf32> to vector<16xf32>
          %mul3A_226 = arith.mulf %get3A_225, %gather3A_205 : vector<16xf32>
          %add3A_227 = arith.constant 3 : i32
          %add3A_228 = arith.addi %add3A_70, %add3A_227 : i32
          %swap3A_229 = arith.index_cast %add3A_228 : i32 to index
          %swap3A_230 = arith.constant 16 : index
          %swap3A_231 = tpu.vector_load %arg6[%swap3A_229, %swap3A_230] {strides = array<i32>} : memref<640x32xf32, #tpu.memory_space<vmem>>, vector<1x16xf32>,
          %swap3A_232 = vector.shape_cast %swap3A_231 : vector<1x16xf32> to vector<16xf32>
          %swap3A_233 = vector.shape_cast %mul3A_226 : vector<16xf32> to vector<1x16xf32>
          tpu.vector_store %arg6[%swap3A_229, %swap3A_230], %swap3A_233 {strides = array<i32>} : memref<640x32xf32, #tpu.memory_space<vmem>>, vector<1x16xf32>,
          %broadcast_in_dim3A_234 = arith.constant 4 : i32
          %broadcast_in_dim3A_235 = vector.broadcast %broadcast_in_dim3A_234 : i32 to vector<16xi32>
          %lt3A_236 = arith.constant 0 : i32
          %lt3A_237 = vector.broadcast %lt3A_236 : i32 to vector<16xi32>
          %lt3A_238 = arith.cmpi slt, %broadcast_in_dim3A_235, %lt3A_237 : vector<16xi32>
          %add3A_239 = arith.constant 16 : i32
          %add3A_240 = vector.broadcast %add3A_239 : i32 to vector<16xi32>
          %add3A_241 = arith.addi %broadcast_in_dim3A_235, %add3A_240 : vector<16xi32>
          %select_n3A_242 = arith.select %lt3A_238, %add3A_241, %broadcast_in_dim3A_235 : vector<16xi1>, vector<16xi32>
          %broadcast_in_dim3A_243 = vector.shape_cast %select_n3A_242 : vector<16xi32> to vector<16x1xi32>
          %gather3A_244 = vector.shape_cast %broadcast_in_dim3A_243 : vector<16x1xi32> to vector<16xi32>
          %gather3A_245 = tpu.dynamic_gather %bitcast_convert_type3A[%gather3A_244] in [0] : vector<16xf32>, vector<16xi32> -> vector<16xf32>
          %add3A_246 = arith.constant 4 : i32
          %add3A_247 = arith.addi %add3A_70, %add3A_246 : i32
          %get3A_248 = arith.index_cast %add3A_247 : i32 to index
          %get3A_249 = arith.constant 0 : index
          %get3A_250 = tpu.vector_load %arg6[%get3A_248, %get3A_249] {strides = array<i32>} : memref<640x32xf32, #tpu.memory_space<vmem>>, vector<1x16xf32>,
          %get3A_251 = vector.shape_cast %get3A_250 : vector<1x16xf32> to vector<16xf32>
          %mul3A_252 = arith.mulf %get3A_251, %gather3A_245 : vector<16xf32>
          %add3A_253 = arith.constant 4 : i32
          %add3A_254 = arith.addi %add3A_70, %add3A_253 : i32
          %swap3A_255 = arith.index_cast %add3A_254 : i32 to index
          %swap3A_256 = arith.constant 0 : index
          %swap3A_257 = tpu.vector_load %arg6[%swap3A_255, %swap3A_256] {strides = array<i32>} : memref<640x32xf32, #tpu.memory_space<vmem>>, vector<1x16xf32>,
          %swap3A_258 = vector.shape_cast %swap3A_257 : vector<1x16xf32> to vector<16xf32>
          %swap3A_259 = vector.shape_cast %mul3A_252 : vector<16xf32> to vector<1x16xf32>
          tpu.vector_store %arg6[%swap3A_255, %swap3A_256], %swap3A_259 {strides = array<i32>} : memref<640x32xf32, #tpu.memory_space<vmem>>, vector<1x16xf32>,
          %add3A_260 = arith.constant 4 : i32
          %add3A_261 = arith.addi %add3A_70, %add3A_260 : i32
          %get3A_262 = arith.index_cast %add3A_261 : i32 to index
          %get3A_263 = arith.constant 16 : index
          %get3A_264 = tpu.vector_load %arg6[%get3A_262, %get3A_263] {strides = array<i32>} : memref<640x32xf32, #tpu.memory_space<vmem>>, vector<1x16xf32>,
          %get3A_265 = vector.shape_cast %get3A_264 : vector<1x16xf32> to vector<16xf32>
          %mul3A_266 = arith.mulf %get3A_265, %gather3A_245 : vector<16xf32>
          %add3A_267 = arith.constant 4 : i32
          %add3A_268 = arith.addi %add3A_70, %add3A_267 : i32
          %swap3A_269 = arith.index_cast %add3A_268 : i32 to index
          %swap3A_270 = arith.constant 16 : index
          %swap3A_271 = tpu.vector_load %arg6[%swap3A_269, %swap3A_270] {strides = array<i32>} : memref<640x32xf32, #tpu.memory_space<vmem>>, vector<1x16xf32>,
          %swap3A_272 = vector.shape_cast %swap3A_271 : vector<1x16xf32> to vector<16xf32>
          %swap3A_273 = vector.shape_cast %mul3A_266 : vector<16xf32> to vector<1x16xf32>
          tpu.vector_store %arg6[%swap3A_269, %swap3A_270], %swap3A_273 {strides = array<i32>} : memref<640x32xf32, #tpu.memory_space<vmem>>, vector<1x16xf32>,
          %broadcast_in_dim3A_274 = arith.constant 5 : i32
          %broadcast_in_dim3A_275 = vector.broadcast %broadcast_in_dim3A_274 : i32 to vector<16xi32>
          %lt3A_276 = arith.constant 0 : i32
          %lt3A_277 = vector.broadcast %lt3A_276 : i32 to vector<16xi32>
          %lt3A_278 = arith.cmpi slt, %broadcast_in_dim3A_275, %lt3A_277 : vector<16xi32>
          %add3A_279 = arith.constant 16 : i32
          %add3A_280 = vector.broadcast %add3A_279 : i32 to vector<16xi32>
          %add3A_281 = arith.addi %broadcast_in_dim3A_275, %add3A_280 : vector<16xi32>
          %select_n3A_282 = arith.select %lt3A_278, %add3A_281, %broadcast_in_dim3A_275 : vector<16xi1>, vector<16xi32>
          %broadcast_in_dim3A_283 = vector.shape_cast %select_n3A_282 : vector<16xi32> to vector<16x1xi32>
          %gather3A_284 = vector.shape_cast %broadcast_in_dim3A_283 : vector<16x1xi32> to vector<16xi32>
          %gather3A_285 = tpu.dynamic_gather %bitcast_convert_type3A[%gather3A_284] in [0] : vector<16xf32>, vector<16xi32> -> vector<16xf32>
          %add3A_286 = arith.constant 5 : i32
          %add3A_287 = arith.addi %add3A_70, %add3A_286 : i32
          %get3A_288 = arith.index_cast %add3A_287 : i32 to index
          %get3A_289 = arith.constant 0 : index
          %get3A_290 = tpu.vector_load %arg6[%get3A_288, %get3A_289] {strides = array<i32>} : memref<640x32xf32, #tpu.memory_space<vmem>>, vector<1x16xf32>,
          %get3A_291 = vector.shape_cast %get3A_290 : vector<1x16xf32> to vector<16xf32>
          %mul3A_292 = arith.mulf %get3A_291, %gather3A_285 : vector<16xf32>
          %add3A_293 = arith.constant 5 : i32
          %add3A_294 = arith.addi %add3A_70, %add3A_293 : i32
          %swap3A_295 = arith.index_cast %add3A_294 : i32 to index
          %swap3A_296 = arith.constant 0 : index
          %swap3A_297 = tpu.vector_load %arg6[%swap3A_295, %swap3A_296] {strides = array<i32>} : memref<640x32xf32, #tpu.memory_space<vmem>>, vector<1x16xf32>,
          %swap3A_298 = vector.shape_cast %swap3A_297 : vector<1x16xf32> to vector<16xf32>
          %swap3A_299 = vector.shape_cast %mul3A_292 : vector<16xf32> to vector<1x16xf32>
          tpu.vector_store %arg6[%swap3A_295, %swap3A_296], %swap3A_299 {strides = array<i32>} : memref<640x32xf32, #tpu.memory_space<vmem>>, vector<1x16xf32>,
          %add3A_300 = arith.constant 5 : i32
          %add3A_301 = arith.addi %add3A_70, %add3A_300 : i32
          %get3A_302 = arith.index_cast %add3A_301 : i32 to index
          %get3A_303 = arith.constant 16 : index
          %get3A_304 = tpu.vector_load %arg6[%get3A_302, %get3A_303] {strides = array<i32>} : memref<640x32xf32, #tpu.memory_space<vmem>>, vector<1x16xf32>,
          %get3A_305 = vector.shape_cast %get3A_304 : vector<1x16xf32> to vector<16xf32>
          %mul3A_306 = arith.mulf %get3A_305, %gather3A_285 : vector<16xf32>
          %add3A_307 = arith.constant 5 : i32
          %add3A_308 = arith.addi %add3A_70, %add3A_307 : i32
          %swap3A_309 = arith.index_cast %add3A_308 : i32 to index
          %swap3A_310 = arith.constant 16 : index
          %swap3A_311 = tpu.vector_load %arg6[%swap3A_309, %swap3A_310] {strides = array<i32>} : memref<640x32xf32, #tpu.memory_space<vmem>>, vector<1x16xf32>,
          %swap3A_312 = vector.shape_cast %swap3A_311 : vector<1x16xf32> to vector<16xf32>
          %swap3A_313 = vector.shape_cast %mul3A_306 : vector<16xf32> to vector<1x16xf32>
          tpu.vector_store %arg6[%swap3A_309, %swap3A_310], %swap3A_313 {strides = array<i32>} : memref<640x32xf32, #tpu.memory_space<vmem>>, vector<1x16xf32>,
          %broadcast_in_dim3A_314 = arith.constant 6 : i32
          %broadcast_in_dim3A_315 = vector.broadcast %broadcast_in_dim3A_314 : i32 to vector<16xi32>
          %lt3A_316 = arith.constant 0 : i32
          %lt3A_317 = vector.broadcast %lt3A_316 : i32 to vector<16xi32>
          %lt3A_318 = arith.cmpi slt, %broadcast_in_dim3A_315, %lt3A_317 : vector<16xi32>
          %add3A_319 = arith.constant 16 : i32
          %add3A_320 = vector.broadcast %add3A_319 : i32 to vector<16xi32>
          %add3A_321 = arith.addi %broadcast_in_dim3A_315, %add3A_320 : vector<16xi32>
          %select_n3A_322 = arith.select %lt3A_318, %add3A_321, %broadcast_in_dim3A_315 : vector<16xi1>, vector<16xi32>
          %broadcast_in_dim3A_323 = vector.shape_cast %select_n3A_322 : vector<16xi32> to vector<16x1xi32>
          %gather3A_324 = vector.shape_cast %broadcast_in_dim3A_323 : vector<16x1xi32> to vector<16xi32>
          %gather3A_325 = tpu.dynamic_gather %bitcast_convert_type3A[%gather3A_324] in [0] : vector<16xf32>, vector<16xi32> -> vector<16xf32>
          %add3A_326 = arith.constant 6 : i32
          %add3A_327 = arith.addi %add3A_70, %add3A_326 : i32
          %get3A_328 = arith.index_cast %add3A_327 : i32 to index
          %get3A_329 = arith.constant 0 : index
          %get3A_330 = tpu.vector_load %arg6[%get3A_328, %get3A_329] {strides = array<i32>} : memref<640x32xf32, #tpu.memory_space<vmem>>, vector<1x16xf32>,
          %get3A_331 = vector.shape_cast %get3A_330 : vector<1x16xf32> to vector<16xf32>
          %mul3A_332 = arith.mulf %get3A_331, %gather3A_325 : vector<16xf32>
          %add3A_333 = arith.constant 6 : i32
          %add3A_334 = arith.addi %add3A_70, %add3A_333 : i32
          %swap3A_335 = arith.index_cast %add3A_334 : i32 to index
          %swap3A_336 = arith.constant 0 : index
          %swap3A_337 = tpu.vector_load %arg6[%swap3A_335, %swap3A_336] {strides = array<i32>} : memref<640x32xf32, #tpu.memory_space<vmem>>, vector<1x16xf32>,
          %swap3A_338 = vector.shape_cast %swap3A_337 : vector<1x16xf32> to vector<16xf32>
          %swap3A_339 = vector.shape_cast %mul3A_332 : vector<16xf32> to vector<1x16xf32>
          tpu.vector_store %arg6[%swap3A_335, %swap3A_336], %swap3A_339 {strides = array<i32>} : memref<640x32xf32, #tpu.memory_space<vmem>>, vector<1x16xf32>,
          %add3A_340 = arith.constant 6 : i32
          %add3A_341 = arith.addi %add3A_70, %add3A_340 : i32
          %get3A_342 = arith.index_cast %add3A_341 : i32 to index
          %get3A_343 = arith.constant 16 : index
          %get3A_344 = tpu.vector_load %arg6[%get3A_342, %get3A_343] {strides = array<i32>} : memref<640x32xf32, #tpu.memory_space<vmem>>, vector<1x16xf32>,
          %get3A_345 = vector.shape_cast %get3A_344 : vector<1x16xf32> to vector<16xf32>
          %mul3A_346 = arith.mulf %get3A_345, %gather3A_325 : vector<16xf32>
          %add3A_347 = arith.constant 6 : i32
          %add3A_348 = arith.addi %add3A_70, %add3A_347 : i32
          %swap3A_349 = arith.index_cast %add3A_348 : i32 to index
          %swap3A_350 = arith.constant 16 : index
          %swap3A_351 = tpu.vector_load %arg6[%swap3A_349, %swap3A_350] {strides = array<i32>} : memref<640x32xf32, #tpu.memory_space<vmem>>, vector<1x16xf32>,
          %swap3A_352 = vector.shape_cast %swap3A_351 : vector<1x16xf32> to vector<16xf32>
          %swap3A_353 = vector.shape_cast %mul3A_346 : vector<16xf32> to vector<1x16xf32>
          tpu.vector_store %arg6[%swap3A_349, %swap3A_350], %swap3A_353 {strides = array<i32>} : memref<640x32xf32, #tpu.memory_space<vmem>>, vector<1x16xf32>,
          %broadcast_in_dim3A_354 = arith.constant 7 : i32
          %broadcast_in_dim3A_355 = vector.broadcast %broadcast_in_dim3A_354 : i32 to vector<16xi32>
          %lt3A_356 = arith.constant 0 : i32
          %lt3A_357 = vector.broadcast %lt3A_356 : i32 to vector<16xi32>
          %lt3A_358 = arith.cmpi slt, %broadcast_in_dim3A_355, %lt3A_357 : vector<16xi32>
          %add3A_359 = arith.constant 16 : i32
          %add3A_360 = vector.broadcast %add3A_359 : i32 to vector<16xi32>
          %add3A_361 = arith.addi %broadcast_in_dim3A_355, %add3A_360 : vector<16xi32>
          %select_n3A_362 = arith.select %lt3A_358, %add3A_361, %broadcast_in_dim3A_355 : vector<16xi1>, vector<16xi32>
          %broadcast_in_dim3A_363 = vector.shape_cast %select_n3A_362 : vector<16xi32> to vector<16x1xi32>
          %gather3A_364 = vector.shape_cast %broadcast_in_dim3A_363 : vector<16x1xi32> to vector<16xi32>
          %gather3A_365 = tpu.dynamic_gather %bitcast_convert_type3A[%gather3A_364] in [0] : vector<16xf32>, vector<16xi32> -> vector<16xf32>
          %add3A_366 = arith.constant 7 : i32
          %add3A_367 = arith.addi %add3A_70, %add3A_366 : i32
          %get3A_368 = arith.index_cast %add3A_367 : i32 to index
          %get3A_369 = arith.constant 0 : index
          %get3A_370 = tpu.vector_load %arg6[%get3A_368, %get3A_369] {strides = array<i32>} : memref<640x32xf32, #tpu.memory_space<vmem>>, vector<1x16xf32>,
          %get3A_371 = vector.shape_cast %get3A_370 : vector<1x16xf32> to vector<16xf32>
          %mul3A_372 = arith.mulf %get3A_371, %gather3A_365 : vector<16xf32>
          %add3A_373 = arith.constant 7 : i32
          %add3A_374 = arith.addi %add3A_70, %add3A_373 : i32
          %swap3A_375 = arith.index_cast %add3A_374 : i32 to index
          %swap3A_376 = arith.constant 0 : index
          %swap3A_377 = tpu.vector_load %arg6[%swap3A_375, %swap3A_376] {strides = array<i32>} : memref<640x32xf32, #tpu.memory_space<vmem>>, vector<1x16xf32>,
          %swap3A_378 = vector.shape_cast %swap3A_377 : vector<1x16xf32> to vector<16xf32>
          %swap3A_379 = vector.shape_cast %mul3A_372 : vector<16xf32> to vector<1x16xf32>
          tpu.vector_store %arg6[%swap3A_375, %swap3A_376], %swap3A_379 {strides = array<i32>} : memref<640x32xf32, #tpu.memory_space<vmem>>, vector<1x16xf32>,
          %add3A_380 = arith.constant 7 : i32
          %add3A_381 = arith.addi %add3A_70, %add3A_380 : i32
          %get3A_382 = arith.index_cast %add3A_381 : i32 to index
          %get3A_383 = arith.constant 16 : index
          %get3A_384 = tpu.vector_load %arg6[%get3A_382, %get3A_383] {strides = array<i32>} : memref<640x32xf32, #tpu.memory_space<vmem>>, vector<1x16xf32>,
          %get3A_385 = vector.shape_cast %get3A_384 : vector<1x16xf32> to vector<16xf32>
          %mul3A_386 = arith.mulf %get3A_385, %gather3A_365 : vector<16xf32>
          %add3A_387 = arith.constant 7 : i32
          %add3A_388 = arith.addi %add3A_70, %add3A_387 : i32
          %swap3A_389 = arith.index_cast %add3A_388 : i32 to index
          %swap3A_390 = arith.constant 16 : index
          %swap3A_391 = tpu.vector_load %arg6[%swap3A_389, %swap3A_390] {strides = array<i32>} : memref<640x32xf32, #tpu.memory_space<vmem>>, vector<1x16xf32>,
          %swap3A_392 = vector.shape_cast %swap3A_391 : vector<1x16xf32> to vector<16xf32>
          %swap3A_393 = vector.shape_cast %mul3A_386 : vector<16xf32> to vector<1x16xf32>
          tpu.vector_store %arg6[%swap3A_389, %swap3A_390], %swap3A_393 {strides = array<i32>} : memref<640x32xf32, #tpu.memory_space<vmem>>, vector<1x16xf32>,
          %broadcast_in_dim3A_394 = arith.constant 8 : i32
          %broadcast_in_dim3A_395 = vector.broadcast %broadcast_in_dim3A_394 : i32 to vector<16xi32>
          %lt3A_396 = arith.constant 0 : i32
          %lt3A_397 = vector.broadcast %lt3A_396 : i32 to vector<16xi32>
          %lt3A_398 = arith.cmpi slt, %broadcast_in_dim3A_395, %lt3A_397 : vector<16xi32>
          %add3A_399 = arith.constant 16 : i32
          %add3A_400 = vector.broadcast %add3A_399 : i32 to vector<16xi32>
          %add3A_401 = arith.addi %broadcast_in_dim3A_395, %add3A_400 : vector<16xi32>
          %select_n3A_402 = arith.select %lt3A_398, %add3A_401, %broadcast_in_dim3A_395 : vector<16xi1>, vector<16xi32>
          %broadcast_in_dim3A_403 = vector.shape_cast %select_n3A_402 : vector<16xi32> to vector<16x1xi32>
          %gather3A_404 = vector.shape_cast %broadcast_in_dim3A_403 : vector<16x1xi32> to vector<16xi32>
          %gather3A_405 = tpu.dynamic_gather %bitcast_convert_type3A[%gather3A_404] in [0] : vector<16xf32>, vector<16xi32> -> vector<16xf32>
          %add3A_406 = arith.constant 8 : i32
          %add3A_407 = arith.addi %add3A_70, %add3A_406 : i32
          %get3A_408 = arith.index_cast %add3A_407 : i32 to index
          %get3A_409 = arith.constant 0 : index
          %get3A_410 = tpu.vector_load %arg6[%get3A_408, %get3A_409] {strides = array<i32>} : memref<640x32xf32, #tpu.memory_space<vmem>>, vector<1x16xf32>,
          %get3A_411 = vector.shape_cast %get3A_410 : vector<1x16xf32> to vector<16xf32>
          %mul3A_412 = arith.mulf %get3A_411, %gather3A_405 : vector<16xf32>
          %add3A_413 = arith.constant 8 : i32
          %add3A_414 = arith.addi %add3A_70, %add3A_413 : i32
          %swap3A_415 = arith.index_cast %add3A_414 : i32 to index
          %swap3A_416 = arith.constant 0 : index
          %swap3A_417 = tpu.vector_load %arg6[%swap3A_415, %swap3A_416] {strides = array<i32>} : memref<640x32xf32, #tpu.memory_space<vmem>>, vector<1x16xf32>,
          %swap3A_418 = vector.shape_cast %swap3A_417 : vector<1x16xf32> to vector<16xf32>
          %swap3A_419 = vector.shape_cast %mul3A_412 : vector<16xf32> to vector<1x16xf32>
          tpu.vector_store %arg6[%swap3A_415, %swap3A_416], %swap3A_419 {strides = array<i32>} : memref<640x32xf32, #tpu.memory_space<vmem>>, vector<1x16xf32>,
          %add3A_420 = arith.constant 8 : i32
          %add3A_421 = arith.addi %add3A_70, %add3A_420 : i32
          %get3A_422 = arith.index_cast %add3A_421 : i32 to index
          %get3A_423 = arith.constant 16 : index
          %get3A_424 = tpu.vector_load %arg6[%get3A_422, %get3A_423] {strides = array<i32>} : memref<640x32xf32, #tpu.memory_space<vmem>>, vector<1x16xf32>,
          %get3A_425 = vector.shape_cast %get3A_424 : vector<1x16xf32> to vector<16xf32>
          %mul3A_426 = arith.mulf %get3A_425, %gather3A_405 : vector<16xf32>
          %add3A_427 = arith.constant 8 : i32
          %add3A_428 = arith.addi %add3A_70, %add3A_427 : i32
          %swap3A_429 = arith.index_cast %add3A_428 : i32 to index
          %swap3A_430 = arith.constant 16 : index
          %swap3A_431 = tpu.vector_load %arg6[%swap3A_429, %swap3A_430] {strides = array<i32>} : memref<640x32xf32, #tpu.memory_space<vmem>>, vector<1x16xf32>,
          %swap3A_432 = vector.shape_cast %swap3A_431 : vector<1x16xf32> to vector<16xf32>
          %swap3A_433 = vector.shape_cast %mul3A_426 : vector<16xf32> to vector<1x16xf32>
          tpu.vector_store %arg6[%swap3A_429, %swap3A_430], %swap3A_433 {strides = array<i32>} : memref<640x32xf32, #tpu.memory_space<vmem>>, vector<1x16xf32>,
          %broadcast_in_dim3A_434 = arith.constant 9 : i32
          %broadcast_in_dim3A_435 = vector.broadcast %broadcast_in_dim3A_434 : i32 to vector<16xi32>
          %lt3A_436 = arith.constant 0 : i32
          %lt3A_437 = vector.broadcast %lt3A_436 : i32 to vector<16xi32>
          %lt3A_438 = arith.cmpi slt, %broadcast_in_dim3A_435, %lt3A_437 : vector<16xi32>
          %add3A_439 = arith.constant 16 : i32
          %add3A_440 = vector.broadcast %add3A_439 : i32 to vector<16xi32>
          %add3A_441 = arith.addi %broadcast_in_dim3A_435, %add3A_440 : vector<16xi32>
          %select_n3A_442 = arith.select %lt3A_438, %add3A_441, %broadcast_in_dim3A_435 : vector<16xi1>, vector<16xi32>
          %broadcast_in_dim3A_443 = vector.shape_cast %select_n3A_442 : vector<16xi32> to vector<16x1xi32>
          %gather3A_444 = vector.shape_cast %broadcast_in_dim3A_443 : vector<16x1xi32> to vector<16xi32>
          %gather3A_445 = tpu.dynamic_gather %bitcast_convert_type3A[%gather3A_444] in [0] : vector<16xf32>, vector<16xi32> -> vector<16xf32>
          %add3A_446 = arith.constant 9 : i32
          %add3A_447 = arith.addi %add3A_70, %add3A_446 : i32
          %get3A_448 = arith.index_cast %add3A_447 : i32 to index
          %get3A_449 = arith.constant 0 : index
          %get3A_450 = tpu.vector_load %arg6[%get3A_448, %get3A_449] {strides = array<i32>} : memref<640x32xf32, #tpu.memory_space<vmem>>, vector<1x16xf32>,
          %get3A_451 = vector.shape_cast %get3A_450 : vector<1x16xf32> to vector<16xf32>
          %mul3A_452 = arith.mulf %get3A_451, %gather3A_445 : vector<16xf32>
          %add3A_453 = arith.constant 9 : i32
          %add3A_454 = arith.addi %add3A_70, %add3A_453 : i32
          %swap3A_455 = arith.index_cast %add3A_454 : i32 to index
          %swap3A_456 = arith.constant 0 : index
          %swap3A_457 = tpu.vector_load %arg6[%swap3A_455, %swap3A_456] {strides = array<i32>} : memref<640x32xf32, #tpu.memory_space<vmem>>, vector<1x16xf32>,
          %swap3A_458 = vector.shape_cast %swap3A_457 : vector<1x16xf32> to vector<16xf32>
          %swap3A_459 = vector.shape_cast %mul3A_452 : vector<16xf32> to vector<1x16xf32>
          tpu.vector_store %arg6[%swap3A_455, %swap3A_456], %swap3A_459 {strides = array<i32>} : memref<640x32xf32, #tpu.memory_space<vmem>>, vector<1x16xf32>,
          %add3A_460 = arith.constant 9 : i32
          %add3A_461 = arith.addi %add3A_70, %add3A_460 : i32
          %get3A_462 = arith.index_cast %add3A_461 : i32 to index
          %get3A_463 = arith.constant 16 : index
          %get3A_464 = tpu.vector_load %arg6[%get3A_462, %get3A_463] {strides = array<i32>} : memref<640x32xf32, #tpu.memory_space<vmem>>, vector<1x16xf32>,
          %get3A_465 = vector.shape_cast %get3A_464 : vector<1x16xf32> to vector<16xf32>
          %mul3A_466 = arith.mulf %get3A_465, %gather3A_445 : vector<16xf32>
          %add3A_467 = arith.constant 9 : i32
          %add3A_468 = arith.addi %add3A_70, %add3A_467 : i32
          %swap3A_469 = arith.index_cast %add3A_468 : i32 to index
          %swap3A_470 = arith.constant 16 : index
          %swap3A_471 = tpu.vector_load %arg6[%swap3A_469, %swap3A_470] {strides = array<i32>} : memref<640x32xf32, #tpu.memory_space<vmem>>, vector<1x16xf32>,
          %swap3A_472 = vector.shape_cast %swap3A_471 : vector<1x16xf32> to vector<16xf32>
          %swap3A_473 = vector.shape_cast %mul3A_466 : vector<16xf32> to vector<1x16xf32>
          tpu.vector_store %arg6[%swap3A_469, %swap3A_470], %swap3A_473 {strides = array<i32>} : memref<640x32xf32, #tpu.memory_space<vmem>>, vector<1x16xf32>,
          %broadcast_in_dim3A_474 = arith.constant 10 : i32
          %broadcast_in_dim3A_475 = vector.broadcast %broadcast_in_dim3A_474 : i32 to vector<16xi32>
          %lt3A_476 = arith.constant 0 : i32
          %lt3A_477 = vector.broadcast %lt3A_476 : i32 to vector<16xi32>
          %lt3A_478 = arith.cmpi slt, %broadcast_in_dim3A_475, %lt3A_477 : vector<16xi32>
          %add3A_479 = arith.constant 16 : i32
          %add3A_480 = vector.broadcast %add3A_479 : i32 to vector<16xi32>
          %add3A_481 = arith.addi %broadcast_in_dim3A_475, %add3A_480 : vector<16xi32>
          %select_n3A_482 = arith.select %lt3A_478, %add3A_481, %broadcast_in_dim3A_475 : vector<16xi1>, vector<16xi32>
          %broadcast_in_dim3A_483 = vector.shape_cast %select_n3A_482 : vector<16xi32> to vector<16x1xi32>
          %gather3A_484 = vector.shape_cast %broadcast_in_dim3A_483 : vector<16x1xi32> to vector<16xi32>
          %gather3A_485 = tpu.dynamic_gather %bitcast_convert_type3A[%gather3A_484] in [0] : vector<16xf32>, vector<16xi32> -> vector<16xf32>
          %add3A_486 = arith.constant 10 : i32
          %add3A_487 = arith.addi %add3A_70, %add3A_486 : i32
          %get3A_488 = arith.index_cast %add3A_487 : i32 to index
          %get3A_489 = arith.constant 0 : index
          %get3A_490 = tpu.vector_load %arg6[%get3A_488, %get3A_489] {strides = array<i32>} : memref<640x32xf32, #tpu.memory_space<vmem>>, vector<1x16xf32>,
          %get3A_491 = vector.shape_cast %get3A_490 : vector<1x16xf32> to vector<16xf32>
          %mul3A_492 = arith.mulf %get3A_491, %gather3A_485 : vector<16xf32>
          %add3A_493 = arith.constant 10 : i32
          %add3A_494 = arith.addi %add3A_70, %add3A_493 : i32
          %swap3A_495 = arith.index_cast %add3A_494 : i32 to index
          %swap3A_496 = arith.constant 0 : index
          %swap3A_497 = tpu.vector_load %arg6[%swap3A_495, %swap3A_496] {strides = array<i32>} : memref<640x32xf32, #tpu.memory_space<vmem>>, vector<1x16xf32>,
          %swap3A_498 = vector.shape_cast %swap3A_497 : vector<1x16xf32> to vector<16xf32>
          %swap3A_499 = vector.shape_cast %mul3A_492 : vector<16xf32> to vector<1x16xf32>
          tpu.vector_store %arg6[%swap3A_495, %swap3A_496], %swap3A_499 {strides = array<i32>} : memref<640x32xf32, #tpu.memory_space<vmem>>, vector<1x16xf32>,
          %add3A_500 = arith.constant 10 : i32
          %add3A_501 = arith.addi %add3A_70, %add3A_500 : i32
          %get3A_502 = arith.index_cast %add3A_501 : i32 to index
          %get3A_503 = arith.constant 16 : index
          %get3A_504 = tpu.vector_load %arg6[%get3A_502, %get3A_503] {strides = array<i32>} : memref<640x32xf32, #tpu.memory_space<vmem>>, vector<1x16xf32>,
          %get3A_505 = vector.shape_cast %get3A_504 : vector<1x16xf32> to vector<16xf32>
          %mul3A_506 = arith.mulf %get3A_505, %gather3A_485 : vector<16xf32>
          %add3A_507 = arith.constant 10 : i32
          %add3A_508 = arith.addi %add3A_70, %add3A_507 : i32
          %swap3A_509 = arith.index_cast %add3A_508 : i32 to index
          %swap3A_510 = arith.constant 16 : index
          %swap3A_511 = tpu.vector_load %arg6[%swap3A_509, %swap3A_510] {strides = array<i32>} : memref<640x32xf32, #tpu.memory_space<vmem>>, vector<1x16xf32>,
          %swap3A_512 = vector.shape_cast %swap3A_511 : vector<1x16xf32> to vector<16xf32>
          %swap3A_513 = vector.shape_cast %mul3A_506 : vector<16xf32> to vector<1x16xf32>
          tpu.vector_store %arg6[%swap3A_509, %swap3A_510], %swap3A_513 {strides = array<i32>} : memref<640x32xf32, #tpu.memory_space<vmem>>, vector<1x16xf32>,
          %broadcast_in_dim3A_514 = arith.constant 11 : i32
          %broadcast_in_dim3A_515 = vector.broadcast %broadcast_in_dim3A_514 : i32 to vector<16xi32>
          %lt3A_516 = arith.constant 0 : i32
          %lt3A_517 = vector.broadcast %lt3A_516 : i32 to vector<16xi32>
          %lt3A_518 = arith.cmpi slt, %broadcast_in_dim3A_515, %lt3A_517 : vector<16xi32>
          %add3A_519 = arith.constant 16 : i32
          %add3A_520 = vector.broadcast %add3A_519 : i32 to vector<16xi32>
          %add3A_521 = arith.addi %broadcast_in_dim3A_515, %add3A_520 : vector<16xi32>
          %select_n3A_522 = arith.select %lt3A_518, %add3A_521, %broadcast_in_dim3A_515 : vector<16xi1>, vector<16xi32>
          %broadcast_in_dim3A_523 = vector.shape_cast %select_n3A_522 : vector<16xi32> to vector<16x1xi32>
          %gather3A_524 = vector.shape_cast %broadcast_in_dim3A_523 : vector<16x1xi32> to vector<16xi32>
          %gather3A_525 = tpu.dynamic_gather %bitcast_convert_type3A[%gather3A_524] in [0] : vector<16xf32>, vector<16xi32> -> vector<16xf32>
          %add3A_526 = arith.constant 11 : i32
          %add3A_527 = arith.addi %add3A_70, %add3A_526 : i32
          %get3A_528 = arith.index_cast %add3A_527 : i32 to index
          %get3A_529 = arith.constant 0 : index
          %get3A_530 = tpu.vector_load %arg6[%get3A_528, %get3A_529] {strides = array<i32>} : memref<640x32xf32, #tpu.memory_space<vmem>>, vector<1x16xf32>,
          %get3A_531 = vector.shape_cast %get3A_530 : vector<1x16xf32> to vector<16xf32>
          %mul3A_532 = arith.mulf %get3A_531, %gather3A_525 : vector<16xf32>
          %add3A_533 = arith.constant 11 : i32
          %add3A_534 = arith.addi %add3A_70, %add3A_533 : i32
          %swap3A_535 = arith.index_cast %add3A_534 : i32 to index
          %swap3A_536 = arith.constant 0 : index
          %swap3A_537 = tpu.vector_load %arg6[%swap3A_535, %swap3A_536] {strides = array<i32>} : memref<640x32xf32, #tpu.memory_space<vmem>>, vector<1x16xf32>,
          %swap3A_538 = vector.shape_cast %swap3A_537 : vector<1x16xf32> to vector<16xf32>
          %swap3A_539 = vector.shape_cast %mul3A_532 : vector<16xf32> to vector<1x16xf32>
          tpu.vector_store %arg6[%swap3A_535, %swap3A_536], %swap3A_539 {strides = array<i32>} : memref<640x32xf32, #tpu.memory_space<vmem>>, vector<1x16xf32>,
          %add3A_540 = arith.constant 11 : i32
          %add3A_541 = arith.addi %add3A_70, %add3A_540 : i32
          %get3A_542 = arith.index_cast %add3A_541 : i32 to index
          %get3A_543 = arith.constant 16 : index
          %get3A_544 = tpu.vector_load %arg6[%get3A_542, %get3A_543] {strides = array<i32>} : memref<640x32xf32, #tpu.memory_space<vmem>>, vector<1x16xf32>,
          %get3A_545 = vector.shape_cast %get3A_544 : vector<1x16xf32> to vector<16xf32>
          %mul3A_546 = arith.mulf %get3A_545, %gather3A_525 : vector<16xf32>
          %add3A_547 = arith.constant 11 : i32
          %add3A_548 = arith.addi %add3A_70, %add3A_547 : i32
          %swap3A_549 = arith.index_cast %add3A_548 : i32 to index
          %swap3A_550 = arith.constant 16 : index
          %swap3A_551 = tpu.vector_load %arg6[%swap3A_549, %swap3A_550] {strides = array<i32>} : memref<640x32xf32, #tpu.memory_space<vmem>>, vector<1x16xf32>,
          %swap3A_552 = vector.shape_cast %swap3A_551 : vector<1x16xf32> to vector<16xf32>
          %swap3A_553 = vector.shape_cast %mul3A_546 : vector<16xf32> to vector<1x16xf32>
          tpu.vector_store %arg6[%swap3A_549, %swap3A_550], %swap3A_553 {strides = array<i32>} : memref<640x32xf32, #tpu.memory_space<vmem>>, vector<1x16xf32>,
          %broadcast_in_dim3A_554 = arith.constant 12 : i32
          %broadcast_in_dim3A_555 = vector.broadcast %broadcast_in_dim3A_554 : i32 to vector<16xi32>
          %lt3A_556 = arith.constant 0 : i32
          %lt3A_557 = vector.broadcast %lt3A_556 : i32 to vector<16xi32>
          %lt3A_558 = arith.cmpi slt, %broadcast_in_dim3A_555, %lt3A_557 : vector<16xi32>
          %add3A_559 = arith.constant 16 : i32
          %add3A_560 = vector.broadcast %add3A_559 : i32 to vector<16xi32>
          %add3A_561 = arith.addi %broadcast_in_dim3A_555, %add3A_560 : vector<16xi32>
          %select_n3A_562 = arith.select %lt3A_558, %add3A_561, %broadcast_in_dim3A_555 : vector<16xi1>, vector<16xi32>
          %broadcast_in_dim3A_563 = vector.shape_cast %select_n3A_562 : vector<16xi32> to vector<16x1xi32>
          %gather3A_564 = vector.shape_cast %broadcast_in_dim3A_563 : vector<16x1xi32> to vector<16xi32>
          %gather3A_565 = tpu.dynamic_gather %bitcast_convert_type3A[%gather3A_564] in [0] : vector<16xf32>, vector<16xi32> -> vector<16xf32>
          %add3A_566 = arith.constant 12 : i32
          %add3A_567 = arith.addi %add3A_70, %add3A_566 : i32
          %get3A_568 = arith.index_cast %add3A_567 : i32 to index
          %get3A_569 = arith.constant 0 : index
          %get3A_570 = tpu.vector_load %arg6[%get3A_568, %get3A_569] {strides = array<i32>} : memref<640x32xf32, #tpu.memory_space<vmem>>, vector<1x16xf32>,
          %get3A_571 = vector.shape_cast %get3A_570 : vector<1x16xf32> to vector<16xf32>
          %mul3A_572 = arith.mulf %get3A_571, %gather3A_565 : vector<16xf32>
          %add3A_573 = arith.constant 12 : i32
          %add3A_574 = arith.addi %add3A_70, %add3A_573 : i32
          %swap3A_575 = arith.index_cast %add3A_574 : i32 to index
          %swap3A_576 = arith.constant 0 : index
          %swap3A_577 = tpu.vector_load %arg6[%swap3A_575, %swap3A_576] {strides = array<i32>} : memref<640x32xf32, #tpu.memory_space<vmem>>, vector<1x16xf32>,
          %swap3A_578 = vector.shape_cast %swap3A_577 : vector<1x16xf32> to vector<16xf32>
          %swap3A_579 = vector.shape_cast %mul3A_572 : vector<16xf32> to vector<1x16xf32>
          tpu.vector_store %arg6[%swap3A_575, %swap3A_576], %swap3A_579 {strides = array<i32>} : memref<640x32xf32, #tpu.memory_space<vmem>>, vector<1x16xf32>,
          %add3A_580 = arith.constant 12 : i32
          %add3A_581 = arith.addi %add3A_70, %add3A_580 : i32
          %get3A_582 = arith.index_cast %add3A_581 : i32 to index
          %get3A_583 = arith.constant 16 : index
          %get3A_584 = tpu.vector_load %arg6[%get3A_582, %get3A_583] {strides = array<i32>} : memref<640x32xf32, #tpu.memory_space<vmem>>, vector<1x16xf32>,
          %get3A_585 = vector.shape_cast %get3A_584 : vector<1x16xf32> to vector<16xf32>
          %mul3A_586 = arith.mulf %get3A_585, %gather3A_565 : vector<16xf32>
          %add3A_587 = arith.constant 12 : i32
          %add3A_588 = arith.addi %add3A_70, %add3A_587 : i32
          %swap3A_589 = arith.index_cast %add3A_588 : i32 to index
          %swap3A_590 = arith.constant 16 : index
          %swap3A_591 = tpu.vector_load %arg6[%swap3A_589, %swap3A_590] {strides = array<i32>} : memref<640x32xf32, #tpu.memory_space<vmem>>, vector<1x16xf32>,
          %swap3A_592 = vector.shape_cast %swap3A_591 : vector<1x16xf32> to vector<16xf32>
          %swap3A_593 = vector.shape_cast %mul3A_586 : vector<16xf32> to vector<1x16xf32>
          tpu.vector_store %arg6[%swap3A_589, %swap3A_590], %swap3A_593 {strides = array<i32>} : memref<640x32xf32, #tpu.memory_space<vmem>>, vector<1x16xf32>,
          %broadcast_in_dim3A_594 = arith.constant 13 : i32
          %broadcast_in_dim3A_595 = vector.broadcast %broadcast_in_dim3A_594 : i32 to vector<16xi32>
          %lt3A_596 = arith.constant 0 : i32
          %lt3A_597 = vector.broadcast %lt3A_596 : i32 to vector<16xi32>
          %lt3A_598 = arith.cmpi slt, %broadcast_in_dim3A_595, %lt3A_597 : vector<16xi32>
          %add3A_599 = arith.constant 16 : i32
          %add3A_600 = vector.broadcast %add3A_599 : i32 to vector<16xi32>
          %add3A_601 = arith.addi %broadcast_in_dim3A_595, %add3A_600 : vector<16xi32>
          %select_n3A_602 = arith.select %lt3A_598, %add3A_601, %broadcast_in_dim3A_595 : vector<16xi1>, vector<16xi32>
          %broadcast_in_dim3A_603 = vector.shape_cast %select_n3A_602 : vector<16xi32> to vector<16x1xi32>
          %gather3A_604 = vector.shape_cast %broadcast_in_dim3A_603 : vector<16x1xi32> to vector<16xi32>
          %gather3A_605 = tpu.dynamic_gather %bitcast_convert_type3A[%gather3A_604] in [0] : vector<16xf32>, vector<16xi32> -> vector<16xf32>
          %add3A_606 = arith.constant 13 : i32
          %add3A_607 = arith.addi %add3A_70, %add3A_606 : i32
          %get3A_608 = arith.index_cast %add3A_607 : i32 to index
          %get3A_609 = arith.constant 0 : index
          %get3A_610 = tpu.vector_load %arg6[%get3A_608, %get3A_609] {strides = array<i32>} : memref<640x32xf32, #tpu.memory_space<vmem>>, vector<1x16xf32>,
          %get3A_611 = vector.shape_cast %get3A_610 : vector<1x16xf32> to vector<16xf32>
          %mul3A_612 = arith.mulf %get3A_611, %gather3A_605 : vector<16xf32>
          %add3A_613 = arith.constant 13 : i32
          %add3A_614 = arith.addi %add3A_70, %add3A_613 : i32
          %swap3A_615 = arith.index_cast %add3A_614 : i32 to index
          %swap3A_616 = arith.constant 0 : index
          %swap3A_617 = tpu.vector_load %arg6[%swap3A_615, %swap3A_616] {strides = array<i32>} : memref<640x32xf32, #tpu.memory_space<vmem>>, vector<1x16xf32>,
          %swap3A_618 = vector.shape_cast %swap3A_617 : vector<1x16xf32> to vector<16xf32>
          %swap3A_619 = vector.shape_cast %mul3A_612 : vector<16xf32> to vector<1x16xf32>
          tpu.vector_store %arg6[%swap3A_615, %swap3A_616], %swap3A_619 {strides = array<i32>} : memref<640x32xf32, #tpu.memory_space<vmem>>, vector<1x16xf32>,
          %add3A_620 = arith.constant 13 : i32
          %add3A_621 = arith.addi %add3A_70, %add3A_620 : i32
          %get3A_622 = arith.index_cast %add3A_621 : i32 to index
          %get3A_623 = arith.constant 16 : index
          %get3A_624 = tpu.vector_load %arg6[%get3A_622, %get3A_623] {strides = array<i32>} : memref<640x32xf32, #tpu.memory_space<vmem>>, vector<1x16xf32>,
          %get3A_625 = vector.shape_cast %get3A_624 : vector<1x16xf32> to vector<16xf32>
          %mul3A_626 = arith.mulf %get3A_625, %gather3A_605 : vector<16xf32>
          %add3A_627 = arith.constant 13 : i32
          %add3A_628 = arith.addi %add3A_70, %add3A_627 : i32
          %swap3A_629 = arith.index_cast %add3A_628 : i32 to index
          %swap3A_630 = arith.constant 16 : index
          %swap3A_631 = tpu.vector_load %arg6[%swap3A_629, %swap3A_630] {strides = array<i32>} : memref<640x32xf32, #tpu.memory_space<vmem>>, vector<1x16xf32>,
          %swap3A_632 = vector.shape_cast %swap3A_631 : vector<1x16xf32> to vector<16xf32>
          %swap3A_633 = vector.shape_cast %mul3A_626 : vector<16xf32> to vector<1x16xf32>
          tpu.vector_store %arg6[%swap3A_629, %swap3A_630], %swap3A_633 {strides = array<i32>} : memref<640x32xf32, #tpu.memory_space<vmem>>, vector<1x16xf32>,
          %broadcast_in_dim3A_634 = arith.constant 14 : i32
          %broadcast_in_dim3A_635 = vector.broadcast %broadcast_in_dim3A_634 : i32 to vector<16xi32>
          %lt3A_636 = arith.constant 0 : i32
          %lt3A_637 = vector.broadcast %lt3A_636 : i32 to vector<16xi32>
          %lt3A_638 = arith.cmpi slt, %broadcast_in_dim3A_635, %lt3A_637 : vector<16xi32>
          %add3A_639 = arith.constant 16 : i32
          %add3A_640 = vector.broadcast %add3A_639 : i32 to vector<16xi32>
          %add3A_641 = arith.addi %broadcast_in_dim3A_635, %add3A_640 : vector<16xi32>
          %select_n3A_642 = arith.select %lt3A_638, %add3A_641, %broadcast_in_dim3A_635 : vector<16xi1>, vector<16xi32>
          %broadcast_in_dim3A_643 = vector.shape_cast %select_n3A_642 : vector<16xi32> to vector<16x1xi32>
          %gather3A_644 = vector.shape_cast %broadcast_in_dim3A_643 : vector<16x1xi32> to vector<16xi32>
          %gather3A_645 = tpu.dynamic_gather %bitcast_convert_type3A[%gather3A_644] in [0] : vector<16xf32>, vector<16xi32> -> vector<16xf32>
          %add3A_646 = arith.constant 14 : i32
          %add3A_647 = arith.addi %add3A_70, %add3A_646 : i32
          %get3A_648 = arith.index_cast %add3A_647 : i32 to index
          %get3A_649 = arith.constant 0 : index
          %get3A_650 = tpu.vector_load %arg6[%get3A_648, %get3A_649] {strides = array<i32>} : memref<640x32xf32, #tpu.memory_space<vmem>>, vector<1x16xf32>,
          %get3A_651 = vector.shape_cast %get3A_650 : vector<1x16xf32> to vector<16xf32>
          %mul3A_652 = arith.mulf %get3A_651, %gather3A_645 : vector<16xf32>
          %add3A_653 = arith.constant 14 : i32
          %add3A_654 = arith.addi %add3A_70, %add3A_653 : i32
          %swap3A_655 = arith.index_cast %add3A_654 : i32 to index
          %swap3A_656 = arith.constant 0 : index
          %swap3A_657 = tpu.vector_load %arg6[%swap3A_655, %swap3A_656] {strides = array<i32>} : memref<640x32xf32, #tpu.memory_space<vmem>>, vector<1x16xf32>,
          %swap3A_658 = vector.shape_cast %swap3A_657 : vector<1x16xf32> to vector<16xf32>
          %swap3A_659 = vector.shape_cast %mul3A_652 : vector<16xf32> to vector<1x16xf32>
          tpu.vector_store %arg6[%swap3A_655, %swap3A_656], %swap3A_659 {strides = array<i32>} : memref<640x32xf32, #tpu.memory_space<vmem>>, vector<1x16xf32>,
          %add3A_660 = arith.constant 14 : i32
          %add3A_661 = arith.addi %add3A_70, %add3A_660 : i32
          %get3A_662 = arith.index_cast %add3A_661 : i32 to index
          %get3A_663 = arith.constant 16 : index
          %get3A_664 = tpu.vector_load %arg6[%get3A_662, %get3A_663] {strides = array<i32>} : memref<640x32xf32, #tpu.memory_space<vmem>>, vector<1x16xf32>,
          %get3A_665 = vector.shape_cast %get3A_664 : vector<1x16xf32> to vector<16xf32>
          %mul3A_666 = arith.mulf %get3A_665, %gather3A_645 : vector<16xf32>
          %add3A_667 = arith.constant 14 : i32
          %add3A_668 = arith.addi %add3A_70, %add3A_667 : i32
          %swap3A_669 = arith.index_cast %add3A_668 : i32 to index
          %swap3A_670 = arith.constant 16 : index
          %swap3A_671 = tpu.vector_load %arg6[%swap3A_669, %swap3A_670] {strides = array<i32>} : memref<640x32xf32, #tpu.memory_space<vmem>>, vector<1x16xf32>,
          %swap3A_672 = vector.shape_cast %swap3A_671 : vector<1x16xf32> to vector<16xf32>
          %swap3A_673 = vector.shape_cast %mul3A_666 : vector<16xf32> to vector<1x16xf32>
          tpu.vector_store %arg6[%swap3A_669, %swap3A_670], %swap3A_673 {strides = array<i32>} : memref<640x32xf32, #tpu.memory_space<vmem>>, vector<1x16xf32>,
          %broadcast_in_dim3A_674 = arith.constant 15 : i32
          %broadcast_in_dim3A_675 = vector.broadcast %broadcast_in_dim3A_674 : i32 to vector<16xi32>
          %lt3A_676 = arith.constant 0 : i32
          %lt3A_677 = vector.broadcast %lt3A_676 : i32 to vector<16xi32>
          %lt3A_678 = arith.cmpi slt, %broadcast_in_dim3A_675, %lt3A_677 : vector<16xi32>
          %add3A_679 = arith.constant 16 : i32
          %add3A_680 = vector.broadcast %add3A_679 : i32 to vector<16xi32>
          %add3A_681 = arith.addi %broadcast_in_dim3A_675, %add3A_680 : vector<16xi32>
          %select_n3A_682 = arith.select %lt3A_678, %add3A_681, %broadcast_in_dim3A_675 : vector<16xi1>, vector<16xi32>
          %broadcast_in_dim3A_683 = vector.shape_cast %select_n3A_682 : vector<16xi32> to vector<16x1xi32>
          %gather3A_684 = vector.shape_cast %broadcast_in_dim3A_683 : vector<16x1xi32> to vector<16xi32>
          %gather3A_685 = tpu.dynamic_gather %bitcast_convert_type3A[%gather3A_684] in [0] : vector<16xf32>, vector<16xi32> -> vector<16xf32>
          %add3A_686 = arith.constant 15 : i32
          %add3A_687 = arith.addi %add3A_70, %add3A_686 : i32
          %get3A_688 = arith.index_cast %add3A_687 : i32 to index
          %get3A_689 = arith.constant 0 : index
          %get3A_690 = tpu.vector_load %arg6[%get3A_688, %get3A_689] {strides = array<i32>} : memref<640x32xf32, #tpu.memory_space<vmem>>, vector<1x16xf32>,
          %get3A_691 = vector.shape_cast %get3A_690 : vector<1x16xf32> to vector<16xf32>
          %mul3A_692 = arith.mulf %get3A_691, %gather3A_685 : vector<16xf32>
          %add3A_693 = arith.constant 15 : i32
          %add3A_694 = arith.addi %add3A_70, %add3A_693 : i32
          %swap3A_695 = arith.index_cast %add3A_694 : i32 to index
          %swap3A_696 = arith.constant 0 : index
          %swap3A_697 = tpu.vector_load %arg6[%swap3A_695, %swap3A_696] {strides = array<i32>} : memref<640x32xf32, #tpu.memory_space<vmem>>, vector<1x16xf32>,
          %swap3A_698 = vector.shape_cast %swap3A_697 : vector<1x16xf32> to vector<16xf32>
          %swap3A_699 = vector.shape_cast %mul3A_692 : vector<16xf32> to vector<1x16xf32>
          tpu.vector_store %arg6[%swap3A_695, %swap3A_696], %swap3A_699 {strides = array<i32>} : memref<640x32xf32, #tpu.memory_space<vmem>>, vector<1x16xf32>,
          %add3A_700 = arith.constant 15 : i32
          %add3A_701 = arith.addi %add3A_70, %add3A_700 : i32
          %get3A_702 = arith.index_cast %add3A_701 : i32 to index
          %get3A_703 = arith.constant 16 : index
          %get3A_704 = tpu.vector_load %arg6[%get3A_702, %get3A_703] {strides = array<i32>} : memref<640x32xf32, #tpu.memory_space<vmem>>, vector<1x16xf32>,
          %get3A_705 = vector.shape_cast %get3A_704 : vector<1x16xf32> to vector<16xf32>
          %mul3A_706 = arith.mulf %get3A_705, %gather3A_685 : vector<16xf32>
          %add3A_707 = arith.constant 15 : i32
          %add3A_708 = arith.addi %add3A_70, %add3A_707 : i32
          %swap3A_709 = arith.index_cast %add3A_708 : i32 to index
          %swap3A_710 = arith.constant 16 : index
          %swap3A_711 = tpu.vector_load %arg6[%swap3A_709, %swap3A_710] {strides = array<i32>} : memref<640x32xf32, #tpu.memory_space<vmem>>, vector<1x16xf32>,
          %swap3A_712 = vector.shape_cast %swap3A_711 : vector<1x16xf32> to vector<16xf32>
          %swap3A_713 = vector.shape_cast %mul3A_706 : vector<16xf32> to vector<1x16xf32>
          tpu.vector_store %arg6[%swap3A_709, %swap3A_710], %swap3A_713 {strides = array<i32>} : memref<640x32xf32, #tpu.memory_space<vmem>>, vector<1x16xf32>,
        }
        %scan3A_64 = arith.constant 40 : i32
        %run_scoped3A_65 = arith.constant 1 : i32
        "tpu.region"() ({
          %run_scoped3A_66 = tpu.sem_alloc : memref<!tpu.dma_semaphore, #tpu.memory_space<semaphore_mem>>
          %dma_start3A = arith.constant 0 : i32
          %dma_start3A_67 = arith.constant 0 : i32
          %dma_start3A_68 = tpu.memref_slice %arg6[%dma_start3A, %dma_start3A_67] : memref<640x32xf32, #tpu.memory_space<vmem>> -> memref<640x32xf32, #tpu.memory_space<vmem>>
          %dma_start3A_69 = arith.constant 0 : i32
          %dma_start3A_70 = tpu.memref_slice %arg5[%run_scoped3A_65, %dma_start3A_69] : memref<3x640xi32, #tpu.memory_space<vmem>> -> memref<1x640xi32, #tpu.memory_space<vmem>>
          %dma_start3A_71 = tpu.memref_squeeze %dma_start3A_70 : memref<1x640xi32, #tpu.memory_space<vmem>> -> memref<640xi32, #tpu.memory_space<vmem>>
          %dma_start3A_72 = arith.constant 0 : i32
          %dma_start3A_73 = arith.constant 0 : i32
          %dma_start3A_74 = tpu.memref_slice %arg8[%dma_start3A_72, %dma_start3A_73] : memref<50048x32xf32, #tpu.memory_space<vmem_shared>> -> memref<50048x32xf32, #tpu.memory_space<vmem_shared>>
          tpu.enqueue_indirect_dma source(%dma_start3A_68 : memref<640x32xf32, #tpu.memory_space<vmem>>) target(%dma_start3A_74 : memref<50048x32xf32, #tpu.memory_space<vmem_shared>>) offsets(%dma_start3A_71 : memref<640xi32, #tpu.memory_space<vmem>>) semaphore(%run_scoped3A_66 : memref<!tpu.dma_semaphore, #tpu.memory_space<semaphore_mem>>) {add = true}
          %dma_wait3A = arith.constant 0 : i32
          %dma_wait3A_75 = arith.constant 0 : i32
          %dma_wait3A_76 = tpu.memref_slice %arg6[%dma_wait3A, %dma_wait3A_75] : memref<640x32xf32, #tpu.memory_space<vmem>> -> memref<640x32xf32, #tpu.memory_space<vmem>>
          %dma_wait3A_77 = arith.constant 0 : i32
          %dma_wait3A_78 = tpu.memref_slice %arg5[%run_scoped3A_65, %dma_wait3A_77] : memref<3x640xi32, #tpu.memory_space<vmem>> -> memref<1x640xi32, #tpu.memory_space<vmem>>
          %dma_wait3A_79 = tpu.memref_squeeze %dma_wait3A_78 : memref<1x640xi32, #tpu.memory_space<vmem>> -> memref<640xi32, #tpu.memory_space<vmem>>
          %dma_wait3A_80 = arith.constant 0 : i32
          %dma_wait3A_81 = arith.constant 0 : i32
          %dma_wait3A_82 = tpu.memref_slice %arg8[%dma_wait3A_80, %dma_wait3A_81] : memref<50048x32xf32, #tpu.memory_space<vmem_shared>> -> memref<50048x32xf32, #tpu.memory_space<vmem_shared>>
          tpu.wait_indirect_dma semaphore(%run_scoped3A_66 : memref<!tpu.dma_semaphore, #tpu.memory_space<semaphore_mem>>) src(%dma_wait3A_76 : memref<640x32xf32, #tpu.memory_space<vmem>>) dst(%dma_wait3A_82 : memref<50048x32xf32, #tpu.memory_space<vmem_shared>>)
          tpu.yield
        }) : () -> ()
      }
      %scan3A_41 = arith.constant 40 : i32
      %barrier3A_42 = arith.constant 0 : index
      tpu.barrier barrier_id(%barrier3A_42)
      %mul3A_43 = arith.constant 3128 : i32
      %mul3A_44 = arith.muli %arg1, %mul3A_43 : i32
      %mul3A_45 = arith.constant 3128 : i32
      %mul3A_46 = arith.muli %arg1, %mul3A_45 : i32
      "tpu.region"() ({
        %run_scoped3A = tpu.sem_alloc : memref<!tpu.dma_semaphore, #tpu.memory_space<semaphore_mem>>
        %dma_start3A = arith.constant 0 : i32
        %dma_start3A_48 = tpu.memref_slice %arg4[%arg0, %add3A_15, %mul3A_46, %dma_start3A] : memref<2x2x50048x32xf32, #tpu.memory_space<hbm>> -> memref<1x1x3128x32xf32, #tpu.memory_space<hbm>>
        %dma_start3A_49 = tpu.memref_squeeze %dma_start3A_48 : memref<1x1x3128x32xf32, #tpu.memory_space<hbm>> -> memref<3128x32xf32, #tpu.memory_space<hbm>>
        %dma_start3A_50 = arith.constant 0 : i32
        %dma_start3A_51 = tpu.memref_slice %arg8[%mul3A_44, %dma_start3A_50] : memref<50048x32xf32, #tpu.memory_space<vmem_shared>> -> memref<3128x32xf32, #tpu.memory_space<vmem_shared>>
        tpu.enqueue_dma source(%dma_start3A_51 : memref<3128x32xf32, #tpu.memory_space<vmem_shared>>) target(%dma_start3A_49 : memref<3128x32xf32, #tpu.memory_space<hbm>>) target_semaphore(%run_scoped3A : memref<!tpu.dma_semaphore, #tpu.memory_space<semaphore_mem>>)
        %dma_wait3A = arith.constant 0 : i32
        %dma_wait3A_52 = tpu.memref_slice %arg4[%arg0, %add3A_15, %mul3A_46, %dma_wait3A] : memref<2x2x50048x32xf32, #tpu.memory_space<hbm>> -> memref<1x1x3128x32xf32, #tpu.memory_space<hbm>>
        %dma_wait3A_53 = tpu.memref_squeeze %dma_wait3A_52 : memref<1x1x3128x32xf32, #tpu.memory_space<hbm>> -> memref<3128x32xf32, #tpu.memory_space<hbm>>
        %dma_wait3A_54 = arith.constant 0 : i32
        %dma_wait3A_55 = tpu.memref_slice %arg8[%mul3A_44, %dma_wait3A_54] : memref<50048x32xf32, #tpu.memory_space<vmem_shared>> -> memref<3128x32xf32, #tpu.memory_space<vmem_shared>>
        tpu.wait_dma2 semaphore(%run_scoped3A : memref<!tpu.dma_semaphore, #tpu.memory_space<semaphore_mem>>) src(%dma_wait3A_55 : memref<3128x32xf32, #tpu.memory_space<vmem_shared>>) dst(%dma_wait3A_53 : memref<3128x32xf32, #tpu.memory_space<hbm>>)
        tpu.yield
      }) : () -> ()
      %barrier3A_47 = arith.constant 0 : index
      tpu.barrier barrier_id(%barrier3A_47)
    }
    %scan3A_10 = arith.constant 2 : i32
    return
  }
}

#map = affine_map<(d0, d1) -> (0, 0)>
#map1 = affine_map<(d0, d1) -> (0, 0, 0)>
module attributes {stable_mosaic.version = 14 : i64} {
  func.func @body(%arg0: i32, %arg1: i32, %arg2: memref<50000x16xf32, #tpu.memory_space<hbm>>, %arg3: memref<50000x16xf32, #tpu.memory_space<hbm>>, %arg4: memref<2562x640xi32, #tpu.memory_space<hbm>>, %arg5: memref<819840x16xf32, #tpu.memory_space<hbm>>, %arg6: memref<819200x16xf32, #tpu.memory_space<hbm>>, %arg7: memref<2x50048x16xf32, #tpu.memory_space<hbm>>, %arg8: memref<2x640xi32, #tpu.memory_space<vmem>>, %arg9: memref<640x16xf32, #tpu.memory_space<vmem>>, %arg10: memref<640x16xf32, #tpu.memory_space<vmem>>, %arg11: memref<640x16xf32, #tpu.memory_space<vmem>>, %arg12: memref<184x16xf32, #tpu.memory_space<vmem>>, %arg13: memref<50048x16xf32, #tpu.memory_space<vmem_shared>>) attributes {dimension_semantics = [#tpu.dimension_semantics<core_parallel>, #tpu.dimension_semantics<subcore_parallel>], iteration_bounds = array<i64: 2, 16>, scalar_prefetch = 0 : i64, scratch_operands = 6 : i64, tpu.core_type = #tpu.core_type<sc_vector_subcore>, window_params = [{transform_indices = #map}, {transform_indices = #map}, {transform_indices = #map}, {transform_indices = #map}, {transform_indices = #map}, {transform_indices = #map1}]} {
    %mul3A = arith.constant 2 : i32
    %mul3A_0 = arith.muli %arg1, %mul3A : i32
    %add3A = arith.addi %mul3A_0, %arg0 : i32
    %broadcast_in_dim3A = arith.constant 0.000000e+00 : f32
    %broadcast_in_dim3A_1 = vector.broadcast %broadcast_in_dim3A : f32 to vector<16xf32>
    %iota3A = tpu.iota {dimensions = array<i32: 0>} : vector<16xi32>
    %lt3A = arith.constant 1 : i32
    %lt3A_2 = vector.broadcast %lt3A : i32 to vector<16xi32>
    %lt3A_3 = arith.cmpi slt, %iota3A, %lt3A_2 : vector<16xi32>
    %jit3A = arith.constant 1.000000e+00 : f32
    %jit3A_4 = arith.constant 0.000000e+00 : f32
    %broadcast_in_dim3A_5 = vector.broadcast %jit3A : f32 to vector<16xf32>
    %broadcast_in_dim3A_6 = vector.broadcast %jit3A_4 : f32 to vector<16xf32>
    %select_n3A = arith.select %lt3A_3, %broadcast_in_dim3A_5, %broadcast_in_dim3A_6 : vector<16xi1>, vector<16xf32>
    %scan3A = arith.constant 0 : i32
    %scan3A_7 = arith.constant 184 : i32
    %scan3A_8 = arith.addi %scan3A, %scan3A_7 : i32
    %scan3A_9 = arith.constant 1 : i32
    scf.for %scan3A_26 = %scan3A to %scan3A_8 step %scan3A_9  : i32 {
      %mul3A_27 = arith.constant 1 : i32
      %mul3A_28 = arith.muli %scan3A_26, %mul3A_27 : i32
      %add3A_29 = arith.constant 0 : i32
      %add3A_30 = arith.addi %add3A_29, %mul3A_28 : i32
      %swap3A = arith.index_cast %add3A_30 : i32 to index
      %swap3A_31 = arith.constant 0 : index
      %swap3A_32 = tpu.vector_load %arg12[%swap3A, %swap3A_31] {strides = array<i32>} : memref<184x16xf32, #tpu.memory_space<vmem>>, vector<1x16xf32>,
      %swap3A_33 = vector.shape_cast %swap3A_32 : vector<1x16xf32> to vector<16xf32>
      %swap3A_34 = vector.shape_cast %broadcast_in_dim3A_1 : vector<16xf32> to vector<1x16xf32>
      tpu.vector_store %arg12[%swap3A, %swap3A_31], %swap3A_34 {strides = array<i32>} : memref<184x16xf32, #tpu.memory_space<vmem>>, vector<1x16xf32>,
    }
    %scan3A_10 = arith.constant 184 : i32
    %scan3A_11 = arith.constant 0 : i32
    %scan3A_12 = arith.constant 17 : i32
    %scan3A_13 = arith.addi %scan3A_11, %scan3A_12 : i32
    %scan3A_14 = arith.constant 1 : i32
    scf.for %scan3A_26 = %scan3A_11 to %scan3A_13 step %scan3A_14  : i32 {
      %mul3A_27 = arith.constant 184 : i32
      %mul3A_28 = arith.muli %scan3A_26, %mul3A_27 : i32
      %add3A_29 = arith.constant 0 : i32
      %add3A_30 = arith.addi %add3A_29, %mul3A_28 : i32
      %mul3A_31 = arith.constant 3128 : i32
      %mul3A_32 = arith.muli %arg1, %mul3A_31 : i32
      %add3A_33 = arith.addi %mul3A_32, %add3A_30 : i32
      "tpu.region"() ({
        %run_scoped3A = tpu.sem_alloc : memref<!tpu.dma_semaphore, #tpu.memory_space<semaphore_mem>>
        %dma_start3A = arith.constant 0 : i32
        %dma_start3A_34 = tpu.memref_slice %arg13[%add3A_33, %dma_start3A] : memref<50048x16xf32, #tpu.memory_space<vmem_shared>> -> memref<184x16xf32, #tpu.memory_space<vmem_shared>>
        %dma_start3A_35 = arith.constant 0 : i32
        %dma_start3A_36 = tpu.memref_slice %arg13[%add3A_33, %dma_start3A_35] : memref<50048x16xf32, #tpu.memory_space<vmem_shared>> -> memref<184x16xf32, #tpu.memory_space<vmem_shared>>
        tpu.enqueue_dma source(%arg12 : memref<184x16xf32, #tpu.memory_space<vmem>>) target(%dma_start3A_36 : memref<184x16xf32, #tpu.memory_space<vmem_shared>>) target_semaphore(%run_scoped3A : memref<!tpu.dma_semaphore, #tpu.memory_space<semaphore_mem>>)
        %dma_wait3A = arith.constant 0 : i32
        %dma_wait3A_37 = tpu.memref_slice %arg13[%add3A_33, %dma_wait3A] : memref<50048x16xf32, #tpu.memory_space<vmem_shared>> -> memref<184x16xf32, #tpu.memory_space<vmem_shared>>
        %dma_wait3A_38 = arith.constant 0 : i32
        %dma_wait3A_39 = tpu.memref_slice %arg13[%add3A_33, %dma_wait3A_38] : memref<50048x16xf32, #tpu.memory_space<vmem_shared>> -> memref<184x16xf32, #tpu.memory_space<vmem_shared>>
        tpu.wait_dma2 semaphore(%run_scoped3A : memref<!tpu.dma_semaphore, #tpu.memory_space<semaphore_mem>>) src(%arg12 : memref<184x16xf32, #tpu.memory_space<vmem>>) dst(%dma_wait3A_39 : memref<184x16xf32, #tpu.memory_space<vmem_shared>>)
        tpu.yield
      }) : () -> ()
    }
    %scan3A_15 = arith.constant 17 : i32
    %barrier3A = arith.constant 0 : index
    tpu.barrier barrier_id(%barrier3A)
    %scan3A_16 = arith.constant 0 : i32
    %scan3A_17 = arith.constant 40 : i32
    %scan3A_18 = arith.addi %scan3A_16, %scan3A_17 : i32
    %scan3A_19 = arith.constant 1 : i32
    scf.for %scan3A_26 = %scan3A_16 to %scan3A_18 step %scan3A_19  : i32 {
      %mul3A_27 = arith.constant 1 : i32
      %mul3A_28 = arith.muli %scan3A_26, %mul3A_27 : i32
      %add3A_29 = arith.constant 0 : i32
      %add3A_30 = arith.addi %add3A_29, %mul3A_28 : i32
      %mul3A_31 = arith.constant 40 : i32
      %mul3A_32 = arith.muli %add3A, %mul3A_31 : i32
      %add3A_33 = arith.addi %mul3A_32, %add3A_30 : i32
      %mul3A_34 = arith.constant 2 : i32
      %mul3A_35 = arith.muli %add3A_33, %mul3A_34 : i32
      %mul3A_36 = arith.constant 1 : i32
      %mul3A_37 = arith.muli %mul3A_35, %mul3A_36 : i32
      "tpu.region"() ({
        %run_scoped3A_51 = tpu.sem_alloc : memref<!tpu.dma_semaphore, #tpu.memory_space<semaphore_mem>>
        %dma_start3A = arith.constant 0 : i32
        %dma_start3A_52 = arith.constant 0 : i32
        %dma_start3A_53 = tpu.memref_slice %arg8[%dma_start3A, %dma_start3A_52] : memref<2x640xi32, #tpu.memory_space<vmem>> -> memref<2x640xi32, #tpu.memory_space<vmem>>
        %dma_start3A_54 = arith.constant 0 : i32
        %dma_start3A_55 = tpu.memref_slice %arg4[%mul3A_37, %dma_start3A_54] : memref<2562x640xi32, #tpu.memory_space<hbm>> -> memref<2x640xi32, #tpu.memory_space<hbm>>
        %dma_start3A_56 = arith.constant 0 : i32
        %dma_start3A_57 = arith.constant 0 : i32
        %dma_start3A_58 = tpu.memref_slice %arg8[%dma_start3A_56, %dma_start3A_57] : memref<2x640xi32, #tpu.memory_space<vmem>> -> memref<2x640xi32, #tpu.memory_space<vmem>>
        %dma_start3A_59 = arith.constant 0 : i32
        %dma_start3A_60 = tpu.memref_slice %arg4[%mul3A_37, %dma_start3A_59] : memref<2562x640xi32, #tpu.memory_space<hbm>> -> memref<2x640xi32, #tpu.memory_space<hbm>>
        tpu.enqueue_dma source(%dma_start3A_60 : memref<2x640xi32, #tpu.memory_space<hbm>>) target(%dma_start3A_58 : memref<2x640xi32, #tpu.memory_space<vmem>>) target_semaphore(%run_scoped3A_51 : memref<!tpu.dma_semaphore, #tpu.memory_space<semaphore_mem>>)
        %dma_wait3A = arith.constant 0 : i32
        %dma_wait3A_61 = arith.constant 0 : i32
        %dma_wait3A_62 = tpu.memref_slice %arg8[%dma_wait3A, %dma_wait3A_61] : memref<2x640xi32, #tpu.memory_space<vmem>> -> memref<2x640xi32, #tpu.memory_space<vmem>>
        %dma_wait3A_63 = arith.constant 0 : i32
        %dma_wait3A_64 = tpu.memref_slice %arg4[%mul3A_37, %dma_wait3A_63] : memref<2562x640xi32, #tpu.memory_space<hbm>> -> memref<2x640xi32, #tpu.memory_space<hbm>>
        %dma_wait3A_65 = arith.constant 0 : i32
        %dma_wait3A_66 = arith.constant 0 : i32
        %dma_wait3A_67 = tpu.memref_slice %arg8[%dma_wait3A_65, %dma_wait3A_66] : memref<2x640xi32, #tpu.memory_space<vmem>> -> memref<2x640xi32, #tpu.memory_space<vmem>>
        %dma_wait3A_68 = arith.constant 0 : i32
        %dma_wait3A_69 = tpu.memref_slice %arg4[%mul3A_37, %dma_wait3A_68] : memref<2562x640xi32, #tpu.memory_space<hbm>> -> memref<2x640xi32, #tpu.memory_space<hbm>>
        tpu.wait_dma2 semaphore(%run_scoped3A_51 : memref<!tpu.dma_semaphore, #tpu.memory_space<semaphore_mem>>) src(%dma_wait3A_69 : memref<2x640xi32, #tpu.memory_space<hbm>>) dst(%dma_wait3A_67 : memref<2x640xi32, #tpu.memory_space<vmem>>)
        tpu.yield
      }) : () -> ()
      %mul3A_38 = arith.constant 1 : i32
      %mul3A_39 = arith.muli %add3A_33, %mul3A_38 : i32
      %mul3A_40 = arith.constant 640 : i32
      %mul3A_41 = arith.muli %mul3A_39, %mul3A_40 : i32
      "tpu.region"() ({
        %run_scoped3A_51 = tpu.sem_alloc : memref<!tpu.dma_semaphore, #tpu.memory_space<semaphore_mem>>
        %dma_start3A = arith.constant 0 : i32
        %dma_start3A_52 = arith.constant 0 : i32
        %dma_start3A_53 = tpu.memref_slice %arg11[%dma_start3A, %dma_start3A_52] : memref<640x16xf32, #tpu.memory_space<vmem>> -> memref<640x16xf32, #tpu.memory_space<vmem>>
        %dma_start3A_54 = arith.constant 0 : i32
        %dma_start3A_55 = tpu.memref_slice %arg5[%mul3A_41, %dma_start3A_54] : memref<819840x16xf32, #tpu.memory_space<hbm>> -> memref<640x16xf32, #tpu.memory_space<hbm>>
        %dma_start3A_56 = arith.constant 0 : i32
        %dma_start3A_57 = arith.constant 0 : i32
        %dma_start3A_58 = tpu.memref_slice %arg11[%dma_start3A_56, %dma_start3A_57] : memref<640x16xf32, #tpu.memory_space<vmem>> -> memref<640x16xf32, #tpu.memory_space<vmem>>
        %dma_start3A_59 = arith.constant 0 : i32
        %dma_start3A_60 = tpu.memref_slice %arg5[%mul3A_41, %dma_start3A_59] : memref<819840x16xf32, #tpu.memory_space<hbm>> -> memref<640x16xf32, #tpu.memory_space<hbm>>
        tpu.enqueue_dma source(%dma_start3A_60 : memref<640x16xf32, #tpu.memory_space<hbm>>) target(%dma_start3A_58 : memref<640x16xf32, #tpu.memory_space<vmem>>) target_semaphore(%run_scoped3A_51 : memref<!tpu.dma_semaphore, #tpu.memory_space<semaphore_mem>>)
        %dma_wait3A = arith.constant 0 : i32
        %dma_wait3A_61 = arith.constant 0 : i32
        %dma_wait3A_62 = tpu.memref_slice %arg11[%dma_wait3A, %dma_wait3A_61] : memref<640x16xf32, #tpu.memory_space<vmem>> -> memref<640x16xf32, #tpu.memory_space<vmem>>
        %dma_wait3A_63 = arith.constant 0 : i32
        %dma_wait3A_64 = tpu.memref_slice %arg5[%mul3A_41, %dma_wait3A_63] : memref<819840x16xf32, #tpu.memory_space<hbm>> -> memref<640x16xf32, #tpu.memory_space<hbm>>
        %dma_wait3A_65 = arith.constant 0 : i32
        %dma_wait3A_66 = arith.constant 0 : i32
        %dma_wait3A_67 = tpu.memref_slice %arg11[%dma_wait3A_65, %dma_wait3A_66] : memref<640x16xf32, #tpu.memory_space<vmem>> -> memref<640x16xf32, #tpu.memory_space<vmem>>
        %dma_wait3A_68 = arith.constant 0 : i32
        %dma_wait3A_69 = tpu.memref_slice %arg5[%mul3A_41, %dma_wait3A_68] : memref<819840x16xf32, #tpu.memory_space<hbm>> -> memref<640x16xf32, #tpu.memory_space<hbm>>
        tpu.wait_dma2 semaphore(%run_scoped3A_51 : memref<!tpu.dma_semaphore, #tpu.memory_space<semaphore_mem>>) src(%dma_wait3A_69 : memref<640x16xf32, #tpu.memory_space<hbm>>) dst(%dma_wait3A_67 : memref<640x16xf32, #tpu.memory_space<vmem>>)
        tpu.yield
      }) : () -> ()
      %run_scoped3A = arith.constant 0 : i32
      "tpu.region"() ({
        %run_scoped3A_51 = tpu.sem_alloc : memref<!tpu.dma_semaphore, #tpu.memory_space<semaphore_mem>>
        %dma_start3A = arith.constant 0 : i32
        %dma_start3A_52 = arith.constant 0 : i32
        %dma_start3A_53 = tpu.memref_slice %arg9[%dma_start3A, %dma_start3A_52] : memref<640x16xf32, #tpu.memory_space<vmem>> -> memref<640x16xf32, #tpu.memory_space<vmem>>
        %dma_start3A_54 = arith.constant 0 : i32
        %dma_start3A_55 = tpu.memref_slice %arg8[%run_scoped3A, %dma_start3A_54] : memref<2x640xi32, #tpu.memory_space<vmem>> -> memref<1x640xi32, #tpu.memory_space<vmem>>
        %dma_start3A_56 = tpu.memref_squeeze %dma_start3A_55 : memref<1x640xi32, #tpu.memory_space<vmem>> -> memref<640xi32, #tpu.memory_space<vmem>>
        %dma_start3A_57 = arith.constant 0 : i32
        %dma_start3A_58 = arith.constant 0 : i32
        %dma_start3A_59 = tpu.memref_slice %arg2[%dma_start3A_57, %dma_start3A_58] : memref<50000x16xf32, #tpu.memory_space<hbm>> -> memref<50000x16xf32, #tpu.memory_space<hbm>>
        tpu.enqueue_indirect_dma source(%dma_start3A_59 : memref<50000x16xf32, #tpu.memory_space<hbm>>) target(%dma_start3A_53 : memref<640x16xf32, #tpu.memory_space<vmem>>) offsets(%dma_start3A_56 : memref<640xi32, #tpu.memory_space<vmem>>) semaphore(%run_scoped3A_51 : memref<!tpu.dma_semaphore, #tpu.memory_space<semaphore_mem>>)
        %dma_wait3A = arith.constant 0 : i32
        %dma_wait3A_60 = arith.constant 0 : i32
        %dma_wait3A_61 = tpu.memref_slice %arg9[%dma_wait3A, %dma_wait3A_60] : memref<640x16xf32, #tpu.memory_space<vmem>> -> memref<640x16xf32, #tpu.memory_space<vmem>>
        %dma_wait3A_62 = arith.constant 0 : i32
        %dma_wait3A_63 = tpu.memref_slice %arg8[%run_scoped3A, %dma_wait3A_62] : memref<2x640xi32, #tpu.memory_space<vmem>> -> memref<1x640xi32, #tpu.memory_space<vmem>>
        %dma_wait3A_64 = tpu.memref_squeeze %dma_wait3A_63 : memref<1x640xi32, #tpu.memory_space<vmem>> -> memref<640xi32, #tpu.memory_space<vmem>>
        %dma_wait3A_65 = arith.constant 0 : i32
        %dma_wait3A_66 = arith.constant 0 : i32
        %dma_wait3A_67 = tpu.memref_slice %arg2[%dma_wait3A_65, %dma_wait3A_66] : memref<50000x16xf32, #tpu.memory_space<hbm>> -> memref<50000x16xf32, #tpu.memory_space<hbm>>
        tpu.wait_indirect_dma semaphore(%run_scoped3A_51 : memref<!tpu.dma_semaphore, #tpu.memory_space<semaphore_mem>>) src(%dma_wait3A_67 : memref<50000x16xf32, #tpu.memory_space<hbm>>) dst(%dma_wait3A_61 : memref<640x16xf32, #tpu.memory_space<vmem>>)
        tpu.yield
      }) : () -> ()
      %run_scoped3A_42 = arith.constant 1 : i32
      "tpu.region"() ({
        %run_scoped3A_51 = tpu.sem_alloc : memref<!tpu.dma_semaphore, #tpu.memory_space<semaphore_mem>>
        %dma_start3A = arith.constant 0 : i32
        %dma_start3A_52 = arith.constant 0 : i32
        %dma_start3A_53 = tpu.memref_slice %arg10[%dma_start3A, %dma_start3A_52] : memref<640x16xf32, #tpu.memory_space<vmem>> -> memref<640x16xf32, #tpu.memory_space<vmem>>
        %dma_start3A_54 = arith.constant 0 : i32
        %dma_start3A_55 = tpu.memref_slice %arg8[%run_scoped3A_42, %dma_start3A_54] : memref<2x640xi32, #tpu.memory_space<vmem>> -> memref<1x640xi32, #tpu.memory_space<vmem>>
        %dma_start3A_56 = tpu.memref_squeeze %dma_start3A_55 : memref<1x640xi32, #tpu.memory_space<vmem>> -> memref<640xi32, #tpu.memory_space<vmem>>
        %dma_start3A_57 = arith.constant 0 : i32
        %dma_start3A_58 = arith.constant 0 : i32
        %dma_start3A_59 = tpu.memref_slice %arg3[%dma_start3A_57, %dma_start3A_58] : memref<50000x16xf32, #tpu.memory_space<hbm>> -> memref<50000x16xf32, #tpu.memory_space<hbm>>
        tpu.enqueue_indirect_dma source(%dma_start3A_59 : memref<50000x16xf32, #tpu.memory_space<hbm>>) target(%dma_start3A_53 : memref<640x16xf32, #tpu.memory_space<vmem>>) offsets(%dma_start3A_56 : memref<640xi32, #tpu.memory_space<vmem>>) semaphore(%run_scoped3A_51 : memref<!tpu.dma_semaphore, #tpu.memory_space<semaphore_mem>>)
        %dma_wait3A = arith.constant 0 : i32
        %dma_wait3A_60 = arith.constant 0 : i32
        %dma_wait3A_61 = tpu.memref_slice %arg10[%dma_wait3A, %dma_wait3A_60] : memref<640x16xf32, #tpu.memory_space<vmem>> -> memref<640x16xf32, #tpu.memory_space<vmem>>
        %dma_wait3A_62 = arith.constant 0 : i32
        %dma_wait3A_63 = tpu.memref_slice %arg8[%run_scoped3A_42, %dma_wait3A_62] : memref<2x640xi32, #tpu.memory_space<vmem>> -> memref<1x640xi32, #tpu.memory_space<vmem>>
        %dma_wait3A_64 = tpu.memref_squeeze %dma_wait3A_63 : memref<1x640xi32, #tpu.memory_space<vmem>> -> memref<640xi32, #tpu.memory_space<vmem>>
        %dma_wait3A_65 = arith.constant 0 : i32
        %dma_wait3A_66 = arith.constant 0 : i32
        %dma_wait3A_67 = tpu.memref_slice %arg3[%dma_wait3A_65, %dma_wait3A_66] : memref<50000x16xf32, #tpu.memory_space<hbm>> -> memref<50000x16xf32, #tpu.memory_space<hbm>>
        tpu.wait_indirect_dma semaphore(%run_scoped3A_51 : memref<!tpu.dma_semaphore, #tpu.memory_space<semaphore_mem>>) src(%dma_wait3A_67 : memref<50000x16xf32, #tpu.memory_space<hbm>>) dst(%dma_wait3A_61 : memref<640x16xf32, #tpu.memory_space<vmem>>)
        tpu.yield
      }) : () -> ()
      %scan3A_43 = arith.constant 0 : i32
      %scan3A_44 = arith.constant 320 : i32
      %scan3A_45 = arith.addi %scan3A_43, %scan3A_44 : i32
      %scan3A_46 = arith.constant 1 : i32
      scf.for %scan3A_51 = %scan3A_43 to %scan3A_45 step %scan3A_46  : i32 {
        %mul3A_52 = arith.constant 2 : i32
        %mul3A_53 = arith.muli %scan3A_51, %mul3A_52 : i32
        %add3A_54 = arith.constant 0 : i32
        %add3A_55 = arith.addi %add3A_54, %mul3A_53 : i32
        %add3A_56 = arith.constant 0 : i32
        %add3A_57 = arith.addi %add3A_55, %add3A_56 : i32
        %get3A = arith.index_cast %add3A_57 : i32 to index
        %get3A_58 = arith.constant 0 : index
        %get3A_59 = tpu.vector_load %arg9[%get3A, %get3A_58] {strides = array<i32>} : memref<640x16xf32, #tpu.memory_space<vmem>>, vector<1x16xf32>,
        %get3A_60 = vector.shape_cast %get3A_59 : vector<1x16xf32> to vector<16xf32>
        %get3A_61 = arith.index_cast %add3A_57 : i32 to index
        %get3A_62 = arith.constant 0 : index
        %get3A_63 = tpu.vector_load %arg10[%get3A_61, %get3A_62] {strides = array<i32>} : memref<640x16xf32, #tpu.memory_space<vmem>>, vector<1x16xf32>,
        %get3A_64 = vector.shape_cast %get3A_63 : vector<1x16xf32> to vector<16xf32>
        %add3A_65 = arith.addf %get3A_60, %get3A_64 : vector<16xf32>
        %get3A_66 = arith.index_cast %add3A_57 : i32 to index
        %get3A_67 = arith.constant 0 : index
        %get3A_68 = tpu.vector_load %arg11[%get3A_66, %get3A_67] {strides = array<i32>} : memref<640x16xf32, #tpu.memory_space<vmem>>, vector<1x16xf32>,
        %get3A_69 = vector.shape_cast %get3A_68 : vector<1x16xf32> to vector<16xf32>
        %add3A_70 = arith.addf %add3A_65, %get3A_69 : vector<16xf32>
        %mul3A_71 = arith.constant 2.000000e-01 : f32
        %mul3A_72 = vector.broadcast %mul3A_71 : f32 to vector<16xf32>
        %mul3A_73 = arith.mulf %add3A_70, %mul3A_72 : vector<16xf32>
        %max3A = arith.maximumf %add3A_70, %mul3A_73 : vector<16xf32>
        %exp3A = math.exp %max3A : vector<16xf32>
        %swap3A = arith.index_cast %add3A_57 : i32 to index
        %swap3A_74 = arith.constant 0 : index
        %swap3A_75 = tpu.vector_load %arg9[%swap3A, %swap3A_74] {strides = array<i32>} : memref<640x16xf32, #tpu.memory_space<vmem>>, vector<1x16xf32>,
        %swap3A_76 = vector.shape_cast %swap3A_75 : vector<1x16xf32> to vector<16xf32>
        %swap3A_77 = vector.shape_cast %exp3A : vector<16xf32> to vector<1x16xf32>
        tpu.vector_store %arg9[%swap3A, %swap3A_74], %swap3A_77 {strides = array<i32>} : memref<640x16xf32, #tpu.memory_space<vmem>>, vector<1x16xf32>,
        %mul3A_78 = arith.mulf %exp3A, %select_n3A : vector<16xf32>
        %swap3A_79 = arith.index_cast %add3A_57 : i32 to index
        %swap3A_80 = arith.constant 0 : index
        %swap3A_81 = tpu.vector_load %arg10[%swap3A_79, %swap3A_80] {strides = array<i32>} : memref<640x16xf32, #tpu.memory_space<vmem>>, vector<1x16xf32>,
        %swap3A_82 = vector.shape_cast %swap3A_81 : vector<1x16xf32> to vector<16xf32>
        %swap3A_83 = vector.shape_cast %mul3A_78 : vector<16xf32> to vector<1x16xf32>
        tpu.vector_store %arg10[%swap3A_79, %swap3A_80], %swap3A_83 {strides = array<i32>} : memref<640x16xf32, #tpu.memory_space<vmem>>, vector<1x16xf32>,
        %add3A_84 = arith.constant 1 : i32
        %add3A_85 = arith.addi %add3A_55, %add3A_84 : i32
        %get3A_86 = arith.index_cast %add3A_85 : i32 to index
        %get3A_87 = arith.constant 0 : index
        %get3A_88 = tpu.vector_load %arg9[%get3A_86, %get3A_87] {strides = array<i32>} : memref<640x16xf32, #tpu.memory_space<vmem>>, vector<1x16xf32>,
        %get3A_89 = vector.shape_cast %get3A_88 : vector<1x16xf32> to vector<16xf32>
        %get3A_90 = arith.index_cast %add3A_85 : i32 to index
        %get3A_91 = arith.constant 0 : index
        %get3A_92 = tpu.vector_load %arg10[%get3A_90, %get3A_91] {strides = array<i32>} : memref<640x16xf32, #tpu.memory_space<vmem>>, vector<1x16xf32>,
        %get3A_93 = vector.shape_cast %get3A_92 : vector<1x16xf32> to vector<16xf32>
        %add3A_94 = arith.addf %get3A_89, %get3A_93 : vector<16xf32>
        %get3A_95 = arith.index_cast %add3A_85 : i32 to index
        %get3A_96 = arith.constant 0 : index
        %get3A_97 = tpu.vector_load %arg11[%get3A_95, %get3A_96] {strides = array<i32>} : memref<640x16xf32, #tpu.memory_space<vmem>>, vector<1x16xf32>,
        %get3A_98 = vector.shape_cast %get3A_97 : vector<1x16xf32> to vector<16xf32>
        %add3A_99 = arith.addf %add3A_94, %get3A_98 : vector<16xf32>
        %mul3A_100 = arith.constant 2.000000e-01 : f32
        %mul3A_101 = vector.broadcast %mul3A_100 : f32 to vector<16xf32>
        %mul3A_102 = arith.mulf %add3A_99, %mul3A_101 : vector<16xf32>
        %max3A_103 = arith.maximumf %add3A_99, %mul3A_102 : vector<16xf32>
        %exp3A_104 = math.exp %max3A_103 : vector<16xf32>
        %swap3A_105 = arith.index_cast %add3A_85 : i32 to index
        %swap3A_106 = arith.constant 0 : index
        %swap3A_107 = tpu.vector_load %arg9[%swap3A_105, %swap3A_106] {strides = array<i32>} : memref<640x16xf32, #tpu.memory_space<vmem>>, vector<1x16xf32>,
        %swap3A_108 = vector.shape_cast %swap3A_107 : vector<1x16xf32> to vector<16xf32>
        %swap3A_109 = vector.shape_cast %exp3A_104 : vector<16xf32> to vector<1x16xf32>
        tpu.vector_store %arg9[%swap3A_105, %swap3A_106], %swap3A_109 {strides = array<i32>} : memref<640x16xf32, #tpu.memory_space<vmem>>, vector<1x16xf32>,
        %mul3A_110 = arith.mulf %exp3A_104, %select_n3A : vector<16xf32>
        %swap3A_111 = arith.index_cast %add3A_85 : i32 to index
        %swap3A_112 = arith.constant 0 : index
        %swap3A_113 = tpu.vector_load %arg10[%swap3A_111, %swap3A_112] {strides = array<i32>} : memref<640x16xf32, #tpu.memory_space<vmem>>, vector<1x16xf32>,
        %swap3A_114 = vector.shape_cast %swap3A_113 : vector<1x16xf32> to vector<16xf32>
        %swap3A_115 = vector.shape_cast %mul3A_110 : vector<16xf32> to vector<1x16xf32>
        tpu.vector_store %arg10[%swap3A_111, %swap3A_112], %swap3A_115 {strides = array<i32>} : memref<640x16xf32, #tpu.memory_space<vmem>>, vector<1x16xf32>,
      }
      %scan3A_47 = arith.constant 320 : i32
      %mul3A_48 = arith.constant 640 : i32
      %mul3A_49 = arith.muli %add3A_33, %mul3A_48 : i32
      "tpu.region"() ({
        %run_scoped3A_51 = tpu.sem_alloc : memref<!tpu.dma_semaphore, #tpu.memory_space<semaphore_mem>>
        %dma_start3A = arith.constant 0 : i32
        %dma_start3A_52 = arith.constant 0 : i32
        %dma_start3A_53 = tpu.memref_slice %arg9[%dma_start3A, %dma_start3A_52] : memref<640x16xf32, #tpu.memory_space<vmem>> -> memref<640x16xf32, #tpu.memory_space<vmem>>
        %dma_start3A_54 = arith.constant 0 : i32
        %dma_start3A_55 = tpu.memref_slice %arg6[%mul3A_49, %dma_start3A_54] : memref<819200x16xf32, #tpu.memory_space<hbm>> -> memref<640x16xf32, #tpu.memory_space<hbm>>
        %dma_start3A_56 = arith.constant 0 : i32
        %dma_start3A_57 = tpu.memref_slice %arg6[%mul3A_49, %dma_start3A_56] : memref<819200x16xf32, #tpu.memory_space<hbm>> -> memref<640x16xf32, #tpu.memory_space<hbm>>
        %dma_start3A_58 = arith.constant 0 : i32
        %dma_start3A_59 = arith.constant 0 : i32
        %dma_start3A_60 = tpu.memref_slice %arg9[%dma_start3A_58, %dma_start3A_59] : memref<640x16xf32, #tpu.memory_space<vmem>> -> memref<640x16xf32, #tpu.memory_space<vmem>>
        tpu.enqueue_dma source(%dma_start3A_60 : memref<640x16xf32, #tpu.memory_space<vmem>>) target(%dma_start3A_57 : memref<640x16xf32, #tpu.memory_space<hbm>>) target_semaphore(%run_scoped3A_51 : memref<!tpu.dma_semaphore, #tpu.memory_space<semaphore_mem>>)
        %dma_wait3A = arith.constant 0 : i32
        %dma_wait3A_61 = arith.constant 0 : i32
        %dma_wait3A_62 = tpu.memref_slice %arg9[%dma_wait3A, %dma_wait3A_61] : memref<640x16xf32, #tpu.memory_space<vmem>> -> memref<640x16xf32, #tpu.memory_space<vmem>>
        %dma_wait3A_63 = arith.constant 0 : i32
        %dma_wait3A_64 = tpu.memref_slice %arg6[%mul3A_49, %dma_wait3A_63] : memref<819200x16xf32, #tpu.memory_space<hbm>> -> memref<640x16xf32, #tpu.memory_space<hbm>>
        %dma_wait3A_65 = arith.constant 0 : i32
        %dma_wait3A_66 = tpu.memref_slice %arg6[%mul3A_49, %dma_wait3A_65] : memref<819200x16xf32, #tpu.memory_space<hbm>> -> memref<640x16xf32, #tpu.memory_space<hbm>>
        %dma_wait3A_67 = arith.constant 0 : i32
        %dma_wait3A_68 = arith.constant 0 : i32
        %dma_wait3A_69 = tpu.memref_slice %arg9[%dma_wait3A_67, %dma_wait3A_68] : memref<640x16xf32, #tpu.memory_space<vmem>> -> memref<640x16xf32, #tpu.memory_space<vmem>>
        tpu.wait_dma2 semaphore(%run_scoped3A_51 : memref<!tpu.dma_semaphore, #tpu.memory_space<semaphore_mem>>) src(%dma_wait3A_69 : memref<640x16xf32, #tpu.memory_space<vmem>>) dst(%dma_wait3A_66 : memref<640x16xf32, #tpu.memory_space<hbm>>)
        tpu.yield
      }) : () -> ()
      %run_scoped3A_50 = arith.constant 1 : i32
      "tpu.region"() ({
        %run_scoped3A_51 = tpu.sem_alloc : memref<!tpu.dma_semaphore, #tpu.memory_space<semaphore_mem>>
        %dma_start3A = arith.constant 0 : i32
        %dma_start3A_52 = arith.constant 0 : i32
        %dma_start3A_53 = tpu.memref_slice %arg10[%dma_start3A, %dma_start3A_52] : memref<640x16xf32, #tpu.memory_space<vmem>> -> memref<640x16xf32, #tpu.memory_space<vmem>>
        %dma_start3A_54 = arith.constant 0 : i32
        %dma_start3A_55 = tpu.memref_slice %arg8[%run_scoped3A_50, %dma_start3A_54] : memref<2x640xi32, #tpu.memory_space<vmem>> -> memref<1x640xi32, #tpu.memory_space<vmem>>
        %dma_start3A_56 = tpu.memref_squeeze %dma_start3A_55 : memref<1x640xi32, #tpu.memory_space<vmem>> -> memref<640xi32, #tpu.memory_space<vmem>>
        %dma_start3A_57 = arith.constant 0 : i32
        %dma_start3A_58 = arith.constant 0 : i32
        %dma_start3A_59 = tpu.memref_slice %arg13[%dma_start3A_57, %dma_start3A_58] : memref<50048x16xf32, #tpu.memory_space<vmem_shared>> -> memref<50048x16xf32, #tpu.memory_space<vmem_shared>>
        tpu.enqueue_indirect_dma source(%dma_start3A_53 : memref<640x16xf32, #tpu.memory_space<vmem>>) target(%dma_start3A_59 : memref<50048x16xf32, #tpu.memory_space<vmem_shared>>) offsets(%dma_start3A_56 : memref<640xi32, #tpu.memory_space<vmem>>) semaphore(%run_scoped3A_51 : memref<!tpu.dma_semaphore, #tpu.memory_space<semaphore_mem>>) {add = true}
        %dma_wait3A = arith.constant 0 : i32
        %dma_wait3A_60 = arith.constant 0 : i32
        %dma_wait3A_61 = tpu.memref_slice %arg10[%dma_wait3A, %dma_wait3A_60] : memref<640x16xf32, #tpu.memory_space<vmem>> -> memref<640x16xf32, #tpu.memory_space<vmem>>
        %dma_wait3A_62 = arith.constant 0 : i32
        %dma_wait3A_63 = tpu.memref_slice %arg8[%run_scoped3A_50, %dma_wait3A_62] : memref<2x640xi32, #tpu.memory_space<vmem>> -> memref<1x640xi32, #tpu.memory_space<vmem>>
        %dma_wait3A_64 = tpu.memref_squeeze %dma_wait3A_63 : memref<1x640xi32, #tpu.memory_space<vmem>> -> memref<640xi32, #tpu.memory_space<vmem>>
        %dma_wait3A_65 = arith.constant 0 : i32
        %dma_wait3A_66 = arith.constant 0 : i32
        %dma_wait3A_67 = tpu.memref_slice %arg13[%dma_wait3A_65, %dma_wait3A_66] : memref<50048x16xf32, #tpu.memory_space<vmem_shared>> -> memref<50048x16xf32, #tpu.memory_space<vmem_shared>>
        tpu.wait_indirect_dma semaphore(%run_scoped3A_51 : memref<!tpu.dma_semaphore, #tpu.memory_space<semaphore_mem>>) src(%dma_wait3A_61 : memref<640x16xf32, #tpu.memory_space<vmem>>) dst(%dma_wait3A_67 : memref<50048x16xf32, #tpu.memory_space<vmem_shared>>)
        tpu.yield
      }) : () -> ()
    }
    %scan3A_20 = arith.constant 40 : i32
    %barrier3A_21 = arith.constant 0 : index
    tpu.barrier barrier_id(%barrier3A_21)
    %mul3A_22 = arith.constant 3128 : i32
    %mul3A_23 = arith.muli %arg1, %mul3A_22 : i32
    %mul3A_24 = arith.constant 3128 : i32
    %mul3A_25 = arith.muli %arg1, %mul3A_24 : i32
    "tpu.region"() ({
      %run_scoped3A = tpu.sem_alloc : memref<!tpu.dma_semaphore, #tpu.memory_space<semaphore_mem>>
      %dma_start3A = arith.constant 0 : i32
      %dma_start3A_26 = tpu.memref_slice %arg7[%arg0, %mul3A_25, %dma_start3A] : memref<2x50048x16xf32, #tpu.memory_space<hbm>> -> memref<1x3128x16xf32, #tpu.memory_space<hbm>>
      %dma_start3A_27 = tpu.memref_squeeze %dma_start3A_26 : memref<1x3128x16xf32, #tpu.memory_space<hbm>> -> memref<3128x16xf32, #tpu.memory_space<hbm>>
      %dma_start3A_28 = arith.constant 0 : i32
      %dma_start3A_29 = tpu.memref_slice %arg13[%mul3A_23, %dma_start3A_28] : memref<50048x16xf32, #tpu.memory_space<vmem_shared>> -> memref<3128x16xf32, #tpu.memory_space<vmem_shared>>
      tpu.enqueue_dma source(%dma_start3A_29 : memref<3128x16xf32, #tpu.memory_space<vmem_shared>>) target(%dma_start3A_27 : memref<3128x16xf32, #tpu.memory_space<hbm>>) target_semaphore(%run_scoped3A : memref<!tpu.dma_semaphore, #tpu.memory_space<semaphore_mem>>)
      %dma_wait3A = arith.constant 0 : i32
      %dma_wait3A_30 = tpu.memref_slice %arg7[%arg0, %mul3A_25, %dma_wait3A] : memref<2x50048x16xf32, #tpu.memory_space<hbm>> -> memref<1x3128x16xf32, #tpu.memory_space<hbm>>
      %dma_wait3A_31 = tpu.memref_squeeze %dma_wait3A_30 : memref<1x3128x16xf32, #tpu.memory_space<hbm>> -> memref<3128x16xf32, #tpu.memory_space<hbm>>
      %dma_wait3A_32 = arith.constant 0 : i32
      %dma_wait3A_33 = tpu.memref_slice %arg13[%mul3A_23, %dma_wait3A_32] : memref<50048x16xf32, #tpu.memory_space<vmem_shared>> -> memref<3128x16xf32, #tpu.memory_space<vmem_shared>>
      tpu.wait_dma2 semaphore(%run_scoped3A : memref<!tpu.dma_semaphore, #tpu.memory_space<semaphore_mem>>) src(%dma_wait3A_33 : memref<3128x16xf32, #tpu.memory_space<vmem_shared>>) dst(%dma_wait3A_31 : memref<3128x16xf32, #tpu.memory_space<hbm>>)
      tpu.yield
    }) : () -> ()
    return
  }
}

module attributes {stable_mosaic.version = 14 : i64} {
  func.func @_mm_kernel(%arg0: i32, %arg1: memref<8000x6xf32, #tpu.memory_space<vmem>>, %arg2: memref<6x4xf32, #tpu.memory_space<vmem>>, %arg3: memref<8000x4xf32, #tpu.memory_space<vmem>>) attributes {dimension_semantics = [#tpu.dimension_semantics<arbitrary>], iteration_bounds = array<i64: 100>, scalar_prefetch = 0 : i64, scratch_operands = 0 : i64, tpu.core_type = #tpu.core_type<tc>, window_params = [{transform_indices = @transform_0, window_bounds = array<i64: 8000, 6>}, {pipeline_mode = #tpu.pipeline_mode<synchronous>, transform_indices = @transform_1, window_bounds = array<i64: 6, 4>}, {transform_indices = @transform_2, window_bounds = array<i64: 8000, 4>}]} {
    %get3A = arith.constant 0 : index
    %get3A_0 = arith.constant 0 : index
    %get3A_1 = vector.load %arg1[%get3A, %get3A_0] : memref<8000x6xf32, #tpu.memory_space<vmem>>, vector<8000x6xf32>
    %get3A_2 = arith.constant 0 : index
    %get3A_3 = arith.constant 0 : index
    %get3A_4 = vector.load %arg2[%get3A_2, %get3A_3] : memref<6x4xf32, #tpu.memory_space<vmem>>, vector<6x4xf32>
    %dot_general3A = arith.constant dense<0.000000e+00> : vector<8000x4xf32>
    %dot_general3A_5 = tpu.matmul %get3A_1, %get3A_4, %dot_general3A {dimension_numbers = #tpu.dot_dimension_numbers<[1], [0], [0], [1], [0, 0, 1, 1], [], []>, transpose_lhs_hint = false} : vector<8000x6xf32>, vector<6x4xf32>, vector<8000x4xf32> -> vector<8000x4xf32>
    %swap3A = arith.constant 0 : index
    %swap3A_6 = arith.constant 0 : index
    %swap3A_7 = vector.load %arg3[%swap3A, %swap3A_6] : memref<8000x4xf32, #tpu.memory_space<vmem>>, vector<8000x4xf32>
    tpu.vector_store %arg3[%swap3A, %swap3A_6], %dot_general3A_5 {strides = array<i32>} : memref<8000x4xf32, #tpu.memory_space<vmem>>, vector<8000x4xf32>,
    return
  }
  func.func @transform_0(%arg0: i32) -> (i32, i32) {
    %c0_i32 = arith.constant 0 : i32
    %c0_i32_0 = arith.constant 0 : i32
    return %arg0, %c0_i32 : i32, i32
  }
  func.func @transform_1(%arg0: i32) -> (i32, i32) {
    %c0_i32 = arith.constant 0 : i32
    %c0_i32_0 = arith.constant 0 : i32
    %c0_i32_1 = arith.constant 0 : i32
    return %c0_i32, %c0_i32_0 : i32, i32
  }
  func.func @transform_2(%arg0: i32) -> (i32, i32) {
    %c0_i32 = arith.constant 0 : i32
    %c0_i32_0 = arith.constant 0 : i32
    return %arg0, %c0_i32 : i32, i32
  }
}

module attributes {stable_mosaic.version = 14 : i64} {
  func.func @_mm_kernel(%arg0: i32, %arg1: memref<2000x55xf32, #tpu.memory_space<vmem>>, %arg2: memref<55x264xf32, #tpu.memory_space<vmem>>, %arg3: memref<2000x264xf32, #tpu.memory_space<vmem>>) attributes {dimension_semantics = [#tpu.dimension_semantics<arbitrary>], iteration_bounds = array<i64: 25>, scalar_prefetch = 0 : i64, scratch_operands = 0 : i64, tpu.core_type = #tpu.core_type<tc>, window_params = [{transform_indices = @transform_0, window_bounds = array<i64: 2000, 55>}, {pipeline_mode = #tpu.pipeline_mode<synchronous>, transform_indices = @transform_1, window_bounds = array<i64: 55, 264>}, {transform_indices = @transform_2, window_bounds = array<i64: 2000, 264>}]} {
    %get3A = arith.constant 0 : index
    %get3A_0 = arith.constant 0 : index
    %get3A_1 = vector.load %arg1[%get3A, %get3A_0] : memref<2000x55xf32, #tpu.memory_space<vmem>>, vector<2000x55xf32>
    %get3A_2 = arith.constant 0 : index
    %get3A_3 = arith.constant 0 : index
    %get3A_4 = vector.load %arg2[%get3A_2, %get3A_3] : memref<55x264xf32, #tpu.memory_space<vmem>>, vector<55x264xf32>
    %dot_general3A = arith.constant dense<0.000000e+00> : vector<2000x264xf32>
    %dot_general3A_5 = tpu.matmul %get3A_1, %get3A_4, %dot_general3A {dimension_numbers = #tpu.dot_dimension_numbers<[1], [0], [0], [1], [0, 0, 1, 1], [], []>, transpose_lhs_hint = false} : vector<2000x55xf32>, vector<55x264xf32>, vector<2000x264xf32> -> vector<2000x264xf32>
    %swap3A = arith.constant 0 : index
    %swap3A_6 = arith.constant 0 : index
    %swap3A_7 = vector.load %arg3[%swap3A, %swap3A_6] : memref<2000x264xf32, #tpu.memory_space<vmem>>, vector<2000x264xf32>
    tpu.vector_store %arg3[%swap3A, %swap3A_6], %dot_general3A_5 {strides = array<i32>} : memref<2000x264xf32, #tpu.memory_space<vmem>>, vector<2000x264xf32>,
    return
  }
  func.func @transform_0(%arg0: i32) -> (i32, i32) {
    %c0_i32 = arith.constant 0 : i32
    %c0_i32_0 = arith.constant 0 : i32
    return %arg0, %c0_i32 : i32, i32
  }
  func.func @transform_1(%arg0: i32) -> (i32, i32) {
    %c0_i32 = arith.constant 0 : i32
    %c0_i32_0 = arith.constant 0 : i32
    %c0_i32_1 = arith.constant 0 : i32
    return %c0_i32, %c0_i32_0 : i32, i32
  }
  func.func @transform_2(%arg0: i32) -> (i32, i32) {
    %c0_i32 = arith.constant 0 : i32
    %c0_i32_0 = arith.constant 0 : i32
    return %arg0, %c0_i32 : i32, i32
  }
}

module attributes {stable_mosaic.version = 14 : i64} {
  func.func @_mm_kernel(%arg0: i32, %arg1: memref<8000x6xf32, #tpu.memory_space<vmem>>, %arg2: memref<6x1xf32, #tpu.memory_space<vmem>>, %arg3: memref<8000x1xf32, #tpu.memory_space<vmem>>) attributes {dimension_semantics = [#tpu.dimension_semantics<arbitrary>], iteration_bounds = array<i64: 100>, scalar_prefetch = 0 : i64, scratch_operands = 0 : i64, tpu.core_type = #tpu.core_type<tc>, window_params = [{transform_indices = @transform_0, window_bounds = array<i64: 8000, 6>}, {pipeline_mode = #tpu.pipeline_mode<synchronous>, transform_indices = @transform_1, window_bounds = array<i64: 6, 1>}, {transform_indices = @transform_2, window_bounds = array<i64: 8000, 1>}]} {
    %get3A = arith.constant 0 : index
    %get3A_0 = arith.constant 0 : index
    %get3A_1 = vector.load %arg1[%get3A, %get3A_0] : memref<8000x6xf32, #tpu.memory_space<vmem>>, vector<8000x6xf32>
    %get3A_2 = arith.constant 0 : index
    %get3A_3 = arith.constant 0 : index
    %get3A_4 = vector.load %arg2[%get3A_2, %get3A_3] : memref<6x1xf32, #tpu.memory_space<vmem>>, vector<6x1xf32>
    %dot_general3A = arith.constant dense<0.000000e+00> : vector<8000x1xf32>
    %dot_general3A_5 = tpu.matmul %get3A_1, %get3A_4, %dot_general3A {dimension_numbers = #tpu.dot_dimension_numbers<[1], [0], [0], [1], [0, 0, 1, 1], [], []>, transpose_lhs_hint = false} : vector<8000x6xf32>, vector<6x1xf32>, vector<8000x1xf32> -> vector<8000x1xf32>
    %swap3A = arith.constant 0 : index
    %swap3A_6 = arith.constant 0 : index
    %swap3A_7 = vector.load %arg3[%swap3A, %swap3A_6] : memref<8000x1xf32, #tpu.memory_space<vmem>>, vector<8000x1xf32>
    tpu.vector_store %arg3[%swap3A, %swap3A_6], %dot_general3A_5 {strides = array<i32>} : memref<8000x1xf32, #tpu.memory_space<vmem>>, vector<8000x1xf32>,
    return
  }
  func.func @transform_0(%arg0: i32) -> (i32, i32) {
    %c0_i32 = arith.constant 0 : i32
    %c0_i32_0 = arith.constant 0 : i32
    return %arg0, %c0_i32 : i32, i32
  }
  func.func @transform_1(%arg0: i32) -> (i32, i32) {
    %c0_i32 = arith.constant 0 : i32
    %c0_i32_0 = arith.constant 0 : i32
    %c0_i32_1 = arith.constant 0 : i32
    return %c0_i32, %c0_i32_0 : i32, i32
  }
  func.func @transform_2(%arg0: i32) -> (i32, i32) {
    %c0_i32 = arith.constant 0 : i32
    %c0_i32_0 = arith.constant 0 : i32
    return %arg0, %c0_i32 : i32, i32
  }
}

module attributes {stable_mosaic.version = 14 : i64} {
  func.func @_mm_kernel(%arg0: i32, %arg1: memref<2000x6xf32, #tpu.memory_space<vmem>>, %arg2: memref<6x4xf32, #tpu.memory_space<vmem>>, %arg3: memref<2000x4xf32, #tpu.memory_space<vmem>>) attributes {dimension_semantics = [#tpu.dimension_semantics<arbitrary>], iteration_bounds = array<i64: 25>, scalar_prefetch = 0 : i64, scratch_operands = 0 : i64, tpu.core_type = #tpu.core_type<tc>, window_params = [{transform_indices = @transform_0, window_bounds = array<i64: 2000, 6>}, {pipeline_mode = #tpu.pipeline_mode<synchronous>, transform_indices = @transform_1, window_bounds = array<i64: 6, 4>}, {transform_indices = @transform_2, window_bounds = array<i64: 2000, 4>}]} {
    %get3A = arith.constant 0 : index
    %get3A_0 = arith.constant 0 : index
    %get3A_1 = vector.load %arg1[%get3A, %get3A_0] : memref<2000x6xf32, #tpu.memory_space<vmem>>, vector<2000x6xf32>
    %get3A_2 = arith.constant 0 : index
    %get3A_3 = arith.constant 0 : index
    %get3A_4 = vector.load %arg2[%get3A_2, %get3A_3] : memref<6x4xf32, #tpu.memory_space<vmem>>, vector<6x4xf32>
    %dot_general3A = arith.constant dense<0.000000e+00> : vector<2000x4xf32>
    %dot_general3A_5 = tpu.matmul %get3A_1, %get3A_4, %dot_general3A {dimension_numbers = #tpu.dot_dimension_numbers<[1], [0], [0], [1], [0, 0, 1, 1], [], []>, transpose_lhs_hint = false} : vector<2000x6xf32>, vector<6x4xf32>, vector<2000x4xf32> -> vector<2000x4xf32>
    %swap3A = arith.constant 0 : index
    %swap3A_6 = arith.constant 0 : index
    %swap3A_7 = vector.load %arg3[%swap3A, %swap3A_6] : memref<2000x4xf32, #tpu.memory_space<vmem>>, vector<2000x4xf32>
    tpu.vector_store %arg3[%swap3A, %swap3A_6], %dot_general3A_5 {strides = array<i32>} : memref<2000x4xf32, #tpu.memory_space<vmem>>, vector<2000x4xf32>,
    return
  }
  func.func @transform_0(%arg0: i32) -> (i32, i32) {
    %c0_i32 = arith.constant 0 : i32
    %c0_i32_0 = arith.constant 0 : i32
    return %arg0, %c0_i32 : i32, i32
  }
  func.func @transform_1(%arg0: i32) -> (i32, i32) {
    %c0_i32 = arith.constant 0 : i32
    %c0_i32_0 = arith.constant 0 : i32
    %c0_i32_1 = arith.constant 0 : i32
    return %c0_i32, %c0_i32_0 : i32, i32
  }
  func.func @transform_2(%arg0: i32) -> (i32, i32) {
    %c0_i32 = arith.constant 0 : i32
    %c0_i32_0 = arith.constant 0 : i32
    return %arg0, %c0_i32 : i32, i32
  }
}

module attributes {stable_mosaic.version = 14 : i64} {
  func.func @_combine_ln_kernel(%arg0: i32, %arg1: memref<1000x256xf32, #tpu.memory_space<vmem>>, %arg2: memref<1000x256xf32, #tpu.memory_space<vmem>>, %arg3: memref<1000x256xf32, #tpu.memory_space<vmem>>, %arg4: memref<1000x256xf32, #tpu.memory_space<vmem>>, %arg5: memref<1x256xf32, #tpu.memory_space<vmem>>, %arg6: memref<1x256xf32, #tpu.memory_space<vmem>>, %arg7: memref<1x256xf32, #tpu.memory_space<vmem>>, %arg8: memref<1000x256xf32, #tpu.memory_space<vmem>>) attributes {dimension_semantics = [#tpu.dimension_semantics<arbitrary>], iteration_bounds = array<i64: 50>, scalar_prefetch = 0 : i64, scratch_operands = 0 : i64, tpu.core_type = #tpu.core_type<tc>, window_params = [{transform_indices = @transform_0, window_bounds = array<i64: 1000, 256>}, {transform_indices = @transform_1, window_bounds = array<i64: 1000, 256>}, {transform_indices = @transform_2, window_bounds = array<i64: 1000, 256>}, {transform_indices = @transform_3, window_bounds = array<i64: 1000, 256>}, {pipeline_mode = #tpu.pipeline_mode<synchronous>, transform_indices = @transform_4, window_bounds = array<i64: 1, 256>}, {pipeline_mode = #tpu.pipeline_mode<synchronous>, transform_indices = @transform_5, window_bounds = array<i64: 1, 256>}, {pipeline_mode = #tpu.pipeline_mode<synchronous>, transform_indices = @transform_6, window_bounds = array<i64: 1, 256>}, {transform_indices = @transform_7, window_bounds = array<i64: 1000, 256>}]} {
    %get3A = arith.constant 0 : index
    %get3A_0 = arith.constant 0 : index
    %get3A_1 = vector.load %arg1[%get3A, %get3A_0] : memref<1000x256xf32, #tpu.memory_space<vmem>>, vector<1000x256xf32>
    %get3A_2 = arith.constant 0 : index
    %get3A_3 = arith.constant 0 : index
    %get3A_4 = vector.load %arg2[%get3A_2, %get3A_3] : memref<1000x256xf32, #tpu.memory_space<vmem>>, vector<1000x256xf32>
    %get3A_5 = arith.constant 0 : index
    %get3A_6 = arith.constant 0 : index
    %get3A_7 = vector.load %arg3[%get3A_5, %get3A_6] : memref<1000x256xf32, #tpu.memory_space<vmem>>, vector<1000x256xf32>
    %mul3A = arith.mulf %get3A_4, %get3A_7 : vector<1000x256xf32>
    %add3A = arith.addf %get3A_1, %mul3A : vector<1000x256xf32>
    %get3A_8 = arith.constant 0 : index
    %get3A_9 = arith.constant 0 : index
    %get3A_10 = vector.load %arg4[%get3A_8, %get3A_9] : memref<1000x256xf32, #tpu.memory_space<vmem>>, vector<1000x256xf32>
    %div3A = arith.divf %add3A, %get3A_10 : vector<1000x256xf32>
    %get3A_11 = arith.constant 0 : index
    %get3A_12 = arith.constant 0 : index
    %get3A_13 = vector.load %arg5[%get3A_11, %get3A_12] : memref<1x256xf32, #tpu.memory_space<vmem>>, vector<1x256xf32>
    %add3A_14 = vector.broadcast %get3A_13 : vector<1x256xf32> to vector<1000x256xf32>
    %add3A_15 = arith.addf %div3A, %add3A_14 : vector<1000x256xf32>
    %reduce_sum3A = arith.constant dense<0.000000e+00> : vector<1000xf32>
    %reduce_sum3A_16 = vector.multi_reduction <add>, %add3A_15, %reduce_sum3A [1] : vector<1000x256xf32> to vector<1000xf32>
    %broadcast_in_dim3A = vector.shape_cast %reduce_sum3A_16 : vector<1000xf32> to vector<1000x1xf32>
    %div3A_17 = arith.constant 2.560000e+02 : f32
    %div3A_18 = vector.broadcast %div3A_17 : f32 to vector<1000x1xf32>
    %div3A_19 = arith.divf %broadcast_in_dim3A, %div3A_18 : vector<1000x1xf32>
    %sub3A = vector.broadcast %div3A_19 : vector<1000x1xf32> to vector<1000x256xf32>
    %sub3A_20 = arith.subf %add3A_15, %sub3A : vector<1000x256xf32>
    %mul3A_21 = arith.mulf %sub3A_20, %sub3A_20 : vector<1000x256xf32>
    %reduce_sum3A_22 = arith.constant dense<0.000000e+00> : vector<1000xf32>
    %reduce_sum3A_23 = vector.multi_reduction <add>, %mul3A_21, %reduce_sum3A_22 [1] : vector<1000x256xf32> to vector<1000xf32>
    %broadcast_in_dim3A_24 = vector.shape_cast %reduce_sum3A_23 : vector<1000xf32> to vector<1000x1xf32>
    %div3A_25 = arith.constant 2.560000e+02 : f32
    %div3A_26 = vector.broadcast %div3A_25 : f32 to vector<1000x1xf32>
    %div3A_27 = arith.divf %broadcast_in_dim3A_24, %div3A_26 : vector<1000x1xf32>
    %add3A_28 = arith.constant 9.99999974E-6 : f32
    %add3A_29 = vector.broadcast %add3A_28 : f32 to vector<1000x1xf32>
    %add3A_30 = arith.addf %div3A_27, %add3A_29 : vector<1000x1xf32>
    %rsqrt3A = math.rsqrt %add3A_30 : vector<1000x1xf32>
    %mul3A_31 = vector.broadcast %rsqrt3A : vector<1000x1xf32> to vector<1000x256xf32>
    %mul3A_32 = arith.mulf %sub3A_20, %mul3A_31 : vector<1000x256xf32>
    %get3A_33 = arith.constant 0 : index
    %get3A_34 = arith.constant 0 : index
    %get3A_35 = vector.load %arg6[%get3A_33, %get3A_34] : memref<1x256xf32, #tpu.memory_space<vmem>>, vector<1x256xf32>
    %mul3A_36 = vector.broadcast %get3A_35 : vector<1x256xf32> to vector<1000x256xf32>
    %mul3A_37 = arith.mulf %mul3A_32, %mul3A_36 : vector<1000x256xf32>
    %get3A_38 = arith.constant 0 : index
    %get3A_39 = arith.constant 0 : index
    %get3A_40 = vector.load %arg7[%get3A_38, %get3A_39] : memref<1x256xf32, #tpu.memory_space<vmem>>, vector<1x256xf32>
    %add3A_41 = vector.broadcast %get3A_40 : vector<1x256xf32> to vector<1000x256xf32>
    %add3A_42 = arith.addf %mul3A_37, %add3A_41 : vector<1000x256xf32>
    %max3A = arith.constant 0.000000e+00 : f32
    %max3A_43 = vector.broadcast %max3A : f32 to vector<1000x256xf32>
    %max3A_44 = arith.maximumf %add3A_42, %max3A_43 : vector<1000x256xf32>
    %swap3A = arith.constant 0 : index
    %swap3A_45 = arith.constant 0 : index
    %swap3A_46 = vector.load %arg8[%swap3A, %swap3A_45] : memref<1000x256xf32, #tpu.memory_space<vmem>>, vector<1000x256xf32>
    tpu.vector_store %arg8[%swap3A, %swap3A_45], %max3A_44 {strides = array<i32>} : memref<1000x256xf32, #tpu.memory_space<vmem>>, vector<1000x256xf32>,
    return
  }
  func.func @transform_0(%arg0: i32) -> (i32, i32) {
    %c0_i32 = arith.constant 0 : i32
    %c0_i32_0 = arith.constant 0 : i32
    return %arg0, %c0_i32 : i32, i32
  }
  func.func @transform_1(%arg0: i32) -> (i32, i32) {
    %c0_i32 = arith.constant 0 : i32
    %c0_i32_0 = arith.constant 0 : i32
    return %arg0, %c0_i32 : i32, i32
  }
  func.func @transform_2(%arg0: i32) -> (i32, i32) {
    %c0_i32 = arith.constant 0 : i32
    %c0_i32_0 = arith.constant 0 : i32
    return %arg0, %c0_i32 : i32, i32
  }
  func.func @transform_3(%arg0: i32) -> (i32, i32) {
    %c0_i32 = arith.constant 0 : i32
    %c0_i32_0 = arith.constant 0 : i32
    return %arg0, %c0_i32 : i32, i32
  }
  func.func @transform_4(%arg0: i32) -> (i32, i32) {
    %c0_i32 = arith.constant 0 : i32
    %c0_i32_0 = arith.constant 0 : i32
    %c0_i32_1 = arith.constant 0 : i32
    return %c0_i32, %c0_i32_0 : i32, i32
  }
  func.func @transform_5(%arg0: i32) -> (i32, i32) {
    %c0_i32 = arith.constant 0 : i32
    %c0_i32_0 = arith.constant 0 : i32
    %c0_i32_1 = arith.constant 0 : i32
    return %c0_i32, %c0_i32_0 : i32, i32
  }
  func.func @transform_6(%arg0: i32) -> (i32, i32) {
    %c0_i32 = arith.constant 0 : i32
    %c0_i32_0 = arith.constant 0 : i32
    %c0_i32_1 = arith.constant 0 : i32
    return %c0_i32, %c0_i32_0 : i32, i32
  }
  func.func @transform_7(%arg0: i32) -> (i32, i32) {
    %c0_i32 = arith.constant 0 : i32
    %c0_i32_0 = arith.constant 0 : i32
    return %arg0, %c0_i32 : i32, i32
  }
}

module attributes {stable_mosaic.version = 14 : i64} {
  func.func @_mm_kernel(%arg0: i32, %arg1: memref<2000x256xf32, #tpu.memory_space<vmem>>, %arg2: memref<256x66xf32, #tpu.memory_space<vmem>>, %arg3: memref<2000x66xf32, #tpu.memory_space<vmem>>) attributes {dimension_semantics = [#tpu.dimension_semantics<arbitrary>], iteration_bounds = array<i64: 25>, scalar_prefetch = 0 : i64, scratch_operands = 0 : i64, tpu.core_type = #tpu.core_type<tc>, window_params = [{transform_indices = @transform_0, window_bounds = array<i64: 2000, 256>}, {pipeline_mode = #tpu.pipeline_mode<synchronous>, transform_indices = @transform_1, window_bounds = array<i64: 256, 66>}, {transform_indices = @transform_2, window_bounds = array<i64: 2000, 66>}]} {
    %get3A = arith.constant 0 : index
    %get3A_0 = arith.constant 0 : index
    %get3A_1 = vector.load %arg1[%get3A, %get3A_0] : memref<2000x256xf32, #tpu.memory_space<vmem>>, vector<2000x256xf32>
    %get3A_2 = arith.constant 0 : index
    %get3A_3 = arith.constant 0 : index
    %get3A_4 = vector.load %arg2[%get3A_2, %get3A_3] : memref<256x66xf32, #tpu.memory_space<vmem>>, vector<256x66xf32>
    %dot_general3A = arith.constant dense<0.000000e+00> : vector<2000x66xf32>
    %dot_general3A_5 = tpu.matmul %get3A_1, %get3A_4, %dot_general3A {dimension_numbers = #tpu.dot_dimension_numbers<[1], [0], [0], [1], [0, 0, 1, 1], [], []>, transpose_lhs_hint = false} : vector<2000x256xf32>, vector<256x66xf32>, vector<2000x66xf32> -> vector<2000x66xf32>
    %swap3A = arith.constant 0 : index
    %swap3A_6 = arith.constant 0 : index
    %swap3A_7 = vector.load %arg3[%swap3A, %swap3A_6] : memref<2000x66xf32, #tpu.memory_space<vmem>>, vector<2000x66xf32>
    tpu.vector_store %arg3[%swap3A, %swap3A_6], %dot_general3A_5 {strides = array<i32>} : memref<2000x66xf32, #tpu.memory_space<vmem>>, vector<2000x66xf32>,
    return
  }
  func.func @transform_0(%arg0: i32) -> (i32, i32) {
    %c0_i32 = arith.constant 0 : i32
    %c0_i32_0 = arith.constant 0 : i32
    return %arg0, %c0_i32 : i32, i32
  }
  func.func @transform_1(%arg0: i32) -> (i32, i32) {
    %c0_i32 = arith.constant 0 : i32
    %c0_i32_0 = arith.constant 0 : i32
    %c0_i32_1 = arith.constant 0 : i32
    return %c0_i32, %c0_i32_0 : i32, i32
  }
  func.func @transform_2(%arg0: i32) -> (i32, i32) {
    %c0_i32 = arith.constant 0 : i32
    %c0_i32_0 = arith.constant 0 : i32
    return %arg0, %c0_i32 : i32, i32
  }
}

module attributes {stable_mosaic.version = 14 : i64} {
  func.func @_mm_kernel(%arg0: i32, %arg1: memref<2000x6xf32, #tpu.memory_space<vmem>>, %arg2: memref<6x1xf32, #tpu.memory_space<vmem>>, %arg3: memref<2000x1xf32, #tpu.memory_space<vmem>>) attributes {dimension_semantics = [#tpu.dimension_semantics<arbitrary>], iteration_bounds = array<i64: 25>, scalar_prefetch = 0 : i64, scratch_operands = 0 : i64, tpu.core_type = #tpu.core_type<tc>, window_params = [{transform_indices = @transform_0, window_bounds = array<i64: 2000, 6>}, {pipeline_mode = #tpu.pipeline_mode<synchronous>, transform_indices = @transform_1, window_bounds = array<i64: 6, 1>}, {transform_indices = @transform_2, window_bounds = array<i64: 2000, 1>}]} {
    %get3A = arith.constant 0 : index
    %get3A_0 = arith.constant 0 : index
    %get3A_1 = vector.load %arg1[%get3A, %get3A_0] : memref<2000x6xf32, #tpu.memory_space<vmem>>, vector<2000x6xf32>
    %get3A_2 = arith.constant 0 : index
    %get3A_3 = arith.constant 0 : index
    %get3A_4 = vector.load %arg2[%get3A_2, %get3A_3] : memref<6x1xf32, #tpu.memory_space<vmem>>, vector<6x1xf32>
    %dot_general3A = arith.constant dense<0.000000e+00> : vector<2000x1xf32>
    %dot_general3A_5 = tpu.matmul %get3A_1, %get3A_4, %dot_general3A {dimension_numbers = #tpu.dot_dimension_numbers<[1], [0], [0], [1], [0, 0, 1, 1], [], []>, transpose_lhs_hint = false} : vector<2000x6xf32>, vector<6x1xf32>, vector<2000x1xf32> -> vector<2000x1xf32>
    %swap3A = arith.constant 0 : index
    %swap3A_6 = arith.constant 0 : index
    %swap3A_7 = vector.load %arg3[%swap3A, %swap3A_6] : memref<2000x1xf32, #tpu.memory_space<vmem>>, vector<2000x1xf32>
    tpu.vector_store %arg3[%swap3A, %swap3A_6], %dot_general3A_5 {strides = array<i32>} : memref<2000x1xf32, #tpu.memory_space<vmem>>, vector<2000x1xf32>,
    return
  }
  func.func @transform_0(%arg0: i32) -> (i32, i32) {
    %c0_i32 = arith.constant 0 : i32
    %c0_i32_0 = arith.constant 0 : i32
    return %arg0, %c0_i32 : i32, i32
  }
  func.func @transform_1(%arg0: i32) -> (i32, i32) {
    %c0_i32 = arith.constant 0 : i32
    %c0_i32_0 = arith.constant 0 : i32
    %c0_i32_1 = arith.constant 0 : i32
    return %c0_i32, %c0_i32_0 : i32, i32
  }
  func.func @transform_2(%arg0: i32) -> (i32, i32) {
    %c0_i32 = arith.constant 0 : i32
    %c0_i32_0 = arith.constant 0 : i32
    return %arg0, %c0_i32 : i32, i32
  }
}

module attributes {stable_mosaic.version = 14 : i64} {
  func.func @_combine_ln_kernel(%arg0: i32, %arg1: memref<1000x64xf32, #tpu.memory_space<vmem>>, %arg2: memref<1000x64xf32, #tpu.memory_space<vmem>>, %arg3: memref<1000x64xf32, #tpu.memory_space<vmem>>, %arg4: memref<1000x64xf32, #tpu.memory_space<vmem>>, %arg5: memref<1x64xf32, #tpu.memory_space<vmem>>, %arg6: memref<1x64xf32, #tpu.memory_space<vmem>>, %arg7: memref<1x64xf32, #tpu.memory_space<vmem>>, %arg8: memref<1000x64xf32, #tpu.memory_space<vmem>>) attributes {dimension_semantics = [#tpu.dimension_semantics<arbitrary>], iteration_bounds = array<i64: 50>, scalar_prefetch = 0 : i64, scratch_operands = 0 : i64, tpu.core_type = #tpu.core_type<tc>, window_params = [{transform_indices = @transform_0, window_bounds = array<i64: 1000, 64>}, {transform_indices = @transform_1, window_bounds = array<i64: 1000, 64>}, {transform_indices = @transform_2, window_bounds = array<i64: 1000, 64>}, {transform_indices = @transform_3, window_bounds = array<i64: 1000, 64>}, {pipeline_mode = #tpu.pipeline_mode<synchronous>, transform_indices = @transform_4, window_bounds = array<i64: 1, 64>}, {pipeline_mode = #tpu.pipeline_mode<synchronous>, transform_indices = @transform_5, window_bounds = array<i64: 1, 64>}, {pipeline_mode = #tpu.pipeline_mode<synchronous>, transform_indices = @transform_6, window_bounds = array<i64: 1, 64>}, {transform_indices = @transform_7, window_bounds = array<i64: 1000, 64>}]} {
    %get3A = arith.constant 0 : index
    %get3A_0 = arith.constant 0 : index
    %get3A_1 = vector.load %arg1[%get3A, %get3A_0] : memref<1000x64xf32, #tpu.memory_space<vmem>>, vector<1000x64xf32>
    %get3A_2 = arith.constant 0 : index
    %get3A_3 = arith.constant 0 : index
    %get3A_4 = vector.load %arg2[%get3A_2, %get3A_3] : memref<1000x64xf32, #tpu.memory_space<vmem>>, vector<1000x64xf32>
    %get3A_5 = arith.constant 0 : index
    %get3A_6 = arith.constant 0 : index
    %get3A_7 = vector.load %arg3[%get3A_5, %get3A_6] : memref<1000x64xf32, #tpu.memory_space<vmem>>, vector<1000x64xf32>
    %mul3A = arith.mulf %get3A_4, %get3A_7 : vector<1000x64xf32>
    %add3A = arith.addf %get3A_1, %mul3A : vector<1000x64xf32>
    %get3A_8 = arith.constant 0 : index
    %get3A_9 = arith.constant 0 : index
    %get3A_10 = vector.load %arg4[%get3A_8, %get3A_9] : memref<1000x64xf32, #tpu.memory_space<vmem>>, vector<1000x64xf32>
    %div3A = arith.divf %add3A, %get3A_10 : vector<1000x64xf32>
    %get3A_11 = arith.constant 0 : index
    %get3A_12 = arith.constant 0 : index
    %get3A_13 = vector.load %arg5[%get3A_11, %get3A_12] : memref<1x64xf32, #tpu.memory_space<vmem>>, vector<1x64xf32>
    %add3A_14 = vector.broadcast %get3A_13 : vector<1x64xf32> to vector<1000x64xf32>
    %add3A_15 = arith.addf %div3A, %add3A_14 : vector<1000x64xf32>
    %reduce_sum3A = arith.constant dense<0.000000e+00> : vector<1000xf32>
    %reduce_sum3A_16 = vector.multi_reduction <add>, %add3A_15, %reduce_sum3A [1] : vector<1000x64xf32> to vector<1000xf32>
    %broadcast_in_dim3A = vector.shape_cast %reduce_sum3A_16 : vector<1000xf32> to vector<1000x1xf32>
    %div3A_17 = arith.constant 6.400000e+01 : f32
    %div3A_18 = vector.broadcast %div3A_17 : f32 to vector<1000x1xf32>
    %div3A_19 = arith.divf %broadcast_in_dim3A, %div3A_18 : vector<1000x1xf32>
    %sub3A = vector.broadcast %div3A_19 : vector<1000x1xf32> to vector<1000x64xf32>
    %sub3A_20 = arith.subf %add3A_15, %sub3A : vector<1000x64xf32>
    %mul3A_21 = arith.mulf %sub3A_20, %sub3A_20 : vector<1000x64xf32>
    %reduce_sum3A_22 = arith.constant dense<0.000000e+00> : vector<1000xf32>
    %reduce_sum3A_23 = vector.multi_reduction <add>, %mul3A_21, %reduce_sum3A_22 [1] : vector<1000x64xf32> to vector<1000xf32>
    %broadcast_in_dim3A_24 = vector.shape_cast %reduce_sum3A_23 : vector<1000xf32> to vector<1000x1xf32>
    %div3A_25 = arith.constant 6.400000e+01 : f32
    %div3A_26 = vector.broadcast %div3A_25 : f32 to vector<1000x1xf32>
    %div3A_27 = arith.divf %broadcast_in_dim3A_24, %div3A_26 : vector<1000x1xf32>
    %add3A_28 = arith.constant 9.99999974E-6 : f32
    %add3A_29 = vector.broadcast %add3A_28 : f32 to vector<1000x1xf32>
    %add3A_30 = arith.addf %div3A_27, %add3A_29 : vector<1000x1xf32>
    %rsqrt3A = math.rsqrt %add3A_30 : vector<1000x1xf32>
    %mul3A_31 = vector.broadcast %rsqrt3A : vector<1000x1xf32> to vector<1000x64xf32>
    %mul3A_32 = arith.mulf %sub3A_20, %mul3A_31 : vector<1000x64xf32>
    %get3A_33 = arith.constant 0 : index
    %get3A_34 = arith.constant 0 : index
    %get3A_35 = vector.load %arg6[%get3A_33, %get3A_34] : memref<1x64xf32, #tpu.memory_space<vmem>>, vector<1x64xf32>
    %mul3A_36 = vector.broadcast %get3A_35 : vector<1x64xf32> to vector<1000x64xf32>
    %mul3A_37 = arith.mulf %mul3A_32, %mul3A_36 : vector<1000x64xf32>
    %get3A_38 = arith.constant 0 : index
    %get3A_39 = arith.constant 0 : index
    %get3A_40 = vector.load %arg7[%get3A_38, %get3A_39] : memref<1x64xf32, #tpu.memory_space<vmem>>, vector<1x64xf32>
    %add3A_41 = vector.broadcast %get3A_40 : vector<1x64xf32> to vector<1000x64xf32>
    %add3A_42 = arith.addf %mul3A_37, %add3A_41 : vector<1000x64xf32>
    %swap3A = arith.constant 0 : index
    %swap3A_43 = arith.constant 0 : index
    %swap3A_44 = vector.load %arg8[%swap3A, %swap3A_43] : memref<1000x64xf32, #tpu.memory_space<vmem>>, vector<1000x64xf32>
    tpu.vector_store %arg8[%swap3A, %swap3A_43], %add3A_42 {strides = array<i32>} : memref<1000x64xf32, #tpu.memory_space<vmem>>, vector<1000x64xf32>,
    return
  }
  func.func @transform_0(%arg0: i32) -> (i32, i32) {
    %c0_i32 = arith.constant 0 : i32
    %c0_i32_0 = arith.constant 0 : i32
    return %arg0, %c0_i32 : i32, i32
  }
  func.func @transform_1(%arg0: i32) -> (i32, i32) {
    %c0_i32 = arith.constant 0 : i32
    %c0_i32_0 = arith.constant 0 : i32
    return %arg0, %c0_i32 : i32, i32
  }
  func.func @transform_2(%arg0: i32) -> (i32, i32) {
    %c0_i32 = arith.constant 0 : i32
    %c0_i32_0 = arith.constant 0 : i32
    return %arg0, %c0_i32 : i32, i32
  }
  func.func @transform_3(%arg0: i32) -> (i32, i32) {
    %c0_i32 = arith.constant 0 : i32
    %c0_i32_0 = arith.constant 0 : i32
    return %arg0, %c0_i32 : i32, i32
  }
  func.func @transform_4(%arg0: i32) -> (i32, i32) {
    %c0_i32 = arith.constant 0 : i32
    %c0_i32_0 = arith.constant 0 : i32
    %c0_i32_1 = arith.constant 0 : i32
    return %c0_i32, %c0_i32_0 : i32, i32
  }
  func.func @transform_5(%arg0: i32) -> (i32, i32) {
    %c0_i32 = arith.constant 0 : i32
    %c0_i32_0 = arith.constant 0 : i32
    %c0_i32_1 = arith.constant 0 : i32
    return %c0_i32, %c0_i32_0 : i32, i32
  }
  func.func @transform_6(%arg0: i32) -> (i32, i32) {
    %c0_i32 = arith.constant 0 : i32
    %c0_i32_0 = arith.constant 0 : i32
    %c0_i32_1 = arith.constant 0 : i32
    return %c0_i32, %c0_i32_0 : i32, i32
  }
  func.func @transform_7(%arg0: i32) -> (i32, i32) {
    %c0_i32 = arith.constant 0 : i32
    %c0_i32_0 = arith.constant 0 : i32
    return %arg0, %c0_i32 : i32, i32
  }
}

</mosaic_0001>

<sc_bundles>
// kernel: kernel.14.cloned.1.call-start
scs
__scs_entry_jumppad:
0x0: {  	(pc) =	sbr.rel $0x88, $3  }
0x1: {  	(tag) =	ssettag $0x0;
	lr =	simm.s32 $0x1  }
0x2: {  	[smem:$0x3F8E] =	sst lr;
	_ =	strace $0xD0000000  }
0x3: {  	_ = 	snop  }
0x4: {  	_ = 	snop  }
0x5: {  	_ = 	snop  }
0x6: {  	_ = 	snop  }
0x7: {  	_ = 	snop  }
__scs_overlays_trampoline_lowered:
0x8: {  	[smem:$0x3F9D] =	sst s0  }
0x9: {  	[smem:$0x3F9E] =	sst s1  }
0xa: {  	[smem:$0x3F9F] =	sst s2  }
0xb: {  	[smem:$0x3FA0] =	sst s3  }
0xc: {  	[smem:$0x3FA1] =	sst s4  }
0xd: {  	[smem:$0x3FA2] =	sst s5  }
0xe: {  	[smem:$0x3FA3] =	sst s6  }
0xf: {  	[smem:$0x3FA4] =	sst s7  }
0x10: {  	[smem:$0x3FA5] =	sst s8  }
0x11: {  	[smem:$0x3FA6] =	sst s9;
	s0 =	simm.s32 @!p0 $0x0  }
0x12: {  	s1 =	sld [smem:$0x3F8C];
	s0 =	simm.s32 @p0 $0x1  }
0x13: {  	[smem:$0x3FA7] =	sst s0;
	s0 =	simm.s32 @!p1 $0x0  }
0x14: {  	s2 =	sld [smem:$0x3F8B];
	s0 =	simm.s32 @p1 $0x1  }
0x15: {  	[smem:$0x3FA8] =	sst s0;
	s0 =	simm.s32 @!p2 $0x0  }
0x16: {  	s3 =	sld [smem:$0x3FDB];
	s0 =	simm.s32 @p2 $0x1  }
0x17: {  	s4 =	simm.s32 $0x1BF5;
	[smem:$0x3FAA] =	sst s0  }
0x18: {  	s0 =	sld [smem:$0x3F8D];
	_ =	swait.ge [sflag:s4], $0x0  }
0x19: {  	s7 =	sld [smem:$0x3F8E]  }
0x1a: {  	s8 =	sadd.s32 $0xFFFFE003, lr  }
0x1b: {  	s9 =	sadd.s32 $0xFFFFFEF7, lr;
	s5 =	simm.s32 $0xFFFFFFFF;
	p2 =	slt.u32 s8, $0xFFFFF086  }
0x1c: {  	p1 =	slt.u32 s9, $0xF7A;
	s5 =	simm.s32 @!p2 $0x0  }
0x1d: {  	s5 =	simm.s32 @p1 $0x1;
	p0 =	seq.s32 s7, s2  }
0x1e: {  	s7 =	smul.u32 @!p0 $0xF7A, s2;
	p2 =	seq.s32 @!p0 s5, $0x0  }
0x1f: {  	s9 =	smul.u32 $0xF7A, s1;
	s8 =	simm.s32 @!p0 $0x1BF5;
	p2 =	por !p2, p0  }
0x20: {  	[sflag:s8] =	ssyncset.s32 @!p0 $0xFFFFF086;
	s6 =	sadd.s32 @!p0 s3, s7;
	s7 =	simm.s32 @!p0 $0x108  }
0x21: {  	s3 =	sadd.s32 s3, s9;
	s6 =	sadd.s32 @!p0 $0x88, s6;
	s7 =	simm.s32 @p2 $0x1082  }
0x22: {  	[simem:s7], [sflag:s8] =	dma.local @!p0 [hbm:s6], $0xF7A  }
0x23: {  	s9 =	sor.u32 $0xD0000000, s2;
	s6 =	simm.s32 $0x108;
	_ =	swait.ge @!p0 [sflag:s8], $0x0  }
0x24: {  	s3 =	sadd.s32 $0x88, s3;
	s6 =	simm.s32 @!p1 $0x1082;
	[sflag:s4] =	ssyncset.s32 $0xFFFFF086  }
0x25: {  	[simem:s6], [sflag:s4] =	dma.local [hbm:s3], $0xF7A  }
0x26: {  	[smem:$0x3F8E] =	sst s1;
	(tag) =	ssettag s2;
	_ =	strace s9  }
0x27: {  	s1 =	sld [smem:$0x3F9E]  }
0x28: {  	s2 =	sld [smem:$0x3F9F]  }
0x29: {  	s4 =	sld [smem:$0x3FA1]  }
0x2a: {  	p0 =	seq.s32 s5, $0x0;
	s5 =	sld [smem:$0x3FA2]  }
0x2b: {  	s6 =	sld [smem:$0x3FA3]  }
0x2c: {  	s7 =	sld [smem:$0x3FA4]  }
0x2d: {  	s3 =	simm.s32 $0x108;
	s8 =	sld [smem:$0x3FA5]  }
0x2e: {  	s3 =	simm.s32 @!p0 $0x1082;
	s9 =	sld [smem:$0x3FA6]  }
0x2f: {  	lr =	sadd.s32 s0, s3;
	s0 =	sld [smem:$0x3F9D]  }
0x30: {  	s3 =	sld [smem:$0x3FA0]  }
0x31: {  	[smem:$0x3FA9] =	sst s10  }
0x32: {  	s10 =	sld [smem:$0x3FA7];
	_ =	sdelay $0x3  }
0x33: {  	p0 =	seq.s32 s10, $0x1;
	s10 =	sld [smem:$0x3FA9];
	_ =	sdelay $0x3  }
0x34: {  	[smem:$0x3FA9] =	sst s10  }
0x35: {  	s10 =	sld [smem:$0x3FA8];
	_ =	sdelay $0x3  }
0x36: {  	p1 =	seq.s32 s10, $0x1;
	s10 =	sld [smem:$0x3FA9];
	_ =	sdelay $0x3  }
0x37: {  	[smem:$0x3FA9] =	sst s10  }
0x38: {  	s10 =	sld [smem:$0x3FAA]  }
0x39: {  	_ = 	snop;
	(pc) =	sbr.ind lr, $3  }
0x3a: {  	_ = 	snop  }
0x3b: {  	_ = 	snop  }
0x3c: {  	p2 =	seq.s32 s10, $0x1;
	s10 =	sld [smem:$0x3FA9]  }
0x3d: {  	_ =	shalt  }
0x3e: {  	_ =	shalt  }
0x3f: {  	_ =	shalt  }
0x40: {  	_ =	shalt  }
0x41: {  	_ =	shalt  }
0x42: {  	_ =	shalt  }
0x43: {  	_ =	shalt  }
0x44: {  	_ =	shalt  }
0x45: {  	_ =	shalt  }
0x46: {  	_ =	shalt  }
0x47: {  	_ =	shalt  }
0x48: {  	_ =	shalt  }
0x49: {  	_ =	shalt  }
0x4a: {  	_ =	shalt  }
0x4b: {  	_ =	shalt  }
0x4c: {  	_ =	shalt  }
0x4d: {  	_ =	shalt  }
0x4e: {  	_ =	shalt  }
0x4f: {  	_ =	shalt  }
0x50: {  	_ =	shalt  }
0x51: {  	_ =	shalt  }
0x52: {  	_ =	shalt  }
0x53: {  	_ =	shalt  }
0x54: {  	_ =	shalt  }
0x55: {  	_ =	shalt  }
0x56: {  	_ =	shalt  }
0x57: {  	_ =	shalt  }
0x58: {  	_ =	shalt  }
0x59: {  	_ =	shalt  }
0x5a: {  	_ =	shalt  }
0x5b: {  	_ =	shalt  }
0x5c: {  	_ =	shalt  }
0x5d: {  	_ =	shalt  }
0x5e: {  	_ =	shalt  }
0x5f: {  	_ =	shalt  }
0x60: {  	_ =	shalt  }
0x61: {  	_ =	shalt  }
0x62: {  	_ =	shalt  }
0x63: {  	_ =	shalt  }
0x64: {  	_ =	shalt  }
0x65: {  	_ =	shalt  }
0x66: {  	_ =	shalt  }
0x67: {  	_ =	shalt  }
0x68: {  	_ =	shalt  }
0x69: {  	_ =	shalt  }
0x6a: {  	_ =	shalt  }
0x6b: {  	_ =	shalt  }
0x6c: {  	_ =	shalt  }
0x6d: {  	_ =	shalt  }
0x6e: {  	_ =	shalt  }
0x6f: {  	_ =	shalt  }
0x70: {  	_ =	shalt  }
0x71: {  	_ =	shalt  }
0x72: {  	_ =	shalt  }
0x73: {  	_ =	shalt  }
0x74: {  	_ =	shalt  }
0x75: {  	_ =	shalt  }
0x76: {  	_ =	shalt  }
0x77: {  	_ =	shalt  }
0x78: {  	_ =	shalt  }
0x79: {  	_ =	shalt  }
0x7a: {  	_ =	shalt  }
0x7b: {  	_ =	shalt  }
0x7c: {  	_ =	shalt  }
0x7d: {  	_ =	shalt  }
0x7e: {  	_ =	shalt  }
0x7f: {  	_ =	shalt  }
0x80: {  	_ =	shalt  }
0x81: {  	_ =	shalt  }
0x82: {  	_ =	shalt  }
0x83: {  	_ =	shalt  }
0x84: {  	_ =	shalt  }
0x85: {  	_ =	shalt  }
0x86: {  	_ =	shalt  }
0x87: {  	_ =	shalt  }
.Lfunc_end0:
.L_simem_size_0:
called_computation.6_lowered:
.L_overlay_start_0:
0x88: {  	s2 =	sld [smem:$0x3FD9]  }
0x89: {  	s3 =	sld [smem:$0x3FFE];
	_ =	sdelay $0x1  }
0x8a: {  	s1 =	srdreg.scid  }
0x8b: {  	s0 =	sand.u32 $0x1, s1  }
0x8c: {  	s17 =	sshll.u32 s0, $0xA;
	s2 =	sadd.s32 s3, s2  }
0x8d: {  	s2 =	sadd.s32 s2, s17  }
0x8e: {  	[smem:$0x3FB5] =	sst s2  }
0x8f: {  	_ = 	snop  }
0x90: {  	s18 =	sld [smem:$0x3FD0];
	(tm) =	ssettm $0x1  }
0x91: {  	s19 =	sld [smem:$0x3FFB];
	_ =	sdelay $0x3  }
0x92: {  	_ =	strace s19  }
0x93: {  	s2 =	sld [smem:$0x3FFC];
	_ =	sdelay $0x3  }
0x94: {  	_ =	strace s2  }
0x95: {  	s2 =	sld [smem:$0x3FFD];
	_ =	sdelay $0x3  }
0x96: {  	_ =	strace s2  }
0x97: {  	_ =	strace $0x8FFFFFFF  }
0x98: {  	s20 =	sld [smem:$0x3FDB];
	_ =	sdelay $0x1  }
0x99: {  	s4 =	simm.s32 $_scs_section_size  }
0x9a: {  	s5 =	simm.s32 $_size__tile_overlayer_lowered;
	s6 =	simm.s32 $_tile_overlayer_lowered  }
0x9b: {  	s7 =	simm.s32 $0x1BFF;
	s21 =	sshll.u32 s6, $0x1;
	s4 =	sadd.s32 s4, s20  }
0x9c: {  	s22 =	simm.s32 $0x0;
	s5 =	sshll.u32 s5, $0x1;
	s6 =	sadd.s32 s21, s4  }
0x9d: {  	[timem:s22], [sflag:s7] =	dma.local [hbm:s6], s5  }
0x9e: {  	_ =	swait.ge [sflag:s7], s5  }
0x9f: {  	s5 =	ssub.s32 $0x0, s5;
	[sflag:s7] =	ssyncset.done $0x0  }
0xa0: {  	[sflag:s7] =	ssyncadd.s32 s5;
	_ =	sdelay $0x1  }
0xa1: {  	s23 =	simm.s32 $0x1B8B  }
0xa2: {  	_ =	swait.ge [sflag:s23], $0x1  }
0xa3: {  	[sflag:s23] =	ssyncset.done $0x0  }
0xa4: {  	[sflag:s23] =	ssyncadd.s32 $0xFFFFFFFF  }
0xa5: {  	s5 =	sld [smem:$0x0]  }
0xa6: {  	s6 =	sand.u32 $0xFFFFFFFE, s1  }
0xa7: {  	p0 =	sne.s32 s1, s6  }
0xa8: {  	s6 =	sshll.u32 @p0 s6, $0xE  }
0xa9: {  	s6 =	sadd.s32 @p0 $0x11B8D, s6;
	s7 =	sshll.u32 @p0 s5, $0x11  }
0xaa: {  	s6 =	sor.u32 @p0 s7, s6  }
0xab: {  	[sflag:s6] =	ssyncadd.remote.s32 @p0 $0x1;
	_ =	sdelay $0x1  }
0xac: {  	s6 =	simm.s32 @p0 $0x1B8D  }
0xad: {  	_ =	swait.eq @p0 [sflag:s6], $0x1  }
0xae: {  	[sflag:s6] =	ssyncadd.s32 @p0 $0xFFFFFFFF  }
0xaf: {  	s7 =	sshll.u32 @!p0 s1, $0xE  }
0xb0: {  	s7 =	sor.u32 @!p0 $0x4000, s7;
	s6 =	simm.s32 @!p0 $0x1B8D  }
0xb1: {  	s5 =	sshll.u32 @!p0 s5, $0x11;
	s7 =	sadd.s32 @!p0 $0x11B8D, s7;
	_ =	swait.eq @!p0 [sflag:s6], $0x1  }
0xb2: {  	s5 =	sor.u32 @!p0 s5, s7;
	[sflag:s6] =	ssyncadd.s32 @!p0 $0xFFFFFFFF  }
0xb3: {  	s25 =	simm.s32 $0x1B8E;
	s24 =	sld [smem:$0x3FFE];
	[sflag:s5] =	ssyncadd.remote.s32 @!p0 $0x1  }
0xb4: {  	s26 =	simm.s32 $execute0_lowered;
	[smem:$0x3FD2] =	sst s25  }
0xb5: {  	s6 =	sshll.u32 s26, $0x1;
	_ =	strace $0x8000004F;
	[dreg:$0x1] =	wrdreg $0xFFFFFFFF  }
0xb6: {  	s28 =	simm.s32 $_size_execute0_lowered;
	s4 =	sadd.s32 s4, s6;
	[dreg:$0x0] =	wrdreg $0x0  }
0xb7: {  	s6 =	sshll.u32 s28, $0x1;
	[dreg:$0x2] =	wrdreg s4  }
0xb8: {  	[dreg:$0x3] =	wrdreg s6  }
0xb9: {  	[dreg:$0x4] =	wrdreg $0xC0  }
0xba: {  	_ =	task [dreg:s22], $0x5FFFF  }
0xbb: {  	[dreg:$0x1] =	wrdreg $0xFFFFFFFF  }
0xbc: {  	[dreg:$0x0] =	wrdreg $0x60  }
0xbd: {  	[dreg:$0x2] =	wrdreg s24  }
0xbe: {  	[dreg:$0x3] =	wrdreg s18  }
0xbf: {  	[dreg:$0x4] =	wrdreg $0xB0800  }
0xc0: {  	[dreg:$0x5] =	wrdreg $0xA  }
0xc1: {  	_ =	task.clear_ibuf [dreg:s22], $0x6FFFF;
	_ =	strace $0x9000004F  }
0xc2: {  	s29 =	simm.s32 $0xA;
	_ =	strace $0x80000051  }
0xc3: {  	_ =	swait.ge [sflag:s29], $0x1  }
0xc4: {  	[sflag:s29] =	ssyncadd.s32 $0xFFFFFFFF  }
0xc5: {  	_ =	strace $0x90000051  }
0xc6: {  	_ =	sfence  }
0xc7: {  	s30 =	sld [smem:$0x0];
	_ =	sdelay $0x2  }
0xc8: {  	s31 =	sshll.u32 s1, $0xD;
	s1 =	sshrl.u32 s1, $0x2  }
0xc9: {  	s4 =	sand.u32 $0x4000, s31;
	s1 =	sadd.s32 s1, s30  }
0xca: {  	s0 =	sor.u32 s4, s0;
	s1 =	sshll.u32 s1, $0x11  }
0xcb: {  	s0 =	sor.u32 s1, s0  }
0xcc: {  	s0 =	sadd.s32 $0x8F2B, s0  }
0xcd: {  	[sflag:s0] =	ssyncadd.remote.s32 $0x1  }
0xce: {  	_ =	sfence.sel $0xFFFF  }
0xcf: {  	[dreg:$0x0] =	wrdreg $0xFFFFFFFF;
	(pc) =	sbr.abs _section_cstart, $3  }
0xd0: {  	[dreg:$0x1] =	wrdreg $0xFFFFFFFF  }
0xd1: {  	_ =	task.clear_ibuf [dreg:s22], $0x2FFFF;
	_ =	strace $0x9FFFFFFF  }
0xd2: {  	(tm) =	ssettm $0x7FFFFFFF  }
0xd3: {  	_ =	shalt  }
tec
execute0_lowered:
.L_overlay_start_1:
0x0: {  	(tag) =	ssettag $0x1  }
0x1: {  	s0 =	rddreg [dreg:$0x0]  }
0x2: {  	s3 =	rddreg [dreg:$0x1]  }
0x3: {  	s1 =	rddreg [dreg:$0x2]  }
0x4: {  	s2 =	simm.s32 $0x0;
	s6 =	srdreg.scid;
	s31 =	simm.s32 $0xA500  }
0x5: {  	s14 =	stileid.u32;
	s4 =	sadd.s32 $0x2F06E00, s0;
	s5 =	sadd.s32 $0x2EA2800, s0  }
0x6: {  	s9 =	sand.u32 $0x1, s6;
	s6 =	sadd.s32 $0x2ED4C00, s0;
	s7 =	sadd.s32 $0x1270A00, s0  }
0x7: {  	[smem:$0x7FF] =	sst s2;
	s12 =	smul.u32 $0xC380, s14;
	s8 =	sadd.s32 $0x1591400, s0  }
0x8: {  	s13 =	smul.u32 $0x30E00, s14;
	s15 =	sshll.u32 s14, $0x1;
	s11 =	ssub.s32 $0x2, s9  }
0x9: {  	s14 =	simm.s32 $0x7D00;
	_ =	strace $0x80000050;
	s26 =	sshrl.u32 s11, $0x1  }
0xa: {  	s10 =	smul.u32 $0xC3800, s9;
	s16 =	sshrl.u32 s13, $0x2;
	s0 =	ssub.s32 s11, s26  }
0xb: {  	s9 =	sor.u32 s9, s15;
	s11 =	sadd.s32 s16, s1;
	s0 =	smax.u32 s0, $0x1  }
0xc: {  	s15 =	simm.s32 $0x0;
	s18 =	sadd.s32 $0xB80, s11;
	[dreg:$0x5] =	wrdreg s0  }
0xd: {  	s9 =	smul.u32 $0x28, s9;
	s19 =	sadd.s32 $0x1700, s11;
	[dreg:$0x6] =	wrdreg s18  }
0xe: {  	s17 =	sadd.s32 s12, s1;
	s20 =	sadd.s32 $0x2280, s11;
	[dreg:$0x7] =	wrdreg s19  }
0xf: {  	s13 =	simm.s32 $0x2D00;
	s21 =	sadd.s32 $0x2E00, s11;
	[dreg:$0x8] =	wrdreg s20  }
0x10: {  	s10 =	sadd.s32 s12, s10;
	s22 =	sadd.s32 $0x3980, s11;
	[dreg:$0x9] =	wrdreg s21  }
0x11: {  	s12 =	simm.s32 $0x500;
	s23 =	sadd.s32 $0x4500, s11;
	[dreg:$0xa] =	wrdreg s22  }
0x12: {  	s10 =	sshrl.u32 s10, $0x3;
	s24 =	sadd.s32 $0x5080, s11;
	[dreg:$0xb] =	wrdreg s23  }
0x13: {  	s25 =	sadd.s32 $0x5C00, s11;
	s26 =	sadd.s32 $0x6780, s11;
	[dreg:$0xc] =	wrdreg s24  }
0x14: {  	s28 =	sadd.s32 $0xA100, s11;
	s29 =	sadd.s32 $0xAC80, s11;
	[dreg:$0xd] =	wrdreg s25  }
0x15: {  	s30 =	sadd.s32 $0xB800, s11;
	s3 =	sadd.s32 s3, s10;
	[dreg:$0xe] =	wrdreg s26  }
0x16: {  	s22 =	sadd.s32 $0x7300, s11;
	s23 =	sadd.s32 $0x7E80, s11;
	s24 =	sadd.s32 $0x8A00, s11  }
0x17: {  	v0 =	vimm.f32 $0.0e+00;
	vm0 =	vcmask $0xF00;
	s25 =	sshrl.u32 s17, $0x3;
	s26 =	sadd.s32 $0x9580, s11;
	s0 =	simm.s32 $0x1  }
0x18: {  	v1 =	vsel vm0, $0x3F800000, v0;
	s10 =	simm.s32 $0x280;
	[dreg:$0x4] =	wrdreg s3;
	s3 =	simm.s32 $0x5500  }
.LBB2_1:
0x19: {  	s16 =	simm.s32 $0x40;
	s17 =	simm.s32 $0x0  }
.LBB2_2:
0x1a: {  	p0 =	sne.s32 s16, $0x2DC0;
	[tilespmem:s17+$0xA500] =	vst v0;
	s17 =	smov.u32 s16;
	s16 =	sadd.s32 $0x40, s16  }
.Ltmp0:
0x1b: {  	(pc) =	sbr.rel @p0 .LBB2_2-.Ltmp0, $2  }
0x1c: {  	_ =	sdelay $0x2  }
0x1d: {  	s17 =	sshra.s32 s17, $0x2  }
0x1e: {  	[tilespmem:s17+$0xA500] =	vst v0  }
0x1f: {  	[spmem:s11] =	stream.linear.scatter [tilespmem:s31], [sflag:$0x1], $0xB80, $0x38;
	[tilespmem:$0x17400] =	vst v63  }
0x20: {  	_ =	swait.ge [sflag:s0], $0xB80  }
0x21: {  	[sflag:s0] =	ssyncset.done $0x0  }
0x22: {  	s16 =	rddreg [dreg:$0x6];
	[sflag:s0] =	ssyncadd.s32 $0xFFFFF480  }
0x23: {  	[spmem:s16] =	stream.linear.scatter [tilespmem:s31], [sflag:$0x1], $0xB80, $0x38;
	[tilespmem:$0x17400] =	vst v63  }
0x24: {  	_ =	swait.ge [sflag:s0], $0xB80  }
0x25: {  	[sflag:s0] =	ssyncset.done $0x0  }
0x26: {  	s19 =	rddreg [dreg:$0x7];
	[sflag:s0] =	ssyncadd.s32 $0xFFFFF480  }
0x27: {  	[spmem:s19] =	stream.linear.scatter [tilespmem:s31], [sflag:$0x1], $0xB80, $0x38;
	[tilespmem:$0x17400] =	vst v63  }
0x28: {  	_ =	swait.ge [sflag:s0], $0xB80  }
0x29: {  	[sflag:s0] =	ssyncset.done $0x0  }
0x2a: {  	s20 =	rddreg [dreg:$0x8];
	[sflag:s0] =	ssyncadd.s32 $0xFFFFF480  }
0x2b: {  	[spmem:s20] =	stream.linear.scatter [tilespmem:s31], [sflag:$0x1], $0xB80, $0x38;
	[tilespmem:$0x17400] =	vst v63  }
0x2c: {  	_ =	swait.ge [sflag:s0], $0xB80  }
0x2d: {  	[sflag:s0] =	ssyncset.done $0x0  }
0x2e: {  	s21 =	rddreg [dreg:$0x9];
	[sflag:s0] =	ssyncadd.s32 $0xFFFFF480  }
0x2f: {  	[spmem:s21] =	stream.linear.scatter [tilespmem:s31], [sflag:$0x1], $0xB80, $0x38;
	[tilespmem:$0x17400] =	vst v63  }
0x30: {  	_ =	swait.ge [sflag:s0], $0xB80  }
0x31: {  	[sflag:s0] =	ssyncset.done $0x0  }
0x32: {  	s17 =	rddreg [dreg:$0xa];
	[sflag:s0] =	ssyncadd.s32 $0xFFFFF480  }
0x33: {  	[spmem:s17] =	stream.linear.scatter [tilespmem:s31], [sflag:$0x1], $0xB80, $0x38;
	[tilespmem:$0x17400] =	vst v63  }
0x34: {  	_ =	swait.ge [sflag:s0], $0xB80  }
0x35: {  	[sflag:s0] =	ssyncset.done $0x0  }
0x36: {  	s18 =	rddreg [dreg:$0xb];
	[sflag:s0] =	ssyncadd.s32 $0xFFFFF480  }
0x37: {  	[spmem:s18] =	stream.linear.scatter [tilespmem:s31], [sflag:$0x1], $0xB80, $0x38;
	[tilespmem:$0x17400] =	vst v63  }
0x38: {  	_ =	swait.ge [sflag:s0], $0xB80  }
0x39: {  	[sflag:s0] =	ssyncset.done $0x0  }
0x3a: {  	s19 =	rddreg [dreg:$0xc];
	[sflag:s0] =	ssyncadd.s32 $0xFFFFF480  }
0x3b: {  	[spmem:s19] =	stream.linear.scatter [tilespmem:s31], [sflag:$0x1], $0xB80, $0x38;
	[tilespmem:$0x17400] =	vst v63  }
0x3c: {  	_ =	swait.ge [sflag:s0], $0xB80  }
0x3d: {  	[sflag:s0] =	ssyncset.done $0x0  }
0x3e: {  	s20 =	rddreg [dreg:$0xd];
	[sflag:s0] =	ssyncadd.s32 $0xFFFFF480  }
0x3f: {  	[spmem:s20] =	stream.linear.scatter [tilespmem:s31], [sflag:$0x1], $0xB80, $0x38;
	[tilespmem:$0x17400] =	vst v63  }
0x40: {  	_ =	swait.ge [sflag:s0], $0xB80  }
0x41: {  	[sflag:s0] =	ssyncset.done $0x0  }
0x42: {  	s21 =	rddreg [dreg:$0xe];
	[sflag:s0] =	ssyncadd.s32 $0xFFFFF480  }
0x43: {  	[spmem:s21] =	stream.linear.scatter [tilespmem:s31], [sflag:$0x1], $0xB80, $0x38;
	[tilespmem:$0x17400] =	vst v63  }
0x44: {  	_ =	swait.ge [sflag:s0], $0xB80  }
0x45: {  	[sflag:s0] =	ssyncset.done $0x0  }
0x46: {  	[sflag:s0] =	ssyncadd.s32 $0xFFFFF480  }
0x47: {  	[spmem:s22] =	stream.linear.scatter [tilespmem:s31], [sflag:$0x1], $0xB80, $0x38;
	[tilespmem:$0x17400] =	vst v63  }
0x48: {  	_ =	swait.ge [sflag:s0], $0xB80  }
0x49: {  	[sflag:s0] =	ssyncset.done $0x0  }
0x4a: {  	[sflag:s0] =	ssyncadd.s32 $0xFFFFF480  }
0x4b: {  	[spmem:s23] =	stream.linear.scatter [tilespmem:s31], [sflag:$0x1], $0xB80, $0x38;
	[tilespmem:$0x17400] =	vst v63  }
0x4c: {  	_ =	swait.ge [sflag:s0], $0xB80  }
0x4d: {  	[sflag:s0] =	ssyncset.done $0x0  }
0x4e: {  	[sflag:s0] =	ssyncadd.s32 $0xFFFFF480  }
0x4f: {  	[spmem:s24] =	stream.linear.scatter [tilespmem:s31], [sflag:$0x1], $0xB80, $0x38;
	[tilespmem:$0x17400] =	vst v63  }
0x50: {  	_ =	swait.ge [sflag:s0], $0xB80  }
0x51: {  	[sflag:s0] =	ssyncset.done $0x0  }
0x52: {  	[sflag:s0] =	ssyncadd.s32 $0xFFFFF480  }
0x53: {  	[spmem:s26] =	stream.linear.scatter [tilespmem:s31], [sflag:$0x1], $0xB80, $0x38;
	[tilespmem:$0x17400] =	vst v63  }
0x54: {  	_ =	swait.ge [sflag:s0], $0xB80  }
0x55: {  	[sflag:s0] =	ssyncset.done $0x0  }
0x56: {  	[sflag:s0] =	ssyncadd.s32 $0xFFFFF480  }
0x57: {  	[spmem:s28] =	stream.linear.scatter [tilespmem:s31], [sflag:$0x1], $0xB80, $0x38;
	[tilespmem:$0x17400] =	vst v63  }
0x58: {  	_ =	swait.ge [sflag:s0], $0xB80  }
0x59: {  	[sflag:s0] =	ssyncset.done $0x0  }
0x5a: {  	[sflag:s0] =	ssyncadd.s32 $0xFFFFF480  }
0x5b: {  	[spmem:s29] =	stream.linear.scatter [tilespmem:s31], [sflag:$0x1], $0xB80, $0x38;
	[tilespmem:$0x17400] =	vst v63  }
0x5c: {  	_ =	swait.ge [sflag:s0], $0xB80  }
0x5d: {  	[sflag:s0] =	ssyncset.done $0x0  }
0x5e: {  	[sflag:s0] =	ssyncadd.s32 $0xFFFFF480  }
0x5f: {  	[spmem:s30] =	stream.linear.scatter [tilespmem:s31], [sflag:$0x1], $0xB80, $0x38;
	[tilespmem:$0x17400] =	vst v63  }
0x60: {  	_ =	swait.ge [sflag:s0], $0xB80  }
0x61: {  	[sflag:s0] =	ssyncset.done $0x0  }
0x62: {  	[sflag:s0] =	ssyncadd.s32 $0xFFFFF480  }
0x63: {  	s16 =	simm.s32 $0x0;
	[bflag:$0x0] =	sbarrier.arrive $0xFFFF  }
.LBB2_4:
0x64: {  	s17 =	sadd.s32 s9, s16  }
0x65: {  	s18 =	smul.u32 $0xA0, s17;
	_ =	sdelay $0x1  }
0x66: {  	s18 =	sadd.s32 s6, s18  }
0x67: {  	[tilespmem:s2], [sflag:$0x1] =	stream.linear.gather [hbm4b:s18+s2], $0x500, $0x38;
	[tilespmem:$0x17400] =	vst v63  }
0x68: {  	s21 =	smul.u32 $0xA00, s17;
	_ =	swait.ge [sflag:s0], $0x500  }
0x69: {  	[sflag:s0] =	ssyncset.done $0x0  }
0x6a: {  	s18 =	sadd.s32 s7, s21;
	[sflag:s0] =	ssyncadd.s32 $0xFFFFFB00  }
0x6b: {  	[tilespmem:s3], [sflag:$0x1] =	stream.linear.gather [hbm4b:s18+s2], $0x5000, $0x38;
	[tilespmem:$0x17400] =	vst v63  }
0x6c: {  	_ =	swait.ge [sflag:s0], $0x5000  }
0x6d: {  	[sflag:s0] =	ssyncset.done $0x0  }
0x6e: {  	[sflag:s0] =	ssyncadd.s32 $0xFFFFB000  }
0x6f: {  	[tilespmem:s12], [sflag:$0x1] =	stream.indirect.gather [hbm4b:s4+s10], $0x10, s2, s10, $0xb8;
	[tilespmem:$0x17400] =	vst v63  }
0x70: {  	_ =	swait.ge [sflag:s0], $0x2800  }
0x71: {  	[sflag:s0] =	ssyncset.done $0x0  }
0x72: {  	[sflag:s0] =	ssyncadd.s32 $0xFFFFD800  }
0x73: {  	[tilespmem:s13], [sflag:$0x1] =	stream.indirect.gather [hbm4b:s5+s10], $0x10, s10, s10, $0xb8;
	[tilespmem:$0x17400] =	vst v63  }
0x74: {  	_ =	swait.ge [sflag:s0], $0x2800  }
0x75: {  	[sflag:s0] =	ssyncset.done $0x0  }
0x76: {  	s18 =	simm.s32 $0x10;
	[sflag:s0] =	ssyncadd.s32 $0xFFFFD800  }
0x77: {  	v2 =	vld [tilespmem:s18+$0x2CF0]  }
0x78: {  	v3 =	vld [tilespmem:s18+$0x2D00]  }
0x79: {  	v4 =	vld [tilespmem:s18+$0x4F0]  }
0x7a: {  	v5 =	vld [tilespmem:s18+$0x500]  }
0x7b: {  	v6 =	vld [tilespmem:s18+$0x54F0]  }
0x7c: {  	v7 =	vld [tilespmem:s18+$0x5500];
	_ =	sdelay $0x1  }
0x7d: {  	v2 =	vadd.f32 v2, v4  }
0x7e: {  	v3 =	vadd.f32 v3, v5  }
0x7f: {  	v2 =	vadd.f32 v6, v2  }
0x80: {  	v3 =	vadd.f32 v7, v3  }
0x81: {  	v62 =	vmul.f32 $2.000000030e-01, v2  }
0x82: {  	v63 =	vmul.f32 $2.000000030e-01, v3  }
0x83: {  	v2 =	vmax.f32 v2, v62  }
0x84: {  	v3 =	vmax.f32 v3, v63;
	v2 =	vmul.f32 $1.442695020e+00, v2  }
0x85: {  	v3 =	vmul.f32 $1.442695020e+00, v3  }
0x86: {  	(erf) = vpow2.f32 v2  }
0x87: {  	(erf) = vpow2.f32 v3;
	_ =	sdelay $0x5  }
0x88: {  	s19 =	simm.s32 $0xC0;
	s20 =	simm.s32 $0x140;
	v2 =	vld [tilespmem:s18+$0x7CF0]  }
.LBB2_5:
0x89: {  	p0 =	sne.s32 s20, $0x9FC0;
	s21 =	sshra.s32 s19, $0x2;
	v3 =	vld [tilespmem:s18+$0x7D00];
	s19 =	smov.u32 s20  }
0x8a: {  	v4 =	vld [tilespmem:s21+$0x2CF0];
	v5 =	vpop (erf)  }
0x8b: {  	v6 =	vld [tilespmem:s21+$0x2D00];
	[tilespmem:s18+$0x4F0] =	vst v5;
	v5 =	vmul.f32 v1, v5;
	v7 =	vpop (erf)  }
0x8c: {  	v8 =	vld [tilespmem:s21+$0x4F0];
	[tilespmem:s18+$0x500] =	vst v7;
	v7 =	vmul.f32 v1, v7  }
0x8d: {  	v9 =	vld [tilespmem:s21+$0x500];
	v2 =	vadd.f32 v5, v2  }
0x8e: {  	v5 =	vld [tilespmem:s21+$0x54F0];
	v3 =	vadd.f32 v7, v3  }
0x8f: {  	v7 =	vld [tilespmem:s21+$0x5500];
	[tilespmem:s18+$0x7CF0] =	vst v2  }
0x90: {  	[tilespmem:s18+$0x7D00] =	vst v3;
	s18 =	smov.u32 s21  }
0x91: {  	v2 =	vadd.f32 v4, v8  }
0x92: {  	v3 =	vadd.f32 v6, v9  }
0x93: {  	v2 =	vadd.f32 v5, v2  }
0x94: {  	v3 =	vadd.f32 v7, v3  }
0x95: {  	v4 =	vmul.f32 $2.000000030e-01, v2  }
0x96: {  	v5 =	vmul.f32 $2.000000030e-01, v3  }
0x97: {  	v2 =	vmax.f32 v2, v4  }
0x98: {  	v2 =	vmul.f32 $1.442695020e+00, v2;
	v3 =	vmax.f32 v3, v5  }
0x99: {  	v3 =	vmul.f32 $1.442695020e+00, v3  }
0x9a: {  	(erf) = vpow2.f32 v2  }
0x9b: {  	(erf) = vpow2.f32 v3;
	_ =	sdelay $0x1  }
.Ltmp1:
0x9c: {  	(pc) =	sbr.rel @p0 .LBB2_5-.Ltmp1, $2  }
0x9d: {  	_ =	sdelay $0x2  }
0x9e: {  	s20 =	sadd.s32 $0x80, s20;
	v2 =	vld [tilespmem:s18+$0x7CF0]  }
0x9f: {  	s19 =	sshra.s32 s19, $0x2  }
0xa0: {  	v4 =	vld [tilespmem:s19+$0x2CF0];
	v5 =	vpop (erf)  }
0xa1: {  	v6 =	vld [tilespmem:s19+$0x2D00];
	[tilespmem:s18+$0x4F0] =	vst v5;
	v7 =	vpop (erf)  }
0xa2: {  	v8 =	vld [tilespmem:s19+$0x4F0];
	[tilespmem:s18+$0x500] =	vst v7  }
0xa3: {  	v9 =	vld [tilespmem:s19+$0x500]  }
0xa4: {  	v10 =	vld [tilespmem:s19+$0x54F0]  }
0xa5: {  	v11 =	vld [tilespmem:s19+$0x5500];
	_ =	sdelay $0x1  }
0xa6: {  	v4 =	vadd.f32 v4, v8  }
0xa7: {  	v6 =	vadd.f32 v6, v9  }
0xa8: {  	v4 =	vadd.f32 v10, v4  }
0xa9: {  	v6 =	vadd.f32 v11, v6  }
0xaa: {  	v57 =	vmul.f32 $2.000000030e-01, v4  }
0xab: {  	v58 =	vmul.f32 $2.000000030e-01, v6  }
0xac: {  	v4 =	vmax.f32 v4, v57  }
0xad: {  	v4 =	vmul.f32 $1.442695020e+00, v4;
	v6 =	vmax.f32 v6, v58  }
0xae: {  	v3 =	vld [tilespmem:s18+$0x7D00];
	v6 =	vmul.f32 $1.442695020e+00, v6  }
0xaf: {  	(erf) = vpow2.f32 v4  }
0xb0: {  	v59 =	vmul.f32 v1, v5;
	(erf) = vpow2.f32 v6  }
0xb1: {  	v60 =	vmul.f32 v1, v7  }
0xb2: {  	v2 =	vadd.f32 v59, v2  }
0xb3: {  	v3 =	vadd.f32 v60, v3  }
0xb4: {  	[tilespmem:s18+$0x7CF0] =	vst v2  }
0xb5: {  	[tilespmem:s18+$0x7D00] =	vst v3  }
0xb6: {  	v2 =	vld [tilespmem:s19+$0x7CF0]  }
0xb7: {  	v3 =	vld [tilespmem:s19+$0x7D00]  }
0xb8: {  	v61 =	vpop (erf)  }
0xb9: {  	v62 =	vmul.f32 v1, v61;
	v6 =	vpop (erf)  }
0xba: {  	v63 =	vmul.f32 v1, v6  }
0xbb: {  	[tilespmem:s19+$0x4F0] =	vst v61;
	v2 =	vadd.f32 v62, v2  }
0xbc: {  	s17 =	smul.u32 $0x500, s17;
	[tilespmem:s19+$0x500] =	vst v6;
	v3 =	vadd.f32 v63, v3  }
0xbd: {  	[tilespmem:s19+$0x7CF0] =	vst v2  }
0xbe: {  	s17 =	sadd.s32 s8, s17;
	[tilespmem:s19+$0x7D00] =	vst v3  }
0xbf: {  	[hbm4b:s17+s2] =	stream.linear.scatter [tilespmem:s12], [sflag:$0x1], $0x2800, $0x38;
	[tilespmem:$0x17400] =	vst v63  }
0xc0: {  	s16 =	sadd.s32 $0x1, s16;
	_ =	swait.ge [sflag:s0], $0x2800  }
0xc1: {  	p0 =	sne.s32 s16, $0x28;
	[sflag:s0] =	ssyncset.done $0x0  }
.Ltmp2:
0xc2: {  	[sflag:s0] =	ssyncadd.s32 $0xFFFFD800;
	(pc) =	sbr.rel @p0 .LBB2_4-.Ltmp2, $4  }
0xc3: {  	[spmem:s1] =	stream.indirect.scatter.add.f32 [tilespmem:s14], [sflag:$0x1], $0x10, s10, s10, $0xb8;
	[tilespmem:$0x17400] =	vst v63  }
0xc4: {  	_ =	swait.ge [sflag:s0], $0x2800  }
0xc5: {  	[sflag:s0] =	ssyncset.done $0x0  }
0xc6: {  	[sflag:s0] =	ssyncadd.s32 $0xFFFFD800  }
0xc7: {  	s16 =	stileid.u32  }
0xc8: {  	[bflag:$0x0] =	sbarrier.arrive $0xFFFF;
	s16 =	sshll.u32 s16, $0x6  }
0xc9: {  	s17 =	rddreg [dreg:$0x4];
	s16 =	sor.u32 $0x1C01, s16  }
0xca: {  	[hbm:s17], [sflag:s16] =	dma.local [spmem:s25], $0x1870  }
0xcb: {  	_ =	swait.ge [sflag:s0], $0x1870  }
0xcc: {  	s15 =	sadd.s32 $0x1, s15;
	s21 =	rddreg [dreg:$0x5]  }
0xcd: {  	p0 =	sne.s32 s15, s21  }
.Ltmp3:
0xce: {  	_ = 	snop;
	(pc) =	sbr.rel @p0 .LBB2_1-.Ltmp3, $3  }
0xcf: {  	_ =	sdelay $0x1  }
0xd0: {  	[sflag:s0] =	ssyncset.done $0x0  }
0xd1: {  	[sflag:s0] =	ssyncadd.s32 $0xFFFFE790  }
0xd2: {  	_ =	sfence.sel $0x180000  }
0xd3: {  	[bflag:$0x0] =	sbarrier.arrive $0xFFFF  }
0xd4: {  	_ =	strace $0x90000050  }
0xd5: {  	s0 =	stileid.u32;
	[bflag:$0x2] =	sbarrier.arrive $0xFFFF  }
0xd6: {  	p0 =	sne.s32 s0, $0x0;
	s0 =	rddreg [dreg:$0x3]  }
0xd7: {  	s0 =	sadd.s32 @!p0 $0x100000, s0  }
0xd8: {  	[sflag:s0] =	ssyncadd.tile.s32 @!p0 $0x1;
	_ =	shalt  }
.Lfunc_end2:
_tile_overlayer_lowered:
.L_overlay_start_2:
0xd9: {  	(tag) =	ssettag $0x2  }
0xda: {  	s0 =	rddreg [dreg:$0x0];
	s2 =	stileid.u32  }
0xdb: {  	s1 =	rddreg [dreg:$0x1];
	p0 =	sne.s32 s2, $0x0  }
0xdc: {  	s3 =	rddreg [dreg:$0x2];
	[bflag:$0x3] =	sbarrier.arrive $0xFFFF;
	s2 =	simm.s32 @!p0 $0x1C01  }
0xdd: {  	[timem:s3], [sflag:s2] =	dma.local @!p0 [hbm:s0], s1  }
0xde: {  	s0 =	simm.s32 @!p0 $0x1  }
0xdf: {  	_ =	swait.ge @!p0 [sflag:s0], s1  }
0xe0: {  	s1 =	ssub.s32 @!p0 $0x0, s1;
	[sflag:s0] =	ssyncset.done @!p0 $0x0  }
0xe1: {  	[sflag:s0] =	ssyncadd.s32 @!p0 s1  }
0xe2: {  	[bflag:$0x3] =	sbarrier.arrive $0xFFFF  }
0xe3: {  	_ =	shalt  }

// kernel: kernel.17.cloned.1.call-start
scs
__scs_entry_jumppad:
0x0: {  	(pc) =	sbr.rel $0x88, $3  }
0x1: {  	(tag) =	ssettag $0x0;
	lr =	simm.s32 $0x1  }
0x2: {  	[smem:$0x3F8E] =	sst lr;
	_ =	strace $0xD0000000  }
0x3: {  	_ = 	snop  }
0x4: {  	_ = 	snop  }
0x5: {  	_ = 	snop  }
0x6: {  	_ = 	snop  }
0x7: {  	_ = 	snop  }
__scs_overlays_trampoline_lowered:
0x8: {  	[smem:$0x3F9D] =	sst s0  }
0x9: {  	[smem:$0x3F9E] =	sst s1  }
0xa: {  	[smem:$0x3F9F] =	sst s2  }
0xb: {  	[smem:$0x3FA0] =	sst s3  }
0xc: {  	[smem:$0x3FA1] =	sst s4  }
0xd: {  	[smem:$0x3FA2] =	sst s5  }
0xe: {  	[smem:$0x3FA3] =	sst s6  }
0xf: {  	[smem:$0x3FA4] =	sst s7  }
0x10: {  	[smem:$0x3FA5] =	sst s8  }
0x11: {  	[smem:$0x3FA6] =	sst s9;
	s0 =	simm.s32 @!p0 $0x0  }
0x12: {  	s1 =	sld [smem:$0x3F8C];
	s0 =	simm.s32 @p0 $0x1  }
0x13: {  	[smem:$0x3FA7] =	sst s0;
	s0 =	simm.s32 @!p1 $0x0  }
0x14: {  	s2 =	sld [smem:$0x3F8B];
	s0 =	simm.s32 @p1 $0x1  }
0x15: {  	[smem:$0x3FA8] =	sst s0;
	s0 =	simm.s32 @!p2 $0x0  }
0x16: {  	s3 =	sld [smem:$0x3FDB];
	s0 =	simm.s32 @p2 $0x1  }
0x17: {  	s4 =	simm.s32 $0x1BF5;
	[smem:$0x3FAA] =	sst s0  }
0x18: {  	s0 =	sld [smem:$0x3F8D];
	_ =	swait.ge [sflag:s4], $0x0  }
0x19: {  	s7 =	sld [smem:$0x3F8E]  }
0x1a: {  	s8 =	sadd.s32 $0xFFFFE003, lr  }
0x1b: {  	s9 =	sadd.s32 $0xFFFFFEF7, lr;
	s5 =	simm.s32 $0xFFFFFFFF;
	p2 =	slt.u32 s8, $0xFFFFF086  }
0x1c: {  	p1 =	slt.u32 s9, $0xF7A;
	s5 =	simm.s32 @!p2 $0x0  }
0x1d: {  	s5 =	simm.s32 @p1 $0x1;
	p0 =	seq.s32 s7, s2  }
0x1e: {  	s7 =	smul.u32 @!p0 $0xF7A, s2;
	p2 =	seq.s32 @!p0 s5, $0x0  }
0x1f: {  	s9 =	smul.u32 $0xF7A, s1;
	s8 =	simm.s32 @!p0 $0x1BF5;
	p2 =	por !p2, p0  }
0x20: {  	[sflag:s8] =	ssyncset.s32 @!p0 $0xFFFFF086;
	s6 =	sadd.s32 @!p0 s3, s7;
	s7 =	simm.s32 @!p0 $0x108  }
0x21: {  	s3 =	sadd.s32 s3, s9;
	s6 =	sadd.s32 @!p0 $0x88, s6;
	s7 =	simm.s32 @p2 $0x1082  }
0x22: {  	[simem:s7], [sflag:s8] =	dma.local @!p0 [hbm:s6], $0xF7A  }
0x23: {  	s9 =	sor.u32 $0xD0000000, s2;
	s6 =	simm.s32 $0x108;
	_ =	swait.ge @!p0 [sflag:s8], $0x0  }
0x24: {  	s3 =	sadd.s32 $0x88, s3;
	s6 =	simm.s32 @!p1 $0x1082;
	[sflag:s4] =	ssyncset.s32 $0xFFFFF086  }
0x25: {  	[simem:s6], [sflag:s4] =	dma.local [hbm:s3], $0xF7A  }
0x26: {  	[smem:$0x3F8E] =	sst s1;
	(tag) =	ssettag s2;
	_ =	strace s9  }
0x27: {  	s1 =	sld [smem:$0x3F9E]  }
0x28: {  	s2 =	sld [smem:$0x3F9F]  }
0x29: {  	s4 =	sld [smem:$0x3FA1]  }
0x2a: {  	p0 =	seq.s32 s5, $0x0;
	s5 =	sld [smem:$0x3FA2]  }
0x2b: {  	s6 =	sld [smem:$0x3FA3]  }
0x2c: {  	s7 =	sld [smem:$0x3FA4]  }
0x2d: {  	s3 =	simm.s32 $0x108;
	s8 =	sld [smem:$0x3FA5]  }
0x2e: {  	s3 =	simm.s32 @!p0 $0x1082;
	s9 =	sld [smem:$0x3FA6]  }
0x2f: {  	lr =	sadd.s32 s0, s3;
	s0 =	sld [smem:$0x3F9D]  }
0x30: {  	s3 =	sld [smem:$0x3FA0]  }
0x31: {  	[smem:$0x3FA9] =	sst s10  }
0x32: {  	s10 =	sld [smem:$0x3FA7];
	_ =	sdelay $0x3  }
0x33: {  	p0 =	seq.s32 s10, $0x1;
	s10 =	sld [smem:$0x3FA9];
	_ =	sdelay $0x3  }
0x34: {  	[smem:$0x3FA9] =	sst s10  }
0x35: {  	s10 =	sld [smem:$0x3FA8];
	_ =	sdelay $0x3  }
0x36: {  	p1 =	seq.s32 s10, $0x1;
	s10 =	sld [smem:$0x3FA9];
	_ =	sdelay $0x3  }
0x37: {  	[smem:$0x3FA9] =	sst s10  }
0x38: {  	s10 =	sld [smem:$0x3FAA]  }
0x39: {  	_ = 	snop;
	(pc) =	sbr.ind lr, $3  }
0x3a: {  	_ = 	snop  }
0x3b: {  	_ = 	snop  }
0x3c: {  	p2 =	seq.s32 s10, $0x1;
	s10 =	sld [smem:$0x3FA9]  }
0x3d: {  	_ =	shalt  }
0x3e: {  	_ =	shalt  }
0x3f: {  	_ =	shalt  }
0x40: {  	_ =	shalt  }
0x41: {  	_ =	shalt  }
0x42: {  	_ =	shalt  }
0x43: {  	_ =	shalt  }
0x44: {  	_ =	shalt  }
0x45: {  	_ =	shalt  }
0x46: {  	_ =	shalt  }
0x47: {  	_ =	shalt  }
0x48: {  	_ =	shalt  }
0x49: {  	_ =	shalt  }
0x4a: {  	_ =	shalt  }
0x4b: {  	_ =	shalt  }
0x4c: {  	_ =	shalt  }
0x4d: {  	_ =	shalt  }
0x4e: {  	_ =	shalt  }
0x4f: {  	_ =	shalt  }
0x50: {  	_ =	shalt  }
0x51: {  	_ =	shalt  }
0x52: {  	_ =	shalt  }
0x53: {  	_ =	shalt  }
0x54: {  	_ =	shalt  }
0x55: {  	_ =	shalt  }
0x56: {  	_ =	shalt  }
0x57: {  	_ =	shalt  }
0x58: {  	_ =	shalt  }
0x59: {  	_ =	shalt  }
0x5a: {  	_ =	shalt  }
0x5b: {  	_ =	shalt  }
0x5c: {  	_ =	shalt  }
0x5d: {  	_ =	shalt  }
0x5e: {  	_ =	shalt  }
0x5f: {  	_ =	shalt  }
0x60: {  	_ =	shalt  }
0x61: {  	_ =	shalt  }
0x62: {  	_ =	shalt  }
0x63: {  	_ =	shalt  }
0x64: {  	_ =	shalt  }
0x65: {  	_ =	shalt  }
0x66: {  	_ =	shalt  }
0x67: {  	_ =	shalt  }
0x68: {  	_ =	shalt  }
0x69: {  	_ =	shalt  }
0x6a: {  	_ =	shalt  }
0x6b: {  	_ =	shalt  }
0x6c: {  	_ =	shalt  }
0x6d: {  	_ =	shalt  }
0x6e: {  	_ =	shalt  }
0x6f: {  	_ =	shalt  }
0x70: {  	_ =	shalt  }
0x71: {  	_ =	shalt  }
0x72: {  	_ =	shalt  }
0x73: {  	_ =	shalt  }
0x74: {  	_ =	shalt  }
0x75: {  	_ =	shalt  }
0x76: {  	_ =	shalt  }
0x77: {  	_ =	shalt  }
0x78: {  	_ =	shalt  }
0x79: {  	_ =	shalt  }
0x7a: {  	_ =	shalt  }
0x7b: {  	_ =	shalt  }
0x7c: {  	_ =	shalt  }
0x7d: {  	_ =	shalt  }
0x7e: {  	_ =	shalt  }
0x7f: {  	_ =	shalt  }
0x80: {  	_ =	shalt  }
0x81: {  	_ =	shalt  }
0x82: {  	_ =	shalt  }
0x83: {  	_ =	shalt  }
0x84: {  	_ =	shalt  }
0x85: {  	_ =	shalt  }
0x86: {  	_ =	shalt  }
0x87: {  	_ =	shalt  }
.Lfunc_end0:
.L_simem_size_0:
called_computation.7_lowered:
.L_overlay_start_0:
0x88: {  	s2 =	sld [smem:$0x3FD9]  }
0x89: {  	s3 =	sld [smem:$0x3FFE];
	_ =	sdelay $0x1  }
0x8a: {  	s1 =	srdreg.scid  }
0x8b: {  	s0 =	sand.u32 $0x1, s1  }
0x8c: {  	s16 =	sshll.u32 s0, $0xA;
	s2 =	sadd.s32 s3, s2  }
0x8d: {  	s2 =	sadd.s32 s2, s16  }
0x8e: {  	[smem:$0x3FB5] =	sst s2  }
0x8f: {  	_ = 	snop  }
0x90: {  	(tm) =	ssettm $0x1  }
0x91: {  	s17 =	sld [smem:$0x3FFB];
	_ =	sdelay $0x3  }
0x92: {  	_ =	strace s17  }
0x93: {  	s2 =	sld [smem:$0x3FFC];
	_ =	sdelay $0x3  }
0x94: {  	_ =	strace s2  }
0x95: {  	s2 =	sld [smem:$0x3FFD];
	_ =	sdelay $0x3  }
0x96: {  	_ =	strace s2  }
0x97: {  	_ =	strace $0x8FFFFFFF  }
0x98: {  	s18 =	sld [smem:$0x3FDB];
	_ =	sdelay $0x1  }
0x99: {  	s19 =	simm.s32 $_scs_section_size  }
0x9a: {  	s4 =	simm.s32 $_size__tile_overlayer_lowered;
	s5 =	simm.s32 $_tile_overlayer_lowered  }
0x9b: {  	s22 =	simm.s32 $0x1BFF;
	s21 =	sshll.u32 s5, $0x1;
	s2 =	sadd.s32 s19, s18  }
0x9c: {  	s6 =	simm.s32 $0x0;
	s20 =	sshll.u32 s4, $0x1;
	s4 =	sadd.s32 s21, s2  }
0x9d: {  	[timem:s6], [sflag:s22] =	dma.local [hbm:s4], s20  }
0x9e: {  	_ =	swait.ge [sflag:s22], s20  }
0x9f: {  	s3 =	ssub.s32 $0x0, s20;
	[sflag:s22] =	ssyncset.done $0x0  }
0xa0: {  	[sflag:s22] =	ssyncadd.s32 s3;
	_ =	sdelay $0x1  }
0xa1: {  	s23 =	simm.s32 $0x1B8B  }
0xa2: {  	_ =	swait.ge [sflag:s23], $0x1  }
0xa3: {  	[sflag:s23] =	ssyncset.done $0x0  }
0xa4: {  	s25 =	simm.s32 $0x1B8E;
	s24 =	sld [smem:$0x3FFE];
	[sflag:s23] =	ssyncadd.s32 $0xFFFFFFFF  }
0xa5: {  	s26 =	simm.s32 $execute0_lowered;
	[smem:$0x3FD2] =	sst s25  }
0xa6: {  	s4 =	sshll.u32 s26, $0x1;
	_ =	strace $0x80000058;
	[dreg:$0x1] =	wrdreg $0xFFFFFFFF  }
0xa7: {  	s28 =	simm.s32 $_size_execute0_lowered;
	s2 =	sadd.s32 s2, s4;
	[dreg:$0x0] =	wrdreg $0x0  }
0xa8: {  	s4 =	sshll.u32 s28, $0x1;
	[dreg:$0x2] =	wrdreg s2  }
0xa9: {  	[dreg:$0x3] =	wrdreg s4  }
0xaa: {  	[dreg:$0x4] =	wrdreg $0xC0  }
0xab: {  	_ =	task [dreg:s6], $0x5FFFF  }
0xac: {  	[dreg:$0x1] =	wrdreg $0xFFFFFFFF  }
0xad: {  	[dreg:$0x0] =	wrdreg $0x60  }
0xae: {  	[dreg:$0x2] =	wrdreg s24  }
0xaf: {  	[dreg:$0x3] =	wrdreg $0x6E800  }
0xb0: {  	[dreg:$0x4] =	wrdreg $0x9  }
0xb1: {  	_ =	task.clear_ibuf [dreg:s6], $0x5FFFF;
	_ =	strace $0x90000058  }
0xb2: {  	s29 =	simm.s32 $0x9;
	_ =	strace $0x8000005A  }
0xb3: {  	_ =	swait.ge [sflag:s29], $0x1  }
0xb4: {  	[sflag:s29] =	ssyncadd.s32 $0xFFFFFFFF  }
0xb5: {  	_ =	strace $0x9000005A  }
0xb6: {  	_ =	sfence  }
0xb7: {  	s30 =	sld [smem:$0x0];
	_ =	sdelay $0x2  }
0xb8: {  	s31 =	sshll.u32 s1, $0xD;
	s1 =	sshrl.u32 s1, $0x2  }
0xb9: {  	s3 =	sand.u32 $0x4000, s31;
	s1 =	sadd.s32 s1, s30  }
0xba: {  	s0 =	sor.u32 s3, s0;
	s1 =	sshll.u32 s1, $0x11  }
0xbb: {  	s0 =	sor.u32 s1, s0  }
0xbc: {  	s0 =	sadd.s32 $0x8F2B, s0  }
0xbd: {  	[sflag:s0] =	ssyncadd.remote.s32 $0x1  }
0xbe: {  	_ =	sfence.sel $0xFFFF  }
0xbf: {  	[dreg:$0x0] =	wrdreg $0xFFFFFFFF;
	(pc) =	sbr.abs _section_cstart, $3  }
0xc0: {  	[dreg:$0x1] =	wrdreg $0xFFFFFFFF  }
0xc1: {  	_ =	task.clear_ibuf [dreg:s6], $0x2FFFF;
	_ =	strace $0x9FFFFFFF  }
0xc2: {  	(tm) =	ssettm $0x7FFFFFFF  }
0xc3: {  	_ =	shalt  }
tec
execute0_lowered:
.L_overlay_start_1:
0x0: {  	(tag) =	ssettag $0x1  }
0x1: {  	s0 =	rddreg [dreg:$0x0]  }
0x2: {  	s1 =	rddreg [dreg:$0x1];
	s11 =	simm.s32 $0x0;
	s2 =	srdreg.scid  }
0x3: {  	s9 =	stileid.u32;
	s29 =	simm.s32 $0x5780;
	s30 =	simm.s32 $0x1  }
0x4: {  	s31 =	simm.s32 $0x280;
	[smem:$0x7FF] =	sst s11;
	s3 =	sadd.s32 $0x10D0800, s0  }
0x5: {  	s2 =	sand.u32 $0x1, s2;
	s5 =	sadd.s32 $0x14C9800, s0;
	s6 =	smul.u32 $0x18700, s9  }
0x6: {  	s8 =	sshll.u32 s9, $0x1;
	s9 =	smul.u32 $0x61C00, s9;
	s0 =	sadd.s32 $0x15F5C00, s0  }
0x7: {  	_ =	strace $0x80000059;
	[dreg:$0x4] =	wrdreg s3;
	s26 =	smul.u32 $0xC38000, s2  }
0x8: {  	s4 =	ssub.s32 $0x2, s2;
	[dreg:$0x5] =	wrdreg s0;
	s2 =	sor.u32 s2, s8  }
0x9: {  	s7 =	sshrl.u32 s4, $0x1;
	s10 =	sshrl.u32 s9, $0x2;
	s12 =	sadd.s32 s6, s1  }
0xa: {  	s4 =	ssub.s32 s4, s7;
	s7 =	smul.u32 $0x28, s2;
	s8 =	sadd.s32 s26, s6  }
0xb: {  	s10 =	sadd.s32 s10, s1;
	[dreg:$0x6] =	wrdreg s8;
	s0 =	smax.u32 s4, $0x1  }
0xc: {  	s25 =	sadd.s32 $0x1700, s10;
	s26 =	sadd.s32 $0x2E00, s10;
	s13 =	sadd.s32 $0x4500, s10  }
0xd: {  	v0 =	vimm.f32 $0.0e+00;
	v1 =	vimm.s32 $0x0;
	s14 =	sadd.s32 $0x5C00, s10;
	s15 =	sadd.s32 $0x7300, s10;
	s16 =	sadd.s32 $0x8A00, s10  }
0xe: {  	v2 =	vimm.s32 $0x1;
	v3 =	vimm.s32 $0x2;
	v4 =	vimm.s32 $0x3;
	s17 =	sadd.s32 $0xA100, s10;
	s18 =	sadd.s32 $0xB800, s10;
	s19 =	sadd.s32 $0xCF00, s10  }
0xf: {  	v5 =	vimm.s32 $0x4;
	v6 =	vimm.s32 $0x5;
	v7 =	vimm.s32 $0x6;
	s20 =	sadd.s32 $0xE600, s10;
	s21 =	sadd.s32 $0xFD00, s10;
	[dreg:$0x7] =	wrdreg s0  }
0x10: {  	v8 =	vimm.s32 $0x7;
	v9 =	vimm.s32 $0x8;
	v10 =	vimm.s32 $0x9;
	s22 =	sadd.s32 $0x11400, s10;
	s23 =	sadd.s32 $0x12B00, s10;
	[dreg:$0x8] =	wrdreg s25  }
0x11: {  	v11 =	vimm.s32 $0xA;
	v12 =	vimm.s32 $0xB;
	v13 =	vimm.s32 $0xC;
	s24 =	sadd.s32 $0x14200, s10;
	s28 =	sadd.s32 $0x17000, s10;
	[dreg:$0x9] =	wrdreg s26  }
0x12: {  	v14 =	vimm.s32 $0xD;
	v15 =	vimm.s32 $0xE;
	v16 =	vimm.s32 $0xF;
	s25 =	sshrl.u32 s12, $0x3;
	s26 =	sadd.s32 $0x15900, s10;
	s0 =	simm.s32 $0x780  }
.LBB2_1:
0x13: {  	[dreg:$0x3] =	wrdreg s11;
	s2 =	simm.s32 $0x80;
	s3 =	simm.s32 $0x0  }
.LBB2_2:
0x14: {  	p0 =	sne.s32 s2, $0x5B80;
	[tilespmem:s3+$0x5780] =	vst v0;
	s4 =	smov.u32 s2;
	s2 =	sadd.s32 $0x80, s2  }
.Ltmp0:
0x15: {  	[tilespmem:s3+$0x5790] =	vst v0;
	(pc) =	sbr.rel @p0 .LBB2_2-.Ltmp0, $2  }
0x16: {  	_ =	sdelay $0x2  }
0x17: {  	s3 =	sshra.s32 s4, $0x2  }
0x18: {  	[tilespmem:s3+$0x5780] =	vst v0  }
0x19: {  	s9 =	simm.s32 $0x0;
	[tilespmem:s3+$0x5790] =	vst v0  }
.LBB2_4:
0x1a: {  	[spmem:s10] =	stream.linear.scatter [tilespmem:s29], [sflag:$0x1], $0x1700, $0x38;
	[tilespmem:$0x1F580] =	vst v63  }
0x1b: {  	_ =	swait.ge [sflag:s30], $0x1700  }
0x1c: {  	[sflag:s30] =	ssyncset.done $0x0  }
0x1d: {  	s2 =	rddreg [dreg:$0x8];
	[sflag:s30] =	ssyncadd.s32 $0xFFFFE900  }
0x1e: {  	[spmem:s2] =	stream.linear.scatter [tilespmem:s29], [sflag:$0x1], $0x1700, $0x38;
	[tilespmem:$0x1F580] =	vst v63  }
0x1f: {  	_ =	swait.ge [sflag:s30], $0x1700  }
0x20: {  	[sflag:s30] =	ssyncset.done $0x0  }
0x21: {  	s11 =	rddreg [dreg:$0x9];
	[sflag:s30] =	ssyncadd.s32 $0xFFFFE900  }
0x22: {  	[spmem:s11] =	stream.linear.scatter [tilespmem:s29], [sflag:$0x1], $0x1700, $0x38;
	[tilespmem:$0x1F580] =	vst v63  }
0x23: {  	_ =	swait.ge [sflag:s30], $0x1700  }
0x24: {  	[sflag:s30] =	ssyncset.done $0x0  }
0x25: {  	[sflag:s30] =	ssyncadd.s32 $0xFFFFE900  }
0x26: {  	[spmem:s13] =	stream.linear.scatter [tilespmem:s29], [sflag:$0x1], $0x1700, $0x38;
	[tilespmem:$0x1F580] =	vst v63  }
0x27: {  	_ =	swait.ge [sflag:s30], $0x1700  }
0x28: {  	[sflag:s30] =	ssyncset.done $0x0  }
0x29: {  	[sflag:s30] =	ssyncadd.s32 $0xFFFFE900  }
0x2a: {  	[spmem:s14] =	stream.linear.scatter [tilespmem:s29], [sflag:$0x1], $0x1700, $0x38;
	[tilespmem:$0x1F580] =	vst v63  }
0x2b: {  	_ =	swait.ge [sflag:s30], $0x1700  }
0x2c: {  	[sflag:s30] =	ssyncset.done $0x0  }
0x2d: {  	[sflag:s30] =	ssyncadd.s32 $0xFFFFE900  }
0x2e: {  	[spmem:s15] =	stream.linear.scatter [tilespmem:s29], [sflag:$0x1], $0x1700, $0x38;
	[tilespmem:$0x1F580] =	vst v63  }
0x2f: {  	_ =	swait.ge [sflag:s30], $0x1700  }
0x30: {  	[sflag:s30] =	ssyncset.done $0x0  }
0x31: {  	[sflag:s30] =	ssyncadd.s32 $0xFFFFE900  }
0x32: {  	[spmem:s16] =	stream.linear.scatter [tilespmem:s29], [sflag:$0x1], $0x1700, $0x38;
	[tilespmem:$0x1F580] =	vst v63  }
0x33: {  	_ =	swait.ge [sflag:s30], $0x1700  }
0x34: {  	[sflag:s30] =	ssyncset.done $0x0  }
0x35: {  	[sflag:s30] =	ssyncadd.s32 $0xFFFFE900  }
0x36: {  	[spmem:s17] =	stream.linear.scatter [tilespmem:s29], [sflag:$0x1], $0x1700, $0x38;
	[tilespmem:$0x1F580] =	vst v63  }
0x37: {  	_ =	swait.ge [sflag:s30], $0x1700  }
0x38: {  	[sflag:s30] =	ssyncset.done $0x0  }
0x39: {  	[sflag:s30] =	ssyncadd.s32 $0xFFFFE900  }
0x3a: {  	[spmem:s18] =	stream.linear.scatter [tilespmem:s29], [sflag:$0x1], $0x1700, $0x38;
	[tilespmem:$0x1F580] =	vst v63  }
0x3b: {  	_ =	swait.ge [sflag:s30], $0x1700  }
0x3c: {  	[sflag:s30] =	ssyncset.done $0x0  }
0x3d: {  	[sflag:s30] =	ssyncadd.s32 $0xFFFFE900  }
0x3e: {  	[spmem:s19] =	stream.linear.scatter [tilespmem:s29], [sflag:$0x1], $0x1700, $0x38;
	[tilespmem:$0x1F580] =	vst v63  }
0x3f: {  	_ =	swait.ge [sflag:s30], $0x1700  }
0x40: {  	[sflag:s30] =	ssyncset.done $0x0  }
0x41: {  	[sflag:s30] =	ssyncadd.s32 $0xFFFFE900  }
0x42: {  	[spmem:s20] =	stream.linear.scatter [tilespmem:s29], [sflag:$0x1], $0x1700, $0x38;
	[tilespmem:$0x1F580] =	vst v63  }
0x43: {  	_ =	swait.ge [sflag:s30], $0x1700  }
0x44: {  	[sflag:s30] =	ssyncset.done $0x0  }
0x45: {  	[sflag:s30] =	ssyncadd.s32 $0xFFFFE900  }
0x46: {  	[spmem:s21] =	stream.linear.scatter [tilespmem:s29], [sflag:$0x1], $0x1700, $0x38;
	[tilespmem:$0x1F580] =	vst v63  }
0x47: {  	_ =	swait.ge [sflag:s30], $0x1700  }
0x48: {  	[sflag:s30] =	ssyncset.done $0x0  }
0x49: {  	[sflag:s30] =	ssyncadd.s32 $0xFFFFE900  }
0x4a: {  	[spmem:s22] =	stream.linear.scatter [tilespmem:s29], [sflag:$0x1], $0x1700, $0x38;
	[tilespmem:$0x1F580] =	vst v63  }
0x4b: {  	_ =	swait.ge [sflag:s30], $0x1700  }
0x4c: {  	[sflag:s30] =	ssyncset.done $0x0  }
0x4d: {  	[sflag:s30] =	ssyncadd.s32 $0xFFFFE900  }
0x4e: {  	[spmem:s23] =	stream.linear.scatter [tilespmem:s29], [sflag:$0x1], $0x1700, $0x38;
	[tilespmem:$0x1F580] =	vst v63  }
0x4f: {  	_ =	swait.ge [sflag:s30], $0x1700  }
0x50: {  	[sflag:s30] =	ssyncset.done $0x0  }
0x51: {  	[sflag:s30] =	ssyncadd.s32 $0xFFFFE900  }
0x52: {  	[spmem:s24] =	stream.linear.scatter [tilespmem:s29], [sflag:$0x1], $0x1700, $0x38;
	[tilespmem:$0x1F580] =	vst v63  }
0x53: {  	_ =	swait.ge [sflag:s30], $0x1700  }
0x54: {  	[sflag:s30] =	ssyncset.done $0x0  }
0x55: {  	[sflag:s30] =	ssyncadd.s32 $0xFFFFE900  }
0x56: {  	[spmem:s26] =	stream.linear.scatter [tilespmem:s29], [sflag:$0x1], $0x1700, $0x38;
	[tilespmem:$0x1F580] =	vst v63  }
0x57: {  	_ =	swait.ge [sflag:s30], $0x1700  }
0x58: {  	[sflag:s30] =	ssyncset.done $0x0  }
0x59: {  	[sflag:s30] =	ssyncadd.s32 $0xFFFFE900  }
0x5a: {  	[spmem:s28] =	stream.linear.scatter [tilespmem:s29], [sflag:$0x1], $0x1700, $0x38;
	[tilespmem:$0x1F580] =	vst v63  }
0x5b: {  	_ =	swait.ge [sflag:s30], $0x1700  }
0x5c: {  	[sflag:s30] =	ssyncset.done $0x0  }
0x5d: {  	[sflag:s30] =	ssyncadd.s32 $0xFFFFE900  }
0x5e: {  	s3 =	smul.u32 $0x30D40, s9;
	[bflag:$0x0] =	sbarrier.arrive $0xFFFF  }
0x5f: {  	s12 =	sshrl.u32 s9, $0x1;
	s4 =	rddreg [dreg:$0x4]  }
0x60: {  	s2 =	smul.u32 $0x258780, s12;
	s3 =	sadd.s32 s4, s3;
	s4 =	simm.s32 $0x0  }
.LBB2_5:
0x61: {  	s6 =	sadd.s32 s7, s4  }
0x62: {  	s6 =	smul.u32 $0x780, s6;
	_ =	sdelay $0x1  }
0x63: {  	s6 =	sadd.s32 s2, s6  }
0x64: {  	s6 =	sshrl.u32 s6, $0x3  }
0x65: {  	s8 =	simm.s32 $0x0;
	s6 =	sadd.s32 s5, s6  }
0x66: {  	[tilespmem:s8], [sflag:$0x1] =	stream.linear.gather [hbm4b:s6+s8], $0x780, $0x38;
	[tilespmem:$0x1F580] =	vst v63  }
0x67: {  	_ =	swait.ge [sflag:s30], $0x780  }
0x68: {  	[sflag:s30] =	ssyncset.done $0x0  }
0x69: {  	[sflag:s30] =	ssyncadd.s32 $0xFFFFF880  }
0x6a: {  	[tilespmem:s0], [sflag:$0x1] =	stream.indirect.gather [hbm4b:s3+s31], $0x20, s8, s31, $0xb8;
	[tilespmem:$0x1F580] =	vst v63  }
0x6b: {  	_ =	swait.ge [sflag:s30], $0x5000  }
0x6c: {  	[sflag:s30] =	ssyncset.done $0x0  }
0x6d: {  	s6 =	simm.s32 $0x880;
	[sflag:s30] =	ssyncadd.s32 $0xFFFFB000  }
0x6e: {  	v22 =	vld [tilespmem:s6+$0xFFFFFFA0]  }
0x6f: {  	v20 =	vld [tilespmem:s6+$0xFFFFFFF0]  }
0x70: {  	v17 =	vld [tilespmem:s6+$0xFFFFFF60]  }
0x71: {  	v23 =	vld [tilespmem:s6+$0xFFFFFFD0]  }
0x72: {  	v24 =	vld [tilespmem:s6+$0x80]  }
0x73: {  	v27 =	vld [tilespmem:s6+$0xFFFFFF10]  }
0x74: {  	v31 =	vld [tilespmem:s6+$0xE0]  }
0x75: {  	v26 =	vld [tilespmem:s6+$0xFFFFFF40]  }
0x76: {  	s12 =	simm.s32 $0x0;
	v18 =	vld [tilespmem:s6+$0xFFFFFF90]  }
0x77: {  	v19 =	vld [tilespmem:s12+$0x500]  }
0x78: {  	v25 =	vld [tilespmem:s6+$0xFFFFFFC0]  }
0x79: {  	v28 =	vld [tilespmem:s6+$0xFFFFFF00]  }
0x7a: {  	v29 =	vld [tilespmem:s6+$0xD0]  }
0x7b: {  	v38 =	vld [tilespmem:s6+$0xC0]  }
0x7c: {  	v36 =	vld [tilespmem:s6+$0x90];
	v34 =	vperm.xlane v19, v1;
	v21 =	vperm.xlane v19, v16  }
0x7d: {  	v37 =	vld [tilespmem:s6+$0xFFFFFF50];
	v35 =	vperm.xlane v19, v3;
	v33 =	vperm.xlane v19, v15  }
0x7e: {  	v32 =	vld [tilespmem:s6+$0xB0];
	v30 =	vperm.xlane v19, v13;
	v40 =	vmul.f32 v28, v34  }
0x7f: {  	s11 =	simm.s32 $0x880;
	s8 =	simm.s32 $0x40;
	v28 =	vperm.xlane v19, v14;
	v39 =	vmul.f32 v26, v35;
	v26 =	vld [tilespmem:s6+$0x60]  }
.LBB2_6:
0x80: {  	p0 =	sne.s32 s8, $0x9C0  }
0x81: {  	[tilespmem:s6+$0xFFFFFF00] =	vst v40;
	v40 =	vld [tilespmem:s6+$0xFFFFFFB0];
	v38 =	vmul.f32 v38, v33;
	v31 =	vmul.f32 v31, v21;
	s11 =	sadd.s32 $0x200, s11;
	s12 =	smov.u32 s8;
	s8 =	sadd.s32 $0x40, s8  }
0x82: {  	[tilespmem:s6+$0xFFFFFF40] =	vst v39;
	v39 =	vperm.xlane v19, v11;
	v36 =	vmul.f32 v36, v30;
	v41 =	vld [tilespmem:s6+$0xA0]  }
0x83: {  	v27 =	vmul.f32 v27, v34;
	v34 =	vmul.f32 v37, v35;
	v35 =	vld [tilespmem:s6+$0x70];
	[tilespmem:s6+$0xE0] =	vst v31  }
0x84: {  	v31 =	vperm.xlane v19, v6;
	v37 =	vld [tilespmem:s6+$0xFFFFFFE0];
	v32 =	vmul.f32 v32, v28;
	[tilespmem:s6+$0xC0] =	vst v38  }
0x85: {  	v29 =	vmul.f32 v29, v33;
	[tilespmem:s6+$0xFFFFFF10] =	vst v27;
	v27 =	vperm.xlane v19, v7;
	v38 =	vld [tilespmem:s6+$0x40]  }
0x86: {  	v42 =	vperm.xlane v19, v12;
	v22 =	vmul.f32 v22, v31;
	v33 =	vld [tilespmem:s6+$0xFFFFFF20];
	[tilespmem:s6+$0x90] =	vst v36  }
0x87: {  	[tilespmem:s6+$0xFFFFFF50] =	vst v34;
	v34 =	vperm.xlane v19, v10;
	v36 =	vld [tilespmem:s6+$0x20];
	v28 =	vmul.f32 v41, v28  }
0x88: {  	v31 =	vmul.f32 v40, v31;
	v40 =	vld [tilespmem:s6+$0x50];
	v35 =	vmul.f32 v35, v42;
	[tilespmem:s6+$0xD0] =	vst v29  }
0x89: {  	v24 =	vmul.f32 v24, v30;
	v29 =	vperm.xlane v19, v8;
	v41 =	vld [tilespmem:s6+$0x30];
	[tilespmem:s6+$0xA0] =	vst v28  }
0x8a: {  	v25 =	vmul.f32 v25, v27;
	v28 =	vperm.xlane v19, v4;
	v30 =	vld [tilespmem:s6+$0x0];
	[tilespmem:s6+$0x70] =	vst v35  }
0x8b: {  	v26 =	vmul.f32 v26, v42;
	v23 =	vmul.f32 v23, v27;
	v27 =	vld [tilespmem:s6+$0x10];
	[tilespmem:s6+$0x80] =	vst v24  }
0x8c: {  	v35 =	vperm.xlane v19, v9;
	v38 =	vmul.f32 v38, v39;
	v24 =	vld [tilespmem:s6+$0xFFFFFF30];
	[tilespmem:s6+$0xB0] =	vst v32  }
0x8d: {  	v32 =	vperm.xlane v19, v2;
	v42 =	vld [tilespmem:s6+$0xFFFFFF70];
	[tilespmem:s6+$0xFFFFFFD0] =	vst v23;
	v39 =	vmul.f32 v40, v39  }
0x8e: {  	v20 =	vmul.f32 v20, v29;
	v23 =	vmul.f32 v37, v29;
	[tilespmem:s6+$0xFFFFFFC0] =	vst v25;
	v25 =	vld [tilespmem:s6+$0xF0]  }
0x8f: {  	v37 =	vmul.f32 v41, v34;
	v29 =	vld [tilespmem:s6+$0xFFFFFF80];
	[tilespmem:s6+$0xFFFFFFA0] =	vst v22;
	v30 =	vmul.f32 v30, v35  }
0x90: {  	v22 =	vld [tilespmem:s11+$0xFFFFFFA0];
	[tilespmem:s6+$0xFFFFFFF0] =	vst v20;
	v35 =	vmul.f32 v27, v35;
	v27 =	vmul.f32 v36, v34  }
0x91: {  	v20 =	vmul.f32 v33, v32;
	v32 =	vmul.f32 v24, v32;
	[tilespmem:s6+$0x60] =	vst v26  }
0x92: {  	v17 =	vmul.f32 v17, v28;
	v24 =	vmul.f32 v42, v28;
	[tilespmem:s6+$0xFFFFFFB0] =	vst v31  }
0x93: {  	v19 =	vperm.xlane v19, v5;
	[tilespmem:s6+$0xFFFFFF20] =	vst v20;
	v20 =	vmul.f32 v25, v21  }
0x94: {  	[tilespmem:s6+$0xFFFFFF60] =	vst v17  }
0x95: {  	v21 =	vmul.f32 v29, v19;
	v17 =	vmul.f32 v18, v19;
	[tilespmem:s6+$0x40] =	vst v38  }
0x96: {  	[tilespmem:s6+$0xFFFFFFE0] =	vst v23  }
0x97: {  	[tilespmem:s6+$0xF0] =	vst v20  }
0x98: {  	[tilespmem:s6+$0xFFFFFF90] =	vst v17  }
0x99: {  	v20 =	vld [tilespmem:s11+$0xFFFFFFF0];
	[tilespmem:s6+$0xFFFFFF70] =	vst v24  }
0x9a: {  	v17 =	vld [tilespmem:s11+$0xFFFFFF60];
	[tilespmem:s6+$0x20] =	vst v27  }
0x9b: {  	v23 =	vld [tilespmem:s11+$0xFFFFFFD0];
	[tilespmem:s6+$0x30] =	vst v37  }
0x9c: {  	v24 =	vld [tilespmem:s11+$0x80];
	[tilespmem:s6+$0xFFFFFF80] =	vst v21  }
0x9d: {  	v27 =	vld [tilespmem:s11+$0xFFFFFF10];
	[tilespmem:s6+$0x50] =	vst v39  }
0x9e: {  	v31 =	vld [tilespmem:s11+$0xE0];
	[tilespmem:s6+$0x0] =	vst v30  }
0x9f: {  	v26 =	vld [tilespmem:s11+$0xFFFFFF40];
	[tilespmem:s6+$0xFFFFFF30] =	vst v32  }
0xa0: {  	s12 =	sshra.s32 s12, $0x2;
	v18 =	vld [tilespmem:s11+$0xFFFFFF90];
	[tilespmem:s6+$0x10] =	vst v35;
	s6 =	smov.u32 s11  }
0xa1: {  	v19 =	vld [tilespmem:s12+$0x500]  }
0xa2: {  	v25 =	vld [tilespmem:s11+$0xFFFFFFC0]  }
0xa3: {  	v28 =	vld [tilespmem:s11+$0xFFFFFF00]  }
0xa4: {  	v29 =	vld [tilespmem:s11+$0xD0]  }
.Ltmp1:
0xa5: {  	v38 =	vld [tilespmem:s11+$0xC0];
	(pc) =	sbr.rel @p0 .LBB2_6-.Ltmp1, $4  }
0xa6: {  	v34 =	vperm.xlane v19, v1;
	v36 =	vld [tilespmem:s11+$0x90];
	v21 =	vperm.xlane v19, v16  }
0xa7: {  	v35 =	vperm.xlane v19, v3;
	v33 =	vperm.xlane v19, v15;
	v37 =	vld [tilespmem:s11+$0xFFFFFF50]  }
0xa8: {  	v40 =	vmul.f32 v28, v34;
	v28 =	vperm.xlane v19, v14;
	v32 =	vld [tilespmem:s11+$0xB0]  }
0xa9: {  	v30 =	vperm.xlane v19, v13;
	v39 =	vmul.f32 v26, v35;
	v26 =	vld [tilespmem:s11+$0x60]  }
0xaa: {  	[tilespmem:s6+$0xFFFFFF00] =	vst v40;
	v31 =	vmul.f32 v31, v21  }
0xab: {  	v38 =	vmul.f32 v38, v33;
	[tilespmem:s6+$0xFFFFFF40] =	vst v39  }
0xac: {  	v27 =	vmul.f32 v27, v34;
	[tilespmem:s6+$0xE0] =	vst v31  }
0xad: {  	v59 =	vmul.f32 v29, v33;
	[tilespmem:s6+$0xC0] =	vst v38  }
0xae: {  	v57 =	vmul.f32 v36, v30;
	[tilespmem:s6+$0xFFFFFF10] =	vst v27  }
0xaf: {  	v41 =	vperm.xlane v19, v7;
	v24 =	vmul.f32 v24, v30;
	[tilespmem:s6+$0xD0] =	vst v59  }
0xb0: {  	v35 =	vmul.f32 v37, v35;
	[tilespmem:s6+$0x90] =	vst v57  }
0xb1: {  	v45 =	vperm.xlane v19, v6;
	v23 =	vmul.f32 v23, v41;
	[tilespmem:s6+$0x80] =	vst v24  }
0xb2: {  	v47 =	vperm.xlane v19, v8;
	v25 =	vmul.f32 v25, v41;
	[tilespmem:s6+$0xFFFFFF50] =	vst v35  }
0xb3: {  	v54 =	vperm.xlane v19, v4;
	v22 =	vmul.f32 v22, v45;
	[tilespmem:s6+$0xFFFFFFD0] =	vst v23  }
0xb4: {  	v55 =	vld [tilespmem:s6+$0xA0];
	v20 =	vmul.f32 v20, v47;
	[tilespmem:s6+$0xFFFFFFC0] =	vst v25  }
0xb5: {  	v56 =	vld [tilespmem:s6+$0x70];
	v61 =	vperm.xlane v19, v12;
	v17 =	vmul.f32 v17, v54;
	[tilespmem:s6+$0xFFFFFFA0] =	vst v22  }
0xb6: {  	v58 =	vld [tilespmem:s6+$0xFFFFFFB0];
	v59 =	vperm.xlane v19, v5;
	v43 =	vmul.f32 v32, v28;
	[tilespmem:s6+$0xFFFFFFF0] =	vst v20  }
0xb7: {  	v60 =	vld [tilespmem:s6+$0xFFFFFF20];
	v26 =	vmul.f32 v26, v61;
	[tilespmem:s6+$0xFFFFFF60] =	vst v17  }
0xb8: {  	v62 =	vld [tilespmem:s6+$0xFFFFFFE0];
	v18 =	vmul.f32 v18, v59;
	[tilespmem:s6+$0xB0] =	vst v43  }
0xb9: {  	v49 =	vld [tilespmem:s6+$0xFFFFFF70];
	v63 =	vmul.f32 v55, v28;
	[tilespmem:s6+$0x60] =	vst v26  }
0xba: {  	v50 =	vld [tilespmem:s6+$0xFFFFFF80];
	v52 =	vperm.xlane v19, v2;
	v34 =	vmul.f32 v56, v61;
	[tilespmem:s6+$0xFFFFFF90] =	vst v18  }
0xbb: {  	v40 =	vld [tilespmem:s6+$0x40];
	v53 =	vmul.f32 v58, v45;
	[tilespmem:s6+$0xA0] =	vst v63  }
0xbc: {  	v55 =	vld [tilespmem:s6+$0xF0];
	v29 =	vmul.f32 v60, v52;
	[tilespmem:s6+$0x70] =	vst v34  }
0xbd: {  	v46 =	vld [tilespmem:s6+$0x30];
	v24 =	vmul.f32 v62, v47;
	[tilespmem:s6+$0xFFFFFFB0] =	vst v53  }
0xbe: {  	v44 =	vld [tilespmem:s6+$0x20];
	v56 =	vperm.xlane v19, v11;
	v61 =	vmul.f32 v49, v54;
	[tilespmem:s6+$0xFFFFFF20] =	vst v29  }
0xbf: {  	v57 =	vld [tilespmem:s6+$0xFFFFFF30];
	v62 =	vmul.f32 v50, v59;
	[tilespmem:s6+$0xFFFFFFE0] =	vst v24  }
0xc0: {  	v42 =	vld [tilespmem:s6+$0x50];
	v60 =	vperm.xlane v19, v10;
	v58 =	vmul.f32 v40, v56;
	[tilespmem:s6+$0xFFFFFF70] =	vst v61  }
0xc1: {  	v48 =	vld [tilespmem:s6+$0x0];
	[tilespmem:s6+$0xFFFFFF80] =	vst v62;
	v17 =	vmul.f32 v55, v21  }
0xc2: {  	v51 =	vld [tilespmem:s6+$0x10];
	v18 =	vmul.f32 v46, v60;
	[tilespmem:s6+$0x40] =	vst v58  }
0xc3: {  	[tilespmem:s6+$0xF0] =	vst v17;
	v17 =	vmul.f32 v44, v60  }
0xc4: {  	v19 =	vperm.xlane v19, v9;
	v63 =	vmul.f32 v57, v52;
	[tilespmem:s6+$0x30] =	vst v18  }
0xc5: {  	[tilespmem:s6+$0x20] =	vst v17;
	v17 =	vmul.f32 v42, v56  }
0xc6: {  	v18 =	vmul.f32 v48, v19;
	[tilespmem:s6+$0xFFFFFF30] =	vst v63  }
0xc7: {  	s4 =	sadd.s32 $0x1, s4;
	[tilespmem:s6+$0x50] =	vst v17;
	v17 =	vmul.f32 v51, v19  }
0xc8: {  	p0 =	sne.s32 s4, $0x28;
	[tilespmem:s6+$0x0] =	vst v18  }
.Ltmp2:
0xc9: {  	[tilespmem:s6+$0x10] =	vst v17;
	(pc) =	sbr.rel @p0 .LBB2_5-.Ltmp2, $4  }
0xca: {  	[spmem:s1] =	stream.indirect.scatter.add.f32 [tilespmem:s0], [sflag:$0x1], $0x20, s31, s31, $0xb8;
	[tilespmem:$0x1F580] =	vst v63  }
0xcb: {  	_ =	swait.ge [sflag:s30], $0x5000  }
0xcc: {  	[sflag:s30] =	ssyncset.done $0x0  }
0xcd: {  	[sflag:s30] =	ssyncadd.s32 $0xFFFFB000  }
0xce: {  	s2 =	smul.u32 $0x187000, s9  }
0xcf: {  	s3 =	rddreg [dreg:$0x6];
	s12 =	stileid.u32  }
0xd0: {  	[bflag:$0x0] =	sbarrier.arrive $0xFFFF;
	s9 =	sadd.s32 $0x1, s9;
	s2 =	sadd.s32 s2, s3  }
0xd1: {  	s4 =	rddreg [dreg:$0x5];
	s3 =	sshll.u32 s12, $0x6;
	s2 =	sshrl.u32 s2, $0x3  }
0xd2: {  	p0 =	sne.s32 s9, $0x8;
	s3 =	sor.u32 $0x1C01, s3;
	s2 =	sadd.s32 s4, s2  }
0xd3: {  	[hbm:s2], [sflag:s3] =	dma.local [spmem:s25], $0x30E0  }
.Ltmp3:
0xd4: {  	_ =	swait.ge [sflag:s30], $0x30E0;
	(pc) =	sbr.rel @p0 .LBB2_4-.Ltmp3, $3  }
0xd5: {  	[sflag:s30] =	ssyncset.done $0x0  }
0xd6: {  	[sflag:s30] =	ssyncadd.s32 $0xFFFFCF20  }
0xd7: {  	[bflag:$0x0] =	sbarrier.arrive $0xFFFF;
	_ =	sdelay $0x1  }
0xd8: {  	s11 =	rddreg [dreg:$0x3]  }
0xd9: {  	s2 =	rddreg [dreg:$0x7];
	s11 =	sadd.s32 $0x1, s11  }
0xda: {  	p0 =	sne.s32 s11, s2  }
.Ltmp4:
0xdb: {  	_ = 	snop;
	(pc) =	sbr.rel @p0 .LBB2_1-.Ltmp4, $1  }
0xdc: {  	_ =	sdelay $0x3  }
0xdd: {  	_ =	sfence.sel $0x180000  }
0xde: {  	[bflag:$0x0] =	sbarrier.arrive $0xFFFF  }
0xdf: {  	_ =	strace $0x90000059  }
0xe0: {  	s0 =	stileid.u32;
	[bflag:$0x2] =	sbarrier.arrive $0xFFFF  }
0xe1: {  	p0 =	sne.s32 s0, $0x0;
	s0 =	rddreg [dreg:$0x2]  }
0xe2: {  	s0 =	sadd.s32 @!p0 $0x100000, s0  }
0xe3: {  	[sflag:s0] =	ssyncadd.tile.s32 @!p0 $0x1;
	_ =	shalt  }
.Lfunc_end2:
_tile_overlayer_lowered:
.L_overlay_start_2:
0xe4: {  	(tag) =	ssettag $0x2  }
0xe5: {  	s0 =	rddreg [dreg:$0x0];
	s2 =	stileid.u32  }
0xe6: {  	s1 =	rddreg [dreg:$0x1];
	p0 =	sne.s32 s2, $0x0  }
0xe7: {  	s3 =	rddreg [dreg:$0x2];
	[bflag:$0x3] =	sbarrier.arrive $0xFFFF;
	s2 =	simm.s32 @!p0 $0x1C01  }
0xe8: {  	[timem:s3], [sflag:s2] =	dma.local @!p0 [hbm:s0], s1  }
0xe9: {  	s0 =	simm.s32 @!p0 $0x1  }
0xea: {  	_ =	swait.ge @!p0 [sflag:s0], s1  }
0xeb: {  	s1 =	ssub.s32 @!p0 $0x0, s1;
	[sflag:s0] =	ssyncset.done @!p0 $0x0  }
0xec: {  	[sflag:s0] =	ssyncadd.s32 @!p0 s1  }
0xed: {  	[bflag:$0x3] =	sbarrier.arrive $0xFFFF  }
0xee: {  	_ =	shalt  }

// kernel: kernel.20.cloned.1.call-start
scs
__scs_entry_jumppad:
0x0: {  	(pc) =	sbr.rel $0x88, $3  }
0x1: {  	(tag) =	ssettag $0x0;
	lr =	simm.s32 $0x1  }
0x2: {  	[smem:$0x3F8E] =	sst lr;
	_ =	strace $0xD0000000  }
0x3: {  	_ = 	snop  }
0x4: {  	_ = 	snop  }
0x5: {  	_ = 	snop  }
0x6: {  	_ = 	snop  }
0x7: {  	_ = 	snop  }
__scs_overlays_trampoline_lowered:
0x8: {  	[smem:$0x3F9D] =	sst s0  }
0x9: {  	[smem:$0x3F9E] =	sst s1  }
0xa: {  	[smem:$0x3F9F] =	sst s2  }
0xb: {  	[smem:$0x3FA0] =	sst s3  }
0xc: {  	[smem:$0x3FA1] =	sst s4  }
0xd: {  	[smem:$0x3FA2] =	sst s5  }
0xe: {  	[smem:$0x3FA3] =	sst s6  }
0xf: {  	[smem:$0x3FA4] =	sst s7  }
0x10: {  	[smem:$0x3FA5] =	sst s8  }
0x11: {  	[smem:$0x3FA6] =	sst s9;
	s0 =	simm.s32 @!p0 $0x0  }
0x12: {  	s1 =	sld [smem:$0x3F8C];
	s0 =	simm.s32 @p0 $0x1  }
0x13: {  	[smem:$0x3FA7] =	sst s0;
	s0 =	simm.s32 @!p1 $0x0  }
0x14: {  	s2 =	sld [smem:$0x3F8B];
	s0 =	simm.s32 @p1 $0x1  }
0x15: {  	[smem:$0x3FA8] =	sst s0;
	s0 =	simm.s32 @!p2 $0x0  }
0x16: {  	s3 =	sld [smem:$0x3FDB];
	s0 =	simm.s32 @p2 $0x1  }
0x17: {  	s4 =	simm.s32 $0x1BF5;
	[smem:$0x3FAA] =	sst s0  }
0x18: {  	s0 =	sld [smem:$0x3F8D];
	_ =	swait.ge [sflag:s4], $0x0  }
0x19: {  	s7 =	sld [smem:$0x3F8E]  }
0x1a: {  	s8 =	sadd.s32 $0xFFFFE003, lr  }
0x1b: {  	s9 =	sadd.s32 $0xFFFFFEF7, lr;
	s5 =	simm.s32 $0xFFFFFFFF;
	p2 =	slt.u32 s8, $0xFFFFF086  }
0x1c: {  	p1 =	slt.u32 s9, $0xF7A;
	s5 =	simm.s32 @!p2 $0x0  }
0x1d: {  	s5 =	simm.s32 @p1 $0x1;
	p0 =	seq.s32 s7, s2  }
0x1e: {  	s7 =	smul.u32 @!p0 $0xF7A, s2;
	p2 =	seq.s32 @!p0 s5, $0x0  }
0x1f: {  	s9 =	smul.u32 $0xF7A, s1;
	s8 =	simm.s32 @!p0 $0x1BF5;
	p2 =	por !p2, p0  }
0x20: {  	[sflag:s8] =	ssyncset.s32 @!p0 $0xFFFFF086;
	s6 =	sadd.s32 @!p0 s3, s7;
	s7 =	simm.s32 @!p0 $0x108  }
0x21: {  	s3 =	sadd.s32 s3, s9;
	s6 =	sadd.s32 @!p0 $0x88, s6;
	s7 =	simm.s32 @p2 $0x1082  }
0x22: {  	[simem:s7], [sflag:s8] =	dma.local @!p0 [hbm:s6], $0xF7A  }
0x23: {  	s9 =	sor.u32 $0xD0000000, s2;
	s6 =	simm.s32 $0x108;
	_ =	swait.ge @!p0 [sflag:s8], $0x0  }
0x24: {  	s3 =	sadd.s32 $0x88, s3;
	s6 =	simm.s32 @!p1 $0x1082;
	[sflag:s4] =	ssyncset.s32 $0xFFFFF086  }
0x25: {  	[simem:s6], [sflag:s4] =	dma.local [hbm:s3], $0xF7A  }
0x26: {  	[smem:$0x3F8E] =	sst s1;
	(tag) =	ssettag s2;
	_ =	strace s9  }
0x27: {  	s1 =	sld [smem:$0x3F9E]  }
0x28: {  	s2 =	sld [smem:$0x3F9F]  }
0x29: {  	s4 =	sld [smem:$0x3FA1]  }
0x2a: {  	p0 =	seq.s32 s5, $0x0;
	s5 =	sld [smem:$0x3FA2]  }
0x2b: {  	s6 =	sld [smem:$0x3FA3]  }
0x2c: {  	s7 =	sld [smem:$0x3FA4]  }
0x2d: {  	s3 =	simm.s32 $0x108;
	s8 =	sld [smem:$0x3FA5]  }
0x2e: {  	s3 =	simm.s32 @!p0 $0x1082;
	s9 =	sld [smem:$0x3FA6]  }
0x2f: {  	lr =	sadd.s32 s0, s3;
	s0 =	sld [smem:$0x3F9D]  }
0x30: {  	s3 =	sld [smem:$0x3FA0]  }
0x31: {  	[smem:$0x3FA9] =	sst s10  }
0x32: {  	s10 =	sld [smem:$0x3FA7];
	_ =	sdelay $0x3  }
0x33: {  	p0 =	seq.s32 s10, $0x1;
	s10 =	sld [smem:$0x3FA9];
	_ =	sdelay $0x3  }
0x34: {  	[smem:$0x3FA9] =	sst s10  }
0x35: {  	s10 =	sld [smem:$0x3FA8];
	_ =	sdelay $0x3  }
0x36: {  	p1 =	seq.s32 s10, $0x1;
	s10 =	sld [smem:$0x3FA9];
	_ =	sdelay $0x3  }
0x37: {  	[smem:$0x3FA9] =	sst s10  }
0x38: {  	s10 =	sld [smem:$0x3FAA]  }
0x39: {  	_ = 	snop;
	(pc) =	sbr.ind lr, $3  }
0x3a: {  	_ = 	snop  }
0x3b: {  	_ = 	snop  }
0x3c: {  	p2 =	seq.s32 s10, $0x1;
	s10 =	sld [smem:$0x3FA9]  }
0x3d: {  	_ =	shalt  }
0x3e: {  	_ =	shalt  }
0x3f: {  	_ =	shalt  }
0x40: {  	_ =	shalt  }
0x41: {  	_ =	shalt  }
0x42: {  	_ =	shalt  }
0x43: {  	_ =	shalt  }
0x44: {  	_ =	shalt  }
0x45: {  	_ =	shalt  }
0x46: {  	_ =	shalt  }
0x47: {  	_ =	shalt  }
0x48: {  	_ =	shalt  }
0x49: {  	_ =	shalt  }
0x4a: {  	_ =	shalt  }
0x4b: {  	_ =	shalt  }
0x4c: {  	_ =	shalt  }
0x4d: {  	_ =	shalt  }
0x4e: {  	_ =	shalt  }
0x4f: {  	_ =	shalt  }
0x50: {  	_ =	shalt  }
0x51: {  	_ =	shalt  }
0x52: {  	_ =	shalt  }
0x53: {  	_ =	shalt  }
0x54: {  	_ =	shalt  }
0x55: {  	_ =	shalt  }
0x56: {  	_ =	shalt  }
0x57: {  	_ =	shalt  }
0x58: {  	_ =	shalt  }
0x59: {  	_ =	shalt  }
0x5a: {  	_ =	shalt  }
0x5b: {  	_ =	shalt  }
0x5c: {  	_ =	shalt  }
0x5d: {  	_ =	shalt  }
0x5e: {  	_ =	shalt  }
0x5f: {  	_ =	shalt  }
0x60: {  	_ =	shalt  }
0x61: {  	_ =	shalt  }
0x62: {  	_ =	shalt  }
0x63: {  	_ =	shalt  }
0x64: {  	_ =	shalt  }
0x65: {  	_ =	shalt  }
0x66: {  	_ =	shalt  }
0x67: {  	_ =	shalt  }
0x68: {  	_ =	shalt  }
0x69: {  	_ =	shalt  }
0x6a: {  	_ =	shalt  }
0x6b: {  	_ =	shalt  }
0x6c: {  	_ =	shalt  }
0x6d: {  	_ =	shalt  }
0x6e: {  	_ =	shalt  }
0x6f: {  	_ =	shalt  }
0x70: {  	_ =	shalt  }
0x71: {  	_ =	shalt  }
0x72: {  	_ =	shalt  }
0x73: {  	_ =	shalt  }
0x74: {  	_ =	shalt  }
0x75: {  	_ =	shalt  }
0x76: {  	_ =	shalt  }
0x77: {  	_ =	shalt  }
0x78: {  	_ =	shalt  }
0x79: {  	_ =	shalt  }
0x7a: {  	_ =	shalt  }
0x7b: {  	_ =	shalt  }
0x7c: {  	_ =	shalt  }
0x7d: {  	_ =	shalt  }
0x7e: {  	_ =	shalt  }
0x7f: {  	_ =	shalt  }
0x80: {  	_ =	shalt  }
0x81: {  	_ =	shalt  }
0x82: {  	_ =	shalt  }
0x83: {  	_ =	shalt  }
0x84: {  	_ =	shalt  }
0x85: {  	_ =	shalt  }
0x86: {  	_ =	shalt  }
0x87: {  	_ =	shalt  }
.Lfunc_end0:
.L_simem_size_0:
called_computation.8_lowered:
.L_overlay_start_0:
0x88: {  	s2 =	sld [smem:$0x3FD9]  }
0x89: {  	s3 =	sld [smem:$0x3FFE];
	_ =	sdelay $0x1  }
0x8a: {  	s1 =	srdreg.scid  }
0x8b: {  	s0 =	sand.u32 $0x1, s1  }
0x8c: {  	s16 =	sshll.u32 s0, $0xA;
	s2 =	sadd.s32 s3, s2  }
0x8d: {  	s2 =	sadd.s32 s2, s16  }
0x8e: {  	[smem:$0x3FB5] =	sst s2  }
0x8f: {  	_ = 	snop  }
0x90: {  	(tm) =	ssettm $0x1  }
0x91: {  	s17 =	sld [smem:$0x3FFB];
	_ =	sdelay $0x3  }
0x92: {  	_ =	strace s17  }
0x93: {  	s2 =	sld [smem:$0x3FFC];
	_ =	sdelay $0x3  }
0x94: {  	_ =	strace s2  }
0x95: {  	s2 =	sld [smem:$0x3FFD];
	_ =	sdelay $0x3  }
0x96: {  	_ =	strace s2  }
0x97: {  	_ =	strace $0x8FFFFFFF  }
0x98: {  	s18 =	sld [smem:$0x3FDB];
	_ =	sdelay $0x1  }
0x99: {  	s19 =	simm.s32 $_scs_section_size  }
0x9a: {  	s4 =	simm.s32 $_size__tile_overlayer_lowered;
	s5 =	simm.s32 $_tile_overlayer_lowered  }
0x9b: {  	s22 =	simm.s32 $0x1BFF;
	s21 =	sshll.u32 s5, $0x1;
	s2 =	sadd.s32 s19, s18  }
0x9c: {  	s6 =	simm.s32 $0x0;
	s20 =	sshll.u32 s4, $0x1;
	s4 =	sadd.s32 s21, s2  }
0x9d: {  	[timem:s6], [sflag:s22] =	dma.local [hbm:s4], s20  }
0x9e: {  	_ =	swait.ge [sflag:s22], s20  }
0x9f: {  	s3 =	ssub.s32 $0x0, s20;
	[sflag:s22] =	ssyncset.done $0x0  }
0xa0: {  	[sflag:s22] =	ssyncadd.s32 s3;
	_ =	sdelay $0x1  }
0xa1: {  	s23 =	simm.s32 $0x1B8B  }
0xa2: {  	_ =	swait.ge [sflag:s23], $0x1  }
0xa3: {  	[sflag:s23] =	ssyncset.done $0x0  }
0xa4: {  	s25 =	simm.s32 $0x1B8E;
	s24 =	sld [smem:$0x3FFE];
	[sflag:s23] =	ssyncadd.s32 $0xFFFFFFFF  }
0xa5: {  	s26 =	simm.s32 $execute0_lowered;
	[smem:$0x3FD2] =	sst s25  }
0xa6: {  	s4 =	sshll.u32 s26, $0x1;
	_ =	strace $0x8000005E;
	[dreg:$0x1] =	wrdreg $0xFFFFFFFF  }
0xa7: {  	s28 =	simm.s32 $_size_execute0_lowered;
	s2 =	sadd.s32 s2, s4;
	[dreg:$0x0] =	wrdreg $0x0  }
0xa8: {  	s4 =	sshll.u32 s28, $0x1;
	[dreg:$0x2] =	wrdreg s2  }
0xa9: {  	[dreg:$0x3] =	wrdreg s4  }
0xaa: {  	[dreg:$0x4] =	wrdreg $0xC0  }
0xab: {  	_ =	task [dreg:s6], $0x5FFFF  }
0xac: {  	[dreg:$0x1] =	wrdreg $0xFFFFFFFF  }
0xad: {  	[dreg:$0x0] =	wrdreg $0x60  }
0xae: {  	[dreg:$0x2] =	wrdreg s24  }
0xaf: {  	[dreg:$0x3] =	wrdreg $0x88800  }
0xb0: {  	[dreg:$0x4] =	wrdreg $0x9  }
0xb1: {  	_ =	task.clear_ibuf [dreg:s6], $0x5FFFF;
	_ =	strace $0x9000005E  }
0xb2: {  	s29 =	simm.s32 $0x9;
	_ =	strace $0x80000060  }
0xb3: {  	_ =	swait.ge [sflag:s29], $0x1  }
0xb4: {  	[sflag:s29] =	ssyncadd.s32 $0xFFFFFFFF  }
0xb5: {  	_ =	strace $0x90000060  }
0xb6: {  	_ =	sfence  }
0xb7: {  	s30 =	sld [smem:$0x0];
	_ =	sdelay $0x2  }
0xb8: {  	s31 =	sshll.u32 s1, $0xD;
	s1 =	sshrl.u32 s1, $0x2  }
0xb9: {  	s3 =	sand.u32 $0x4000, s31;
	s1 =	sadd.s32 s1, s30  }
0xba: {  	s0 =	sor.u32 s3, s0;
	s1 =	sshll.u32 s1, $0x11  }
0xbb: {  	s0 =	sor.u32 s1, s0  }
0xbc: {  	s0 =	sadd.s32 $0x8F2B, s0  }
0xbd: {  	[sflag:s0] =	ssyncadd.remote.s32 $0x1  }
0xbe: {  	_ =	sfence.sel $0xFFFF  }
0xbf: {  	[dreg:$0x0] =	wrdreg $0xFFFFFFFF;
	(pc) =	sbr.abs _section_cstart, $3  }
0xc0: {  	[dreg:$0x1] =	wrdreg $0xFFFFFFFF  }
0xc1: {  	_ =	task.clear_ibuf [dreg:s6], $0x2FFFF;
	_ =	strace $0x9FFFFFFF  }
0xc2: {  	(tm) =	ssettm $0x7FFFFFFF  }
0xc3: {  	_ =	shalt  }
tec
execute0_lowered:
.L_overlay_start_1:
0x0: {  	(tag) =	ssettag $0x1  }
0x1: {  	s0 =	rddreg [dreg:$0x0]  }
0x2: {  	s1 =	rddreg [dreg:$0x1];
	s2 =	srdreg.scid  }
0x3: {  	s3 =	simm.s32 $0x0;
	s14 =	stileid.u32;
	s31 =	simm.s32 $0x7D00  }
0x4: {  	s2 =	sand.u32 $0x1, s2;
	[smem:$0x7FF] =	sst s3;
	s10 =	smul.u32 $0xC380, s14  }
0x5: {  	s4 =	sadd.s32 $0xE3400, s0;
	s5 =	sadd.s32 $0x7600, s0;
	s6 =	sadd.s32 $0x2ED4C00, s0  }
0x6: {  	s7 =	sadd.s32 $0x1270A00, s0;
	s13 =	sshll.u32 s14, $0x1;
	s14 =	smul.u32 $0x30E00, s14  }
0x7: {  	s8 =	smul.u32 $0xC3800, s2;
	_ =	strace $0x8000005F;
	s11 =	ssub.s32 $0x2, s2  }
0x8: {  	s2 =	sor.u32 s2, s13;
	s13 =	simm.s32 $0x2D00;
	s12 =	sshrl.u32 s11, $0x1  }
0x9: {  	s18 =	sshrl.u32 s14, $0x2;
	s19 =	sadd.s32 s10, s1;
	s14 =	simm.s32 $0x0  }
0xa: {  	s9 =	sadd.s32 s10, s8;
	s8 =	sadd.s32 $0x251600, s0;
	s11 =	ssub.s32 s11, s12  }
0xb: {  	s12 =	sadd.s32 s18, s1;
	s10 =	simm.s32 $0x280;
	s20 =	smax.u32 s11, $0x1  }
0xc: {  	s9 =	sshrl.u32 s9, $0x3;
	s21 =	sadd.s32 $0x1700, s12;
	[dreg:$0x4] =	wrdreg s20  }
0xd: {  	s22 =	sadd.s32 $0x2280, s12;
	s23 =	sadd.s32 $0x2E00, s12;
	[dreg:$0x6] =	wrdreg s21  }
0xe: {  	s24 =	sadd.s32 $0x3980, s12;
	s25 =	sadd.s32 $0x4500, s12;
	[dreg:$0x7] =	wrdreg s22  }
0xf: {  	s26 =	sadd.s32 $0x5080, s12;
	s28 =	sadd.s32 $0xA100, s12;
	[dreg:$0x8] =	wrdreg s23  }
0x10: {  	s29 =	sadd.s32 $0xAC80, s12;
	s30 =	sadd.s32 $0xB800, s12;
	[dreg:$0x9] =	wrdreg s24  }
0x11: {  	s11 =	simm.s32 $0x500;
	s0 =	sadd.s32 s9, s0;
	[dreg:$0xa] =	wrdreg s25  }
0x12: {  	s9 =	smul.u32 $0x28, s2;
	[dreg:$0xb] =	wrdreg s26;
	s20 =	sadd.s32 $0x5C00, s12  }
0x13: {  	s21 =	sadd.s32 $0x6780, s12;
	s22 =	sadd.s32 $0x7300, s12;
	s23 =	sadd.s32 $0x7E80, s12  }
0x14: {  	s24 =	sadd.s32 $0x8A00, s12;
	s25 =	sshrl.u32 s19, $0x3;
	s0 =	sadd.s32 $0xFBC00, s0  }
0x15: {  	v0 =	vimm.f32 $0.0e+00;
	vm0 =	vcmask $0x300;
	s26 =	sadd.s32 $0x9580, s12;
	[dreg:$0x3] =	wrdreg s0;
	s0 =	sadd.s32 $0xB80, s12  }
0x16: {  	v1 =	vsel vm0, $0x3F800000, v0;
	s2 =	simm.s32 $0x5500;
	[dreg:$0x5] =	wrdreg s0;
	s0 =	simm.s32 $0x1  }
.LBB2_1:
0x17: {  	s15 =	simm.s32 $0x40;
	s16 =	simm.s32 $0x0  }
.LBB2_2:
0x18: {  	p0 =	sne.s32 s15, $0x2DC0;
	[tilespmem:s16+$0x7D00] =	vst v0;
	s16 =	smov.u32 s15;
	s15 =	sadd.s32 $0x40, s15  }
.Ltmp0:
0x19: {  	(pc) =	sbr.rel @p0 .LBB2_2-.Ltmp0, $2  }
0x1a: {  	_ =	sdelay $0x2  }
0x1b: {  	s16 =	sshra.s32 s16, $0x2  }
0x1c: {  	[tilespmem:s16+$0x7D00] =	vst v0  }
0x1d: {  	[spmem:s12] =	stream.linear.scatter [tilespmem:s31], [sflag:$0x1], $0xB80, $0x38;
	[tilespmem:$0x14C00] =	vst v63  }
0x1e: {  	_ =	swait.ge [sflag:s0], $0xB80  }
0x1f: {  	[sflag:s0] =	ssyncset.done $0x0  }
0x20: {  	s15 =	rddreg [dreg:$0x5];
	[sflag:s0] =	ssyncadd.s32 $0xFFFFF480  }
0x21: {  	[spmem:s15] =	stream.linear.scatter [tilespmem:s31], [sflag:$0x1], $0xB80, $0x38;
	[tilespmem:$0x14C00] =	vst v63  }
0x22: {  	_ =	swait.ge [sflag:s0], $0xB80  }
0x23: {  	[sflag:s0] =	ssyncset.done $0x0  }
0x24: {  	s18 =	rddreg [dreg:$0x6];
	[sflag:s0] =	ssyncadd.s32 $0xFFFFF480  }
0x25: {  	[spmem:s18] =	stream.linear.scatter [tilespmem:s31], [sflag:$0x1], $0xB80, $0x38;
	[tilespmem:$0x14C00] =	vst v63  }
0x26: {  	_ =	swait.ge [sflag:s0], $0xB80  }
0x27: {  	[sflag:s0] =	ssyncset.done $0x0  }
0x28: {  	s19 =	rddreg [dreg:$0x7];
	[sflag:s0] =	ssyncadd.s32 $0xFFFFF480  }
0x29: {  	[spmem:s19] =	stream.linear.scatter [tilespmem:s31], [sflag:$0x1], $0xB80, $0x38;
	[tilespmem:$0x14C00] =	vst v63  }
0x2a: {  	_ =	swait.ge [sflag:s0], $0xB80  }
0x2b: {  	[sflag:s0] =	ssyncset.done $0x0  }
0x2c: {  	s16 =	rddreg [dreg:$0x8];
	[sflag:s0] =	ssyncadd.s32 $0xFFFFF480  }
0x2d: {  	[spmem:s16] =	stream.linear.scatter [tilespmem:s31], [sflag:$0x1], $0xB80, $0x38;
	[tilespmem:$0x14C00] =	vst v63  }
0x2e: {  	_ =	swait.ge [sflag:s0], $0xB80  }
0x2f: {  	[sflag:s0] =	ssyncset.done $0x0  }
0x30: {  	s17 =	rddreg [dreg:$0x9];
	[sflag:s0] =	ssyncadd.s32 $0xFFFFF480  }
0x31: {  	[spmem:s17] =	stream.linear.scatter [tilespmem:s31], [sflag:$0x1], $0xB80, $0x38;
	[tilespmem:$0x14C00] =	vst v63  }
0x32: {  	_ =	swait.ge [sflag:s0], $0xB80  }
0x33: {  	[sflag:s0] =	ssyncset.done $0x0  }
0x34: {  	s18 =	rddreg [dreg:$0xa];
	[sflag:s0] =	ssyncadd.s32 $0xFFFFF480  }
0x35: {  	[spmem:s18] =	stream.linear.scatter [tilespmem:s31], [sflag:$0x1], $0xB80, $0x38;
	[tilespmem:$0x14C00] =	vst v63  }
0x36: {  	_ =	swait.ge [sflag:s0], $0xB80  }
0x37: {  	[sflag:s0] =	ssyncset.done $0x0  }
0x38: {  	s19 =	rddreg [dreg:$0xb];
	[sflag:s0] =	ssyncadd.s32 $0xFFFFF480  }
0x39: {  	[spmem:s19] =	stream.linear.scatter [tilespmem:s31], [sflag:$0x1], $0xB80, $0x38;
	[tilespmem:$0x14C00] =	vst v63  }
0x3a: {  	_ =	swait.ge [sflag:s0], $0xB80  }
0x3b: {  	[sflag:s0] =	ssyncset.done $0x0  }
0x3c: {  	[sflag:s0] =	ssyncadd.s32 $0xFFFFF480  }
0x3d: {  	[spmem:s20] =	stream.linear.scatter [tilespmem:s31], [sflag:$0x1], $0xB80, $0x38;
	[tilespmem:$0x14C00] =	vst v63  }
0x3e: {  	_ =	swait.ge [sflag:s0], $0xB80  }
0x3f: {  	[sflag:s0] =	ssyncset.done $0x0  }
0x40: {  	[sflag:s0] =	ssyncadd.s32 $0xFFFFF480  }
0x41: {  	[spmem:s21] =	stream.linear.scatter [tilespmem:s31], [sflag:$0x1], $0xB80, $0x38;
	[tilespmem:$0x14C00] =	vst v63  }
0x42: {  	_ =	swait.ge [sflag:s0], $0xB80  }
0x43: {  	[sflag:s0] =	ssyncset.done $0x0  }
0x44: {  	[sflag:s0] =	ssyncadd.s32 $0xFFFFF480  }
0x45: {  	[spmem:s22] =	stream.linear.scatter [tilespmem:s31], [sflag:$0x1], $0xB80, $0x38;
	[tilespmem:$0x14C00] =	vst v63  }
0x46: {  	_ =	swait.ge [sflag:s0], $0xB80  }
0x47: {  	[sflag:s0] =	ssyncset.done $0x0  }
0x48: {  	[sflag:s0] =	ssyncadd.s32 $0xFFFFF480  }
0x49: {  	[spmem:s23] =	stream.linear.scatter [tilespmem:s31], [sflag:$0x1], $0xB80, $0x38;
	[tilespmem:$0x14C00] =	vst v63  }
0x4a: {  	_ =	swait.ge [sflag:s0], $0xB80  }
0x4b: {  	[sflag:s0] =	ssyncset.done $0x0  }
0x4c: {  	[sflag:s0] =	ssyncadd.s32 $0xFFFFF480  }
0x4d: {  	[spmem:s24] =	stream.linear.scatter [tilespmem:s31], [sflag:$0x1], $0xB80, $0x38;
	[tilespmem:$0x14C00] =	vst v63  }
0x4e: {  	_ =	swait.ge [sflag:s0], $0xB80  }
0x4f: {  	[sflag:s0] =	ssyncset.done $0x0  }
0x50: {  	[sflag:s0] =	ssyncadd.s32 $0xFFFFF480  }
0x51: {  	[spmem:s26] =	stream.linear.scatter [tilespmem:s31], [sflag:$0x1], $0xB80, $0x38;
	[tilespmem:$0x14C00] =	vst v63  }
0x52: {  	_ =	swait.ge [sflag:s0], $0xB80  }
0x53: {  	[sflag:s0] =	ssyncset.done $0x0  }
0x54: {  	[sflag:s0] =	ssyncadd.s32 $0xFFFFF480  }
0x55: {  	[spmem:s28] =	stream.linear.scatter [tilespmem:s31], [sflag:$0x1], $0xB80, $0x38;
	[tilespmem:$0x14C00] =	vst v63  }
0x56: {  	_ =	swait.ge [sflag:s0], $0xB80  }
0x57: {  	[sflag:s0] =	ssyncset.done $0x0  }
0x58: {  	[sflag:s0] =	ssyncadd.s32 $0xFFFFF480  }
0x59: {  	[spmem:s29] =	stream.linear.scatter [tilespmem:s31], [sflag:$0x1], $0xB80, $0x38;
	[tilespmem:$0x14C00] =	vst v63  }
0x5a: {  	_ =	swait.ge [sflag:s0], $0xB80  }
0x5b: {  	[sflag:s0] =	ssyncset.done $0x0  }
0x5c: {  	[sflag:s0] =	ssyncadd.s32 $0xFFFFF480  }
0x5d: {  	[spmem:s30] =	stream.linear.scatter [tilespmem:s31], [sflag:$0x1], $0xB80, $0x38;
	[tilespmem:$0x14C00] =	vst v63  }
0x5e: {  	_ =	swait.ge [sflag:s0], $0xB80  }
0x5f: {  	[sflag:s0] =	ssyncset.done $0x0  }
0x60: {  	[sflag:s0] =	ssyncadd.s32 $0xFFFFF480  }
0x61: {  	s15 =	simm.s32 $0x0;
	[bflag:$0x0] =	sbarrier.arrive $0xFFFF  }
.LBB2_4:
0x62: {  	s16 =	sadd.s32 s9, s15  }
0x63: {  	s17 =	smul.u32 $0xA0, s16;
	_ =	sdelay $0x1  }
0x64: {  	s17 =	sadd.s32 s6, s17  }
0x65: {  	[tilespmem:s3], [sflag:$0x1] =	stream.linear.gather [hbm4b:s17+s3], $0x500, $0x38;
	[tilespmem:$0x14C00] =	vst v63  }
0x66: {  	s16 =	smul.u32 $0x500, s16;
	_ =	swait.ge [sflag:s0], $0x500  }
0x67: {  	[sflag:s0] =	ssyncset.done $0x0  }
0x68: {  	s19 =	sadd.s32 s7, s16;
	[sflag:s0] =	ssyncadd.s32 $0xFFFFFB00  }
0x69: {  	[tilespmem:s2], [sflag:$0x1] =	stream.linear.gather [hbm4b:s19+s3], $0x2800, $0x38;
	[tilespmem:$0x14C00] =	vst v63  }
0x6a: {  	_ =	swait.ge [sflag:s0], $0x2800  }
0x6b: {  	[sflag:s0] =	ssyncset.done $0x0  }
0x6c: {  	[sflag:s0] =	ssyncadd.s32 $0xFFFFD800  }
0x6d: {  	[tilespmem:s11], [sflag:$0x1] =	stream.indirect.gather [hbm4b:s4+s10], $0x10, s3, s10, $0xb8;
	[tilespmem:$0x14C00] =	vst v63  }
0x6e: {  	_ =	swait.ge [sflag:s0], $0x2800  }
0x6f: {  	[sflag:s0] =	ssyncset.done $0x0  }
0x70: {  	[sflag:s0] =	ssyncadd.s32 $0xFFFFD800  }
0x71: {  	[tilespmem:s13], [sflag:$0x1] =	stream.indirect.gather [hbm4b:s5+s10], $0x10, s10, s10, $0xb8;
	[tilespmem:$0x14C00] =	vst v63  }
0x72: {  	_ =	swait.ge [sflag:s0], $0x2800  }
0x73: {  	[sflag:s0] =	ssyncset.done $0x0  }
0x74: {  	s17 =	simm.s32 $0x10;
	[sflag:s0] =	ssyncadd.s32 $0xFFFFD800  }
0x75: {  	v2 =	vld [tilespmem:s17+$0x4F0]  }
0x76: {  	v3 =	vld [tilespmem:s17+$0x500]  }
0x77: {  	s18 =	simm.s32 $0xC0;
	v4 =	vld [tilespmem:s17+$0x2CF0]  }
.LBB2_5:
0x78: {  	p0 =	sne.s32 s18, $0x9FC0;
	v5 =	vld [tilespmem:s17+$0x2D00]  }
0x79: {  	v6 =	vld [tilespmem:s17+$0x54F0]  }
0x7a: {  	v7 =	vld [tilespmem:s17+$0x5500];
	_ =	sdelay $0x1  }
0x7b: {  	v2 =	vadd.f32 v4, v2  }
0x7c: {  	v3 =	vadd.f32 v5, v3  }
0x7d: {  	v2 =	vadd.f32 v6, v2  }
0x7e: {  	v3 =	vadd.f32 v7, v3  }
0x7f: {  	v4 =	vmul.f32 $2.000000030e-01, v2  }
0x80: {  	v5 =	vmul.f32 $2.000000030e-01, v3  }
0x81: {  	v2 =	vmax.f32 v2, v4  }
0x82: {  	v2 =	vmul.f32 $1.442695020e+00, v2;
	v3 =	vmax.f32 v3, v5  }
0x83: {  	v3 =	vmul.f32 $1.442695020e+00, v3  }
0x84: {  	(erf) = vpow2.f32 v2  }
0x85: {  	(erf) = vpow2.f32 v3;
	_ =	sdelay $0x7  }
.Ltmp1:
0x86: {  	v2 =	vpop (erf);
	(pc) =	sbr.rel @p0 .LBB2_5-.Ltmp1, $4  }
0x87: {  	s19 =	sshra.s32 s18, $0x2;
	[tilespmem:s17+$0x4F0] =	vst v2;
	v4 =	vmul.f32 v1, v2;
	v3 =	vpop (erf)  }
0x88: {  	v2 =	vld [tilespmem:s19+$0x4F0];
	[tilespmem:s17+$0x500] =	vst v3;
	v5 =	vmul.f32 v1, v3  }
0x89: {  	v3 =	vld [tilespmem:s19+$0x500];
	[tilespmem:s17+$0x2CF0] =	vst v4  }
0x8a: {  	s18 =	sadd.s32 $0x80, s18;
	v4 =	vld [tilespmem:s19+$0x2CF0];
	[tilespmem:s17+$0x2D00] =	vst v5;
	s17 =	smov.u32 s19  }
0x8b: {  	v5 =	vld [tilespmem:s17+$0x2D00]  }
0x8c: {  	v6 =	vld [tilespmem:s17+$0x54F0]  }
0x8d: {  	v7 =	vld [tilespmem:s17+$0x5500];
	_ =	sdelay $0x1  }
0x8e: {  	v2 =	vadd.f32 v4, v2  }
0x8f: {  	v3 =	vadd.f32 v5, v3  }
0x90: {  	v2 =	vadd.f32 v6, v2  }
0x91: {  	v3 =	vadd.f32 v7, v3  }
0x92: {  	v62 =	vmul.f32 $2.000000030e-01, v2  }
0x93: {  	v63 =	vmul.f32 $2.000000030e-01, v3  }
0x94: {  	v2 =	vmax.f32 v2, v62  }
0x95: {  	v2 =	vmul.f32 $1.442695020e+00, v2;
	v3 =	vmax.f32 v3, v63  }
0x96: {  	v3 =	vmul.f32 $1.442695020e+00, v3  }
0x97: {  	(erf) = vpow2.f32 v2  }
0x98: {  	(erf) = vpow2.f32 v3;
	_ =	sdelay $0x7  }
0x99: {  	v2 =	vpop (erf)  }
0x9a: {  	[tilespmem:s17+$0x4F0] =	vst v2;
	v2 =	vmul.f32 v1, v2;
	v3 =	vpop (erf)  }
0x9b: {  	[tilespmem:s17+$0x500] =	vst v3;
	v3 =	vmul.f32 v1, v3  }
0x9c: {  	[tilespmem:s17+$0x2CF0] =	vst v2  }
0x9d: {  	s16 =	sadd.s32 s8, s16;
	[tilespmem:s17+$0x2D00] =	vst v3  }
0x9e: {  	[hbm4b:s16+s3] =	stream.linear.scatter [tilespmem:s11], [sflag:$0x1], $0x2800, $0x38;
	[tilespmem:$0x14C00] =	vst v63  }
0x9f: {  	s15 =	sadd.s32 $0x1, s15;
	_ =	swait.ge [sflag:s0], $0x2800  }
0xa0: {  	p0 =	sne.s32 s15, $0x28;
	[sflag:s0] =	ssyncset.done $0x0  }
.Ltmp2:
0xa1: {  	[sflag:s0] =	ssyncadd.s32 $0xFFFFD800;
	(pc) =	sbr.rel @p0 .LBB2_4-.Ltmp2, $4  }
0xa2: {  	[spmem:s1] =	stream.indirect.scatter.add.f32 [tilespmem:s13], [sflag:$0x1], $0x10, s10, s10, $0xb8;
	[tilespmem:$0x14C00] =	vst v63  }
0xa3: {  	_ =	swait.ge [sflag:s0], $0x2800  }
0xa4: {  	[sflag:s0] =	ssyncset.done $0x0  }
0xa5: {  	[sflag:s0] =	ssyncadd.s32 $0xFFFFD800  }
0xa6: {  	s15 =	stileid.u32  }
0xa7: {  	[bflag:$0x0] =	sbarrier.arrive $0xFFFF;
	s15 =	sshll.u32 s15, $0x6  }
0xa8: {  	s16 =	rddreg [dreg:$0x3];
	s15 =	sor.u32 $0x1C01, s15  }
0xa9: {  	[hbm:s16], [sflag:s15] =	dma.local [spmem:s25], $0x1870  }
0xaa: {  	_ =	swait.ge [sflag:s0], $0x1870  }
0xab: {  	s14 =	sadd.s32 $0x1, s14;
	s19 =	rddreg [dreg:$0x4]  }
0xac: {  	p0 =	sne.s32 s14, s19  }
.Ltmp3:
0xad: {  	_ = 	snop;
	(pc) =	sbr.rel @p0 .LBB2_1-.Ltmp3, $3  }
0xae: {  	_ =	sdelay $0x1  }
0xaf: {  	[sflag:s0] =	ssyncset.done $0x0  }
0xb0: {  	[sflag:s0] =	ssyncadd.s32 $0xFFFFE790  }
0xb1: {  	_ =	sfence.sel $0x180000  }
0xb2: {  	[bflag:$0x0] =	sbarrier.arrive $0xFFFF  }
0xb3: {  	_ =	strace $0x9000005F  }
0xb4: {  	s0 =	stileid.u32;
	[bflag:$0x2] =	sbarrier.arrive $0xFFFF  }
0xb5: {  	p0 =	sne.s32 s0, $0x0;
	s0 =	rddreg [dreg:$0x2]  }
0xb6: {  	s0 =	sadd.s32 @!p0 $0x100000, s0  }
0xb7: {  	[sflag:s0] =	ssyncadd.tile.s32 @!p0 $0x1;
	_ =	shalt  }
.Lfunc_end2:
_tile_overlayer_lowered:
.L_overlay_start_2:
0xb8: {  	(tag) =	ssettag $0x2  }
0xb9: {  	s0 =	rddreg [dreg:$0x0];
	s2 =	stileid.u32  }
0xba: {  	s1 =	rddreg [dreg:$0x1];
	p0 =	sne.s32 s2, $0x0  }
0xbb: {  	s3 =	rddreg [dreg:$0x2];
	[bflag:$0x3] =	sbarrier.arrive $0xFFFF;
	s2 =	simm.s32 @!p0 $0x1C01  }
0xbc: {  	[timem:s3], [sflag:s2] =	dma.local @!p0 [hbm:s0], s1  }
0xbd: {  	s0 =	simm.s32 @!p0 $0x1  }
0xbe: {  	_ =	swait.ge @!p0 [sflag:s0], s1  }
0xbf: {  	s1 =	ssub.s32 @!p0 $0x0, s1;
	[sflag:s0] =	ssyncset.done @!p0 $0x0  }
0xc0: {  	[sflag:s0] =	ssyncadd.s32 @!p0 s1  }
0xc1: {  	[bflag:$0x3] =	sbarrier.arrive $0xFFFF  }
0xc2: {  	_ =	shalt  }

// kernel: kernel.23.cloned.1.call-start
scs
__scs_entry_jumppad:
0x0: {  	(pc) =	sbr.rel $0x88, $3  }
0x1: {  	(tag) =	ssettag $0x0;
	lr =	simm.s32 $0x1  }
0x2: {  	[smem:$0x3F8E] =	sst lr;
	_ =	strace $0xD0000000  }
0x3: {  	_ = 	snop  }
0x4: {  	_ = 	snop  }
0x5: {  	_ = 	snop  }
0x6: {  	_ = 	snop  }
0x7: {  	_ = 	snop  }
__scs_overlays_trampoline_lowered:
0x8: {  	[smem:$0x3F9D] =	sst s0  }
0x9: {  	[smem:$0x3F9E] =	sst s1  }
0xa: {  	[smem:$0x3F9F] =	sst s2  }
0xb: {  	[smem:$0x3FA0] =	sst s3  }
0xc: {  	[smem:$0x3FA1] =	sst s4  }
0xd: {  	[smem:$0x3FA2] =	sst s5  }
0xe: {  	[smem:$0x3FA3] =	sst s6  }
0xf: {  	[smem:$0x3FA4] =	sst s7  }
0x10: {  	[smem:$0x3FA5] =	sst s8  }
0x11: {  	[smem:$0x3FA6] =	sst s9;
	s0 =	simm.s32 @!p0 $0x0  }
0x12: {  	s1 =	sld [smem:$0x3F8C];
	s0 =	simm.s32 @p0 $0x1  }
0x13: {  	[smem:$0x3FA7] =	sst s0;
	s0 =	simm.s32 @!p1 $0x0  }
0x14: {  	s2 =	sld [smem:$0x3F8B];
	s0 =	simm.s32 @p1 $0x1  }
0x15: {  	[smem:$0x3FA8] =	sst s0;
	s0 =	simm.s32 @!p2 $0x0  }
0x16: {  	s3 =	sld [smem:$0x3FDB];
	s0 =	simm.s32 @p2 $0x1  }
0x17: {  	s4 =	simm.s32 $0x1BF5;
	[smem:$0x3FAA] =	sst s0  }
0x18: {  	s0 =	sld [smem:$0x3F8D];
	_ =	swait.ge [sflag:s4], $0x0  }
0x19: {  	s7 =	sld [smem:$0x3F8E]  }
0x1a: {  	s8 =	sadd.s32 $0xFFFFE003, lr  }
0x1b: {  	s9 =	sadd.s32 $0xFFFFFEF7, lr;
	s5 =	simm.s32 $0xFFFFFFFF;
	p2 =	slt.u32 s8, $0xFFFFF086  }
0x1c: {  	p1 =	slt.u32 s9, $0xF7A;
	s5 =	simm.s32 @!p2 $0x0  }
0x1d: {  	s5 =	simm.s32 @p1 $0x1;
	p0 =	seq.s32 s7, s2  }
0x1e: {  	s7 =	smul.u32 @!p0 $0xF7A, s2;
	p2 =	seq.s32 @!p0 s5, $0x0  }
0x1f: {  	s9 =	smul.u32 $0xF7A, s1;
	s8 =	simm.s32 @!p0 $0x1BF5;
	p2 =	por !p2, p0  }
0x20: {  	[sflag:s8] =	ssyncset.s32 @!p0 $0xFFFFF086;
	s6 =	sadd.s32 @!p0 s3, s7;
	s7 =	simm.s32 @!p0 $0x108  }
0x21: {  	s3 =	sadd.s32 s3, s9;
	s6 =	sadd.s32 @!p0 $0x88, s6;
	s7 =	simm.s32 @p2 $0x1082  }
0x22: {  	[simem:s7], [sflag:s8] =	dma.local @!p0 [hbm:s6], $0xF7A  }
0x23: {  	s9 =	sor.u32 $0xD0000000, s2;
	s6 =	simm.s32 $0x108;
	_ =	swait.ge @!p0 [sflag:s8], $0x0  }
0x24: {  	s3 =	sadd.s32 $0x88, s3;
	s6 =	simm.s32 @!p1 $0x1082;
	[sflag:s4] =	ssyncset.s32 $0xFFFFF086  }
0x25: {  	[simem:s6], [sflag:s4] =	dma.local [hbm:s3], $0xF7A  }
0x26: {  	[smem:$0x3F8E] =	sst s1;
	(tag) =	ssettag s2;
	_ =	strace s9  }
0x27: {  	s1 =	sld [smem:$0x3F9E]  }
0x28: {  	s2 =	sld [smem:$0x3F9F]  }
0x29: {  	s4 =	sld [smem:$0x3FA1]  }
0x2a: {  	p0 =	seq.s32 s5, $0x0;
	s5 =	sld [smem:$0x3FA2]  }
0x2b: {  	s6 =	sld [smem:$0x3FA3]  }
0x2c: {  	s7 =	sld [smem:$0x3FA4]  }
0x2d: {  	s3 =	simm.s32 $0x108;
	s8 =	sld [smem:$0x3FA5]  }
0x2e: {  	s3 =	simm.s32 @!p0 $0x1082;
	s9 =	sld [smem:$0x3FA6]  }
0x2f: {  	lr =	sadd.s32 s0, s3;
	s0 =	sld [smem:$0x3F9D]  }
0x30: {  	s3 =	sld [smem:$0x3FA0]  }
0x31: {  	[smem:$0x3FA9] =	sst s10  }
0x32: {  	s10 =	sld [smem:$0x3FA7];
	_ =	sdelay $0x3  }
0x33: {  	p0 =	seq.s32 s10, $0x1;
	s10 =	sld [smem:$0x3FA9];
	_ =	sdelay $0x3  }
0x34: {  	[smem:$0x3FA9] =	sst s10  }
0x35: {  	s10 =	sld [smem:$0x3FA8];
	_ =	sdelay $0x3  }
0x36: {  	p1 =	seq.s32 s10, $0x1;
	s10 =	sld [smem:$0x3FA9];
	_ =	sdelay $0x3  }
0x37: {  	[smem:$0x3FA9] =	sst s10  }
0x38: {  	s10 =	sld [smem:$0x3FAA]  }
0x39: {  	_ = 	snop;
	(pc) =	sbr.ind lr, $3  }
0x3a: {  	_ = 	snop  }
0x3b: {  	_ = 	snop  }
0x3c: {  	p2 =	seq.s32 s10, $0x1;
	s10 =	sld [smem:$0x3FA9]  }
0x3d: {  	_ =	shalt  }
0x3e: {  	_ =	shalt  }
0x3f: {  	_ =	shalt  }
0x40: {  	_ =	shalt  }
0x41: {  	_ =	shalt  }
0x42: {  	_ =	shalt  }
0x43: {  	_ =	shalt  }
0x44: {  	_ =	shalt  }
0x45: {  	_ =	shalt  }
0x46: {  	_ =	shalt  }
0x47: {  	_ =	shalt  }
0x48: {  	_ =	shalt  }
0x49: {  	_ =	shalt  }
0x4a: {  	_ =	shalt  }
0x4b: {  	_ =	shalt  }
0x4c: {  	_ =	shalt  }
0x4d: {  	_ =	shalt  }
0x4e: {  	_ =	shalt  }
0x4f: {  	_ =	shalt  }
0x50: {  	_ =	shalt  }
0x51: {  	_ =	shalt  }
0x52: {  	_ =	shalt  }
0x53: {  	_ =	shalt  }
0x54: {  	_ =	shalt  }
0x55: {  	_ =	shalt  }
0x56: {  	_ =	shalt  }
0x57: {  	_ =	shalt  }
0x58: {  	_ =	shalt  }
0x59: {  	_ =	shalt  }
0x5a: {  	_ =	shalt  }
0x5b: {  	_ =	shalt  }
0x5c: {  	_ =	shalt  }
0x5d: {  	_ =	shalt  }
0x5e: {  	_ =	shalt  }
0x5f: {  	_ =	shalt  }
0x60: {  	_ =	shalt  }
0x61: {  	_ =	shalt  }
0x62: {  	_ =	shalt  }
0x63: {  	_ =	shalt  }
0x64: {  	_ =	shalt  }
0x65: {  	_ =	shalt  }
0x66: {  	_ =	shalt  }
0x67: {  	_ =	shalt  }
0x68: {  	_ =	shalt  }
0x69: {  	_ =	shalt  }
0x6a: {  	_ =	shalt  }
0x6b: {  	_ =	shalt  }
0x6c: {  	_ =	shalt  }
0x6d: {  	_ =	shalt  }
0x6e: {  	_ =	shalt  }
0x6f: {  	_ =	shalt  }
0x70: {  	_ =	shalt  }
0x71: {  	_ =	shalt  }
0x72: {  	_ =	shalt  }
0x73: {  	_ =	shalt  }
0x74: {  	_ =	shalt  }
0x75: {  	_ =	shalt  }
0x76: {  	_ =	shalt  }
0x77: {  	_ =	shalt  }
0x78: {  	_ =	shalt  }
0x79: {  	_ =	shalt  }
0x7a: {  	_ =	shalt  }
0x7b: {  	_ =	shalt  }
0x7c: {  	_ =	shalt  }
0x7d: {  	_ =	shalt  }
0x7e: {  	_ =	shalt  }
0x7f: {  	_ =	shalt  }
0x80: {  	_ =	shalt  }
0x81: {  	_ =	shalt  }
0x82: {  	_ =	shalt  }
0x83: {  	_ =	shalt  }
0x84: {  	_ =	shalt  }
0x85: {  	_ =	shalt  }
0x86: {  	_ =	shalt  }
0x87: {  	_ =	shalt  }
.Lfunc_end0:
.L_simem_size_0:
called_computation.9_lowered:
.L_overlay_start_0:
0x88: {  	s2 =	sld [smem:$0x3FD9]  }
0x89: {  	s3 =	sld [smem:$0x3FFE];
	_ =	sdelay $0x1  }
0x8a: {  	s1 =	srdreg.scid  }
0x8b: {  	s0 =	sand.u32 $0x1, s1  }
0x8c: {  	s17 =	sshll.u32 s0, $0xA;
	s2 =	sadd.s32 s3, s2  }
0x8d: {  	s2 =	sadd.s32 s2, s17  }
0x8e: {  	[smem:$0x3FB5] =	sst s2  }
0x8f: {  	_ = 	snop  }
0x90: {  	s2 =	sld [smem:$0x3FD0];
	(tm) =	ssettm $0x1  }
0x91: {  	s18 =	sld [smem:$0x3FFB];
	_ =	sdelay $0x3  }
0x92: {  	_ =	strace s18  }
0x93: {  	s3 =	sld [smem:$0x3FFC];
	_ =	sdelay $0x3  }
0x94: {  	_ =	strace s3  }
0x95: {  	s3 =	sld [smem:$0x3FFD];
	_ =	sdelay $0x3  }
0x96: {  	_ =	strace s3  }
0x97: {  	_ =	strace $0x8FFFFFFF  }
0x98: {  	s19 =	sld [smem:$0x3FDB];
	_ =	sdelay $0x1  }
0x99: {  	s4 =	simm.s32 $_scs_section_size  }
0x9a: {  	s5 =	simm.s32 $_size__tile_overlayer_lowered;
	s6 =	simm.s32 $_tile_overlayer_lowered  }
0x9b: {  	s22 =	simm.s32 $0x1BFF;
	s21 =	sshll.u32 s6, $0x1;
	s3 =	sadd.s32 s4, s19  }
0x9c: {  	s7 =	simm.s32 $0x0;
	s20 =	sshll.u32 s5, $0x1;
	s5 =	sadd.s32 s21, s3  }
0x9d: {  	[timem:s7], [sflag:s22] =	dma.local [hbm:s5], s20  }
0x9e: {  	_ =	swait.ge [sflag:s22], s20  }
0x9f: {  	s4 =	ssub.s32 $0x0, s20;
	[sflag:s22] =	ssyncset.done $0x0  }
0xa0: {  	[sflag:s22] =	ssyncadd.s32 s4;
	_ =	sdelay $0x1  }
0xa1: {  	s23 =	simm.s32 $0x1B8B  }
0xa2: {  	_ =	swait.ge [sflag:s23], $0x1  }
0xa3: {  	[sflag:s23] =	ssyncset.done $0x0  }
0xa4: {  	s25 =	simm.s32 $0x1B8E;
	s24 =	sld [smem:$0x3FFE];
	[sflag:s23] =	ssyncadd.s32 $0xFFFFFFFF  }
0xa5: {  	s26 =	simm.s32 $execute0_lowered;
	[smem:$0x3FD2] =	sst s25  }
0xa6: {  	s5 =	sshll.u32 s26, $0x1;
	_ =	strace $0x80000061;
	[dreg:$0x1] =	wrdreg $0xFFFFFFFF  }
0xa7: {  	s28 =	simm.s32 $_size_execute0_lowered;
	s3 =	sadd.s32 s3, s5;
	[dreg:$0x0] =	wrdreg $0x0  }
0xa8: {  	s5 =	sshll.u32 s28, $0x1;
	[dreg:$0x2] =	wrdreg s3  }
0xa9: {  	[dreg:$0x3] =	wrdreg s5  }
0xaa: {  	[dreg:$0x4] =	wrdreg $0xC0  }
0xab: {  	_ =	task [dreg:s7], $0x5FFFF  }
0xac: {  	[dreg:$0x1] =	wrdreg $0xFFFFFFFF  }
0xad: {  	[dreg:$0x0] =	wrdreg $0x60  }
0xae: {  	[dreg:$0x2] =	wrdreg s2  }
0xaf: {  	[dreg:$0x3] =	wrdreg s24  }
0xb0: {  	[dreg:$0x4] =	wrdreg $0x6E800  }
0xb1: {  	[dreg:$0x5] =	wrdreg $0x9  }
0xb2: {  	_ =	task.clear_ibuf [dreg:s7], $0x6FFFF;
	_ =	strace $0x90000061  }
0xb3: {  	s29 =	simm.s32 $0x9;
	_ =	strace $0x80000063  }
0xb4: {  	_ =	swait.ge [sflag:s29], $0x1  }
0xb5: {  	[sflag:s29] =	ssyncadd.s32 $0xFFFFFFFF  }
0xb6: {  	_ =	strace $0x90000063  }
0xb7: {  	_ =	sfence  }
0xb8: {  	s30 =	sld [smem:$0x0];
	_ =	sdelay $0x2  }
0xb9: {  	s31 =	sshll.u32 s1, $0xD;
	s1 =	sshrl.u32 s1, $0x2  }
0xba: {  	s3 =	sand.u32 $0x4000, s31;
	s1 =	sadd.s32 s1, s30  }
0xbb: {  	s0 =	sor.u32 s3, s0;
	s1 =	sshll.u32 s1, $0x11  }
0xbc: {  	s0 =	sor.u32 s1, s0  }
0xbd: {  	s0 =	sadd.s32 $0x8F2B, s0  }
0xbe: {  	[sflag:s0] =	ssyncadd.remote.s32 $0x1  }
0xbf: {  	_ =	sfence.sel $0xFFFF  }
0xc0: {  	[dreg:$0x0] =	wrdreg $0xFFFFFFFF;
	(pc) =	sbr.abs _section_cstart, $3  }
0xc1: {  	[dreg:$0x1] =	wrdreg $0xFFFFFFFF  }
0xc2: {  	_ =	task.clear_ibuf [dreg:s7], $0x2FFFF;
	_ =	strace $0x9FFFFFFF  }
0xc3: {  	(tm) =	ssettm $0x7FFFFFFF  }
tec
execute0_lowered:
.L_overlay_start_1:
0x0: {  	(tag) =	ssettag $0x1  }
0x1: {  	s0 =	rddreg [dreg:$0x1]  }
0x2: {  	s2 =	rddreg [dreg:$0x2]  }
0x3: {  	s11 =	simm.s32 $0x0;
	s1 =	srdreg.scid;
	s9 =	stileid.u32  }
0x4: {  	s29 =	simm.s32 $0x5780;
	s30 =	simm.s32 $0x1;
	s31 =	simm.s32 $0x280  }
0x5: {  	[smem:$0x7FF] =	sst s11;
	s1 =	sand.u32 $0x1, s1;
	s6 =	smul.u32 $0x18700, s9  }
0x6: {  	s5 =	sadd.s32 $0x12CA00, s0;
	s8 =	sshll.u32 s9, $0x1;
	s9 =	smul.u32 $0x61C00, s9  }
0x7: {  	s0 =	sadd.s32 $0x7600, s0;
	_ =	strace $0x80000062;
	s3 =	smul.u32 $0x30E000, s1  }
0x8: {  	s4 =	ssub.s32 $0x2, s1;
	[dreg:$0x5] =	wrdreg s0;
	s1 =	sor.u32 s1, s8  }
0x9: {  	s7 =	sshrl.u32 s4, $0x1;
	s10 =	sshrl.u32 s9, $0x2;
	s12 =	sadd.s32 s6, s2  }
0xa: {  	s4 =	ssub.s32 s4, s7;
	s7 =	smul.u32 $0x28, s1;
	s8 =	sadd.s32 s3, s6  }
0xb: {  	s10 =	sadd.s32 s10, s2;
	[dreg:$0x6] =	wrdreg s8;
	s0 =	smax.u32 s4, $0x1  }
0xc: {  	s25 =	sadd.s32 $0x1700, s10;
	s26 =	sadd.s32 $0x2E00, s10;
	s13 =	sadd.s32 $0x4500, s10  }
0xd: {  	v0 =	vimm.f32 $0.0e+00;
	v1 =	vimm.s32 $0x0;
	s14 =	sadd.s32 $0x5C00, s10;
	s15 =	sadd.s32 $0x7300, s10;
	s16 =	sadd.s32 $0x8A00, s10  }
0xe: {  	v2 =	vimm.s32 $0x1;
	v3 =	vimm.s32 $0x2;
	v4 =	vimm.s32 $0x3;
	s17 =	sadd.s32 $0xA100, s10;
	s18 =	sadd.s32 $0xB800, s10;
	s19 =	sadd.s32 $0xCF00, s10  }
0xf: {  	v5 =	vimm.s32 $0x4;
	v6 =	vimm.s32 $0x5;
	v7 =	vimm.s32 $0x6;
	s20 =	sadd.s32 $0xE600, s10;
	s21 =	sadd.s32 $0xFD00, s10;
	[dreg:$0x7] =	wrdreg s0  }
0x10: {  	v8 =	vimm.s32 $0x7;
	v9 =	vimm.s32 $0x8;
	v10 =	vimm.s32 $0x9;
	s22 =	sadd.s32 $0x11400, s10;
	s23 =	sadd.s32 $0x12B00, s10;
	[dreg:$0x8] =	wrdreg s25  }
0x11: {  	v11 =	vimm.s32 $0xA;
	v12 =	vimm.s32 $0xB;
	v13 =	vimm.s32 $0xC;
	s24 =	sadd.s32 $0x14200, s10;
	s28 =	sadd.s32 $0x17000, s10;
	[dreg:$0x9] =	wrdreg s26  }
0x12: {  	v14 =	vimm.s32 $0xD;
	v15 =	vimm.s32 $0xE;
	v16 =	vimm.s32 $0xF;
	s25 =	sshrl.u32 s12, $0x3;
	s26 =	sadd.s32 $0x15900, s10;
	s0 =	simm.s32 $0x780  }
.LBB2_1:
0x13: {  	[dreg:$0x4] =	wrdreg s11;
	s1 =	simm.s32 $0x0  }
.LBB2_2:
0x14: {  	p0 =	sne.s32 s1, $0x5B80  }
.Ltmp0:
0x15: {  	_ = 	snop;
	(pc) =	sbr.rel @p0 .LBB2_2-.Ltmp0, $4  }
0x16: {  	_ = 	snop  }
0x17: {  	s3 =	sshra.s32 s1, $0x2  }
0x18: {  	[tilespmem:s3+$0x5780] =	vst v0  }
0x19: {  	s1 =	sadd.s32 $0x80, s1;
	[tilespmem:s3+$0x5790] =	vst v0  }
0x1a: {  	s9 =	simm.s32 $0x0;
	p1 =	por $0x1, $0x1  }
.LBB2_4:
0x1b: {  	[spmem:s10] =	stream.linear.scatter [tilespmem:s29], [sflag:$0x1], $0x1700, $0x38;
	[tilespmem:$0x1F580] =	vst v63  }
0x1c: {  	_ =	swait.ge [sflag:s30], $0x1700  }
0x1d: {  	[sflag:s30] =	ssyncset.done $0x0  }
0x1e: {  	s1 =	rddreg [dreg:$0x8];
	[sflag:s30] =	ssyncadd.s32 $0xFFFFE900  }
0x1f: {  	[spmem:s1] =	stream.linear.scatter [tilespmem:s29], [sflag:$0x1], $0x1700, $0x38;
	[tilespmem:$0x1F580] =	vst v63  }
0x20: {  	_ =	swait.ge [sflag:s30], $0x1700  }
0x21: {  	[sflag:s30] =	ssyncset.done $0x0  }
0x22: {  	s8 =	rddreg [dreg:$0x9];
	[sflag:s30] =	ssyncadd.s32 $0xFFFFE900  }
0x23: {  	[spmem:s8] =	stream.linear.scatter [tilespmem:s29], [sflag:$0x1], $0x1700, $0x38;
	[tilespmem:$0x1F580] =	vst v63  }
0x24: {  	_ =	swait.ge [sflag:s30], $0x1700  }
0x25: {  	[sflag:s30] =	ssyncset.done $0x0  }
0x26: {  	[sflag:s30] =	ssyncadd.s32 $0xFFFFE900  }
0x27: {  	[spmem:s13] =	stream.linear.scatter [tilespmem:s29], [sflag:$0x1], $0x1700, $0x38;
	[tilespmem:$0x1F580] =	vst v63  }
0x28: {  	_ =	swait.ge [sflag:s30], $0x1700  }
0x29: {  	[sflag:s30] =	ssyncset.done $0x0  }
0x2a: {  	[sflag:s30] =	ssyncadd.s32 $0xFFFFE900  }
0x2b: {  	[spmem:s14] =	stream.linear.scatter [tilespmem:s29], [sflag:$0x1], $0x1700, $0x38;
	[tilespmem:$0x1F580] =	vst v63  }
0x2c: {  	_ =	swait.ge [sflag:s30], $0x1700  }
0x2d: {  	[sflag:s30] =	ssyncset.done $0x0  }
0x2e: {  	[sflag:s30] =	ssyncadd.s32 $0xFFFFE900  }
0x2f: {  	[spmem:s15] =	stream.linear.scatter [tilespmem:s29], [sflag:$0x1], $0x1700, $0x38;
	[tilespmem:$0x1F580] =	vst v63  }
0x30: {  	_ =	swait.ge [sflag:s30], $0x1700  }
0x31: {  	[sflag:s30] =	ssyncset.done $0x0  }
0x32: {  	[sflag:s30] =	ssyncadd.s32 $0xFFFFE900  }
0x33: {  	[spmem:s16] =	stream.linear.scatter [tilespmem:s29], [sflag:$0x1], $0x1700, $0x38;
	[tilespmem:$0x1F580] =	vst v63  }
0x34: {  	_ =	swait.ge [sflag:s30], $0x1700  }
0x35: {  	[sflag:s30] =	ssyncset.done $0x0  }
0x36: {  	[sflag:s30] =	ssyncadd.s32 $0xFFFFE900  }
0x37: {  	[spmem:s17] =	stream.linear.scatter [tilespmem:s29], [sflag:$0x1], $0x1700, $0x38;
	[tilespmem:$0x1F580] =	vst v63  }
0x38: {  	_ =	swait.ge [sflag:s30], $0x1700  }
0x39: {  	[sflag:s30] =	ssyncset.done $0x0  }
0x3a: {  	[sflag:s30] =	ssyncadd.s32 $0xFFFFE900  }
0x3b: {  	[spmem:s18] =	stream.linear.scatter [tilespmem:s29], [sflag:$0x1], $0x1700, $0x38;
	[tilespmem:$0x1F580] =	vst v63  }
0x3c: {  	_ =	swait.ge [sflag:s30], $0x1700  }
0x3d: {  	[sflag:s30] =	ssyncset.done $0x0  }
0x3e: {  	[sflag:s30] =	ssyncadd.s32 $0xFFFFE900  }
0x3f: {  	[spmem:s19] =	stream.linear.scatter [tilespmem:s29], [sflag:$0x1], $0x1700, $0x38;
	[tilespmem:$0x1F580] =	vst v63  }
0x40: {  	_ =	swait.ge [sflag:s30], $0x1700  }
0x41: {  	[sflag:s30] =	ssyncset.done $0x0  }
0x42: {  	[sflag:s30] =	ssyncadd.s32 $0xFFFFE900  }
0x43: {  	[spmem:s20] =	stream.linear.scatter [tilespmem:s29], [sflag:$0x1], $0x1700, $0x38;
	[tilespmem:$0x1F580] =	vst v63  }
0x44: {  	_ =	swait.ge [sflag:s30], $0x1700  }
0x45: {  	[sflag:s30] =	ssyncset.done $0x0  }
0x46: {  	[sflag:s30] =	ssyncadd.s32 $0xFFFFE900  }
0x47: {  	[spmem:s21] =	stream.linear.scatter [tilespmem:s29], [sflag:$0x1], $0x1700, $0x38;
	[tilespmem:$0x1F580] =	vst v63  }
0x48: {  	_ =	swait.ge [sflag:s30], $0x1700  }
0x49: {  	[sflag:s30] =	ssyncset.done $0x0  }
0x4a: {  	[sflag:s30] =	ssyncadd.s32 $0xFFFFE900  }
0x4b: {  	[spmem:s22] =	stream.linear.scatter [tilespmem:s29], [sflag:$0x1], $0x1700, $0x38;
	[tilespmem:$0x1F580] =	vst v63  }
0x4c: {  	_ =	swait.ge [sflag:s30], $0x1700  }
0x4d: {  	[sflag:s30] =	ssyncset.done $0x0  }
0x4e: {  	[sflag:s30] =	ssyncadd.s32 $0xFFFFE900  }
0x4f: {  	[spmem:s23] =	stream.linear.scatter [tilespmem:s29], [sflag:$0x1], $0x1700, $0x38;
	[tilespmem:$0x1F580] =	vst v63  }
0x50: {  	_ =	swait.ge [sflag:s30], $0x1700  }
0x51: {  	[sflag:s30] =	ssyncset.done $0x0  }
0x52: {  	[sflag:s30] =	ssyncadd.s32 $0xFFFFE900  }
0x53: {  	[spmem:s24] =	stream.linear.scatter [tilespmem:s29], [sflag:$0x1], $0x1700, $0x38;
	[tilespmem:$0x1F580] =	vst v63  }
0x54: {  	_ =	swait.ge [sflag:s30], $0x1700  }
0x55: {  	[sflag:s30] =	ssyncset.done $0x0  }
0x56: {  	[sflag:s30] =	ssyncadd.s32 $0xFFFFE900  }
0x57: {  	[spmem:s26] =	stream.linear.scatter [tilespmem:s29], [sflag:$0x1], $0x1700, $0x38;
	[tilespmem:$0x1F580] =	vst v63  }
0x58: {  	_ =	swait.ge [sflag:s30], $0x1700  }
0x59: {  	[sflag:s30] =	ssyncset.done $0x0  }
0x5a: {  	[sflag:s30] =	ssyncadd.s32 $0xFFFFE900  }
0x5b: {  	[spmem:s28] =	stream.linear.scatter [tilespmem:s29], [sflag:$0x1], $0x1700, $0x38;
	[tilespmem:$0x1F580] =	vst v63  }
0x5c: {  	_ =	swait.ge [sflag:s30], $0x1700  }
0x5d: {  	[sflag:s30] =	ssyncset.done $0x0  }
0x5e: {  	s11 =	sand.u32 $0x1, s9;
	s3 =	simm.s32 $0xFFDA7880;
	[sflag:s30] =	ssyncadd.s32 $0xFFFFE900  }
0x5f: {  	s12 =	smul.u32 $0x30D40, s9;
	p2 =	seq.s32 s11, $0x1;
	[bflag:$0x0] =	sbarrier.arrive $0xFFFF  }
0x60: {  	p0 =	por p1, p1;
	s3 =	simm.s32 @!p2 $0x0;
	s4 =	rddreg [dreg:$0x0]  }
0x61: {  	s3 =	simm.s32 @!p1 $0x0;
	s1 =	sadd.s32 s4, s12;
	s4 =	simm.s32 $0x0  }
.LBB2_5:
0x62: {  	s6 =	sadd.s32 s7, s4  }
0x63: {  	s6 =	smul.u32 $0x780, s6;
	_ =	sdelay $0x1  }
0x64: {  	s6 =	sadd.s32 s3, s6  }
0x65: {  	s6 =	sshrl.u32 s6, $0x3  }
0x66: {  	s8 =	simm.s32 $0x0;
	s6 =	sadd.s32 s5, s6  }
0x67: {  	[tilespmem:s8], [sflag:$0x1] =	stream.linear.gather [hbm4b:s6+s8], $0x780, $0x38;
	[tilespmem:$0x1F580] =	vst v63  }
0x68: {  	_ =	swait.ge [sflag:s30], $0x780  }
0x69: {  	[sflag:s30] =	ssyncset.done $0x0  }
0x6a: {  	[sflag:s30] =	ssyncadd.s32 $0xFFFFF880  }
0x6b: {  	[tilespmem:s0], [sflag:$0x1] =	stream.indirect.gather [hbm4b:s1+s31], $0x20, s8, s31, $0xb8;
	[tilespmem:$0x1F580] =	vst v63  }
0x6c: {  	_ =	swait.ge [sflag:s30], $0x5000  }
0x6d: {  	[sflag:s30] =	ssyncset.done $0x0  }
0x6e: {  	s6 =	simm.s32 $0x880;
	[sflag:s30] =	ssyncadd.s32 $0xFFFFB000  }
0x6f: {  	v22 =	vld [tilespmem:s6+$0xFFFFFFA0]  }
0x70: {  	v20 =	vld [tilespmem:s6+$0xFFFFFFF0]  }
0x71: {  	v17 =	vld [tilespmem:s6+$0xFFFFFF60]  }
0x72: {  	v23 =	vld [tilespmem:s6+$0xFFFFFFD0]  }
0x73: {  	v24 =	vld [tilespmem:s6+$0x80]  }
0x74: {  	v27 =	vld [tilespmem:s6+$0xFFFFFF10]  }
0x75: {  	v31 =	vld [tilespmem:s6+$0xE0]  }
0x76: {  	v26 =	vld [tilespmem:s6+$0xFFFFFF40]  }
0x77: {  	s12 =	simm.s32 $0x0;
	v18 =	vld [tilespmem:s6+$0xFFFFFF90]  }
0x78: {  	v19 =	vld [tilespmem:s12+$0x500]  }
0x79: {  	v25 =	vld [tilespmem:s6+$0xFFFFFFC0]  }
0x7a: {  	v28 =	vld [tilespmem:s6+$0xFFFFFF00]  }
0x7b: {  	v29 =	vld [tilespmem:s6+$0xD0]  }
0x7c: {  	v38 =	vld [tilespmem:s6+$0xC0]  }
0x7d: {  	v36 =	vld [tilespmem:s6+$0x90];
	v34 =	vperm.xlane v19, v1;
	v21 =	vperm.xlane v19, v16  }
0x7e: {  	v37 =	vld [tilespmem:s6+$0xFFFFFF50];
	v35 =	vperm.xlane v19, v3;
	v33 =	vperm.xlane v19, v15  }
0x7f: {  	v32 =	vld [tilespmem:s6+$0xB0];
	v30 =	vperm.xlane v19, v13;
	v40 =	vmul.f32 v28, v34  }
0x80: {  	s11 =	simm.s32 $0x880;
	s8 =	simm.s32 $0x40;
	v28 =	vperm.xlane v19, v14;
	v39 =	vmul.f32 v26, v35;
	v26 =	vld [tilespmem:s6+$0x60]  }
.LBB2_6:
0x81: {  	p1 =	sne.s32 s8, $0x9C0  }
0x82: {  	[tilespmem:s6+$0xFFFFFF00] =	vst v40;
	v40 =	vld [tilespmem:s6+$0xFFFFFFB0];
	v38 =	vmul.f32 v38, v33;
	v31 =	vmul.f32 v31, v21;
	s11 =	sadd.s32 $0x200, s11;
	s12 =	smov.u32 s8;
	s8 =	sadd.s32 $0x40, s8  }
0x83: {  	[tilespmem:s6+$0xFFFFFF40] =	vst v39;
	v39 =	vperm.xlane v19, v11;
	v36 =	vmul.f32 v36, v30;
	v41 =	vld [tilespmem:s6+$0xA0]  }
0x84: {  	v27 =	vmul.f32 v27, v34;
	v34 =	vmul.f32 v37, v35;
	v35 =	vld [tilespmem:s6+$0x70];
	[tilespmem:s6+$0xE0] =	vst v31  }
0x85: {  	v31 =	vperm.xlane v19, v6;
	v37 =	vld [tilespmem:s6+$0xFFFFFFE0];
	v32 =	vmul.f32 v32, v28;
	[tilespmem:s6+$0xC0] =	vst v38  }
0x86: {  	v29 =	vmul.f32 v29, v33;
	[tilespmem:s6+$0xFFFFFF10] =	vst v27;
	v27 =	vperm.xlane v19, v7;
	v38 =	vld [tilespmem:s6+$0x40]  }
0x87: {  	v42 =	vperm.xlane v19, v12;
	v22 =	vmul.f32 v22, v31;
	v33 =	vld [tilespmem:s6+$0xFFFFFF20];
	[tilespmem:s6+$0x90] =	vst v36  }
0x88: {  	[tilespmem:s6+$0xFFFFFF50] =	vst v34;
	v34 =	vperm.xlane v19, v10;
	v36 =	vld [tilespmem:s6+$0x20];
	v28 =	vmul.f32 v41, v28  }
0x89: {  	v31 =	vmul.f32 v40, v31;
	v40 =	vld [tilespmem:s6+$0x50];
	v35 =	vmul.f32 v35, v42;
	[tilespmem:s6+$0xD0] =	vst v29  }
0x8a: {  	v24 =	vmul.f32 v24, v30;
	v29 =	vperm.xlane v19, v8;
	v41 =	vld [tilespmem:s6+$0x30];
	[tilespmem:s6+$0xA0] =	vst v28  }
0x8b: {  	v25 =	vmul.f32 v25, v27;
	v28 =	vperm.xlane v19, v4;
	v30 =	vld [tilespmem:s6+$0x0];
	[tilespmem:s6+$0x70] =	vst v35  }
0x8c: {  	v26 =	vmul.f32 v26, v42;
	v23 =	vmul.f32 v23, v27;
	v27 =	vld [tilespmem:s6+$0x10];
	[tilespmem:s6+$0x80] =	vst v24  }
0x8d: {  	v35 =	vperm.xlane v19, v9;
	v38 =	vmul.f32 v38, v39;
	v24 =	vld [tilespmem:s6+$0xFFFFFF30];
	[tilespmem:s6+$0xB0] =	vst v32  }
0x8e: {  	v32 =	vperm.xlane v19, v2;
	v42 =	vld [tilespmem:s6+$0xFFFFFF70];
	[tilespmem:s6+$0xFFFFFFD0] =	vst v23;
	v39 =	vmul.f32 v40, v39  }
0x8f: {  	v20 =	vmul.f32 v20, v29;
	v23 =	vmul.f32 v37, v29;
	[tilespmem:s6+$0xFFFFFFC0] =	vst v25;
	v25 =	vld [tilespmem:s6+$0xF0]  }
0x90: {  	v37 =	vmul.f32 v41, v34;
	v29 =	vld [tilespmem:s6+$0xFFFFFF80];
	[tilespmem:s6+$0xFFFFFFA0] =	vst v22;
	v30 =	vmul.f32 v30, v35  }
0x91: {  	v22 =	vld [tilespmem:s11+$0xFFFFFFA0];
	[tilespmem:s6+$0xFFFFFFF0] =	vst v20;
	v35 =	vmul.f32 v27, v35;
	v27 =	vmul.f32 v36, v34  }
0x92: {  	v20 =	vmul.f32 v33, v32;
	v32 =	vmul.f32 v24, v32;
	[tilespmem:s6+$0x60] =	vst v26  }
0x93: {  	v17 =	vmul.f32 v17, v28;
	v24 =	vmul.f32 v42, v28;
	[tilespmem:s6+$0xFFFFFFB0] =	vst v31  }
0x94: {  	v19 =	vperm.xlane v19, v5;
	[tilespmem:s6+$0xFFFFFF20] =	vst v20;
	v20 =	vmul.f32 v25, v21  }
0x95: {  	[tilespmem:s6+$0xFFFFFF60] =	vst v17  }
0x96: {  	v21 =	vmul.f32 v29, v19;
	v17 =	vmul.f32 v18, v19;
	[tilespmem:s6+$0x40] =	vst v38  }
0x97: {  	[tilespmem:s6+$0xFFFFFFE0] =	vst v23  }
0x98: {  	[tilespmem:s6+$0xF0] =	vst v20  }
0x99: {  	[tilespmem:s6+$0xFFFFFF90] =	vst v17  }
0x9a: {  	v20 =	vld [tilespmem:s11+$0xFFFFFFF0];
	[tilespmem:s6+$0xFFFFFF70] =	vst v24  }
0x9b: {  	v17 =	vld [tilespmem:s11+$0xFFFFFF60];
	[tilespmem:s6+$0x20] =	vst v27  }
0x9c: {  	v23 =	vld [tilespmem:s11+$0xFFFFFFD0];
	[tilespmem:s6+$0x30] =	vst v37  }
0x9d: {  	v24 =	vld [tilespmem:s11+$0x80];
	[tilespmem:s6+$0xFFFFFF80] =	vst v21  }
0x9e: {  	v27 =	vld [tilespmem:s11+$0xFFFFFF10];
	[tilespmem:s6+$0x50] =	vst v39  }
0x9f: {  	v31 =	vld [tilespmem:s11+$0xE0];
	[tilespmem:s6+$0x0] =	vst v30  }
0xa0: {  	v26 =	vld [tilespmem:s11+$0xFFFFFF40];
	[tilespmem:s6+$0xFFFFFF30] =	vst v32  }
0xa1: {  	s12 =	sshra.s32 s12, $0x2;
	v18 =	vld [tilespmem:s11+$0xFFFFFF90];
	[tilespmem:s6+$0x10] =	vst v35;
	s6 =	smov.u32 s11  }
0xa2: {  	v19 =	vld [tilespmem:s12+$0x500]  }
0xa3: {  	v25 =	vld [tilespmem:s11+$0xFFFFFFC0]  }
0xa4: {  	v28 =	vld [tilespmem:s11+$0xFFFFFF00]  }
0xa5: {  	v29 =	vld [tilespmem:s11+$0xD0]  }
.Ltmp1:
0xa6: {  	v38 =	vld [tilespmem:s11+$0xC0];
	(pc) =	sbr.rel @p1 .LBB2_6-.Ltmp1, $4  }
0xa7: {  	v34 =	vperm.xlane v19, v1;
	v36 =	vld [tilespmem:s11+$0x90];
	v21 =	vperm.xlane v19, v16  }
0xa8: {  	v35 =	vperm.xlane v19, v3;
	v33 =	vperm.xlane v19, v15;
	v37 =	vld [tilespmem:s11+$0xFFFFFF50]  }
0xa9: {  	v40 =	vmul.f32 v28, v34;
	v28 =	vperm.xlane v19, v14;
	v32 =	vld [tilespmem:s11+$0xB0]  }
0xaa: {  	v30 =	vperm.xlane v19, v13;
	v39 =	vmul.f32 v26, v35;
	v26 =	vld [tilespmem:s11+$0x60]  }
0xab: {  	[tilespmem:s6+$0xFFFFFF00] =	vst v40;
	v31 =	vmul.f32 v31, v21  }
0xac: {  	v38 =	vmul.f32 v38, v33;
	[tilespmem:s6+$0xFFFFFF40] =	vst v39  }
0xad: {  	v27 =	vmul.f32 v27, v34;
	[tilespmem:s6+$0xE0] =	vst v31  }
0xae: {  	v59 =	vmul.f32 v29, v33;
	[tilespmem:s6+$0xC0] =	vst v38  }
0xaf: {  	v57 =	vmul.f32 v36, v30;
	[tilespmem:s6+$0xFFFFFF10] =	vst v27  }
0xb0: {  	v41 =	vperm.xlane v19, v7;
	v24 =	vmul.f32 v24, v30;
	[tilespmem:s6+$0xD0] =	vst v59  }
0xb1: {  	v35 =	vmul.f32 v37, v35;
	[tilespmem:s6+$0x90] =	vst v57  }
0xb2: {  	v45 =	vperm.xlane v19, v6;
	v23 =	vmul.f32 v23, v41;
	[tilespmem:s6+$0x80] =	vst v24  }
0xb3: {  	v47 =	vperm.xlane v19, v8;
	v25 =	vmul.f32 v25, v41;
	[tilespmem:s6+$0xFFFFFF50] =	vst v35  }
0xb4: {  	v54 =	vperm.xlane v19, v4;
	v22 =	vmul.f32 v22, v45;
	[tilespmem:s6+$0xFFFFFFD0] =	vst v23  }
0xb5: {  	v55 =	vld [tilespmem:s6+$0xA0];
	v20 =	vmul.f32 v20, v47;
	[tilespmem:s6+$0xFFFFFFC0] =	vst v25  }
0xb6: {  	v56 =	vld [tilespmem:s6+$0x70];
	v61 =	vperm.xlane v19, v12;
	v17 =	vmul.f32 v17, v54;
	[tilespmem:s6+$0xFFFFFFA0] =	vst v22  }
0xb7: {  	v58 =	vld [tilespmem:s6+$0xFFFFFFB0];
	v59 =	vperm.xlane v19, v5;
	v43 =	vmul.f32 v32, v28;
	[tilespmem:s6+$0xFFFFFFF0] =	vst v20  }
0xb8: {  	v60 =	vld [tilespmem:s6+$0xFFFFFF20];
	v26 =	vmul.f32 v26, v61;
	[tilespmem:s6+$0xFFFFFF60] =	vst v17  }
0xb9: {  	v62 =	vld [tilespmem:s6+$0xFFFFFFE0];
	v18 =	vmul.f32 v18, v59;
	[tilespmem:s6+$0xB0] =	vst v43  }
0xba: {  	v49 =	vld [tilespmem:s6+$0xFFFFFF70];
	v63 =	vmul.f32 v55, v28;
	[tilespmem:s6+$0x60] =	vst v26  }
0xbb: {  	v50 =	vld [tilespmem:s6+$0xFFFFFF80];
	v52 =	vperm.xlane v19, v2;
	v34 =	vmul.f32 v56, v61;
	[tilespmem:s6+$0xFFFFFF90] =	vst v18  }
0xbc: {  	v40 =	vld [tilespmem:s6+$0x40];
	v53 =	vmul.f32 v58, v45;
	[tilespmem:s6+$0xA0] =	vst v63  }
0xbd: {  	v55 =	vld [tilespmem:s6+$0xF0];
	v29 =	vmul.f32 v60, v52;
	[tilespmem:s6+$0x70] =	vst v34  }
0xbe: {  	v46 =	vld [tilespmem:s6+$0x30];
	v24 =	vmul.f32 v62, v47;
	[tilespmem:s6+$0xFFFFFFB0] =	vst v53  }
0xbf: {  	v44 =	vld [tilespmem:s6+$0x20];
	v56 =	vperm.xlane v19, v11;
	v61 =	vmul.f32 v49, v54;
	[tilespmem:s6+$0xFFFFFF20] =	vst v29  }
0xc0: {  	v57 =	vld [tilespmem:s6+$0xFFFFFF30];
	v62 =	vmul.f32 v50, v59;
	[tilespmem:s6+$0xFFFFFFE0] =	vst v24  }
0xc1: {  	v42 =	vld [tilespmem:s6+$0x50];
	v60 =	vperm.xlane v19, v10;
	v58 =	vmul.f32 v40, v56;
	[tilespmem:s6+$0xFFFFFF70] =	vst v61  }
0xc2: {  	v48 =	vld [tilespmem:s6+$0x0];
	[tilespmem:s6+$0xFFFFFF80] =	vst v62;
	v17 =	vmul.f32 v55, v21  }
0xc3: {  	v51 =	vld [tilespmem:s6+$0x10];
	v18 =	vmul.f32 v46, v60;
	[tilespmem:s6+$0x40] =	vst v58  }
0xc4: {  	[tilespmem:s6+$0xF0] =	vst v17;
	v17 =	vmul.f32 v44, v60  }
0xc5: {  	v19 =	vperm.xlane v19, v9;
	v63 =	vmul.f32 v57, v52;
	[tilespmem:s6+$0x30] =	vst v18  }
0xc6: {  	[tilespmem:s6+$0x20] =	vst v17;
	v17 =	vmul.f32 v42, v56  }
0xc7: {  	v18 =	vmul.f32 v48, v19;
	[tilespmem:s6+$0xFFFFFF30] =	vst v63  }
0xc8: {  	s4 =	sadd.s32 $0x1, s4;
	[tilespmem:s6+$0x50] =	vst v17;
	v17 =	vmul.f32 v51, v19  }
0xc9: {  	p1 =	sne.s32 s4, $0x28;
	[tilespmem:s6+$0x0] =	vst v18  }
.Ltmp2:
0xca: {  	[tilespmem:s6+$0x10] =	vst v17;
	(pc) =	sbr.rel @p1 .LBB2_5-.Ltmp2, $4  }
0xcb: {  	[spmem:s2] =	stream.indirect.scatter.add.f32 [tilespmem:s0], [sflag:$0x1], $0x20, s31, s31, $0xb8;
	[tilespmem:$0x1F580] =	vst v63  }
0xcc: {  	_ =	swait.ge [sflag:s30], $0x5000  }
0xcd: {  	[sflag:s30] =	ssyncset.done $0x0  }
0xce: {  	[sflag:s30] =	ssyncadd.s32 $0xFFFFB000  }
0xcf: {  	s1 =	smul.u32 $0x187000, s9  }
0xd0: {  	s3 =	rddreg [dreg:$0x6]  }
0xd1: {  	s12 =	stileid.u32;
	[bflag:$0x0] =	sbarrier.arrive $0xFFFF;
	s1 =	sadd.s32 s1, s3  }
0xd2: {  	s4 =	rddreg [dreg:$0x5];
	s3 =	sshll.u32 s12, $0x6;
	s1 =	sshrl.u32 s1, $0x3  }
0xd3: {  	s9 =	simm.s32 $0x1;
	s3 =	sor.u32 $0x1C01, s3;
	s1 =	sadd.s32 s4, s1  }
0xd4: {  	[hbm:s1], [sflag:s3] =	dma.local [spmem:s25], $0x30E0  }
.Ltmp3:
0xd5: {  	_ =	swait.ge [sflag:s9], $0x30E0;
	(pc) =	sbr.rel @p0 .LBB2_4-.Ltmp3, $4  }
0xd6: {  	[sflag:s9] =	ssyncset.done $0x0  }
0xd7: {  	[sflag:s9] =	ssyncadd.s32 $0xFFFFCF20  }
0xd8: {  	[bflag:$0x0] =	sbarrier.arrive $0xFFFF  }
0xd9: {  	p1 =	por $0x0, $0x0  }
0xda: {  	s11 =	rddreg [dreg:$0x4]  }
0xdb: {  	s1 =	rddreg [dreg:$0x7];
	s11 =	sadd.s32 $0x1, s11  }
0xdc: {  	p0 =	sne.s32 s11, s1  }
.Ltmp4:
0xdd: {  	_ = 	snop;
	(pc) =	sbr.rel @p0 .LBB2_1-.Ltmp4, $1  }
0xde: {  	_ =	sdelay $0x3  }
0xdf: {  	_ =	sfence.sel $0x180000  }
0xe0: {  	[bflag:$0x0] =	sbarrier.arrive $0xFFFF  }
0xe1: {  	_ =	strace $0x90000062  }
0xe2: {  	s0 =	stileid.u32;
	[bflag:$0x2] =	sbarrier.arrive $0xFFFF  }
0xe3: {  	p0 =	sne.s32 s0, $0x0;
	s0 =	rddreg [dreg:$0x3]  }
0xe4: {  	s0 =	sadd.s32 @!p0 $0x100000, s0  }
0xe5: {  	[sflag:s0] =	ssyncadd.tile.s32 @!p0 $0x1;
	_ =	shalt  }
.Lfunc_end2:
_tile_overlayer_lowered:
.L_overlay_start_2:
0xe6: {  	(tag) =	ssettag $0x2  }
0xe7: {  	s0 =	rddreg [dreg:$0x0];
	s2 =	stileid.u32  }
0xe8: {  	s1 =	rddreg [dreg:$0x1];
	p0 =	sne.s32 s2, $0x0  }
0xe9: {  	s3 =	rddreg [dreg:$0x2];
	[bflag:$0x3] =	sbarrier.arrive $0xFFFF;
	s2 =	simm.s32 @!p0 $0x1C01  }
0xea: {  	[timem:s3], [sflag:s2] =	dma.local @!p0 [hbm:s0], s1  }
0xeb: {  	s0 =	simm.s32 @!p0 $0x1  }
0xec: {  	_ =	swait.ge @!p0 [sflag:s0], s1  }
0xed: {  	s1 =	ssub.s32 @!p0 $0x0, s1;
	[sflag:s0] =	ssyncset.done @!p0 $0x0  }
0xee: {  	[sflag:s0] =	ssyncadd.s32 @!p0 s1  }
0xef: {  	[bflag:$0x3] =	sbarrier.arrive $0xFFFF  }
0xf0: {  	_ =	shalt  }

// kernel: sparse-core-data-format-call.1.cloned.1.call-start
scs
called_computation.1_lowered:
.L_overlay_start_0:
0x0: {  	s2 =	sld [smem:$0x3FD9]  }
0x1: {  	s3 =	sld [smem:$0x3FFE];
	_ =	sdelay $0x1  }
0x2: {  	s1 =	srdreg.scid  }
0x3: {  	s0 =	sand.u32 $0x1, s1  }
0x4: {  	s18 =	sshll.u32 s0, $0xA;
	s2 =	sadd.s32 s3, s2  }
0x5: {  	s2 =	sadd.s32 s2, s18  }
0x6: {  	[smem:$0x3FB5] =	sst s2  }
0x7: {  	_ = 	snop  }
0x8: {  	(tm) =	ssettm $0x1  }
0x9: {  	s19 =	sld [smem:$0x3FFB];
	_ =	sdelay $0x3  }
0xa: {  	_ =	strace s19  }
0xb: {  	s2 =	sld [smem:$0x3FFC];
	_ =	sdelay $0x3  }
0xc: {  	_ =	strace s2  }
0xd: {  	s2 =	sld [smem:$0x3FFD];
	_ =	sdelay $0x3  }
0xe: {  	_ =	strace s2  }
0xf: {  	_ =	strace $0x8FFFFFFF  }
0x10: {  	s20 =	sld [smem:$0x3FDB];
	_ =	sdelay $0x1  }
0x11: {  	s21 =	simm.s32 $_scs_section_size  }
0x12: {  	s4 =	simm.s32 $_size__tile_overlayer_lowered;
	s5 =	simm.s32 $_tile_overlayer_lowered  }
0x13: {  	s6 =	simm.s32 $0x1BFF;
	s22 =	sshll.u32 s5, $0x1;
	s3 =	sadd.s32 s21, s20  }
0x14: {  	s23 =	simm.s32 $0x0;
	s4 =	sshll.u32 s4, $0x1;
	s5 =	sadd.s32 s22, s3  }
0x15: {  	[timem:s23], [sflag:s6] =	dma.local [hbm:s5], s4  }
0x16: {  	_ =	swait.ge [sflag:s6], s4  }
0x17: {  	s4 =	ssub.s32 $0x0, s4;
	[sflag:s6] =	ssyncset.done $0x0  }
0x18: {  	[sflag:s6] =	ssyncadd.s32 s4;
	_ =	sdelay $0x1  }
0x19: {  	s24 =	simm.s32 $0x1B8B  }
0x1a: {  	_ =	swait.ge [sflag:s24], $0x1  }
0x1b: {  	[sflag:s24] =	ssyncset.done $0x0  }
0x1c: {  	[sflag:s24] =	ssyncadd.s32 $0xFFFFFFFF  }
0x1d: {  	s4 =	sld [smem:$0x0]  }
0x1e: {  	s5 =	sand.u32 $0xFFFFFFFE, s1  }
0x1f: {  	p0 =	sne.s32 s1, s5  }
0x20: {  	s5 =	sshll.u32 @p0 s5, $0xE  }
0x21: {  	s5 =	sadd.s32 @p0 $0x11B8D, s5;
	s6 =	sshll.u32 @p0 s4, $0x11  }
0x22: {  	s5 =	sor.u32 @p0 s6, s5  }
0x23: {  	[sflag:s5] =	ssyncadd.remote.s32 @p0 $0x1;
	_ =	sdelay $0x1  }
0x24: {  	s5 =	simm.s32 @p0 $0x1B8D  }
0x25: {  	_ =	swait.eq @p0 [sflag:s5], $0x1  }
0x26: {  	[sflag:s5] =	ssyncadd.s32 @p0 $0xFFFFFFFF  }
0x27: {  	s6 =	sshll.u32 @!p0 s1, $0xE  }
0x28: {  	s6 =	sor.u32 @!p0 $0x4000, s6;
	s5 =	simm.s32 @!p0 $0x1B8D  }
0x29: {  	s4 =	sshll.u32 @!p0 s4, $0x11;
	s6 =	sadd.s32 @!p0 $0x11B8D, s6;
	_ =	swait.eq @!p0 [sflag:s5], $0x1  }
0x2a: {  	s4 =	sor.u32 @!p0 s4, s6;
	[sflag:s5] =	ssyncadd.s32 @!p0 $0xFFFFFFFF  }
0x2b: {  	s26 =	simm.s32 $0x1B8E;
	s25 =	sld [smem:$0x3FFE];
	[sflag:s4] =	ssyncadd.remote.s32 @!p0 $0x1  }
0x2c: {  	s27 =	simm.s32 $execute0_lowered;
	[smem:$0x3FD2] =	sst s26  }
0x2d: {  	s5 =	sshll.u32 s27, $0x1;
	_ =	strace $0x80000055;
	[dreg:$0x1] =	wrdreg $0xFFFFFFFF  }
0x2e: {  	s28 =	simm.s32 $_size_execute0_lowered;
	s3 =	sadd.s32 s3, s5;
	[dreg:$0x0] =	wrdreg $0x0  }
0x2f: {  	s5 =	sshll.u32 s28, $0x1;
	[dreg:$0x2] =	wrdreg s3  }
0x30: {  	[dreg:$0x3] =	wrdreg s5  }
0x31: {  	[dreg:$0x4] =	wrdreg $0xC0  }
0x32: {  	_ =	task [dreg:s23], $0x5FFFF  }
0x33: {  	[dreg:$0x1] =	wrdreg $0xFFFFFFFF  }
0x34: {  	[dreg:$0x0] =	wrdreg $0x60  }
0x35: {  	[dreg:$0x2] =	wrdreg s25  }
0x36: {  	[dreg:$0x3] =	wrdreg $0xA  }
0x37: {  	_ =	task.clear_ibuf [dreg:s23], $0x4FFFF;
	_ =	strace $0x90000055  }
0x38: {  	s29 =	simm.s32 $0xA;
	_ =	strace $0x80000057  }
0x39: {  	_ =	swait.ge [sflag:s29], $0x1  }
0x3a: {  	[sflag:s29] =	ssyncadd.s32 $0xFFFFFFFF  }
0x3b: {  	_ =	strace $0x90000057  }
0x3c: {  	_ =	sfence  }
0x3d: {  	s30 =	sld [smem:$0x0];
	_ =	sdelay $0x2  }
0x3e: {  	s31 =	sshll.u32 s1, $0xD;
	s1 =	sshrl.u32 s1, $0x2  }
0x3f: {  	s4 =	sand.u32 $0x4000, s31;
	s1 =	sadd.s32 s1, s30  }
0x40: {  	s0 =	sor.u32 s4, s0;
	s1 =	sshll.u32 s1, $0x11  }
0x41: {  	s0 =	sor.u32 s1, s0  }
0x42: {  	s0 =	sadd.s32 $0x8F2B, s0  }
0x43: {  	[sflag:s0] =	ssyncadd.remote.s32 $0x1  }
0x44: {  	_ =	sfence.sel $0xFFFF  }
0x45: {  	[dreg:$0x0] =	wrdreg $0xFFFFFFFF;
	(pc) =	sbr.abs _section_cstart, $3  }
0x46: {  	[dreg:$0x1] =	wrdreg $0xFFFFFFFF  }
0x47: {  	_ =	task.clear_ibuf [dreg:s23], $0x2FFFF;
	_ =	strace $0x9FFFFFFF  }
0x48: {  	(tm) =	ssettm $0x7FFFFFFF  }
0x49: {  	_ =	shalt  }
tec
execute0_lowered:
.L_overlay_start_1:
0x0: {  	(tag) =	ssettag $0x1  }
0x1: {  	s0 =	rddreg [dreg:$0x0];
	s2 =	stileid.u32  }
0x2: {  	_ =	strace $0x80000056;
	s3 =	srdreg.scid;
	s29 =	simm.s32 $0x1  }
0x3: {  	s30 =	simm.s32 $0x2;
	s17 =	simm.s32 $0x0;
	s19 =	simm.s32 $0x0  }
0x4: {  	s18 =	simm.s32 $0x0;
	s10 =	simm.s32 $0x0;
	s11 =	simm.s32 $0x0  }
0x5: {  	s13 =	simm.s32 $0x0;
	s12 =	simm.s32 $0x0;
	s1 =	sshll.u32 s2, $0x7  }
0x6: {  	s24 =	sadd.s32 $0x1270A00, s0;
	s25 =	sshll.u32 s3, $0x4;
	s15 =	sand.u32 $0x380, s1  }
0x7: {  	s0 =	sadd.s32 $0x139CE00, s0;
	[dreg:$0x3] =	wrdreg s24;
	s26 =	ssub.s32 $0xF00, s15  }
.Ltmp0:
0x8: {  	s27 =	sand.u32 $0x10, s25;
	s28 =	sshrl.u32 s26, $0xA;
	(pc) =	sbr.rel .LBB1_1-.Ltmp0, $4  }
0x9: {  	[dreg:$0x4] =	wrdreg s0;
	s0 =	sor.u32 s2, s27;
	s1 =	smul.u32 $0x5, s28  }
0xa: {  	s16 =	simm.s32 $0x0;
	[dreg:$0x2] =	wrdreg s15;
	s14 =	sshrl.u32 s0, $0x3  }
0xb: {  	[sflag:s29] =	ssyncpa.u1 $0x0;
	[dreg:$0x5] =	wrdreg s14;
	s31 =	sadd.s32 $0x5, s1  }
0xc: {  	[sflag:s30] =	ssyncpa.u1 $0x0;
	s8 =	sadd.s32 $0x6, s1;
	[dreg:$0x6] =	wrdreg s31  }
.LBB1_14:
0xd: {  	s0 =	sshrl.u32 s13, $0x3  }
0xe: {  	s1 =	sshll.u32 s10, $0x3;
	s0 =	smul.u32 $0x1400, s0  }
0xf: {  	s2 =	sshll.u32 s13, $0x7;
	s1 =	sand.u32 $0xFFFFFC00, s1  }
0x10: {  	s7 =	sand.u32 $0x380, s2;
	s0 =	sadd.s32 s0, s1  }
0x11: {  	s0 =	sor.u32 s7, s0  }
0x12: {  	s9 =	smulhi.u32 $0xCCCCCCCD, s0;
	_ =	sdelay $0x1  }
0x13: {  	s3 =	sand.u32 $0x7F, s10;
	s25 =	smul.u32 $0x4B280, s11;
	s2 =	sshrl.u32 s9, $0x9  }
0x14: {  	p0 =	sgt.s32 s13, $0xE88;
	s0 =	sor.u32 s3, s0;
	s4 =	smulhi.u32 $0x441FEF, s2  }
0x15: {  	s26 =	rddreg [dreg:$0x4];
	s1 =	smov.u32 s13;
	s24 =	smulhi.u32 $0xCCCCCCCD, s0  }
0x16: {  	s29 =	sor.u32 $0x8000, s22;
	s1 =	simm.s32 @!p0 $0xE88;
	s4 =	sshrl.u32 s4, $0x2  }
0x17: {  	s1 =	sadd.s32 s20, s1;
	s3 =	sshrl.u32 s24, $0x9;
	s4 =	smul.u32 $0xF08, s4  }
0x18: {  	s31 =	simm.s32 $0x1400;
	s23 =	sadd.s32 $0xFFFFF178, s1;
	s3 =	smul.u32 $0x280, s3  }
0x19: {  	s1 =	ssub.s32 $0xF08, s1;
	p0 =	sgt.s32 s23, $0x7F;
	s2 =	ssub.s32 s2, s4  }
0x1a: {  	s1 =	simm.s32 @p0 $0x0;
	s0 =	ssub.s32 s0, s3;
	s2 =	smul.u32 $0x50, s2  }
0x1b: {  	s1 =	smul.u32 s1, s21;
	s3 =	sadd.s32 s26, s25;
	s27 =	sand.u32 $0x7, s0  }
0x1c: {  	s0 =	sshrl.u32 s0, $0x3;
	s28 =	sshll.u32 s27, $0x12;
	s2 =	sadd.s32 s2, s3  }
0x1d: {  	s1 =	sand.u32 $0x3FFFFFFF, s1;
	s30 =	sor.u32 $0x400, s28;
	s0 =	sadd.s32 s0, s2  }
0x1e: {  	[hbm4b:s0+s30] =	stream.strided.scatter [tilespmem:s29], [sflag:$0x2], s1, s31, s30, $0x38;
	[tilespmem:$0x10000] =	vst v63  }
.LBB1_15:
0x1f: {  	p0 =	slt.u32 s16, $0x2  }
0x20: {  	s0 =	smov.u32 s19;
	p1 =	sgt.s32 @!p0 s19, $0x3  }
0x21: {  	s2 =	smov.u32 s18;
	s1 =	sshra.s32 @!p0 s19, $0x1F;
	p1 =	por !p1, p0  }
0x22: {  	s1 =	sand.u32 @!p0 s1, s19;
	s0 =	simm.s32 @p1 $0x3;
	p1 =	sgt.s32 @!p0 s18, $0xE88  }
0x23: {  	s3 =	sshra.s32 @!p0 s18, $0x1F;
	p1 =	por !p1, p0;
	s0 =	ssub.s32 @!p0 s0, s1  }
0x24: {  	s1 =	sand.u32 @!p0 s3, s18;
	s2 =	simm.s32 @p1 $0xE88;
	s3 =	sadd.s32 @!p0 $0xFFFFFFFD, s0  }
0x25: {  	p1 =	sgt.s32 @!p0 s17, $0x200;
	s1 =	ssub.s32 @!p0 s2, s1;
	p2 =	sgt.s32 @!p0 s3, $0x0  }
0x26: {  	p1 =	por !p1, p0;
	s3 =	smov.u32 s17;
	s2 =	sadd.s32 @!p0 $0xFFFFF178, s1  }
0x27: {  	s3 =	simm.s32 @p1 $0x200;
	p1 =	sgt.s32 @!p0 s2, $0x7F;
	s2 =	sshra.s32 @!p0 s17, $0x1F  }
0x28: {  	s0 =	ssub.s32 @!p0 $0x4, s0;
	p2 =	por !p2, p0;
	s2 =	sand.u32 @!p0 s2, s17  }
0x29: {  	s1 =	ssub.s32 @!p0 $0xF08, s1;
	p1 =	por !p1, p0;
	s2 =	ssub.s32 @!p0 s3, s2  }
0x2a: {  	s0 =	simm.s32 @!p2 $0x0;
	s1 =	simm.s32 @!p1 $0x0;
	s3 =	sadd.s32 @!p0 $0xFFFFFE00, s2  }
0x2b: {  	s4 =	smov.u32 s14;
	s0 =	smul.u32 @!p0 s1, s0;
	p1 =	sgt.s32 @!p0 s3, $0x7F  }
0x2c: {  	s1 =	ssub.s32 @!p0 $0x280, s2;
	s2 =	sadd.s32 $0x80, s12;
	p1 =	por !p1, p0  }
0x2d: {  	s3 =	sadd.s32 $0x4, s14;
	s1 =	simm.s32 @!p1 $0x0;
	p1 =	sgt.s32 s2, $0x27F  }
0x2e: {  	s0 =	smul.u32 @!p0 s1, s0;
	s4 =	smov.u32 @p1 s3  }
0x2f: {  	s1 =	sadd.s32 $0x400, s15;
	s3 =	smov.u32 s15;
	p2 =	sgt.s32 s4, $0x3  }
0x30: {  	s0 =	sand.u32 @!p0 $0x3FFFFFFF, s0;
	s3 =	smov.u32 @p2 s1;
	s1 =	simm.s32 @!p0 $0x2  }
0x31: {  	_ =	swait.ge @!p0 [sflag:s1], s0  }
0x32: {  	s2 =	simm.s32 @p1 $0x0;
	s5 =	rddreg [dreg:$0x5]  }
0x33: {  	p1 =	sgt.s32 s3, $0xF02;
	s4 =	smov.u32 @p2 s5;
	s5 =	rddreg [dreg:$0x2]  }
0x34: {  	s3 =	smov.u32 @p1 s5;
	p1 =	sne.s32 s16, s8  }
.Ltmp1:
0x35: {  	s19 =	smov.u32 s11;
	(pc) =	sbr.rel @!p1 .LBB1_16-.Ltmp1, $4  }
0x36: {  	s11 =	smov.u32 s14;
	s18 =	smov.u32 s13;
	s13 =	smov.u32 s15  }
0x37: {  	s17 =	smov.u32 s10;
	s0 =	ssub.s32 @!p0 $0x0, s0;
	[sflag:s1] =	ssyncset.done @!p0 $0x0  }
0x38: {  	s10 =	smov.u32 s12;
	s12 =	smov.u32 s2;
	[sflag:s1] =	ssyncadd.s32 @!p0 s0  }
0x39: {  	s16 =	sadd.s32 $0x1, s16;
	s14 =	smov.u32 s4;
	s15 =	smov.u32 s3  }
.LBB1_1:
0x3a: {  	s0 =	rddreg [dreg:$0x6]  }
0x3b: {  	s5 =	smov.u32 s14;
	p0 =	sge.u32 s16, s0  }
0x3c: {  	s6 =	smov.u32 s12;
	s0 =	sshrl.u32 @!p0 s14, $0x2;
	s1 =	sshll.u32 @!p0 s12, $0x2  }
0x3d: {  	s3 =	sshll.u32 @!p0 s14, $0x7;
	p1 =	sgt.s32 @!p0 s15, $0xE83;
	s0 =	smul.u32 @!p0 $0xA00, s0  }
0x3e: {  	s4 =	sshra.s32 @!p0 s15, $0x1F;
	p2 =	sgt.s32 @!p0 s14, $0x3;
	s1 =	sand.u32 @!p0 $0xFFFFFE00, s1  }
0x3f: {  	s7 =	sshra.s32 @!p0 s12, $0x1F;
	s0 =	sadd.s32 @!p0 s0, s1;
	s1 =	sand.u32 @!p0 $0x180, s3  }
0x40: {  	p1 =	por !p1, p0;
	s0 =	sor.u32 @!p0 s1, s0;
	s1 =	smov.u32 s15  }
0x41: {  	s4 =	sand.u32 @!p0 s4, s15;
	s7 =	sand.u32 @!p0 s7, s12;
	s1 =	simm.s32 @p1 $0xE83  }
0x42: {  	s3 =	sand.u32 @!p0 $0x7F, s12;
	p1 =	por !p2, p0;
	s1 =	ssub.s32 @!p0 s1, s4  }
0x43: {  	s5 =	simm.s32 @p1 $0x3;
	p1 =	sgt.s32 @!p0 s12, $0x200;
	s4 =	sshra.s32 @!p0 s14, $0x1F  }
0x44: {  	s3 =	sor.u32 @!p0 s3, s0;
	p1 =	por !p1, p0;
	s4 =	sand.u32 @!p0 s4, s14  }
0x45: {  	s0 =	smulhi.u32 @!p0 $0xCCCCCCCD, s0;
	s6 =	simm.s32 @p1 $0x200;
	s4 =	ssub.s32 @!p0 s5, s4  }
0x46: {  	s5 =	sadd.s32 @!p0 $0xFFFFF17D, s1;
	s1 =	ssub.s32 @!p0 $0xF03, s1;
	s6 =	ssub.s32 @!p0 s6, s7  }
0x47: {  	p1 =	sgt.s32 @!p0 s5, $0x7F;
	s5 =	sadd.s32 @!p0 $0xFFFFFFFD, s4;
	s4 =	ssub.s32 @!p0 $0x4, s4  }
0x48: {  	p2 =	sgt.s32 @!p0 s5, $0x0;
	s5 =	smulhi.u32 @!p0 $0xCCCCCCCD, s3;
	p1 =	por !p1, p0  }
0x49: {  	s7 =	sadd.s32 @!p0 $0xFFFFFE00, s6;
	s1 =	simm.s32 @!p1 $0x0;
	p1 =	por !p2, p0  }
0x4a: {  	p3 =	sgt.s32 @!p0 s7, $0x7F;
	s4 =	simm.s32 @!p1 $0x0;
	s5 =	sshrl.u32 @!p0 s5, $0x9  }
0x4b: {  	p1 =	por !p3, p0;
	s1 =	smul.u32 @!p0 s1, s4;
	s4 =	ssub.s32 @!p0 $0x280, s6  }
0x4c: {  	s2 =	rddreg [dreg:$0x3];
	s5 =	smul.u32 @!p0 $0x280, s5;
	s4 =	simm.s32 @!p1 $0x0  }
0x4d: {  	s0 =	sshrl.u32 @!p0 s0, $0x9;
	s6 =	sxor.u32 @!p0 $0xFFFFFFFF, s16;
	s1 =	smul.u32 @!p0 s4, s1  }
0x4e: {  	s0 =	sand.u32 @!p0 $0x3, s0;
	s4 =	sshll.u32 @!p0 s6, $0xE;
	s6 =	smul.u32 @!p0 $0x140, s15  }
0x4f: {  	s0 =	smul.u32 @!p0 $0x50, s0;
	s3 =	ssub.s32 @!p0 s3, s5;
	s4 =	sand.u32 @!p0 $0x4000, s4  }
0x50: {  	s1 =	sand.u32 @!p0 $0x3FFFFFFF, s1;
	s5 =	sadd.s32 @!p0 s2, s6;
	s6 =	sand.u32 @!p0 $0x7, s3  }
0x51: {  	s3 =	sshrl.u32 @!p0 s3, $0x3;
	s0 =	sadd.s32 @!p0 s0, s5;
	s5 =	sshll.u32 @!p0 s6, $0x12  }
0x52: {  	s0 =	sadd.s32 @!p0 s3, s0;
	s3 =	sor.u32 @!p0 $0x80, s5;
	s5 =	simm.s32 @!p0 $0xA00  }
0x53: {  	[tilespmem:s4], [sflag:$0x1] =	stream.strided.gather @!p0 [hbm4b:s0+s3], s1, s5, s3, $0x38;
	[tilespmem:$0x10000] =	vst v63  }
0x54: {  	p0 =	seq.s32 s16, $0x0  }
0x55: {  	p1 =	sge.u32 @!p0 s16, s8  }
0x56: {  	p0 =	por p0, p1  }
.Ltmp2:
0x57: {  	_ = 	snop;
	(pc) =	sbr.rel @p0 .LBB1_15-.Ltmp2, $1  }
0x58: {  	_ =	sdelay $0x3  }
0x59: {  	s0 =	ssub.s32 $0x0, s13;
	s1 =	sshra.s32 s13, $0x1F  }
0x5a: {  	p0 =	sgt.s32 s13, $0xE83;
	p1 =	sgt.s32 s11, $0x3;
	s3 =	sshra.s32 s11, $0x1F  }
0x5b: {  	s4 =	smov.u32 s10;
	s5 =	sshra.s32 s10, $0x1F;
	s20 =	sand.u32 s0, s1  }
0x5c: {  	s0 =	smov.u32 s13;
	s1 =	smov.u32 s11;
	s3 =	sand.u32 s3, s11  }
0x5d: {  	s0 =	simm.s32 @!p0 $0xE83;
	s1 =	simm.s32 @!p1 $0x3;
	p0 =	sgt.s32 s10, $0x200  }
0x5e: {  	s26 =	sand.u32 s5, s10;
	s1 =	ssub.s32 s1, s3;
	s4 =	simm.s32 @!p0 $0x200  }
0x5f: {  	s0 =	sadd.s32 s20, s0;
	s27 =	sadd.s32 $0xFFFFFFFD, s1;
	s3 =	ssub.s32 s4, s26  }
0x60: {  	s28 =	sadd.s32 $0xFFFFF17D, s0;
	s1 =	ssub.s32 $0x4, s1;
	s29 =	sadd.s32 $0xFFFFFE00, s3  }
0x61: {  	p0 =	sgt.s32 s27, $0x0;
	s3 =	ssub.s32 $0x280, s3;
	p1 =	sgt.s32 s29, $0x7F  }
0x62: {  	s0 =	ssub.s32 $0xF03, s0;
	s1 =	simm.s32 @p0 $0x0;
	s3 =	simm.s32 @p1 $0x0  }
0x63: {  	p0 =	sgt.s32 s28, $0x7F;
	s21 =	smul.u32 s1, s3;
	s1 =	sadd.s32 $0x80, s13  }
0x64: {  	s0 =	simm.s32 @p0 $0x0;
	s3 =	sadd.s32 $0x1, s11;
	p0 =	slt.s32 s1, $0xF03  }
0x65: {  	s1 =	simm.s32 @!p0 $0xF03;
	p0 =	slt.s32 s3, $0x4  }
0x66: {  	s23 =	ssub.s32 s1, s13;
	s3 =	simm.s32 @!p0 $0x4  }
0x67: {  	s24 =	ssub.s32 s3, s11;
	p0 =	slt.s32 s23, $0x1  }
0x68: {  	p1 =	slt.s32 @!p0 s24, $0x1  }
0x69: {  	s0 =	smul.u32 s0, s21;
	p1 =	por p0, p1  }
.Ltmp3:
0x6a: {  	_ = 	snop;
	(pc) =	sbr.rel @p1 .LBB1_14-.Ltmp3, $4  }
0x6b: {  	s2 =	simm.s32 $0x1;
	s0 =	sand.u32 $0x3FFFFFFF, s0  }
0x6c: {  	_ =	swait.ge [sflag:s2], s0  }
0x6d: {  	s31 =	sshll.u32 s16, $0xE;
	s30 =	ssub.s32 $0x0, s0;
	[sflag:s2] =	ssyncset.done $0x0  }
0x6e: {  	s22 =	sand.u32 $0x4000, s31;
	[sflag:s2] =	ssyncadd.s32 s30  }
0x6f: {  	s0 =	sadd.s32 $0x80, s10  }
0x70: {  	p1 =	slt.s32 s0, $0x280  }
.Ltmp4:
0x71: {  	s0 =	simm.s32 @!p1 $0x280;
	(pc) =	sbr.rel .LBB1_4-.Ltmp4, $4  }
0x72: {  	s27 =	sor.u32 @!p0 $0x8000, s22;
	s0 =	ssub.s32 s0, s10  }
0x73: {  	s29 =	simm.s32 $0x0;
	s6 =	simm.s32 $0x400;
	s0 =	sadd.s32 $0xF, s0  }
0x74: {  	s25 =	sand.u32 $0xFFFFFFF0, s0;
	s26 =	sand.u32 @!p0 $0xFFFFFF00, s0;
	s1 =	sshll.u32 s0, $0x3  }
0x75: {  	p0 =	slt.s32 s0, $0x100;
	s28 =	sand.u32 $0xFFFFF800, s1;
	p1 =	sge.s32 s26, s25  }
.LBB1_13:
0x76: {  	s29 =	sadd.s32 $0x1, s29  }
0x77: {  	p2 =	sne.s32 s29, s23  }
.Ltmp5:
0x78: {  	_ = 	snop;
	(pc) =	sbr.rel @!p2 .LBB1_14-.Ltmp5, $2  }
0x79: {  	_ =	sdelay $0x2  }
0x7a: {  	s6 =	sadd.s32 $0x80, s6  }
.LBB1_4:
.Ltmp6:
0x7b: {  	(pc) =	sbr.rel .LBB1_5-.Ltmp6, $4  }
0x7c: {  	_ = 	snop  }
0x7d: {  	s31 =	sshll.u32 s29, $0x7  }
0x7e: {  	s1 =	sand.u32 $0x380, s31  }
0x7f: {  	s9 =	simm.s32 $0x0;
	s0 =	sadd.s32 s31, s22;
	s1 =	sadd.s32 s1, s27  }
.LBB1_12:
0x80: {  	s9 =	sadd.s32 $0x1, s9  }
0x81: {  	p2 =	sne.s32 s9, s24  }
.Ltmp7:
0x82: {  	_ = 	snop;
	(pc) =	sbr.rel @!p2 .LBB1_13-.Ltmp7, $1  }
0x83: {  	_ =	sdelay $0x3  }
.LBB1_5:
.Ltmp8:
0x84: {  	(pc) =	sbr.rel @p0 .LBB1_9-.Ltmp8, $2  }
0x85: {  	_ =	sdelay $0x2  }
0x86: {  	s4 =	sshll.u32 s9, $0x10  }
0x87: {  	s3 =	sshll.u32 s9, $0x7  }
0x88: {  	s5 =	sshra.s32 s4, $0x2;
	s3 =	sand.u32 $0x180, s3  }
0x89: {  	s5 =	sadd.s32 s5, s1;
	s3 =	sadd.s32 s3, s0  }
0x8a: {  	v0 =	vmov s5;
	v6 =	vld [tilespmem:s3+$0x70]  }
0x8b: {  	v7 =	vld [tilespmem:s3+$0x0]  }
0x8c: {  	v8 =	vld [tilespmem:s3+$0x10]  }
0x8d: {  	v1 =	vld [tilespmem:s3+$0x20]  }
0x8e: {  	s7 =	sadd.s32 $0xFFFFFC00, s6;
	s5 =	sand.u32 $0x3C00, s6;
	v2 =	vld [tilespmem:s3+$0x30]  }
0x8f: {  	s7 =	sand.u32 $0x3C00, s7;
	v3 =	vld [tilespmem:s3+$0x40];
	[tilespmem:v0+s5+$0x70 ss:$0x1] =	vst.idx.msk $0xffff, v6  }
0x90: {  	v5 =	vld [tilespmem:s3+$0x50];
	[tilespmem:v0+s7+$0x0 ss:$0x1] =	vst.idx.msk $0xffff, v7  }
0x91: {  	v4 =	vld [tilespmem:s3+$0x60];
	[tilespmem:v0+s7+$0x10 ss:$0x1] =	vst.idx.msk $0xffff, v8  }
0x92: {  	[tilespmem:v0+s7+$0x20 ss:$0x1] =	vst.idx.msk $0xffff, v1  }
0x93: {  	[tilespmem:v0+s7+$0x30 ss:$0x1] =	vst.idx.msk $0xffff, v2  }
0x94: {  	p2 =	sgt.s32 s26, $0x100;
	[tilespmem:v0+s7+$0x40 ss:$0x1] =	vst.idx.msk $0xffff, v3  }
.Ltmp9:
0x95: {  	[tilespmem:v0+s7+$0x50 ss:$0x1] =	vst.idx.msk $0xffff, v5;
	(pc) =	sbr.rel @!p2 .LBB1_8-.Ltmp9, $4  }
0x96: {  	[tilespmem:v0+s7+$0x60 ss:$0x1] =	vst.idx.msk $0xffff, v4  }
0x97: {  	[tilespmem:v0+s7+$0x70 ss:$0x1] =	vst.idx.msk $0xffff, v6  }
0x98: {  	[tilespmem:v0+s5+$0x0 ss:$0x1] =	vst.idx.msk $0xffff, v7  }
0x99: {  	s30 =	smov.u32 s6;
	s7 =	simm.s32 $0x100;
	[tilespmem:v0+s5+$0x10 ss:$0x1] =	vst.idx.msk $0xffff, v8  }
.LBB1_7:
0x9a: {  	v6 =	vld [tilespmem:s3+$0x70];
	s7 =	sadd.s32 $0x100, s7;
	[tilespmem:v0+s5+$0x20 ss:$0x1] =	vst.idx.msk $0xffff, v1  }
0x9b: {  	v7 =	vld [tilespmem:s3+$0x0];
	p2 =	slt.s32 s7, s26;
	[tilespmem:v0+s5+$0x30 ss:$0x1] =	vst.idx.msk $0xffff, v2  }
0x9c: {  	v8 =	vld [tilespmem:s3+$0x10];
	[tilespmem:v0+s5+$0x40 ss:$0x1] =	vst.idx.msk $0xffff, v3  }
0x9d: {  	s30 =	sadd.s32 $0x800, s30;
	v1 =	vld [tilespmem:s3+$0x20];
	[tilespmem:v0+s5+$0x50 ss:$0x1] =	vst.idx.msk $0xffff, v5  }
0x9e: {  	s2 =	sadd.s32 $0xFFFFFC00, s30;
	v2 =	vld [tilespmem:s3+$0x30];
	[tilespmem:v0+s5+$0x60 ss:$0x1] =	vst.idx.msk $0xffff, v4;
	s5 =	sand.u32 $0x3C00, s30  }
0x9f: {  	s2 =	sand.u32 $0x3C00, s2;
	v3 =	vld [tilespmem:s3+$0x40];
	[tilespmem:v0+s5+$0x70 ss:$0x1] =	vst.idx.msk $0xffff, v6  }
0xa0: {  	[tilespmem:v0+s2+$0x0 ss:$0x1] =	vst.idx.msk $0xffff, v7;
	v5 =	vld [tilespmem:s3+$0x50]  }
0xa1: {  	[tilespmem:v0+s2+$0x10 ss:$0x1] =	vst.idx.msk $0xffff, v8;
	v4 =	vld [tilespmem:s3+$0x60]  }
0xa2: {  	[tilespmem:v0+s2+$0x20 ss:$0x1] =	vst.idx.msk $0xffff, v1  }
0xa3: {  	[tilespmem:v0+s2+$0x30 ss:$0x1] =	vst.idx.msk $0xffff, v2  }
0xa4: {  	[tilespmem:v0+s2+$0x40 ss:$0x1] =	vst.idx.msk $0xffff, v3  }
.Ltmp10:
0xa5: {  	[tilespmem:v0+s2+$0x50 ss:$0x1] =	vst.idx.msk $0xffff, v5;
	(pc) =	sbr.rel @p2 .LBB1_7-.Ltmp10, $4  }
0xa6: {  	[tilespmem:v0+s2+$0x60 ss:$0x1] =	vst.idx.msk $0xffff, v4  }
0xa7: {  	[tilespmem:v0+s2+$0x70 ss:$0x1] =	vst.idx.msk $0xffff, v6  }
0xa8: {  	[tilespmem:v0+s5+$0x0 ss:$0x1] =	vst.idx.msk $0xffff, v7  }
0xa9: {  	[tilespmem:v0+s5+$0x10 ss:$0x1] =	vst.idx.msk $0xffff, v8  }
.LBB1_8:
0xaa: {  	_ =	sdelay $0x3  }
0xab: {  	[tilespmem:v0+s5+$0x20 ss:$0x1] =	vst.idx.msk $0xffff, v1  }
0xac: {  	[tilespmem:v0+s5+$0x30 ss:$0x1] =	vst.idx.msk $0xffff, v2  }
0xad: {  	[tilespmem:v0+s5+$0x40 ss:$0x1] =	vst.idx.msk $0xffff, v3  }
0xae: {  	[tilespmem:v0+s5+$0x50 ss:$0x1] =	vst.idx.msk $0xffff, v5  }
0xaf: {  	[tilespmem:v0+s5+$0x60 ss:$0x1] =	vst.idx.msk $0xffff, v4  }
.LBB1_9:
.Ltmp11:
0xb0: {  	(pc) =	sbr.rel @p1 .LBB1_12-.Ltmp11, $1  }
0xb1: {  	_ =	sdelay $0x3  }
0xb2: {  	s3 =	sand.u32 $0x3, s9  }
0xb3: {  	s3 =	sadd.s32 s29, s3  }
0xb4: {  	s3 =	sshll.u32 s3, $0x9  }
0xb5: {  	s3 =	sshra.s32 s3, $0x2  }
0xb6: {  	s5 =	sadd.s32 s3, s22  }
0xb7: {  	v0 =	vmov s5;
	_ =	sdelay $0x1  }
0xb8: {  	s30 =	sshra.s32 s4, $0x2  }
0xb9: {  	s4 =	smov.u32 s28;
	s3 =	sadd.s32 s30, s1;
	s5 =	smov.u32 s26  }
.LBB1_11:
0xba: {  	s2 =	sand.u32 $0x70, s5;
	s5 =	sadd.s32 $0x10, s5  }
0xbb: {  	s7 =	sand.u32 $0x3C00, s4;
	v1 =	vld.idx.msk [tilespmem:v0+s2+$0x0 ss:$0x1], $0xffff;
	p2 =	slt.s32 s5, s25  }
.Ltmp12:
0xbc: {  	s7 =	sadd.s32 s31, s7;
	(pc) =	sbr.rel @p2 .LBB1_11-.Ltmp12, $4  }
0xbd: {  	s7 =	sand.u32 $0x3C00, s7  }
0xbe: {  	s7 =	sadd.s32 s7, s3  }
0xbf: {  	s2 =	sadd.s32 s2, s7  }
0xc0: {  	s4 =	sadd.s32 $0x80, s4;
	[tilespmem:s2+$0x0] =	vst v1  }
.Ltmp13:
0xc1: {  	_ = 	snop;
	(pc) =	sbr.rel .LBB1_12-.Ltmp13, $1  }
0xc2: {  	_ =	sdelay $0x3  }
.LBB1_16:
0xc3: {  	_ =	sfence.sel $0x180000  }
0xc4: {  	s0 =	simm.s32 $0x1;
	[bflag:$0x0] =	sbarrier.arrive $0xFFFF  }
0xc5: {  	s30 =	simm.s32 $0x2;
	[sflag:s0] =	ssyncpa.u1 $0x1  }
0xc6: {  	[sflag:s30] =	ssyncpa.u1 $0x1  }
0xc7: {  	_ =	strace $0x90000056  }
0xc8: {  	s31 =	stileid.u32;
	[bflag:$0x2] =	sbarrier.arrive $0xFFFF  }
0xc9: {  	p0 =	sne.s32 s31, $0x0;
	s0 =	rddreg [dreg:$0x1]  }
0xca: {  	s0 =	sadd.s32 @!p0 $0x100000, s0  }
0xcb: {  	[sflag:s0] =	ssyncadd.tile.s32 @!p0 $0x1;
	_ =	shalt  }
.Lfunc_end1:
_tile_overlayer_lowered:
.L_overlay_start_2:
0xcc: {  	(tag) =	ssettag $0x2  }
0xcd: {  	s0 =	rddreg [dreg:$0x0];
	s2 =	stileid.u32  }
0xce: {  	s1 =	rddreg [dreg:$0x1];
	p0 =	sne.s32 s2, $0x0  }
0xcf: {  	s3 =	rddreg [dreg:$0x2];
	[bflag:$0x3] =	sbarrier.arrive $0xFFFF;
	s2 =	simm.s32 @!p0 $0x1C01  }
0xd0: {  	[timem:s3], [sflag:s2] =	dma.local @!p0 [hbm:s0], s1  }
0xd1: {  	s0 =	simm.s32 @!p0 $0x1  }
0xd2: {  	_ =	swait.ge @!p0 [sflag:s0], s1  }
0xd3: {  	s1 =	ssub.s32 @!p0 $0x0, s1;
	[sflag:s0] =	ssyncset.done @!p0 $0x0  }
0xd4: {  	[sflag:s0] =	ssyncadd.s32 @!p0 s1  }
0xd5: {  	[bflag:$0x3] =	sbarrier.arrive $0xFFFF  }
0xd6: {  	_ =	shalt  }

// kernel: sparse-core-data-format-call.2.cloned.1.call-start
scs
called_computation.2_lowered:
.L_overlay_start_0:
0x0: {  	s1 =	sld [smem:$0x3FD9]  }
0x1: {  	s2 =	sld [smem:$0x3FFE];
	_ =	sdelay $0x1  }
0x2: {  	s3 =	srdreg.scid  }
0x3: {  	s0 =	sand.u32 $0x1, s3  }
0x4: {  	s17 =	sshll.u32 s0, $0xA;
	s1 =	sadd.s32 s2, s1  }
0x5: {  	s1 =	sadd.s32 s1, s17  }
0x6: {  	[smem:$0x3FB5] =	sst s1  }
0x7: {  	_ = 	snop  }
0x8: {  	(tm) =	ssettm $0x1  }
0x9: {  	s18 =	sld [smem:$0x3FFB];
	_ =	sdelay $0x3  }
0xa: {  	_ =	strace s18  }
0xb: {  	s1 =	sld [smem:$0x3FFC];
	_ =	sdelay $0x3  }
0xc: {  	_ =	strace s1  }
0xd: {  	s1 =	sld [smem:$0x3FFD];
	_ =	sdelay $0x3  }
0xe: {  	_ =	strace s1  }
0xf: {  	_ =	strace $0x8FFFFFFF  }
0x10: {  	s19 =	sld [smem:$0x3FDB];
	_ =	sdelay $0x1  }
0x11: {  	s20 =	simm.s32 $_scs_section_size  }
0x12: {  	s4 =	simm.s32 $_size__tile_overlayer_lowered;
	s5 =	simm.s32 $_tile_overlayer_lowered  }
0x13: {  	s23 =	simm.s32 $0x1BFF;
	s22 =	sshll.u32 s5, $0x1;
	s1 =	sadd.s32 s20, s19  }
0x14: {  	s6 =	simm.s32 $0x0;
	s21 =	sshll.u32 s4, $0x1;
	s4 =	sadd.s32 s22, s1  }
0x15: {  	[timem:s6], [sflag:s23] =	dma.local [hbm:s4], s21  }
0x16: {  	_ =	swait.ge [sflag:s23], s21  }
0x17: {  	s2 =	ssub.s32 $0x0, s21;
	[sflag:s23] =	ssyncset.done $0x0  }
0x18: {  	[sflag:s23] =	ssyncadd.s32 s2;
	_ =	sdelay $0x1  }
0x19: {  	s24 =	simm.s32 $0x1B8B  }
0x1a: {  	_ =	swait.ge [sflag:s24], $0x1  }
0x1b: {  	[sflag:s24] =	ssyncset.done $0x0  }
0x1c: {  	s26 =	simm.s32 $0x1B8E;
	s25 =	sld [smem:$0x3FFE];
	[sflag:s24] =	ssyncadd.s32 $0xFFFFFFFF  }
0x1d: {  	s27 =	simm.s32 $execute0_lowered;
	[smem:$0x3FD2] =	sst s26  }
0x1e: {  	s4 =	sshll.u32 s27, $0x1;
	_ =	strace $0x80000049;
	[dreg:$0x1] =	wrdreg $0xFFFFFFFF  }
0x1f: {  	s28 =	simm.s32 $_size_execute0_lowered;
	s1 =	sadd.s32 s1, s4;
	[dreg:$0x0] =	wrdreg $0x0  }
0x20: {  	s4 =	sshll.u32 s28, $0x1;
	[dreg:$0x2] =	wrdreg s1  }
0x21: {  	[dreg:$0x3] =	wrdreg s4  }
0x22: {  	[dreg:$0x4] =	wrdreg $0xC0  }
0x23: {  	_ =	task [dreg:s6], $0x5FFFF  }
0x24: {  	[dreg:$0x1] =	wrdreg $0xFFFFFFFF  }
0x25: {  	[dreg:$0x0] =	wrdreg $0x60  }
0x26: {  	[dreg:$0x2] =	wrdreg s25  }
0x27: {  	[dreg:$0x3] =	wrdreg $0xA  }
0x28: {  	_ =	task.clear_ibuf [dreg:s6], $0x4FFFF;
	_ =	strace $0x90000049  }
0x29: {  	s29 =	simm.s32 $0xA;
	_ =	strace $0x8000004B  }
0x2a: {  	_ =	swait.ge [sflag:s29], $0x1  }
0x2b: {  	[sflag:s29] =	ssyncadd.s32 $0xFFFFFFFF  }
0x2c: {  	_ =	strace $0x9000004B  }
0x2d: {  	_ =	sfence  }
0x2e: {  	s30 =	sld [smem:$0x0];
	_ =	sdelay $0x2  }
0x2f: {  	s31 =	sshll.u32 s3, $0xD;
	s3 =	sshrl.u32 s3, $0x2  }
0x30: {  	s2 =	sand.u32 $0x4000, s31;
	s1 =	sadd.s32 s3, s30  }
0x31: {  	s0 =	sor.u32 s2, s0;
	s1 =	sshll.u32 s1, $0x11  }
0x32: {  	s0 =	sor.u32 s1, s0  }
0x33: {  	s0 =	sadd.s32 $0x8F2B, s0  }
0x34: {  	[sflag:s0] =	ssyncadd.remote.s32 $0x1  }
0x35: {  	_ =	sfence.sel $0xFFFF  }
0x36: {  	[dreg:$0x0] =	wrdreg $0xFFFFFFFF;
	(pc) =	sbr.abs _section_cstart, $3  }
0x37: {  	[dreg:$0x1] =	wrdreg $0xFFFFFFFF  }
0x38: {  	_ =	task.clear_ibuf [dreg:s6], $0x2FFFF;
	_ =	strace $0x9FFFFFFF  }
0x39: {  	(tm) =	ssettm $0x7FFFFFFF  }
tec
execute0_lowered:
.L_overlay_start_1:
0x0: {  	(tag) =	ssettag $0x1  }
0x1: {  	s0 =	srdreg.scid  }
0x2: {  	s6 =	rddreg [dreg:$0x0];
	s3 =	simm.s32 $0x1;
	s7 =	simm.s32 $0x2  }
0x3: {  	s15 =	simm.s32 $0x0;
	p0 =	por $0x0, $0x0;
	s1 =	sshll.u32 s0, $0x4  }
0x4: {  	s8 =	simm.s32 $0x80;
	s0 =	stileid.u32;
	s1 =	sand.u32 $0x10, s1  }
0x5: {  	s14 =	simm.s32 $0x0;
	s13 =	simm.s32 $0x0;
	s2 =	sor.u32 s0, s1  }
.Ltmp0:
0x6: {  	s9 =	simm.s32 $0x0;
	s4 =	ssub.s32 $0x520, s2;
	(pc) =	sbr.rel .LBB1_1-.Ltmp0, $4  }
0x7: {  	s11 =	simm.s32 $0x0;
	s12 =	simm.s32 $0x0;
	s4 =	sshrl.u32 s4, $0x5  }
0x8: {  	s1 =	rddreg [dreg:$0x1];
	_ =	strace $0x8000004A;
	s4 =	smul.u32 $0xA, s4  }
0x9: {  	s5 =	sadd.s32 $0x1278800, s6;
	s6 =	sadd.s32 $0x159D800, s6;
	[sflag:s3] =	ssyncpa.u1 $0x0  }
0xa: {  	s10 =	smov.u32 s2;
	[sflag:s7] =	ssyncpa.u1 $0x0;
	s7 =	sor.u32 $0x1, s4  }
.LBB1_4:
0xb: {  	s15 =	sshll.u32 s15, $0x7;
	s21 =	sshll.u32 s13, $0x3  }
0xc: {  	v5 =	vld [tilespmem:s19+$0xFFFFFFD0];
	[tilespmem:s18+$0x440 ss:$0x11] =	vst.msk $0xffff, v4;
	s22 =	sand.u32 $0xFFFFFC00, s15;
	s21 =	sand.u32 $0xFFFFFC00, s21  }
0xd: {  	v58 =	vld [tilespmem:s19+$0xFFFFFFE0];
	[tilespmem:s18+$0x550 ss:$0x11] =	vst.msk $0xffff, v2;
	s15 =	sand.u32 $0x380, s15;
	s21 =	sadd.s32 s21, s22  }
0xe: {  	s20 =	sshra.s32 s20, $0x2;
	v59 =	vld [tilespmem:s19+$0xFFFFFFF0];
	[tilespmem:s18+$0x660 ss:$0x11] =	vst.msk $0xffff, v3;
	s15 =	sor.u32 s15, s21  }
0xf: {  	v60 =	vld [tilespmem:s19+$0x0];
	[tilespmem:s18+$0x0 ss:$0x11] =	vst.msk $0xffff, v0;
	s17 =	sadd.s32 s20, s17;
	s15 =	sshrl.u32 s15, $0x7  }
0x10: {  	v61 =	vld [tilespmem:s19+$0x10];
	[tilespmem:s17+$0x770 ss:$0x11] =	vst.msk $0xffff, v1;
	s29 =	smulhi.u32 $0xCCCCCD, s15  }
0x11: {  	v62 =	vld [tilespmem:s19+$0x20];
	[tilespmem:s17+$0x110 ss:$0x11] =	vst.msk $0xffff, v5  }
0x12: {  	v63 =	vld [tilespmem:s19+$0xFFFFFFC0];
	s14 =	smul.u32 $0x5000, s14;
	[tilespmem:s17+$0x220 ss:$0x11] =	vst.msk $0xffff, v58;
	s18 =	sshrl.u32 s29, $0x2  }
0x13: {  	[tilespmem:s17+$0x330 ss:$0x11] =	vst.msk $0xffff, v59;
	s18 =	smul.u32 $0x500, s18  }
0x14: {  	s30 =	sshrl.u32 s13, $0x3;
	s31 =	sand.u32 $0x7, s13;
	[tilespmem:s17+$0x440 ss:$0x11] =	vst.msk $0xffff, v60  }
0x15: {  	s14 =	sadd.s32 s6, s14;
	[tilespmem:s17+$0x550 ss:$0x11] =	vst.msk $0xffff, v61;
	s15 =	ssub.s32 s15, s18;
	s18 =	sand.u32 $0xF, s30  }
0x16: {  	s13 =	sshll.u32 s31, $0x12;
	[tilespmem:s17+$0x660 ss:$0x11] =	vst.msk $0xffff, v62;
	s15 =	sshll.u32 s15, $0x4;
	s14 =	sadd.s32 s18, s14  }
0x17: {  	s13 =	sor.u32 $0x10, s13;
	[tilespmem:s17+$0x0 ss:$0x11] =	vst.msk $0xffff, v63;
	s14 =	sadd.s32 s15, s14  }
0x18: {  	[hbm4b:s14+s13] =	stream.strided.scatter [tilespmem:s16], [sflag:$0x2], $0x800, s8, s13, $0x8;
	[tilespmem:$0x2100] =	vst v63  }
.LBB1_5:
0x19: {  	s16 =	sadd.s32 $0x80, s9  }
0x1a: {  	s13 =	sadd.s32 $0x20, s10;
	s17 =	smov.u32 s10;
	p2 =	sgt.s32 s16, $0x4FF  }
0x1b: {  	s17 =	smov.u32 @p2 s13  }
0x1c: {  	s19 =	smov.u32 s11;
	s13 =	sadd.s32 $0x10, s11;
	p3 =	sgt.s32 s17, $0x500  }
0x1d: {  	s19 =	smov.u32 @p3 s13  }
0x1e: {  	s16 =	simm.s32 @p2 $0x0;
	p2 =	sgt.s32 s19, $0xF  }
0x1f: {  	p1 =	slt.u32 s12, $0x2;
	s19 =	simm.s32 @p2 $0x0;
	p2 =	sne.s32 s12, s7  }
.Ltmp1:
0x20: {  	s18 =	simm.s32 @!p1 $0x2;
	(pc) =	sbr.rel @!p2 .LBB1_6-.Ltmp1, $4  }
0x21: {  	s15 =	smov.u32 s9;
	s14 =	smov.u32 s10;
	_ =	swait.ge @!p1 [sflag:s18], $0x800  }
0x22: {  	p0 =	por !p0, !p0;
	[sflag:s18] =	ssyncset.done @!p1 $0x0;
	s9 =	smov.u32 s16  }
0x23: {  	s17 =	smov.u32 @p3 s2;
	s13 =	smov.u32 s11;
	[sflag:s18] =	ssyncadd.s32 @!p1 $0xFFFFF800  }
0x24: {  	s10 =	smov.u32 s17;
	s12 =	sadd.s32 $0x1, s12;
	s11 =	smov.u32 s19  }
.LBB1_1:
0x25: {  	p1 =	sge.u32 s12, s4  }
0x26: {  	s16 =	sshrl.u32 @!p1 s10, $0x3  }
0x27: {  	s17 =	sshll.u32 @!p1 s9, $0x3;
	s16 =	smul.u32 @!p1 $0x2800, s16  }
0x28: {  	s18 =	sshll.u32 @!p1 s10, $0x7;
	s17 =	sand.u32 @!p1 $0xFFFFFC00, s17  }
0x29: {  	s16 =	sadd.s32 @!p1 s16, s17;
	s17 =	sand.u32 @!p1 $0x380, s18  }
0x2a: {  	s16 =	sor.u32 @!p1 s17, s16  }
0x2b: {  	s17 =	sand.u32 @!p1 $0x7F, s9;
	s18 =	smulhi.u32 @!p1 $0xCCCCCCCD, s16  }
0x2c: {  	s16 =	sor.u32 @!p1 s17, s16  }
0x2d: {  	s17 =	smulhi.u32 @!p1 $0xCCCCCCCD, s16;
	s18 =	sshrl.u32 @!p1 s18, $0xA  }
0x2e: {  	s19 =	smulhi.u32 @!p1 $0x32E1CA, s18;
	_ =	sdelay $0x1  }
0x2f: {  	s17 =	sshrl.u32 @!p1 s17, $0xA;
	s19 =	smul.u32 @!p1 $0x508, s19  }
0x30: {  	s31 =	sadd.s32 $0xFFFFFFFF, s12;
	s17 =	smul.u32 @!p1 $0x500, s17  }
0x31: {  	s20 =	sxor.u32 @!p1 $0xFFFFFFFF, s12;
	s18 =	ssub.s32 @!p1 s18, s19;
	s19 =	smul.u32 @!p1 $0x32500, s11  }
0x32: {  	s20 =	sshll.u32 @!p1 s20, $0xB;
	s16 =	ssub.s32 @!p1 s16, s17;
	s17 =	smul.u32 @!p1 $0xA0, s18  }
0x33: {  	s18 =	sand.u32 @!p1 $0x800, s20;
	s20 =	sand.u32 @!p1 $0x7, s16;
	s19 =	sadd.s32 @!p1 s5, s19  }
0x34: {  	s16 =	sshrl.u32 @!p1 s16, $0x3;
	s17 =	sadd.s32 @!p1 s17, s19;
	s19 =	sshll.u32 @!p1 s20, $0x12  }
0x35: {  	s16 =	sadd.s32 @!p1 s16, s17;
	s17 =	sor.u32 @!p1 $0x80, s19;
	s19 =	simm.s32 @!p1 $0x192800  }
0x36: {  	[tilespmem:s18], [sflag:$0x1] =	stream.strided.gather @!p1 [hbm4b:s16+s17], $0x800, s19, s17, $0x38;
	[tilespmem:$0x2100] =	vst v63  }
0x37: {  	p1 =	sge.u32 s31, s4  }
.Ltmp2:
0x38: {  	_ = 	snop;
	(pc) =	sbr.rel @p1 .LBB1_5-.Ltmp2, $1  }
0x39: {  	_ =	sdelay $0x3  }
0x3a: {  	s16 =	simm.s32 $0x1  }
0x3b: {  	_ =	swait.ge [sflag:s3], $0x800;
	s16 =	simm.s32 @!p0 $0x0  }
0x3c: {  	[sflag:s3] =	ssyncset.done $0x0;
	s17 =	sshll.u32 s16, $0xB  }
0x3d: {  	[sflag:s3] =	ssyncadd.s32 $0xFFFFF800;
	s19 =	sor.u32 $0x40, s17  }
0x3e: {  	s16 =	smul.u32 $0x2200, s16;
	v0 =	vld [tilespmem:s19+$0x30]  }
0x3f: {  	v1 =	vld [tilespmem:s19+$0xFFFFFFD0]  }
0x40: {  	s16 =	sshrl.u32 s16, $0x2;
	v5 =	vld [tilespmem:s19+$0xFFFFFFE0]  }
0x41: {  	v6 =	vld [tilespmem:s19+$0xFFFFFFF0];
	s17 =	sor.u32 $0x1000, s16  }
0x42: {  	s31 =	sand.u32 $0x1, s12;
	v4 =	vld [tilespmem:s19+$0x0];
	s18 =	sadd.s32 $0x0, s17  }
0x43: {  	v2 =	vld [tilespmem:s19+$0x10];
	s16 =	smul.u32 $0x2200, s31;
	[tilespmem:s18+$0x770 ss:$0x11] =	vst.msk $0xffff, v0  }
0x44: {  	v3 =	vld [tilespmem:s19+$0x20];
	[tilespmem:s18+$0x110 ss:$0x11] =	vst.msk $0xffff, v1  }
0x45: {  	s16 =	sshrl.u32 s16, $0x2;
	v0 =	vld [tilespmem:s19+$0xFFFFFFC0];
	[tilespmem:s18+$0x220 ss:$0x11] =	vst.msk $0xffff, v5;
	s19 =	sadd.s32 $0x80, s19  }
0x46: {  	s20 =	simm.s32 $0x4;
	s21 =	simm.s32 $0x8;
	s16 =	sor.u32 $0x1000, s16;
	[tilespmem:s18+$0x330 ss:$0x11] =	vst.msk $0xffff, v6;
	v1 =	vld [tilespmem:s19+$0x30]  }
.LBB1_3:
0x47: {  	p1 =	sne.s32 s21, $0x3C;
	v5 =	vld [tilespmem:s19+$0xFFFFFFD0];
	[tilespmem:s18+$0x440 ss:$0x11] =	vst.msk $0xffff, v4  }
0x48: {  	v6 =	vld [tilespmem:s19+$0xFFFFFFE0];
	[tilespmem:s18+$0x550 ss:$0x11] =	vst.msk $0xffff, v2  }
0x49: {  	s22 =	sshra.s32 s20, $0x2;
	s20 =	smov.u32 s21;
	v7 =	vld [tilespmem:s19+$0xFFFFFFF0];
	[tilespmem:s18+$0x660 ss:$0x11] =	vst.msk $0xffff, v3  }
.Ltmp3:
0x4a: {  	v4 =	vld [tilespmem:s19+$0x0];
	[tilespmem:s18+$0x0 ss:$0x11] =	vst.msk $0xffff, v0;
	s18 =	sadd.s32 s22, s17;
	(pc) =	sbr.rel @p1 .LBB1_3-.Ltmp3, $4  }
0x4b: {  	v2 =	vld [tilespmem:s19+$0x10];
	[tilespmem:s18+$0x770 ss:$0x11] =	vst.msk $0xffff, v1  }
0x4c: {  	[tilespmem:s18+$0x110 ss:$0x11] =	vst.msk $0xffff, v5;
	v3 =	vld [tilespmem:s19+$0x20]  }
0x4d: {  	v0 =	vld [tilespmem:s19+$0xFFFFFFC0];
	[tilespmem:s18+$0x220 ss:$0x11] =	vst.msk $0xffff, v6;
	s19 =	sadd.s32 $0x80, s19  }
0x4e: {  	s21 =	sadd.s32 $0x4, s21;
	v1 =	vld [tilespmem:s19+$0x30];
	[tilespmem:s18+$0x330 ss:$0x11] =	vst.msk $0xffff, v7  }
.Ltmp4:
0x4f: {  	_ = 	snop;
	(pc) =	sbr.rel .LBB1_4-.Ltmp4, $1  }
0x50: {  	_ =	sdelay $0x3  }
.LBB1_6:
0x51: {  	_ =	sfence.sel $0x180000  }
0x52: {  	s2 =	simm.s32 $0x1;
	[bflag:$0x0] =	sbarrier.arrive $0xFFFF  }
0x53: {  	s31 =	simm.s32 $0x2;
	[sflag:s2] =	ssyncpa.u1 $0x1  }
0x54: {  	[sflag:s31] =	ssyncpa.u1 $0x1  }
0x55: {  	p0 =	sne.s32 s0, $0x0;
	_ =	strace $0x9000004A  }
0x56: {  	s0 =	sadd.s32 @!p0 $0x100000, s1;
	[bflag:$0x2] =	sbarrier.arrive $0xFFFF  }
0x57: {  	[sflag:s0] =	ssyncadd.tile.s32 @!p0 $0x1;
	_ =	shalt  }
.Lfunc_end1:
_tile_overlayer_lowered:
.L_overlay_start_2:
0x58: {  	(tag) =	ssettag $0x2  }
0x59: {  	s0 =	rddreg [dreg:$0x0];
	s2 =	stileid.u32  }
0x5a: {  	s1 =	rddreg [dreg:$0x1];
	p0 =	sne.s32 s2, $0x0  }
0x5b: {  	s3 =	rddreg [dreg:$0x2];
	[bflag:$0x3] =	sbarrier.arrive $0xFFFF;
	s2 =	simm.s32 @!p0 $0x1C01  }
0x5c: {  	[timem:s3], [sflag:s2] =	dma.local @!p0 [hbm:s0], s1  }
0x5d: {  	s0 =	simm.s32 @!p0 $0x1  }
0x5e: {  	_ =	swait.ge @!p0 [sflag:s0], s1  }
0x5f: {  	s1 =	ssub.s32 @!p0 $0x0, s1;
	[sflag:s0] =	ssyncset.done @!p0 $0x0  }
0x60: {  	[sflag:s0] =	ssyncadd.s32 @!p0 s1  }
0x61: {  	[bflag:$0x3] =	sbarrier.arrive $0xFFFF  }
0x62: {  	_ =	shalt  }

// kernel: sparse-core-data-format-call.3.cloned.1.call-start
scs
called_computation.3_lowered:
.L_overlay_start_0:
0x0: {  	s1 =	sld [smem:$0x3FD9]  }
0x1: {  	s2 =	sld [smem:$0x3FFE];
	_ =	sdelay $0x1  }
0x2: {  	s3 =	srdreg.scid  }
0x3: {  	s0 =	sand.u32 $0x1, s3  }
0x4: {  	s17 =	sshll.u32 s0, $0xA;
	s1 =	sadd.s32 s2, s1  }
0x5: {  	s1 =	sadd.s32 s1, s17  }
0x6: {  	[smem:$0x3FB5] =	sst s1  }
0x7: {  	_ = 	snop  }
0x8: {  	(tm) =	ssettm $0x1  }
0x9: {  	s18 =	sld [smem:$0x3FFB];
	_ =	sdelay $0x3  }
0xa: {  	_ =	strace s18  }
0xb: {  	s1 =	sld [smem:$0x3FFC];
	_ =	sdelay $0x3  }
0xc: {  	_ =	strace s1  }
0xd: {  	s1 =	sld [smem:$0x3FFD];
	_ =	sdelay $0x3  }
0xe: {  	_ =	strace s1  }
0xf: {  	_ =	strace $0x8FFFFFFF  }
0x10: {  	s19 =	sld [smem:$0x3FDB];
	_ =	sdelay $0x1  }
0x11: {  	s20 =	simm.s32 $_scs_section_size  }
0x12: {  	s4 =	simm.s32 $_size__tile_overlayer_lowered;
	s5 =	simm.s32 $_tile_overlayer_lowered  }
0x13: {  	s23 =	simm.s32 $0x1BFF;
	s22 =	sshll.u32 s5, $0x1;
	s1 =	sadd.s32 s20, s19  }
0x14: {  	s6 =	simm.s32 $0x0;
	s21 =	sshll.u32 s4, $0x1;
	s4 =	sadd.s32 s22, s1  }
0x15: {  	[timem:s6], [sflag:s23] =	dma.local [hbm:s4], s21  }
0x16: {  	_ =	swait.ge [sflag:s23], s21  }
0x17: {  	s2 =	ssub.s32 $0x0, s21;
	[sflag:s23] =	ssyncset.done $0x0  }
0x18: {  	[sflag:s23] =	ssyncadd.s32 s2;
	_ =	sdelay $0x1  }
0x19: {  	s24 =	simm.s32 $0x1B8B  }
0x1a: {  	_ =	swait.ge [sflag:s24], $0x1  }
0x1b: {  	[sflag:s24] =	ssyncset.done $0x0  }
0x1c: {  	s26 =	simm.s32 $0x1B8E;
	s25 =	sld [smem:$0x3FFE];
	[sflag:s24] =	ssyncadd.s32 $0xFFFFFFFF  }
0x1d: {  	s27 =	simm.s32 $execute0_lowered;
	[smem:$0x3FD2] =	sst s26  }
0x1e: {  	s4 =	sshll.u32 s27, $0x1;
	_ =	strace $0x80000046;
	[dreg:$0x1] =	wrdreg $0xFFFFFFFF  }
0x1f: {  	s28 =	simm.s32 $_size_execute0_lowered;
	s1 =	sadd.s32 s1, s4;
	[dreg:$0x0] =	wrdreg $0x0  }
0x20: {  	s4 =	sshll.u32 s28, $0x1;
	[dreg:$0x2] =	wrdreg s1  }
0x21: {  	[dreg:$0x3] =	wrdreg s4  }
0x22: {  	[dreg:$0x4] =	wrdreg $0xC0  }
0x23: {  	_ =	task [dreg:s6], $0x5FFFF  }
0x24: {  	[dreg:$0x1] =	wrdreg $0xFFFFFFFF  }
0x25: {  	[dreg:$0x0] =	wrdreg $0x60  }
0x26: {  	[dreg:$0x2] =	wrdreg s25  }
0x27: {  	[dreg:$0x3] =	wrdreg $0x9  }
0x28: {  	_ =	task.clear_ibuf [dreg:s6], $0x4FFFF;
	_ =	strace $0x90000046  }
0x29: {  	s29 =	simm.s32 $0x9;
	_ =	strace $0x80000048  }
0x2a: {  	_ =	swait.ge [sflag:s29], $0x1  }
0x2b: {  	[sflag:s29] =	ssyncadd.s32 $0xFFFFFFFF  }
0x2c: {  	_ =	strace $0x90000048  }
0x2d: {  	_ =	sfence  }
0x2e: {  	s30 =	sld [smem:$0x0];
	_ =	sdelay $0x2  }
0x2f: {  	s31 =	sshll.u32 s3, $0xD;
	s3 =	sshrl.u32 s3, $0x2  }
0x30: {  	s2 =	sand.u32 $0x4000, s31;
	s1 =	sadd.s32 s3, s30  }
0x31: {  	s0 =	sor.u32 s2, s0;
	s1 =	sshll.u32 s1, $0x11  }
0x32: {  	s0 =	sor.u32 s1, s0  }
0x33: {  	s0 =	sadd.s32 $0x8F2B, s0  }
0x34: {  	[sflag:s0] =	ssyncadd.remote.s32 $0x1  }
0x35: {  	_ =	sfence.sel $0xFFFF  }
0x36: {  	[dreg:$0x0] =	wrdreg $0xFFFFFFFF;
	(pc) =	sbr.abs _section_cstart, $3  }
0x37: {  	[dreg:$0x1] =	wrdreg $0xFFFFFFFF  }
0x38: {  	_ =	task.clear_ibuf [dreg:s6], $0x2FFFF;
	_ =	strace $0x9FFFFFFF  }
0x39: {  	(tm) =	ssettm $0x7FFFFFFF  }
tec
execute0_lowered:
.L_overlay_start_1:
0x0: {  	(tag) =	ssettag $0x1  }
0x1: {  	s0 =	srdreg.scid;
	s6 =	rddreg [dreg:$0x0]  }
0x2: {  	s7 =	simm.s32 $0x2;
	s12 =	simm.s32 $0x0;
	s1 =	sshll.u32 s0, $0x4  }
0x3: {  	p0 =	por $0x0, $0x0;
	s0 =	stileid.u32;
	s1 =	sand.u32 $0x10, s1  }
0x4: {  	s8 =	simm.s32 $0xC9400;
	s13 =	simm.s32 $0x0;
	s2 =	sor.u32 s0, s1  }
.Ltmp0:
0x5: {  	s9 =	simm.s32 $0x0;
	s3 =	ssub.s32 $0x520, s2;
	(pc) =	sbr.rel .LBB1_1-.Ltmp0, $4  }
0x6: {  	s11 =	simm.s32 $0x0;
	s1 =	rddreg [dreg:$0x1];
	s4 =	sshrl.u32 s3, $0x5  }
0x7: {  	_ =	strace $0x80000047;
	s3 =	simm.s32 $0x1;
	s4 =	smul.u32 $0x5, s4  }
0x8: {  	s5 =	sadd.s32 $0x1871800, s6;
	s6 =	sadd.s32 $0xC3C800, s6;
	[sflag:s3] =	ssyncpa.u1 $0x0  }
0x9: {  	s10 =	smov.u32 s2;
	[sflag:s7] =	ssyncpa.u1 $0x0;
	s7 =	sadd.s32 $0x1, s4  }
.LBB1_4:
0xa: {  	s16 =	sshrl.u32 s13, $0x3  }
0xb: {  	s17 =	sshll.u32 s12, $0x3;
	s16 =	smul.u32 $0x1400, s16  }
0xc: {  	s28 =	sshll.u32 s13, $0x7;
	s17 =	sand.u32 $0xFFFFFC00, s17  }
0xd: {  	s13 =	sand.u32 $0x380, s28;
	s16 =	sadd.s32 s16, s17  }
0xe: {  	s29 =	sand.u32 $0x7F, s12;
	s13 =	sor.u32 s13, s16  }
0xf: {  	s12 =	sor.u32 s29, s13;
	s13 =	smulhi.u32 $0xCCCCCCCD, s13  }
0x10: {  	s30 =	smulhi.u32 $0xCCCCCCCD, s12  }
0x11: {  	s13 =	sshrl.u32 s13, $0x9  }
0x12: {  	s16 =	sshrl.u32 s30, $0x9;
	s31 =	smulhi.u32 $0x32E1CA, s13  }
0x13: {  	s16 =	smul.u32 $0x280, s16  }
0x14: {  	s17 =	smul.u32 $0x508, s31  }
0x15: {  	[tilespmem:s14+$0xFFFFFFFC ss:$0x81] =	vst.msk $0xffff, v0  }
0x16: {  	[tilespmem:s14+$0xFFFFFFFD ss:$0x81] =	vst.msk $0xffff, v1;
	s12 =	ssub.s32 s12, s16;
	s13 =	ssub.s32 s13, s17  }
0x17: {  	[tilespmem:s14+$0xFFFFFFFE ss:$0x81] =	vst.msk $0xffff, v2;
	s16 =	sshrl.u32 s12, $0x3;
	s12 =	sand.u32 $0x7, s12;
	s13 =	smul.u32 $0x50, s13  }
0x18: {  	[tilespmem:s14+$0xFFFFFFFF ss:$0x81] =	vst.msk $0xffff, v4;
	s16 =	sadd.s32 s6, s16;
	s12 =	sshll.u32 s12, $0x12  }
0x19: {  	[tilespmem:s14+$0xFFFFFFF9 ss:$0x81] =	vst.msk $0xffff, v3;
	s12 =	sor.u32 $0x80, s12;
	s13 =	sadd.s32 s13, s16  }
0x1a: {  	[hbm4b:s13+s12] =	stream.strided.scatter [tilespmem:s15], [sflag:$0x2], $0x800, s8, s12, $0x20;
	[tilespmem:$0x2020] =	vst v63  }
.LBB1_5:
0x1b: {  	s14 =	sadd.s32 $0x80, s9  }
0x1c: {  	s12 =	sadd.s32 $0x20, s10;
	s16 =	smov.u32 s10;
	p2 =	sgt.s32 s14, $0x27F  }
0x1d: {  	s16 =	smov.u32 @p2 s12  }
0x1e: {  	s14 =	simm.s32 @p2 $0x0;
	p2 =	sgt.s32 s16, $0x500  }
0x1f: {  	s16 =	smov.u32 @p2 s2;
	p2 =	sne.s32 s11, s7  }
.Ltmp1:
0x20: {  	p1 =	slt.u32 s11, $0x2;
	(pc) =	sbr.rel @!p2 .LBB1_6-.Ltmp1, $4  }
0x21: {  	s15 =	simm.s32 @!p1 $0x2  }
0x22: {  	s13 =	smov.u32 s10;
	p0 =	por !p0, !p0;
	_ =	swait.ge @!p1 [sflag:s15], $0x800  }
0x23: {  	s12 =	smov.u32 s9;
	[sflag:s15] =	ssyncset.done @!p1 $0x0;
	s9 =	smov.u32 s14  }
0x24: {  	s11 =	sadd.s32 $0x1, s11;
	[sflag:s15] =	ssyncadd.s32 @!p1 $0xFFFFF800;
	s10 =	smov.u32 s16  }
.LBB1_1:
0x25: {  	p1 =	sge.u32 s11, s4  }
0x26: {  	s14 =	sand.u32 @!p1 $0x1FFFFFF, s9  }
0x27: {  	s15 =	smulhi.u32 @!p1 $0xCCCCCD, s14;
	_ =	sdelay $0x1  }
0x28: {  	s15 =	sshrl.u32 @!p1 s15, $0x1  }
0x29: {  	s15 =	smul.u32 @!p1 $0x280, s15  }
0x2a: {  	s16 =	sxor.u32 @!p1 $0xFFFFFFFF, s11;
	s17 =	smul.u32 @!p1 $0x2800, s10  }
0x2b: {  	s31 =	sadd.s32 $0xFFFFFFFF, s11;
	s16 =	sshll.u32 @!p1 s16, $0xB;
	s14 =	ssub.s32 @!p1 s14, s15  }
0x2c: {  	s15 =	sand.u32 @!p1 $0x800, s16;
	s16 =	sadd.s32 @!p1 s5, s17;
	s14 =	sshll.u32 @!p1 s14, $0x4  }
0x2d: {  	s17 =	simm.s32 @!p1 $0x80;
	s14 =	sadd.s32 @!p1 s14, s16;
	s16 =	simm.s32 @!p1 $0x10  }
0x2e: {  	[tilespmem:s15], [sflag:$0x1] =	stream.strided.gather @!p1 [hbm4b:s14+s16], $0x800, s17, s16, $0x38;
	[tilespmem:$0x2020] =	vst v63  }
0x2f: {  	p1 =	sge.u32 s31, s4  }
.Ltmp2:
0x30: {  	_ = 	snop;
	(pc) =	sbr.rel @p1 .LBB1_5-.Ltmp2, $1  }
0x31: {  	_ =	sdelay $0x3  }
0x32: {  	s14 =	simm.s32 $0x1  }
0x33: {  	_ =	swait.ge [sflag:s3], $0x800;
	s14 =	simm.s32 @!p0 $0x0  }
0x34: {  	[sflag:s3] =	ssyncset.done $0x0;
	s15 =	sshll.u32 s14, $0xB  }
0x35: {  	[sflag:s3] =	ssyncadd.s32 $0xFFFFF800;
	s17 =	sor.u32 $0x40, s15  }
0x36: {  	v3 =	vld [tilespmem:s17+$0x30]  }
0x37: {  	s14 =	smul.u32 $0x2040, s14;
	v4 =	vld [tilespmem:s17+$0xFFFFFFD0]  }
0x38: {  	v5 =	vld [tilespmem:s17+$0xFFFFFFE0]  }
0x39: {  	s31 =	sand.u32 $0x1, s11;
	s14 =	sshrl.u32 s14, $0x2;
	v0 =	vld [tilespmem:s17+$0xFFFFFFF0]  }
0x3a: {  	s15 =	smul.u32 $0x2040, s31;
	v1 =	vld [tilespmem:s17+$0x0];
	s14 =	sor.u32 $0x1007, s14  }
0x3b: {  	v2 =	vld [tilespmem:s17+$0x10];
	[tilespmem:s14+$0x0 ss:$0x81] =	vst.msk $0xffff, v3  }
0x3c: {  	s15 =	sshrl.u32 s15, $0x2;
	[tilespmem:s14+$0xFFFFFFFA ss:$0x81] =	vst.msk $0xffff, v4;
	v4 =	vld [tilespmem:s17+$0x20]  }
0x3d: {  	s16 =	simm.s32 $0x0;
	s15 =	sor.u32 $0x1000, s15;
	v3 =	vld [tilespmem:s17+$0xFFFFFFC0];
	[tilespmem:s14+$0xFFFFFFFB ss:$0x81] =	vst.msk $0xffff, v5;
	s17 =	sadd.s32 $0x80, s17  }
.LBB1_3:
0x3e: {  	v5 =	vld [tilespmem:s17+$0x30];
	s16 =	sadd.s32 $0x8, s16;
	[tilespmem:s14+$0xFFFFFFFC ss:$0x81] =	vst.msk $0xffff, v0  }
0x3f: {  	v6 =	vld [tilespmem:s17+$0xFFFFFFD0];
	p1 =	slt.u32 s16, $0x78;
	[tilespmem:s14+$0xFFFFFFFD ss:$0x81] =	vst.msk $0xffff, v1  }
0x40: {  	v7 =	vld [tilespmem:s17+$0xFFFFFFE0];
	[tilespmem:s14+$0xFFFFFFFE ss:$0x81] =	vst.msk $0xffff, v2  }
.Ltmp3:
0x41: {  	v0 =	vld [tilespmem:s17+$0xFFFFFFF0];
	[tilespmem:s14+$0xFFFFFFFF ss:$0x81] =	vst.msk $0xffff, v4;
	(pc) =	sbr.rel @p1 .LBB1_3-.Ltmp3, $4  }
0x42: {  	v1 =	vld [tilespmem:s17+$0x0];
	[tilespmem:s14+$0xFFFFFFF9 ss:$0x81] =	vst.msk $0xffff, v3;
	s14 =	sadd.s32 $0x8, s14  }
0x43: {  	v2 =	vld [tilespmem:s17+$0x10];
	[tilespmem:s14+$0x0 ss:$0x81] =	vst.msk $0xffff, v5  }
0x44: {  	[tilespmem:s14+$0xFFFFFFFA ss:$0x81] =	vst.msk $0xffff, v6;
	v4 =	vld [tilespmem:s17+$0x20]  }
0x45: {  	v3 =	vld [tilespmem:s17+$0xFFFFFFC0];
	[tilespmem:s14+$0xFFFFFFFB ss:$0x81] =	vst.msk $0xffff, v7;
	s17 =	sadd.s32 $0x80, s17  }
.Ltmp4:
0x46: {  	_ = 	snop;
	(pc) =	sbr.rel .LBB1_4-.Ltmp4, $1  }
0x47: {  	_ =	sdelay $0x3  }
.LBB1_6:
0x48: {  	_ =	sfence.sel $0x180000  }
0x49: {  	s2 =	simm.s32 $0x1;
	[bflag:$0x0] =	sbarrier.arrive $0xFFFF  }
0x4a: {  	s31 =	simm.s32 $0x2;
	[sflag:s2] =	ssyncpa.u1 $0x1  }
0x4b: {  	[sflag:s31] =	ssyncpa.u1 $0x1  }
0x4c: {  	p0 =	sne.s32 s0, $0x0;
	_ =	strace $0x90000047  }
0x4d: {  	s0 =	sadd.s32 @!p0 $0x100000, s1;
	[bflag:$0x2] =	sbarrier.arrive $0xFFFF  }
0x4e: {  	[sflag:s0] =	ssyncadd.tile.s32 @!p0 $0x1;
	_ =	shalt  }
.Lfunc_end1:
_tile_overlayer_lowered:
.L_overlay_start_2:
0x4f: {  	(tag) =	ssettag $0x2  }
0x50: {  	s0 =	rddreg [dreg:$0x0];
	s2 =	stileid.u32  }
0x51: {  	s1 =	rddreg [dreg:$0x1];
	p0 =	sne.s32 s2, $0x0  }
0x52: {  	s3 =	rddreg [dreg:$0x2];
	[bflag:$0x3] =	sbarrier.arrive $0xFFFF;
	s2 =	simm.s32 @!p0 $0x1C01  }
0x53: {  	[timem:s3], [sflag:s2] =	dma.local @!p0 [hbm:s0], s1  }
0x54: {  	s0 =	simm.s32 @!p0 $0x1  }
0x55: {  	_ =	swait.ge @!p0 [sflag:s0], s1  }
0x56: {  	s1 =	ssub.s32 @!p0 $0x0, s1;
	[sflag:s0] =	ssyncset.done @!p0 $0x0  }
0x57: {  	[sflag:s0] =	ssyncadd.s32 @!p0 s1  }
0x58: {  	[bflag:$0x3] =	sbarrier.arrive $0xFFFF  }
0x59: {  	_ =	shalt  }

// kernel: sparse-core-data-format-call.4.cloned.1.call-start
scs
called_computation.4_lowered:
.L_overlay_start_0:
0x0: {  	s2 =	sld [smem:$0x3FD9]  }
0x1: {  	s3 =	sld [smem:$0x3FFE];
	_ =	sdelay $0x1  }
0x2: {  	s1 =	srdreg.scid  }
0x3: {  	s0 =	sand.u32 $0x1, s1  }
0x4: {  	s18 =	sshll.u32 s0, $0xA;
	s2 =	sadd.s32 s3, s2  }
0x5: {  	s2 =	sadd.s32 s2, s18  }
0x6: {  	[smem:$0x3FB5] =	sst s2  }
0x7: {  	_ = 	snop  }
0x8: {  	(tm) =	ssettm $0x1  }
0x9: {  	s19 =	sld [smem:$0x3FFB];
	_ =	sdelay $0x3  }
0xa: {  	_ =	strace s19  }
0xb: {  	s2 =	sld [smem:$0x3FFC];
	_ =	sdelay $0x3  }
0xc: {  	_ =	strace s2  }
0xd: {  	s2 =	sld [smem:$0x3FFD];
	_ =	sdelay $0x3  }
0xe: {  	_ =	strace s2  }
0xf: {  	_ =	strace $0x8FFFFFFF  }
0x10: {  	s20 =	sld [smem:$0x3FDB];
	_ =	sdelay $0x1  }
0x11: {  	s21 =	simm.s32 $_scs_section_size  }
0x12: {  	s4 =	simm.s32 $_size__tile_overlayer_lowered;
	s5 =	simm.s32 $_tile_overlayer_lowered  }
0x13: {  	s6 =	simm.s32 $0x1BFF;
	s22 =	sshll.u32 s5, $0x1;
	s3 =	sadd.s32 s21, s20  }
0x14: {  	s23 =	simm.s32 $0x0;
	s4 =	sshll.u32 s4, $0x1;
	s5 =	sadd.s32 s22, s3  }
0x15: {  	[timem:s23], [sflag:s6] =	dma.local [hbm:s5], s4  }
0x16: {  	_ =	swait.ge [sflag:s6], s4  }
0x17: {  	s4 =	ssub.s32 $0x0, s4;
	[sflag:s6] =	ssyncset.done $0x0  }
0x18: {  	[sflag:s6] =	ssyncadd.s32 s4;
	_ =	sdelay $0x1  }
0x19: {  	s24 =	simm.s32 $0x1B8B  }
0x1a: {  	_ =	swait.ge [sflag:s24], $0x1  }
0x1b: {  	[sflag:s24] =	ssyncset.done $0x0  }
0x1c: {  	[sflag:s24] =	ssyncadd.s32 $0xFFFFFFFF  }
0x1d: {  	s4 =	sld [smem:$0x0]  }
0x1e: {  	s5 =	sand.u32 $0xFFFFFFFE, s1  }
0x1f: {  	p0 =	sne.s32 s1, s5  }
0x20: {  	s5 =	sshll.u32 @p0 s5, $0xE  }
0x21: {  	s5 =	sadd.s32 @p0 $0x11B8D, s5;
	s6 =	sshll.u32 @p0 s4, $0x11  }
0x22: {  	s5 =	sor.u32 @p0 s6, s5  }
0x23: {  	[sflag:s5] =	ssyncadd.remote.s32 @p0 $0x1;
	_ =	sdelay $0x1  }
0x24: {  	s5 =	simm.s32 @p0 $0x1B8D  }
0x25: {  	_ =	swait.eq @p0 [sflag:s5], $0x1  }
0x26: {  	[sflag:s5] =	ssyncadd.s32 @p0 $0xFFFFFFFF  }
0x27: {  	s6 =	sshll.u32 @!p0 s1, $0xE  }
0x28: {  	s6 =	sor.u32 @!p0 $0x4000, s6;
	s5 =	simm.s32 @!p0 $0x1B8D  }
0x29: {  	s4 =	sshll.u32 @!p0 s4, $0x11;
	s6 =	sadd.s32 @!p0 $0x11B8D, s6;
	_ =	swait.eq @!p0 [sflag:s5], $0x1  }
0x2a: {  	s4 =	sor.u32 @!p0 s4, s6;
	[sflag:s5] =	ssyncadd.s32 @!p0 $0xFFFFFFFF  }
0x2b: {  	s26 =	simm.s32 $0x1B8E;
	s25 =	sld [smem:$0x3FFE];
	[sflag:s4] =	ssyncadd.remote.s32 @!p0 $0x1  }
0x2c: {  	s27 =	simm.s32 $execute0_lowered;
	[smem:$0x3FD2] =	sst s26  }
0x2d: {  	s5 =	sshll.u32 s27, $0x1;
	_ =	strace $0x80000052;
	[dreg:$0x1] =	wrdreg $0xFFFFFFFF  }
0x2e: {  	s28 =	simm.s32 $_size_execute0_lowered;
	s3 =	sadd.s32 s3, s5;
	[dreg:$0x0] =	wrdreg $0x0  }
0x2f: {  	s5 =	sshll.u32 s28, $0x1;
	[dreg:$0x2] =	wrdreg s3  }
0x30: {  	[dreg:$0x3] =	wrdreg s5  }
0x31: {  	[dreg:$0x4] =	wrdreg $0xC0  }
0x32: {  	_ =	task [dreg:s23], $0x5FFFF  }
0x33: {  	[dreg:$0x1] =	wrdreg $0xFFFFFFFF  }
0x34: {  	[dreg:$0x0] =	wrdreg $0x60  }
0x35: {  	[dreg:$0x2] =	wrdreg s25  }
0x36: {  	[dreg:$0x3] =	wrdreg $0x9  }
0x37: {  	_ =	task.clear_ibuf [dreg:s23], $0x4FFFF;
	_ =	strace $0x90000052  }
0x38: {  	s29 =	simm.s32 $0x9;
	_ =	strace $0x80000054  }
0x39: {  	_ =	swait.ge [sflag:s29], $0x1  }
0x3a: {  	[sflag:s29] =	ssyncadd.s32 $0xFFFFFFFF  }
0x3b: {  	_ =	strace $0x90000054  }
0x3c: {  	_ =	sfence  }
0x3d: {  	s30 =	sld [smem:$0x0];
	_ =	sdelay $0x2  }
0x3e: {  	s31 =	sshll.u32 s1, $0xD;
	s1 =	sshrl.u32 s1, $0x2  }
0x3f: {  	s4 =	sand.u32 $0x4000, s31;
	s1 =	sadd.s32 s1, s30  }
0x40: {  	s0 =	sor.u32 s4, s0;
	s1 =	sshll.u32 s1, $0x11  }
0x41: {  	s0 =	sor.u32 s1, s0  }
0x42: {  	s0 =	sadd.s32 $0x8F2B, s0  }
0x43: {  	[sflag:s0] =	ssyncadd.remote.s32 $0x1  }
0x44: {  	_ =	sfence.sel $0xFFFF  }
0x45: {  	[dreg:$0x0] =	wrdreg $0xFFFFFFFF;
	(pc) =	sbr.abs _section_cstart, $3  }
0x46: {  	[dreg:$0x1] =	wrdreg $0xFFFFFFFF  }
0x47: {  	_ =	task.clear_ibuf [dreg:s23], $0x2FFFF;
	_ =	strace $0x9FFFFFFF  }
0x48: {  	(tm) =	ssettm $0x7FFFFFFF  }
0x49: {  	_ =	shalt  }
tec
execute0_lowered:
.L_overlay_start_1:
0x0: {  	(tag) =	ssettag $0x1  }
0x1: {  	s3 =	rddreg [dreg:$0x0];
	s1 =	stileid.u32  }
0x2: {  	s2 =	srdreg.scid;
	s0 =	rddreg [dreg:$0x1];
	_ =	strace $0x80000053  }
0x3: {  	s6 =	simm.s32 $0x1;
	s8 =	simm.s32 $0x2;
	s17 =	simm.s32 $0x0  }
0x4: {  	p0 =	por $0x0, $0x0;
	s9 =	simm.s32 $0x80;
	s18 =	simm.s32 $0x0  }
0x5: {  	s19 =	simm.s32 $0x0;
	s10 =	simm.s32 $0x0;
	s11 =	simm.s32 $0x0  }
0x6: {  	s12 =	simm.s32 $0x0;
	s4 =	sshll.u32 s1, $0x4;
	s5 =	sshll.u32 s2, $0x8  }
.Ltmp0:
0x7: {  	s14 =	simm.s32 $0x0;
	s4 =	sor.u32 s4, s5;
	(pc) =	sbr.rel .LBB1_1-.Ltmp0, $4  }
0x8: {  	s16 =	simm.s32 $0x0;
	s2 =	sadd.s32 $0x10D0800, s3;
	s4 =	sand.u32 $0x180, s4  }
0x9: {  	s3 =	sadd.s32 $0x1721400, s3;
	[sflag:s6] =	ssyncpa.u1 $0x0;
	s7 =	ssub.s32 $0xC300, s4  }
0xa: {  	s5 =	sand.u32 $0x7, s1;
	[sflag:s8] =	ssyncpa.u1 $0x0;
	s7 =	sshrl.u32 s7, $0x9  }
0xb: {  	s15 =	smov.u32 s5;
	s13 =	smov.u32 s4;
	s8 =	sor.u32 $0x2, s7  }
.LBB1_5:
0xc: {  	p1 =	slt.u32 s16, $0x2  }
0xd: {  	p2 =	sgt.s32 @!p1 s19, $0x7  }
0xe: {  	s20 =	smov.u32 s19;
	s21 =	sshra.s32 @!p1 s19, $0x1F;
	p2 =	por !p2, p1  }
0xf: {  	s19 =	sand.u32 @!p1 s21, s19;
	s20 =	simm.s32 @p2 $0x7  }
0x10: {  	p3 =	sgt.s32 @!p1 s18, $0x60;
	s19 =	ssub.s32 @!p1 s20, s19  }
0x11: {  	p3 =	por !p3, p1;
	s21 =	sshra.s32 @!p1 s18, $0x1F;
	s20 =	sadd.s32 @!p1 $0xFFFFFFF9, s19  }
0x12: {  	s19 =	ssub.s32 @!p1 $0x8, s19;
	p2 =	sgt.s32 @!p1 s20, $0x0;
	s20 =	smov.u32 s18  }
0x13: {  	s18 =	sand.u32 @!p1 s21, s18;
	s20 =	simm.s32 @p3 $0x60;
	p3 =	sgt.s32 @!p1 s17, $0xC2D0  }
0x14: {  	s21 =	smov.u32 s17;
	p2 =	por !p2, p1;
	p3 =	por !p3, p1  }
0x15: {  	s18 =	ssub.s32 @!p1 s20, s18;
	s20 =	sshra.s32 @!p1 s17, $0x1F;
	s19 =	simm.s32 @!p2 $0x0  }
0x16: {  	s21 =	simm.s32 @p3 $0xC2D0;
	s17 =	sand.u32 @!p1 s20, s17;
	s20 =	sadd.s32 @!p1 $0xFFFFFFA0, s18  }
0x17: {  	s18 =	ssub.s32 @!p1 $0x80, s18;
	s17 =	ssub.s32 @!p1 s21, s17;
	p2 =	sgt.s32 @!p1 s20, $0x1F  }
0x18: {  	s21 =	smov.u32 s14;
	s20 =	sadd.s32 @!p1 $0xFFFF3D30, s17;
	p2 =	por !p2, p1  }
0x19: {  	s17 =	ssub.s32 @!p1 $0xC350, s17;
	p3 =	sgt.s32 @!p1 s20, $0x7F;
	s18 =	simm.s32 @!p2 $0x0  }
0x1a: {  	s20 =	sadd.s32 $0x200, s13;
	p2 =	por !p3, p1;
	s18 =	smul.u32 @!p1 s19, s18  }
0x1b: {  	s19 =	sadd.s32 $0x20, s14;
	s17 =	simm.s32 @!p2 $0x0;
	p2 =	sgt.s32 s20, $0xC34F  }
0x1c: {  	s22 =	smov.u32 s15;
	s21 =	smov.u32 @p2 s19  }
0x1d: {  	s17 =	smul.u32 @!p1 s17, s18;
	s18 =	sadd.s32 $0x8, s15;
	p3 =	sgt.s32 s21, $0x1F  }
0x1e: {  	p0 =	por !p0, !p0;
	s23 =	simm.s32 @!p1 $0x2;
	s22 =	smov.u32 @p3 s18  }
0x1f: {  	s20 =	smov.u32 @p2 s4;
	s19 =	smov.u32 s12;
	p2 =	sgt.s32 s22, $0x7  }
0x20: {  	s12 =	smov.u32 s15;
	s22 =	smov.u32 @p2 s5;
	p2 =	sne.s32 s16, s8  }
.Ltmp1:
0x21: {  	s17 =	sand.u32 @!p1 $0x3FFFFFFF, s17;
	s21 =	simm.s32 @p3 $0x0;
	(pc) =	sbr.rel @!p2 .LBB1_6-.Ltmp1, $4  }
0x22: {  	s18 =	smov.u32 s11;
	s11 =	smov.u32 s14;
	_ =	swait.ge @!p1 [sflag:s23], s17  }
0x23: {  	s24 =	ssub.s32 @!p1 $0x0, s17;
	s17 =	smov.u32 s10;
	s10 =	smov.u32 s13  }
0x24: {  	s13 =	smov.u32 s20;
	s14 =	smov.u32 s21;
	[sflag:s23] =	ssyncset.done @!p1 $0x0  }
0x25: {  	s16 =	sadd.s32 $0x1, s16;
	[sflag:s23] =	ssyncadd.s32 @!p1 s24;
	s15 =	smov.u32 s22  }
.LBB1_1:
0x26: {  	p1 =	sgt.u32 s16, s7  }
0x27: {  	s20 =	sshrl.u32 @!p1 s14, $0x3  }
0x28: {  	s21 =	sshll.u32 @!p1 s13, $0x3;
	s20 =	smul.u32 @!p1 $0x61C00, s20  }
0x29: {  	s22 =	sshll.u32 @!p1 s14, $0x7;
	s21 =	sand.u32 @!p1 $0xFFFFFC00, s21  }
0x2a: {  	s20 =	sadd.s32 @!p1 s20, s21;
	s21 =	sand.u32 @!p1 $0x380, s22  }
0x2b: {  	s22 =	sand.u32 @!p1 $0x7F, s13;
	s20 =	sor.u32 @!p1 s21, s20  }
0x2c: {  	s21 =	sor.u32 @!p1 s22, s20  }
0x2d: {  	s22 =	smulhi.u32 @!p1 $0xA79C7B17, s21  }
0x2e: {  	s20 =	smulhi.u32 @!p1 $0xA79C7B17, s20  }
0x2f: {  	s22 =	sshrl.u32 @!p1 s22, $0xF  }
0x30: {  	s20 =	sshrl.u32 @!p1 s20, $0xF;
	s22 =	smul.u32 @!p1 $0xC380, s22  }
0x31: {  	s23 =	sxor.u32 @!p1 $0xFFFFFFFF, s16;
	s24 =	smul.u32 @!p1 $0x30E00, s15;
	s20 =	sand.u32 @!p1 $0x1F, s20  }
0x32: {  	s23 =	sshll.u32 @!p1 s23, $0xC;
	s20 =	smul.u32 @!p1 $0x1870, s20;
	s21 =	ssub.s32 @!p1 s21, s22  }
0x33: {  	s22 =	sand.u32 @!p1 $0x1000, s23;
	s23 =	sadd.s32 @!p1 s2, s24;
	s24 =	sand.u32 @!p1 $0x7, s21  }
0x34: {  	s21 =	sshrl.u32 @!p1 s21, $0x3;
	s20 =	sadd.s32 @!p1 s20, s23;
	s23 =	sshll.u32 @!p1 s24, $0x12  }
0x35: {  	s20 =	sadd.s32 @!p1 s21, s20;
	s21 =	sor.u32 @!p1 $0x400, s23;
	s23 =	simm.s32 @!p1 $0x61C00  }
0x36: {  	[tilespmem:s22], [sflag:$0x1] =	stream.strided.gather @!p1 [hbm4b:s20+s21], $0x1000, s23, s21, $0x38;
	[tilespmem:$0x4100] =	vst v63  }
0x37: {  	p1 =	seq.s32 s16, $0x0  }
0x38: {  	p2 =	sge.u32 @!p1 s16, s8  }
0x39: {  	p1 =	por p1, p2  }
.Ltmp2:
0x3a: {  	_ = 	snop;
	(pc) =	sbr.rel @p1 .LBB1_5-.Ltmp2, $1  }
0x3b: {  	_ =	sdelay $0x3  }
0x3c: {  	s20 =	simm.s32 $0x1  }
0x3d: {  	_ =	swait.ge [sflag:s6], $0x1000;
	s20 =	simm.s32 @!p0 $0x0  }
0x3e: {  	[sflag:s6] =	ssyncset.done $0x0;
	s21 =	sshll.u32 s20, $0xC  }
0x3f: {  	[sflag:s6] =	ssyncadd.s32 $0xFFFFF000;
	s21 =	sor.u32 $0x40, s21  }
0x40: {  	s20 =	smul.u32 $0x4200, s20;
	v0 =	vld [tilespmem:s21+$0x30]  }
0x41: {  	v1 =	vld [tilespmem:s21+$0xFFFFFFD0]  }
0x42: {  	s20 =	sshrl.u32 s20, $0x2;
	v5 =	vld [tilespmem:s21+$0xFFFFFFE0]  }
0x43: {  	v6 =	vld [tilespmem:s21+$0xFFFFFFF0];
	s23 =	sor.u32 $0x2000, s20  }
0x44: {  	s31 =	sand.u32 $0x1, s16;
	v4 =	vld [tilespmem:s21+$0x0];
	s22 =	sadd.s32 $0x0, s23  }
0x45: {  	v3 =	vld [tilespmem:s21+$0x10];
	s20 =	smul.u32 $0x4200, s31;
	[tilespmem:s22+$0xE70 ss:$0x21] =	vst.msk $0xffff, v0  }
0x46: {  	v2 =	vld [tilespmem:s21+$0x20];
	[tilespmem:s22+$0x210 ss:$0x21] =	vst.msk $0xffff, v1  }
0x47: {  	s20 =	sshrl.u32 s20, $0x2;
	v1 =	vld [tilespmem:s21+$0xFFFFFFC0];
	[tilespmem:s22+$0x420 ss:$0x21] =	vst.msk $0xffff, v5;
	s21 =	sadd.s32 $0x80, s21  }
0x48: {  	s24 =	simm.s32 $0x4;
	s25 =	simm.s32 $0x8;
	s20 =	sor.u32 $0x2000, s20;
	[tilespmem:s22+$0x630 ss:$0x21] =	vst.msk $0xffff, v6;
	v0 =	vld [tilespmem:s21+$0x30]  }
.LBB1_3:
0x49: {  	p1 =	sne.s32 s25, $0x7C;
	v5 =	vld [tilespmem:s21+$0xFFFFFFD0];
	[tilespmem:s22+$0x840 ss:$0x21] =	vst.msk $0xffff, v4  }
0x4a: {  	v6 =	vld [tilespmem:s21+$0xFFFFFFE0];
	[tilespmem:s22+$0xA50 ss:$0x21] =	vst.msk $0xffff, v3  }
0x4b: {  	s26 =	sshra.s32 s24, $0x2;
	s24 =	smov.u32 s25;
	v7 =	vld [tilespmem:s21+$0xFFFFFFF0];
	[tilespmem:s22+$0xC60 ss:$0x21] =	vst.msk $0xffff, v2  }
.Ltmp3:
0x4c: {  	v4 =	vld [tilespmem:s21+$0x0];
	[tilespmem:s22+$0x0 ss:$0x21] =	vst.msk $0xffff, v1;
	s22 =	sadd.s32 s26, s23;
	(pc) =	sbr.rel @p1 .LBB1_3-.Ltmp3, $4  }
0x4d: {  	v3 =	vld [tilespmem:s21+$0x10];
	[tilespmem:s22+$0xE70 ss:$0x21] =	vst.msk $0xffff, v0  }
0x4e: {  	[tilespmem:s22+$0x210 ss:$0x21] =	vst.msk $0xffff, v5;
	v2 =	vld [tilespmem:s21+$0x20]  }
0x4f: {  	v1 =	vld [tilespmem:s21+$0xFFFFFFC0];
	[tilespmem:s22+$0x420 ss:$0x21] =	vst.msk $0xffff, v6;
	s21 =	sadd.s32 $0x80, s21  }
0x50: {  	s25 =	sadd.s32 $0x4, s25;
	v0 =	vld [tilespmem:s21+$0x30];
	[tilespmem:s22+$0x630 ss:$0x21] =	vst.msk $0xffff, v7  }
0x51: {  	s25 =	sshll.u32 s10, $0x7  }
0x52: {  	s26 =	sshll.u32 s11, $0x3;
	s24 =	sshra.s32 s24, $0x2;
	p1 =	sgt.s32 s12, $0x7  }
0x53: {  	s30 =	sshra.s32 s12, $0x1F;
	p2 =	sgt.s32 s11, $0x60;
	s28 =	smov.u32 s11  }
0x54: {  	s29 =	sshra.s32 s11, $0x1F;
	s27 =	sand.u32 $0xFFFFFC00, s25;
	s26 =	sand.u32 $0xFFFFFC00, s26  }
0x55: {  	s25 =	sand.u32 $0x380, s25;
	s23 =	sadd.s32 s24, s23;
	s28 =	simm.s32 @!p2 $0x60  }
0x56: {  	s31 =	sand.u32 s29, s11;
	p2 =	sgt.s32 s10, $0xC2D0;
	s26 =	sadd.s32 s26, s27  }
0x57: {  	[tilespmem:s22+$0x840 ss:$0x21] =	vst.msk $0xffff, v4;
	s29 =	smov.u32 s10;
	s25 =	sor.u32 s25, s26;
	s26 =	smov.u32 s12  }
0x58: {  	v5 =	vld [tilespmem:s21+$0xFFFFFFD0];
	[tilespmem:s22+$0xA50 ss:$0x21] =	vst.msk $0xffff, v3;
	s27 =	sand.u32 s30, s12;
	s30 =	sshra.s32 s10, $0x1F;
	s26 =	simm.s32 @!p1 $0x7  }
0x59: {  	v58 =	vld [tilespmem:s21+$0xFFFFFFE0];
	s29 =	simm.s32 @!p2 $0xC2D0;
	[tilespmem:s22+$0xC60 ss:$0x21] =	vst.msk $0xffff, v2;
	s25 =	sshrl.u32 s25, $0x7;
	s26 =	ssub.s32 s26, s27  }
0x5a: {  	v59 =	vld [tilespmem:s21+$0xFFFFFFF0];
	[tilespmem:s22+$0x0 ss:$0x21] =	vst.msk $0xffff, v1;
	s24 =	smulhi.u32 $0x14F8B59, s25;
	s27 =	sadd.s32 $0xFFFFFFF9, s26;
	s22 =	ssub.s32 $0x8, s26  }
0x5b: {  	v60 =	vld [tilespmem:s21+$0x0];
	p1 =	sgt.s32 s27, $0x0;
	s27 =	ssub.s32 s28, s31;
	s28 =	sand.u32 s30, s10  }
0x5c: {  	v61 =	vld [tilespmem:s21+$0x10];
	s24 =	sshrl.u32 s24, $0x8;
	s31 =	ssub.s32 s29, s28;
	s29 =	sadd.s32 $0xFFFFFFA0, s27  }
0x5d: {  	v62 =	vld [tilespmem:s21+$0x20];
	[tilespmem:s23+$0xE70 ss:$0x21] =	vst.msk $0xffff, v0;
	s22 =	simm.s32 @p1 $0x0;
	s27 =	ssub.s32 $0x80, s27;
	s24 =	smul.u32 $0xC350, s24  }
0x5e: {  	v63 =	vld [tilespmem:s21+$0xFFFFFFC0];
	[tilespmem:s23+$0x210 ss:$0x21] =	vst.msk $0xffff, v5;
	p1 =	sgt.s32 s29, $0x1F;
	s30 =	sadd.s32 $0xFFFF3D30, s31;
	s21 =	ssub.s32 $0xC350, s31  }
0x5f: {  	[tilespmem:s23+$0x420 ss:$0x21] =	vst.msk $0xffff, v58;
	s31 =	smul.u32 $0xC3500, s12;
	s29 =	sand.u32 $0x7, s11;
	s27 =	simm.s32 @p1 $0x0  }
0x60: {  	[tilespmem:s23+$0x630 ss:$0x21] =	vst.msk $0xffff, v59;
	p1 =	sgt.s32 s30, $0x7F;
	s24 =	ssub.s32 s25, s24;
	s22 =	smul.u32 s22, s27  }
.Ltmp4:
0x61: {  	[tilespmem:s23+$0x840 ss:$0x21] =	vst.msk $0xffff, v60;
	s21 =	simm.s32 @p1 $0x0;
	s27 =	sshrl.u32 s11, $0x3;
	(pc) =	sbr.rel .LBB1_5-.Ltmp4, $4  }
0x62: {  	[tilespmem:s23+$0xA50 ss:$0x21] =	vst.msk $0xffff, v61;
	s28 =	sadd.s32 s3, s31;
	s21 =	smul.u32 s21, s22;
	s22 =	sand.u32 $0xF, s27  }
0x63: {  	[tilespmem:s23+$0xC60 ss:$0x21] =	vst.msk $0xffff, v62;
	s30 =	sshll.u32 s29, $0x12;
	s24 =	sshll.u32 s24, $0x4;
	s22 =	sadd.s32 s22, s28  }
0x64: {  	[tilespmem:s23+$0x0 ss:$0x21] =	vst.msk $0xffff, v63;
	s31 =	sor.u32 $0x20, s30;
	s21 =	sand.u32 $0x3FFFFFFF, s21;
	s22 =	sadd.s32 s24, s22  }
0x65: {  	[hbm4b:s22+s31] =	stream.strided.scatter [tilespmem:s20], [sflag:$0x2], s21, s9, s31, $0x10;
	[tilespmem:$0x4100] =	vst v63  }
.LBB1_6:
0x66: {  	_ =	sfence.sel $0x180000  }
0x67: {  	s2 =	simm.s32 $0x1;
	[bflag:$0x0] =	sbarrier.arrive $0xFFFF  }
0x68: {  	s31 =	simm.s32 $0x2;
	[sflag:s2] =	ssyncpa.u1 $0x1  }
0x69: {  	[sflag:s31] =	ssyncpa.u1 $0x1  }
0x6a: {  	p0 =	sne.s32 s1, $0x0;
	_ =	strace $0x90000053  }
0x6b: {  	s0 =	sadd.s32 @!p0 $0x100000, s0;
	[bflag:$0x2] =	sbarrier.arrive $0xFFFF  }
0x6c: {  	[sflag:s0] =	ssyncadd.tile.s32 @!p0 $0x1;
	_ =	shalt  }
.Lfunc_end1:
_tile_overlayer_lowered:
.L_overlay_start_2:
0x6d: {  	(tag) =	ssettag $0x2  }
0x6e: {  	s0 =	rddreg [dreg:$0x0];
	s2 =	stileid.u32  }
0x6f: {  	s1 =	rddreg [dreg:$0x1];
	p0 =	sne.s32 s2, $0x0  }
0x70: {  	s3 =	rddreg [dreg:$0x2];
	[bflag:$0x3] =	sbarrier.arrive $0xFFFF;
	s2 =	simm.s32 @!p0 $0x1C01  }
0x71: {  	[timem:s3], [sflag:s2] =	dma.local @!p0 [hbm:s0], s1  }
0x72: {  	s0 =	simm.s32 @!p0 $0x1  }
0x73: {  	_ =	swait.ge @!p0 [sflag:s0], s1  }
0x74: {  	s1 =	ssub.s32 @!p0 $0x0, s1;
	[sflag:s0] =	ssyncset.done @!p0 $0x0  }
0x75: {  	[sflag:s0] =	ssyncadd.s32 @!p0 s1  }
0x76: {  	[bflag:$0x3] =	sbarrier.arrive $0xFFFF  }
0x77: {  	_ =	shalt  }

// kernel: sparse-core-data-format-call.5.cloned.1.call-start
scs
called_computation.5_lowered:
.L_overlay_start_0:
0x0: {  	s2 =	sld [smem:$0x3FD9]  }
0x1: {  	s3 =	sld [smem:$0x3FFE];
	_ =	sdelay $0x1  }
0x2: {  	s1 =	srdreg.scid  }
0x3: {  	s0 =	sand.u32 $0x1, s1  }
0x4: {  	s18 =	sshll.u32 s0, $0xA;
	s2 =	sadd.s32 s3, s2  }
0x5: {  	s2 =	sadd.s32 s2, s18  }
0x6: {  	[smem:$0x3FB5] =	sst s2  }
0x7: {  	_ = 	snop  }
0x8: {  	(tm) =	ssettm $0x1  }
0x9: {  	s19 =	sld [smem:$0x3FFB];
	_ =	sdelay $0x3  }
0xa: {  	_ =	strace s19  }
0xb: {  	s2 =	sld [smem:$0x3FFC];
	_ =	sdelay $0x3  }
0xc: {  	_ =	strace s2  }
0xd: {  	s2 =	sld [smem:$0x3FFD];
	_ =	sdelay $0x3  }
0xe: {  	_ =	strace s2  }
0xf: {  	_ =	strace $0x8FFFFFFF  }
0x10: {  	s20 =	sld [smem:$0x3FDB];
	_ =	sdelay $0x1  }
0x11: {  	s21 =	simm.s32 $_scs_section_size  }
0x12: {  	s4 =	simm.s32 $_size__tile_overlayer_lowered;
	s5 =	simm.s32 $_tile_overlayer_lowered  }
0x13: {  	s6 =	simm.s32 $0x1BFF;
	s22 =	sshll.u32 s5, $0x1;
	s3 =	sadd.s32 s21, s20  }
0x14: {  	s23 =	simm.s32 $0x0;
	s4 =	sshll.u32 s4, $0x1;
	s5 =	sadd.s32 s22, s3  }
0x15: {  	[timem:s23], [sflag:s6] =	dma.local [hbm:s5], s4  }
0x16: {  	_ =	swait.ge [sflag:s6], s4  }
0x17: {  	s4 =	ssub.s32 $0x0, s4;
	[sflag:s6] =	ssyncset.done $0x0  }
0x18: {  	[sflag:s6] =	ssyncadd.s32 s4;
	_ =	sdelay $0x1  }
0x19: {  	s24 =	simm.s32 $0x1B8B  }
0x1a: {  	_ =	swait.ge [sflag:s24], $0x1  }
0x1b: {  	[sflag:s24] =	ssyncset.done $0x0  }
0x1c: {  	[sflag:s24] =	ssyncadd.s32 $0xFFFFFFFF  }
0x1d: {  	s4 =	sld [smem:$0x0]  }
0x1e: {  	s5 =	sand.u32 $0xFFFFFFFE, s1  }
0x1f: {  	p0 =	sne.s32 s1, s5  }
0x20: {  	s5 =	sshll.u32 @p0 s5, $0xE  }
0x21: {  	s5 =	sadd.s32 @p0 $0x11B8D, s5;
	s6 =	sshll.u32 @p0 s4, $0x11  }
0x22: {  	s5 =	sor.u32 @p0 s6, s5  }
0x23: {  	[sflag:s5] =	ssyncadd.remote.s32 @p0 $0x1;
	_ =	sdelay $0x1  }
0x24: {  	s5 =	simm.s32 @p0 $0x1B8D  }
0x25: {  	_ =	swait.eq @p0 [sflag:s5], $0x1  }
0x26: {  	[sflag:s5] =	ssyncadd.s32 @p0 $0xFFFFFFFF  }
0x27: {  	s6 =	sshll.u32 @!p0 s1, $0xE  }
0x28: {  	s6 =	sor.u32 @!p0 $0x4000, s6;
	s5 =	simm.s32 @!p0 $0x1B8D  }
0x29: {  	s4 =	sshll.u32 @!p0 s4, $0x11;
	s6 =	sadd.s32 @!p0 $0x11B8D, s6;
	_ =	swait.eq @!p0 [sflag:s5], $0x1  }
0x2a: {  	s4 =	sor.u32 @!p0 s4, s6;
	[sflag:s5] =	ssyncadd.s32 @!p0 $0xFFFFFFFF  }
0x2b: {  	s26 =	simm.s32 $0x1B8E;
	s25 =	sld [smem:$0x3FFE];
	[sflag:s4] =	ssyncadd.remote.s32 @!p0 $0x1  }
0x2c: {  	s27 =	simm.s32 $execute0_lowered;
	[smem:$0x3FD2] =	sst s26  }
0x2d: {  	s5 =	sshll.u32 s27, $0x1;
	_ =	strace $0x8000004C;
	[dreg:$0x1] =	wrdreg $0xFFFFFFFF  }
0x2e: {  	s28 =	simm.s32 $_size_execute0_lowered;
	s3 =	sadd.s32 s3, s5;
	[dreg:$0x0] =	wrdreg $0x0  }
0x2f: {  	s5 =	sshll.u32 s28, $0x1;
	[dreg:$0x2] =	wrdreg s3  }
0x30: {  	[dreg:$0x3] =	wrdreg s5  }
0x31: {  	[dreg:$0x4] =	wrdreg $0xC0  }
0x32: {  	_ =	task [dreg:s23], $0x5FFFF  }
0x33: {  	[dreg:$0x1] =	wrdreg $0xFFFFFFFF  }
0x34: {  	[dreg:$0x0] =	wrdreg $0x60  }
0x35: {  	[dreg:$0x2] =	wrdreg s25  }
0x36: {  	[dreg:$0x3] =	wrdreg $0x9  }
0x37: {  	_ =	task.clear_ibuf [dreg:s23], $0x4FFFF;
	_ =	strace $0x9000004C  }
0x38: {  	s29 =	simm.s32 $0x9;
	_ =	strace $0x8000004E  }
0x39: {  	_ =	swait.ge [sflag:s29], $0x1  }
0x3a: {  	[sflag:s29] =	ssyncadd.s32 $0xFFFFFFFF  }
0x3b: {  	_ =	strace $0x9000004E  }
0x3c: {  	_ =	sfence  }
0x3d: {  	s30 =	sld [smem:$0x0];
	_ =	sdelay $0x2  }
0x3e: {  	s31 =	sshll.u32 s1, $0xD;
	s1 =	sshrl.u32 s1, $0x2  }
0x3f: {  	s4 =	sand.u32 $0x4000, s31;
	s1 =	sadd.s32 s1, s30  }
0x40: {  	s0 =	sor.u32 s4, s0;
	s1 =	sshll.u32 s1, $0x11  }
0x41: {  	s0 =	sor.u32 s1, s0  }
0x42: {  	s0 =	sadd.s32 $0x8F2B, s0  }
0x43: {  	[sflag:s0] =	ssyncadd.remote.s32 $0x1  }
0x44: {  	_ =	sfence.sel $0xFFFF  }
0x45: {  	[dreg:$0x0] =	wrdreg $0xFFFFFFFF;
	(pc) =	sbr.abs _section_cstart, $3  }
0x46: {  	[dreg:$0x1] =	wrdreg $0xFFFFFFFF  }
0x47: {  	_ =	task.clear_ibuf [dreg:s23], $0x2FFFF;
	_ =	strace $0x9FFFFFFF  }
0x48: {  	(tm) =	ssettm $0x7FFFFFFF  }
0x49: {  	_ =	shalt  }
tec
execute0_lowered:
.L_overlay_start_1:
0x0: {  	(tag) =	ssettag $0x1  }
0x1: {  	s0 =	srdreg.scid;
	s7 =	rddreg [dreg:$0x0]  }
0x2: {  	s1 =	stileid.u32;
	s31 =	simm.s32 $0x2;
	s14 =	simm.s32 $0x0  }
0x3: {  	p0 =	por $0x0, $0x0;
	s10 =	simm.s32 $0x61C00;
	s2 =	sshll.u32 s0, $0x7  }
0x4: {  	s13 =	simm.s32 $0x0;
	s3 =	sshll.u32 s1, $0x7;
	s2 =	sand.u32 $0x80, s2  }
0x5: {  	s12 =	simm.s32 $0x0;
	s6 =	ssub.s32 $0xC300, s3;
	s5 =	ssub.s32 $0x100, s2  }
0x6: {  	s0 =	rddreg [dreg:$0x1];
	s6 =	sshrl.u32 s6, $0xB;
	s8 =	sshrl.u32 s5, $0x7  }
.Ltmp0:
0x7: {  	s9 =	sshrl.u32 s5, $0x8;
	s8 =	sand.u32 $0x1, s8;
	(pc) =	sbr.rel .LBB1_1-.Ltmp0, $4  }
0x8: {  	_ =	strace $0x8000004D;
	s6 =	sadd.s32 $0x1, s6;
	s8 =	sadd.s32 s9, s8  }
0x9: {  	s4 =	sadd.s32 $0xF49E00, s7;
	s5 =	simm.s32 $0x1;
	s6 =	smul.u32 s6, s8  }
0xa: {  	s7 =	sadd.s32 $0x10D0800, s7;
	s11 =	smov.u32 s3;
	[sflag:s5] =	ssyncpa.u1 $0x0  }
0xb: {  	[sflag:s31] =	ssyncpa.u1 $0x0;
	s8 =	sshll.u32 s2, $0x3;
	s9 =	sadd.s32 $0x1, s6  }
.LBB1_4:
0xc: {  	s14 =	sshrl.u32 s14, $0x3  }
0xd: {  	s20 =	sshll.u32 s13, $0x3;
	s14 =	smul.u32 $0x61C00, s14  }
0xe: {  	v5 =	vld [tilespmem:s18+$0xFFFFFFD0];
	[tilespmem:s17+$0x2040 ss:$0x81] =	vst.msk $0xffff, v4;
	s20 =	sand.u32 $0xFFFFFC00, s20  }
0xf: {  	v58 =	vld [tilespmem:s18+$0xFFFFFFE0];
	[tilespmem:s17+$0x2850 ss:$0x81] =	vst.msk $0xffff, v3;
	s30 =	sand.u32 $0x7F, s13;
	s14 =	sadd.s32 s20, s14  }
0x10: {  	s19 =	sshra.s32 s19, $0x2;
	v59 =	vld [tilespmem:s18+$0xFFFFFFF0];
	[tilespmem:s17+$0x3060 ss:$0x81] =	vst.msk $0xffff, v2;
	s13 =	sor.u32 s30, s14  }
0x11: {  	v60 =	vld [tilespmem:s18+$0x0];
	[tilespmem:s17+$0x0 ss:$0x81] =	vst.msk $0xffff, v0;
	s16 =	sadd.s32 s19, s16;
	s31 =	smulhi.u32 $0xA79C7B17, s13  }
0x12: {  	v61 =	vld [tilespmem:s18+$0x10];
	[tilespmem:s16+$0x3870 ss:$0x81] =	vst.msk $0xffff, v1  }
0x13: {  	v62 =	vld [tilespmem:s18+$0x20];
	s14 =	smulhi.u32 $0xA79C7B17, s14;
	[tilespmem:s16+$0x810 ss:$0x81] =	vst.msk $0xffff, v5;
	s17 =	sshrl.u32 s31, $0xF  }
0x14: {  	v63 =	vld [tilespmem:s18+$0xFFFFFFC0];
	[tilespmem:s16+$0x1020 ss:$0x81] =	vst.msk $0xffff, v58;
	s17 =	smul.u32 $0xC380, s17  }
0x15: {  	[tilespmem:s16+$0x1830 ss:$0x81] =	vst.msk $0xffff, v59;
	s14 =	sshrl.u32 s14, $0xF  }
0x16: {  	[tilespmem:s16+$0x2040 ss:$0x81] =	vst.msk $0xffff, v60;
	s14 =	sand.u32 $0xFF, s14;
	s13 =	ssub.s32 s13, s17  }
0x17: {  	[tilespmem:s16+$0x2850 ss:$0x81] =	vst.msk $0xffff, v61;
	s14 =	smul.u32 $0x1870, s14;
	s17 =	sshrl.u32 s13, $0x3;
	s13 =	sand.u32 $0x7, s13  }
0x18: {  	[tilespmem:s16+$0x3060 ss:$0x81] =	vst.msk $0xffff, v62;
	s17 =	sadd.s32 s7, s17;
	s13 =	sshll.u32 s13, $0x12  }
0x19: {  	[tilespmem:s16+$0x0 ss:$0x81] =	vst.msk $0xffff, v63;
	s14 =	sadd.s32 s14, s17;
	s13 =	sor.u32 $0x400, s13  }
0x1a: {  	[hbm4b:s14+s13] =	stream.strided.scatter [tilespmem:s15], [sflag:$0x2], $0x4000, s10, s13, $0x20;
	[tilespmem:$0x10100] =	vst v63  }
.LBB1_5:
0x1b: {  	s15 =	sadd.s32 $0x800, s11  }
0x1c: {  	p2 =	sgt.s32 s15, $0xC34F  }
0x1d: {  	s15 =	smov.u32 @p2 s3;
	p2 =	sne.s32 s12, s9  }
.Ltmp1:
0x1e: {  	p1 =	slt.u32 s12, $0x2;
	(pc) =	sbr.rel @!p2 .LBB1_6-.Ltmp1, $4  }
0x1f: {  	s14 =	simm.s32 @!p1 $0x2  }
0x20: {  	s16 =	sadd.s32 $0x1, s12;
	s13 =	smov.u32 s11;
	_ =	swait.ge @!p1 [sflag:s14], $0x4000  }
0x21: {  	p0 =	por !p0, !p0;
	s12 =	smov.u32 s16;
	[sflag:s14] =	ssyncset.done @!p1 $0x0  }
0x22: {  	s11 =	smov.u32 s15;
	[sflag:s14] =	ssyncadd.s32 @!p1 $0xFFFFC000;
	s14 =	smov.u32 s2  }
.LBB1_1:
0x23: {  	p1 =	sge.u32 s12, s6  }
0x24: {  	s15 =	sshll.u32 @!p1 s11, $0x8  }
0x25: {  	s16 =	sshll.u32 @!p1 s11, $0x7;
	s15 =	sand.u32 @!p1 $0xFFFFF800, s15  }
0x26: {  	s16 =	sand.u32 @!p1 $0x300, s16;
	s15 =	sor.u32 @!p1 s8, s15  }
0x27: {  	s15 =	sor.u32 @!p1 s16, s15  }
0x28: {  	s17 =	smov.u32 s11;
	p2 =	sgt.s32 @!p1 s11, $0xC2D0;
	s15 =	sshrl.u32 @!p1 s15, $0x8  }
0x29: {  	s18 =	sshra.s32 @!p1 s11, $0x1F;
	p2 =	por !p2, p1;
	s16 =	smulhi.u32 @!p1 $0x14F8B59, s15  }
0x2a: {  	s31 =	sadd.s32 $0xFFFFFFFF, s12;
	s18 =	sand.u32 @!p1 s18, s11;
	s17 =	simm.s32 @p2 $0xC2D0  }
0x2b: {  	s19 =	sxor.u32 @!p1 $0xFFFFFFFF, s12;
	s17 =	ssub.s32 @!p1 s17, s18;
	s16 =	sshrl.u32 @!p1 s16, $0x8  }
0x2c: {  	s18 =	sshll.u32 @!p1 s19, $0xE;
	s17 =	sadd.s32 @!p1 $0xFFFF3D30, s17;
	s16 =	smul.u32 @!p1 $0xC350, s16  }
0x2d: {  	s19 =	simm.s32 @!p1 $0x800;
	s18 =	sand.u32 @!p1 $0x4000, s18;
	p2 =	sgt.s32 @!p1 s17, $0x7F  }
0x2e: {  	s15 =	ssub.s32 @!p1 s15, s16;
	s16 =	sshll.u32 @!p1 s17, $0x7;
	s17 =	sshll.u32 @!p1 s11, $0x4  }
0x2f: {  	p2 =	por !p2, p1;
	s16 =	ssub.s32 @!p1 $0x4000, s16;
	s17 =	sand.u32 @!p1 $0x10, s17  }
0x30: {  	s15 =	sshll.u32 @!p1 s15, $0x5;
	s16 =	sand.u32 @!p1 $0x3FFFFF80, s16;
	s17 =	sadd.s32 @!p1 s4, s17  }
0x31: {  	s16 =	simm.s32 @!p2 $0x0;
	s15 =	sadd.s32 @!p1 s15, s17;
	s17 =	simm.s32 @!p1 $0x400  }
0x32: {  	[tilespmem:s18], [sflag:$0x1] =	stream.strided.gather @!p1 [hbm4b:s15+s17], s16, s19, s17, $0x38;
	[tilespmem:$0x10100] =	vst v63  }
0x33: {  	p1 =	sge.u32 s31, s6  }
.Ltmp2:
0x34: {  	_ = 	snop;
	(pc) =	sbr.rel @p1 .LBB1_5-.Ltmp2, $1  }
0x35: {  	_ =	sdelay $0x3  }
0x36: {  	p1 =	sgt.s32 s13, $0xC2D0;
	s15 =	smov.u32 s13;
	s16 =	sshra.s32 s13, $0x1F  }
0x37: {  	s15 =	simm.s32 @!p1 $0xC2D0;
	s16 =	sand.u32 s16, s13  }
0x38: {  	s15 =	ssub.s32 s15, s16  }
0x39: {  	s15 =	sadd.s32 $0xFFFF3D30, s15  }
0x3a: {  	s29 =	sshll.u32 s15, $0x7  }
0x3b: {  	s16 =	ssub.s32 $0x4000, s29  }
0x3c: {  	p1 =	sgt.s32 s15, $0x7F;
	s15 =	sand.u32 $0x3FFFFF80, s16  }
0x3d: {  	s16 =	simm.s32 $0x1;
	s15 =	simm.s32 @p1 $0x0  }
0x3e: {  	s16 =	simm.s32 @!p0 $0x0;
	_ =	swait.ge [sflag:s5], s15  }
0x3f: {  	s17 =	sshll.u32 s16, $0xE;
	s15 =	ssub.s32 $0x0, s15;
	[sflag:s5] =	ssyncset.done $0x0  }
0x40: {  	s18 =	sor.u32 $0x40, s17;
	[sflag:s5] =	ssyncadd.s32 s15  }
0x41: {  	s30 =	smul.u32 $0x10200, s16;
	v0 =	vld [tilespmem:s18+$0x30]  }
0x42: {  	v1 =	vld [tilespmem:s18+$0xFFFFFFD0]  }
0x43: {  	s15 =	sshrl.u32 s30, $0x2;
	v5 =	vld [tilespmem:s18+$0xFFFFFFE0]  }
0x44: {  	s16 =	sor.u32 $0x8000, s15;
	v6 =	vld [tilespmem:s18+$0xFFFFFFF0]  }
0x45: {  	s31 =	sand.u32 $0x1, s12;
	v4 =	vld [tilespmem:s18+$0x0];
	s17 =	sadd.s32 $0x0, s16  }
0x46: {  	s15 =	smul.u32 $0x10200, s31;
	v3 =	vld [tilespmem:s18+$0x10];
	[tilespmem:s17+$0x3870 ss:$0x81] =	vst.msk $0xffff, v0  }
0x47: {  	v2 =	vld [tilespmem:s18+$0x20];
	[tilespmem:s17+$0x810 ss:$0x81] =	vst.msk $0xffff, v1  }
0x48: {  	s15 =	sshrl.u32 s15, $0x2;
	v0 =	vld [tilespmem:s18+$0xFFFFFFC0];
	[tilespmem:s17+$0x1020 ss:$0x81] =	vst.msk $0xffff, v5;
	s18 =	sadd.s32 $0x80, s18  }
0x49: {  	s19 =	simm.s32 $0x4;
	s20 =	simm.s32 $0x8;
	s15 =	sor.u32 $0x8000, s15;
	[tilespmem:s17+$0x1830 ss:$0x81] =	vst.msk $0xffff, v6;
	v1 =	vld [tilespmem:s18+$0x30]  }
.LBB1_3:
0x4a: {  	p1 =	sne.s32 s20, $0x1FC;
	v5 =	vld [tilespmem:s18+$0xFFFFFFD0];
	[tilespmem:s17+$0x2040 ss:$0x81] =	vst.msk $0xffff, v4  }
0x4b: {  	v6 =	vld [tilespmem:s18+$0xFFFFFFE0];
	[tilespmem:s17+$0x2850 ss:$0x81] =	vst.msk $0xffff, v3  }
0x4c: {  	s21 =	sshra.s32 s19, $0x2;
	s19 =	smov.u32 s20;
	v7 =	vld [tilespmem:s18+$0xFFFFFFF0];
	[tilespmem:s17+$0x3060 ss:$0x81] =	vst.msk $0xffff, v2  }
.Ltmp3:
0x4d: {  	v4 =	vld [tilespmem:s18+$0x0];
	[tilespmem:s17+$0x0 ss:$0x81] =	vst.msk $0xffff, v0;
	s17 =	sadd.s32 s21, s16;
	(pc) =	sbr.rel @p1 .LBB1_3-.Ltmp3, $4  }
0x4e: {  	v3 =	vld [tilespmem:s18+$0x10];
	[tilespmem:s17+$0x3870 ss:$0x81] =	vst.msk $0xffff, v1  }
0x4f: {  	[tilespmem:s17+$0x810 ss:$0x81] =	vst.msk $0xffff, v5;
	v2 =	vld [tilespmem:s18+$0x20]  }
0x50: {  	v0 =	vld [tilespmem:s18+$0xFFFFFFC0];
	[tilespmem:s17+$0x1020 ss:$0x81] =	vst.msk $0xffff, v6;
	s18 =	sadd.s32 $0x80, s18  }
0x51: {  	s20 =	sadd.s32 $0x4, s20;
	v1 =	vld [tilespmem:s18+$0x30];
	[tilespmem:s17+$0x1830 ss:$0x81] =	vst.msk $0xffff, v7  }
.Ltmp4:
0x52: {  	_ = 	snop;
	(pc) =	sbr.rel .LBB1_4-.Ltmp4, $1  }
0x53: {  	_ =	sdelay $0x3  }
.LBB1_6:
0x54: {  	_ =	sfence.sel $0x180000  }
0x55: {  	s2 =	simm.s32 $0x1;
	[bflag:$0x0] =	sbarrier.arrive $0xFFFF  }
0x56: {  	s31 =	simm.s32 $0x2;
	[sflag:s2] =	ssyncpa.u1 $0x1  }
0x57: {  	[sflag:s31] =	ssyncpa.u1 $0x1  }
0x58: {  	p0 =	sne.s32 s1, $0x0;
	_ =	strace $0x9000004D  }
0x59: {  	s0 =	sadd.s32 @!p0 $0x100000, s0;
	[bflag:$0x2] =	sbarrier.arrive $0xFFFF  }
0x5a: {  	[sflag:s0] =	ssyncadd.tile.s32 @!p0 $0x1;
	_ =	shalt  }
.Lfunc_end1:
_tile_overlayer_lowered:
.L_overlay_start_2:
0x5b: {  	(tag) =	ssettag $0x2  }
0x5c: {  	s0 =	rddreg [dreg:$0x0];
	s2 =	stileid.u32  }
0x5d: {  	s1 =	rddreg [dreg:$0x1];
	p0 =	sne.s32 s2, $0x0  }
0x5e: {  	s3 =	rddreg [dreg:$0x2];
	[bflag:$0x3] =	sbarrier.arrive $0xFFFF;
	s2 =	simm.s32 @!p0 $0x1C01  }
0x5f: {  	[timem:s3], [sflag:s2] =	dma.local @!p0 [hbm:s0], s1  }
0x60: {  	s0 =	simm.s32 @!p0 $0x1  }
0x61: {  	_ =	swait.ge @!p0 [sflag:s0], s1  }
0x62: {  	s1 =	ssub.s32 @!p0 $0x0, s1;
	[sflag:s0] =	ssyncset.done @!p0 $0x0  }
0x63: {  	[sflag:s0] =	ssyncadd.s32 @!p0 s1  }
0x64: {  	[bflag:$0x3] =	sbarrier.arrive $0xFFFF  }
0x65: {  	_ =	shalt  }

// kernel: sparse-core-data-format-call.cloned.1.call-start
scs
called_computation_lowered:
.L_overlay_start_0:
0x0: {  	s1 =	sld [smem:$0x3FD9]  }
0x1: {  	s2 =	sld [smem:$0x3FFE];
	_ =	sdelay $0x1  }
0x2: {  	s3 =	srdreg.scid  }
0x3: {  	s0 =	sand.u32 $0x1, s3  }
0x4: {  	s17 =	sshll.u32 s0, $0xA;
	s1 =	sadd.s32 s2, s1  }
0x5: {  	s1 =	sadd.s32 s1, s17  }
0x6: {  	[smem:$0x3FB5] =	sst s1  }
0x7: {  	_ = 	snop  }
0x8: {  	(tm) =	ssettm $0x1  }
0x9: {  	s18 =	sld [smem:$0x3FFB];
	_ =	sdelay $0x3  }
0xa: {  	_ =	strace s18  }
0xb: {  	s1 =	sld [smem:$0x3FFC];
	_ =	sdelay $0x3  }
0xc: {  	_ =	strace s1  }
0xd: {  	s1 =	sld [smem:$0x3FFD];
	_ =	sdelay $0x3  }
0xe: {  	_ =	strace s1  }
0xf: {  	_ =	strace $0x8FFFFFFF  }
0x10: {  	s19 =	sld [smem:$0x3FDB];
	_ =	sdelay $0x1  }
0x11: {  	s20 =	simm.s32 $_scs_section_size  }
0x12: {  	s4 =	simm.s32 $_size__tile_overlayer_lowered;
	s5 =	simm.s32 $_tile_overlayer_lowered  }
0x13: {  	s23 =	simm.s32 $0x1BFF;
	s22 =	sshll.u32 s5, $0x1;
	s1 =	sadd.s32 s20, s19  }
0x14: {  	s6 =	simm.s32 $0x0;
	s21 =	sshll.u32 s4, $0x1;
	s4 =	sadd.s32 s22, s1  }
0x15: {  	[timem:s6], [sflag:s23] =	dma.local [hbm:s4], s21  }
0x16: {  	_ =	swait.ge [sflag:s23], s21  }
0x17: {  	s2 =	ssub.s32 $0x0, s21;
	[sflag:s23] =	ssyncset.done $0x0  }
0x18: {  	[sflag:s23] =	ssyncadd.s32 s2;
	_ =	sdelay $0x1  }
0x19: {  	s24 =	simm.s32 $0x1B8B  }
0x1a: {  	_ =	swait.ge [sflag:s24], $0x1  }
0x1b: {  	[sflag:s24] =	ssyncset.done $0x0  }
0x1c: {  	s26 =	simm.s32 $0x1B8E;
	s25 =	sld [smem:$0x3FFE];
	[sflag:s24] =	ssyncadd.s32 $0xFFFFFFFF  }
0x1d: {  	s27 =	simm.s32 $execute0_lowered;
	[smem:$0x3FD2] =	sst s26  }
0x1e: {  	s4 =	sshll.u32 s27, $0x1;
	_ =	strace $0x8000005B;
	[dreg:$0x1] =	wrdreg $0xFFFFFFFF  }
0x1f: {  	s28 =	simm.s32 $_size_execute0_lowered;
	s1 =	sadd.s32 s1, s4;
	[dreg:$0x0] =	wrdreg $0x0  }
0x20: {  	s4 =	sshll.u32 s28, $0x1;
	[dreg:$0x2] =	wrdreg s1  }
0x21: {  	[dreg:$0x3] =	wrdreg s4  }
0x22: {  	[dreg:$0x4] =	wrdreg $0xC0  }
0x23: {  	_ =	task [dreg:s6], $0x5FFFF  }
0x24: {  	[dreg:$0x1] =	wrdreg $0xFFFFFFFF  }
0x25: {  	[dreg:$0x0] =	wrdreg $0x60  }
0x26: {  	[dreg:$0x2] =	wrdreg s25  }
0x27: {  	[dreg:$0x3] =	wrdreg $0x9  }
0x28: {  	_ =	task.clear_ibuf [dreg:s6], $0x4FFFF;
	_ =	strace $0x9000005B  }
0x29: {  	s29 =	simm.s32 $0x9;
	_ =	strace $0x8000005D  }
0x2a: {  	_ =	swait.ge [sflag:s29], $0x1  }
0x2b: {  	[sflag:s29] =	ssyncadd.s32 $0xFFFFFFFF  }
0x2c: {  	_ =	strace $0x9000005D  }
0x2d: {  	_ =	sfence  }
0x2e: {  	s30 =	sld [smem:$0x0];
	_ =	sdelay $0x2  }
0x2f: {  	s31 =	sshll.u32 s3, $0xD;
	s3 =	sshrl.u32 s3, $0x2  }
0x30: {  	s2 =	sand.u32 $0x4000, s31;
	s1 =	sadd.s32 s3, s30  }
0x31: {  	s0 =	sor.u32 s2, s0;
	s1 =	sshll.u32 s1, $0x11  }
0x32: {  	s0 =	sor.u32 s1, s0  }
0x33: {  	s0 =	sadd.s32 $0x8F2B, s0  }
0x34: {  	[sflag:s0] =	ssyncadd.remote.s32 $0x1  }
0x35: {  	_ =	sfence.sel $0xFFFF  }
0x36: {  	[dreg:$0x0] =	wrdreg $0xFFFFFFFF;
	(pc) =	sbr.abs _section_cstart, $3  }
0x37: {  	[dreg:$0x1] =	wrdreg $0xFFFFFFFF  }
0x38: {  	_ =	task.clear_ibuf [dreg:s6], $0x2FFFF;
	_ =	strace $0x9FFFFFFF  }
0x39: {  	(tm) =	ssettm $0x7FFFFFFF  }
tec
execute0_lowered:
.L_overlay_start_1:
0x0: {  	(tag) =	ssettag $0x1  }
0x1: {  	s3 =	rddreg [dreg:$0x0]  }
0x2: {  	s1 =	stileid.u32;
	s2 =	srdreg.scid  }
0x3: {  	s0 =	rddreg [dreg:$0x1];
	_ =	strace $0x8000005C;
	s7 =	simm.s32 $0x2  }
0x4: {  	s14 =	simm.s32 $0x0;
	p0 =	por $0x0, $0x0;
	s9 =	simm.s32 $0x61C00  }
0x5: {  	s13 =	simm.s32 $0x0;
	s4 =	sshll.u32 s1, $0x4;
	s5 =	sshll.u32 s2, $0x8  }
.Ltmp0:
0x6: {  	s12 =	simm.s32 $0x0;
	s4 =	sor.u32 s4, s5;
	(pc) =	sbr.rel .LBB1_1-.Ltmp0, $4  }
0x7: {  	s2 =	sadd.s32 $0x315200, s3;
	s5 =	simm.s32 $0x1;
	s4 =	sand.u32 $0x180, s4  }
0x8: {  	s3 =	sadd.s32 $0x7600, s3;
	[sflag:s5] =	ssyncpa.u1 $0x0;
	s8 =	ssub.s32 $0xC300, s4  }
0x9: {  	s6 =	sand.u32 $0x7, s1;
	[sflag:s7] =	ssyncpa.u1 $0x0;
	s7 =	sshrl.u32 s8, $0x9  }
0xa: {  	s11 =	smov.u32 s6;
	s10 =	smov.u32 s4;
	s8 =	sor.u32 $0x2, s7  }
.LBB1_5:
0xb: {  	s15 =	sadd.s32 $0x200, s10  }
0xc: {  	s13 =	sadd.s32 $0x8, s11;
	s17 =	smov.u32 s11;
	p2 =	sgt.s32 s15, $0xC34F  }
0xd: {  	s17 =	smov.u32 @p2 s13  }
0xe: {  	s15 =	smov.u32 @p2 s4;
	p2 =	sgt.s32 s17, $0x7  }
0xf: {  	s17 =	smov.u32 @p2 s6;
	p2 =	sne.s32 s12, s8  }
.Ltmp1:
0x10: {  	p1 =	slt.u32 s12, $0x2;
	(pc) =	sbr.rel @!p2 .LBB1_6-.Ltmp1, $4  }
0x11: {  	s16 =	simm.s32 @!p1 $0x2  }
0x12: {  	s14 =	smov.u32 s10;
	p0 =	por !p0, !p0;
	_ =	swait.ge @!p1 [sflag:s16], $0x1000  }
0x13: {  	s13 =	smov.u32 s11;
	[sflag:s16] =	ssyncset.done @!p1 $0x0;
	s10 =	smov.u32 s15  }
0x14: {  	s12 =	sadd.s32 $0x1, s12;
	[sflag:s16] =	ssyncadd.s32 @!p1 $0xFFFFF000;
	s11 =	smov.u32 s17  }
.LBB1_1:
0x15: {  	p1 =	sgt.u32 s12, s7  }
0x16: {  	s17 =	smov.u32 s11;
	s19 =	smov.u32 s10;
	p2 =	sgt.s32 @!p1 s11, $0x7  }
0x17: {  	s15 =	sand.u32 @!p1 $0x1FFFFFF, s10;
	s18 =	sshra.s32 @!p1 s11, $0x1F;
	p2 =	por !p2, p1  }
0x18: {  	s20 =	sshra.s32 @!p1 s10, $0x1F;
	s17 =	simm.s32 @p2 $0x7;
	p2 =	sgt.s32 @!p1 s10, $0xC2D0  }
0x19: {  	s16 =	smulhi.u32 @!p1 $0x14F8B59, s15;
	s18 =	sand.u32 @!p1 s18, s11;
	p2 =	por !p2, p1  }
0x1a: {  	s17 =	ssub.s32 @!p1 s17, s18;
	s18 =	sand.u32 @!p1 s20, s10;
	s19 =	simm.s32 @p2 $0xC2D0  }
0x1b: {  	s17 =	sadd.s32 @!p1 $0xFFFFFFF9, s17;
	s18 =	ssub.s32 @!p1 s19, s18  }
0x1c: {  	s16 =	sshrl.u32 @!p1 s16, $0x8;
	p2 =	sgt.s32 @!p1 s17, $0x0;
	s19 =	sadd.s32 @!p1 $0xFFFF3D30, s18  }
0x1d: {  	s17 =	sshll.u32 @!p1 s17, $0x5;
	s18 =	ssub.s32 @!p1 $0xC350, s18;
	p3 =	sgt.s32 @!p1 s19, $0x7F  }
0x1e: {  	s17 =	ssub.s32 @!p1 $0x20, s17;
	p2 =	por !p2, p1;
	p3 =	por !p3, p1  }
0x1f: {  	s16 =	smul.u32 @!p1 $0xC350, s16;
	s17 =	simm.s32 @!p2 $0x0;
	s18 =	simm.s32 @!p3 $0x0  }
0x20: {  	s19 =	sxor.u32 @!p1 $0xFFFFFFFF, s12;
	s17 =	smul.u32 @!p1 s18, s17  }
0x21: {  	s15 =	ssub.s32 @!p1 s15, s16;
	s18 =	sshll.u32 @!p1 s19, $0xC;
	s19 =	smul.u32 @!p1 $0xC3500, s11  }
0x22: {  	s15 =	sshll.u32 @!p1 s15, $0x4  }
0x23: {  	s18 =	sand.u32 @!p1 $0x1000, s18;
	s16 =	sand.u32 @!p1 $0x3FFFFFE0, s17;
	s17 =	sadd.s32 @!p1 s2, s19  }
0x24: {  	s19 =	simm.s32 @!p1 $0x80;
	s15 =	sadd.s32 @!p1 s15, s17;
	s17 =	simm.s32 @!p1 $0x20  }
0x25: {  	[tilespmem:s18], [sflag:$0x1] =	stream.strided.gather @!p1 [hbm4b:s15+s17], s16, s19, s17, $0x38;
	[tilespmem:$0x4040] =	vst v63  }
0x26: {  	p1 =	seq.s32 s12, $0x0  }
0x27: {  	p2 =	sge.u32 @!p1 s12, s8  }
0x28: {  	p1 =	por p1, p2  }
.Ltmp2:
0x29: {  	_ = 	snop;
	(pc) =	sbr.rel @p1 .LBB1_5-.Ltmp2, $1  }
0x2a: {  	_ =	sdelay $0x3  }
0x2b: {  	p1 =	sgt.s32 s13, $0x7;
	s15 =	smov.u32 s13  }
0x2c: {  	s16 =	sshra.s32 s13, $0x1F;
	s17 =	smov.u32 s14;
	s18 =	sshra.s32 s14, $0x1F  }
0x2d: {  	s15 =	simm.s32 @!p1 $0x7;
	s16 =	sand.u32 s16, s13;
	p1 =	sgt.s32 s14, $0xC2D0  }
0x2e: {  	s27 =	sand.u32 s18, s14;
	s15 =	ssub.s32 s15, s16;
	s17 =	simm.s32 @!p1 $0xC2D0  }
0x2f: {  	s15 =	sadd.s32 $0xFFFFFFF9, s15;
	s16 =	ssub.s32 s17, s27  }
0x30: {  	p1 =	sgt.s32 s15, $0x0;
	s17 =	sadd.s32 $0xFFFF3D30, s16;
	s15 =	sshll.u32 s15, $0x5  }
0x31: {  	s16 =	ssub.s32 $0xC350, s16;
	p2 =	sgt.s32 s17, $0x7F;
	s15 =	ssub.s32 $0x20, s15  }
0x32: {  	s16 =	simm.s32 @p2 $0x0;
	s15 =	simm.s32 @p1 $0x0  }
0x33: {  	s15 =	smul.u32 s16, s15;
	_ =	sdelay $0x1  }
0x34: {  	s16 =	simm.s32 $0x1;
	s15 =	sand.u32 $0x3FFFFFE0, s15  }
0x35: {  	s16 =	simm.s32 @!p0 $0x0;
	_ =	swait.ge [sflag:s5], s15  }
0x36: {  	s28 =	sshll.u32 s16, $0xC;
	s15 =	ssub.s32 $0x0, s15;
	[sflag:s5] =	ssyncset.done $0x0  }
0x37: {  	s19 =	sor.u32 $0x10, s28;
	[sflag:s5] =	ssyncadd.s32 s15  }
0x38: {  	s29 =	smul.u32 $0x4080, s16;
	v1 =	vld [tilespmem:s19+$0x0]  }
0x39: {  	s30 =	sand.u32 $0x1, s12;
	v0 =	vld [tilespmem:s19+$0xFFFFFFF0]  }
0x3a: {  	s16 =	smul.u32 $0x4080, s30;
	s15 =	sshrl.u32 s29, $0x2  }
0x3b: {  	s17 =	sor.u32 $0x2000, s15  }
0x3c: {  	s31 =	sshrl.u32 s16, $0x2;
	s16 =	sadd.s32 $0x0, s17  }
0x3d: {  	s18 =	simm.s32 $0x4;
	s15 =	sor.u32 $0x2000, s31;
	s19 =	sadd.s32 $0x20, s19;
	[tilespmem:s16+$0x810 ss:$0x81] =	vst.msk $0xffff, v1  }
.LBB1_3:
0x3e: {  	v1 =	vld [tilespmem:s19+$0x0];
	p1 =	sne.s32 s18, $0x1FC;
	[tilespmem:s16+$0x0 ss:$0x81] =	vst.msk $0xffff, v0;
	s16 =	smov.u32 s18;
	s18 =	sadd.s32 $0x4, s18  }
.Ltmp3:
0x3f: {  	v0 =	vld [tilespmem:s19+$0xFFFFFFF0];
	(pc) =	sbr.rel @p1 .LBB1_3-.Ltmp3, $4  }
0x40: {  	_ = 	snop  }
0x41: {  	s16 =	sshra.s32 s16, $0x2  }
0x42: {  	s16 =	sadd.s32 s16, s17  }
0x43: {  	s19 =	sadd.s32 $0x20, s19;
	[tilespmem:s16+$0x810 ss:$0x81] =	vst.msk $0xffff, v1  }
0x44: {  	s17 =	sshll.u32 s14, $0x3  }
0x45: {  	s29 =	sand.u32 $0x7F, s14;
	s17 =	sand.u32 $0xFFFFFC00, s17  }
0x46: {  	s14 =	sor.u32 s29, s17;
	s17 =	smulhi.u32 $0xA79C7B17, s17  }
0x47: {  	s18 =	smulhi.u32 $0xA79C7B17, s14;
	_ =	sdelay $0x1  }
0x48: {  	s13 =	smul.u32 $0x30E00, s13;
	s17 =	sshrl.u32 s17, $0xF;
	s18 =	sshrl.u32 s18, $0xF  }
0x49: {  	s17 =	sand.u32 $0x1F, s17;
	s18 =	smul.u32 $0xC380, s18  }
0x4a: {  	s17 =	smul.u32 $0x1870, s17  }
.Ltmp4:
0x4b: {  	s14 =	ssub.s32 s14, s18;
	(pc) =	sbr.rel .LBB1_5-.Ltmp4, $4  }
0x4c: {  	s13 =	sadd.s32 s3, s13;
	s18 =	sand.u32 $0x7, s14  }
0x4d: {  	s13 =	sadd.s32 s17, s13;
	s14 =	sshrl.u32 s14, $0x3;
	s30 =	sshll.u32 s18, $0x12  }
0x4e: {  	[tilespmem:s16+$0x0 ss:$0x81] =	vst.msk $0xffff, v0;
	s13 =	sadd.s32 s14, s13;
	s31 =	sor.u32 $0x400, s30  }
0x4f: {  	[hbm4b:s13+s31] =	stream.strided.scatter [tilespmem:s15], [sflag:$0x2], $0x1000, s9, s31, $0x20;
	[tilespmem:$0x4040] =	vst v63  }
.LBB1_6:
0x50: {  	_ =	sfence.sel $0x180000  }
0x51: {  	s2 =	simm.s32 $0x1;
	[bflag:$0x0] =	sbarrier.arrive $0xFFFF  }
0x52: {  	s31 =	simm.s32 $0x2;
	[sflag:s2] =	ssyncpa.u1 $0x1  }
0x53: {  	[sflag:s31] =	ssyncpa.u1 $0x1  }
0x54: {  	p0 =	sne.s32 s1, $0x0;
	_ =	strace $0x9000005C  }
0x55: {  	s0 =	sadd.s32 @!p0 $0x100000, s0;
	[bflag:$0x2] =	sbarrier.arrive $0xFFFF  }
0x56: {  	[sflag:s0] =	ssyncadd.tile.s32 @!p0 $0x1;
	_ =	shalt  }
.Lfunc_end1:
_tile_overlayer_lowered:
.L_overlay_start_2:
0x57: {  	(tag) =	ssettag $0x2  }
0x58: {  	s0 =	rddreg [dreg:$0x0];
	s2 =	stileid.u32  }
0x59: {  	s1 =	rddreg [dreg:$0x1];
	p0 =	sne.s32 s2, $0x0  }
0x5a: {  	s3 =	rddreg [dreg:$0x2];
	[bflag:$0x3] =	sbarrier.arrive $0xFFFF;
	s2 =	simm.s32 @!p0 $0x1C01  }
0x5b: {  	[timem:s3], [sflag:s2] =	dma.local @!p0 [hbm:s0], s1  }
0x5c: {  	s0 =	simm.s32 @!p0 $0x1  }
0x5d: {  	_ =	swait.ge @!p0 [sflag:s0], s1  }
0x5e: {  	s1 =	ssub.s32 @!p0 $0x0, s1;
	[sflag:s0] =	ssyncset.done @!p0 $0x0  }
0x5f: {  	[sflag:s0] =	ssyncadd.s32 @!p0 s1  }
0x60: {  	[bflag:$0x3] =	sbarrier.arrive $0xFFFF  }
0x61: {  	_ =	shalt  }

</sc_bundles>
